<compile_context>
chip_gen: v7x
topology: tpu7x:2x2x1
jax: 0.10.2.dev20260603
libtpu: 0.0.44.dev20260713+nightly
codegen_flags: <defaults>
</compile_context>

<pallas_src>
import functools

import jax
import jax.numpy as jnp
from jax import lax
from jax.experimental import pallas as pl
from jax.experimental.pallas import tpu as pltpu
from jax.experimental.pallas import tpu_sc as plsc

H = 128
D = 128
N = 10000
E = 320000
G = 128
C = 2
L = 3

NC = 2
NS = 16
NW = NC * NS
PERW = E // NW
K = 80
NCHUNK = PERW // K
NP = 10240
RPT = NP // NS

F32 = jnp.float32
BF16 = jnp.bfloat16
I32 = jnp.int32


def _dot3(a, b):
    return jnp.dot(a, b, preferred_element_type=F32)


def _mesh():
    return plsc.VectorSubcoreMesh(
        core_axis_name="c", subcore_axis_name="s", num_cores=NC, num_subcores=NS
    )




def _sc_segsum(h, src, dst, zrows):

    @functools.partial(
        pl.kernel,
        out_type=jax.ShapeDtypeStruct((NC, NP, H), F32),
        mesh=_mesh(),
        scratch_types=[
            pltpu.VMEM((K,), I32),
            pltpu.VMEM((K,), I32),
            pltpu.VMEM((K, H), F32),
            pltpu.VMEM_SHARED((NP, H), F32),
            pltpu.SemaphoreType.DMA,
        ],
    )
    def k(h_hbm, src_hbm, dst_hbm, z_hbm, out_hbm, sidx, didx, rows, acc, sem):
        c = lax.axis_index("c")
        s = lax.axis_index("s")
        pltpu.sync_copy(z_hbm, acc.at[pl.ds(s * RPT, RPT)])
        plsc.subcore_barrier()
        base = (c * NS + s) * PERW

        def body(j, carry):
            off = base + j * K
            pltpu.sync_copy(src_hbm.at[pl.ds(off, K)], sidx)
            pltpu.sync_copy(dst_hbm.at[pl.ds(off, K)], didx)
            pltpu.async_copy(h_hbm.at[sidx], rows, sem).wait()
            pltpu.sync_copy(rows, acc.at[didx], add=True)
            return carry

        lax.fori_loop(0, NCHUNK, body, 0)
        plsc.subcore_barrier()
        pltpu.sync_copy(
            acc.at[pl.ds(s * RPT, RPT)], out_hbm.at[c, pl.ds(s * RPT, RPT)]
        )

    return k(h, src, dst, zrows)


def _sc_edge_logits(da, db, src, dst):

    @functools.partial(
        pl.kernel,
        out_type=jax.ShapeDtypeStruct((E,), F32),
        mesh=_mesh(),
        scratch_types=[
            pltpu.VMEM((K,), I32),
            pltpu.VMEM((K,), I32),
            pltpu.VMEM((K,), F32),
            pltpu.VMEM((K,), F32),
            pltpu.VMEM((K,), F32),
            pltpu.SemaphoreType.DMA,
            pltpu.SemaphoreType.DMA,
        ],
    )
    def k(da_hbm, db_hbm, src_hbm, dst_hbm, de_hbm,
          sidx, didx, abuf, bbuf, obuf, sema, semb):
        c = lax.axis_index("c")
        s = lax.axis_index("s")
        base = (c * NS + s) * PERW

        def body(j, carry):
            off = base + j * K
            pltpu.sync_copy(src_hbm.at[pl.ds(off, K)], sidx)
            pltpu.sync_copy(dst_hbm.at[pl.ds(off, K)], didx)
            cpa = pltpu.async_copy(da_hbm.at[sidx], abuf, sema)
            cpb = pltpu.async_copy(db_hbm.at[didx], bbuf, semb)
            cpa.wait()
            cpb.wait()
            for g in range(K // 16):
                sl = pl.ds(g * 16, 16)
                obuf[sl] = abuf[sl] + bbuf[sl]
            pltpu.sync_copy(obuf, de_hbm.at[pl.ds(off, K)])
            return carry

        lax.fori_loop(0, NCHUNK, body, 0)

    return k(da, db, src, dst)


def _sc_deg(wc, wo, src, zdeg):

    @functools.partial(
        pl.kernel,
        out_type=(
            jax.ShapeDtypeStruct((NC * NP,), F32),
            jax.ShapeDtypeStruct((NC * NP,), F32),
        ),
        mesh=_mesh(),
        scratch_types=[
            pltpu.VMEM((K,), I32),
            pltpu.VMEM((K,), F32),
            pltpu.VMEM((K,), F32),
            pltpu.VMEM_SHARED((NP,), F32),
            pltpu.VMEM_SHARED((NP,), F32),
        ],
    )
    def k(wc_hbm, wo_hbm, src_hbm, z_hbm, dc_hbm, do_hbm,
          sidx, wcb, wob, accc, acco):
        c = lax.axis_index("c")
        s = lax.axis_index("s")
        pltpu.sync_copy(z_hbm, accc.at[pl.ds(s * RPT, RPT)])
        pltpu.sync_copy(z_hbm, acco.at[pl.ds(s * RPT, RPT)])
        plsc.subcore_barrier()
        base = (c * NS + s) * PERW

        def body(j, carry):
            off = base + j * K
            pltpu.sync_copy(src_hbm.at[pl.ds(off, K)], sidx)
            pltpu.sync_copy(wc_hbm.at[pl.ds(off, K)], wcb)
            pltpu.sync_copy(wo_hbm.at[pl.ds(off, K)], wob)
            pltpu.sync_copy(wcb, accc.at[sidx], add=True)
            pltpu.sync_copy(wob, acco.at[sidx], add=True)
            return carry

        lax.fori_loop(0, NCHUNK, body, 0)
        plsc.subcore_barrier()
        pltpu.sync_copy(
            accc.at[pl.ds(s * RPT, RPT)],
            dc_hbm.at[pl.ds(c * NP + s * RPT, RPT)],
        )
        pltpu.sync_copy(
            acco.at[pl.ds(s * RPT, RPT)],
            do_hbm.at[pl.ds(c * NP + s * RPT, RPT)],
        )

    return k(wc, wo, src, zdeg)


def _sc_gcn_agg(y, w16, src, dst, zrows):

    @functools.partial(
        pl.kernel,
        out_type=jax.ShapeDtypeStruct((NC, NP, H), F32),
        mesh=_mesh(),
        scratch_types=[
            pltpu.VMEM((K,), I32),
            pltpu.VMEM((K,), I32),
            pltpu.VMEM((K, 16), F32),
            pltpu.VMEM((K, H), F32),
            pltpu.VMEM_SHARED((NP, H), F32),
            pltpu.SemaphoreType.DMA,
        ],
    )
    def k(y_hbm, w_hbm, src_hbm, dst_hbm, z_hbm, out_hbm,
          sidx, didx, wspl, rows, acc, sem):
        c = lax.axis_index("c")
        s = lax.axis_index("s")
        pltpu.sync_copy(z_hbm, acc.at[pl.ds(s * RPT, RPT)])
        plsc.subcore_barrier()
        base = (c * NS + s) * PERW

        def body(j, carry):
            off = base + j * K
            pltpu.sync_copy(src_hbm.at[pl.ds(off, K)], sidx)
            pltpu.sync_copy(dst_hbm.at[pl.ds(off, K)], didx)
            pltpu.sync_copy(w_hbm.at[pl.ds(off, K)], wspl)
            pltpu.async_copy(y_hbm.at[sidx], rows, sem).wait()

            def scale(r, inner):
                wv = wspl[r]
                for q in range(H // 16):
                    sl = pl.ds(q * 16, 16)
                    rows[r, sl] = rows[r, sl] * wv
                return inner

            lax.fori_loop(0, K, scale, 0)
            pltpu.sync_copy(rows, acc.at[didx], add=True)
            return carry

        lax.fori_loop(0, NCHUNK, body, 0)
        plsc.subcore_barrier()
        pltpu.sync_copy(
            acc.at[pl.ds(s * RPT, RPT)], out_hbm.at[c, pl.ds(s * RPT, RPT)]
        )

    return k(y, w16, src, dst, zrows)




def _bn_in(x):
    m = jnp.mean(x, axis=0, keepdims=True)
    xc = x - m
    v = jnp.mean(xc * xc, axis=0, keepdims=True)
    return xc / jnp.sqrt(v + 1e-5) + 1e-4


def _stats(u):
    m = jnp.mean(u, axis=0, keepdims=True)
    s = jnp.sqrt(jnp.var(u, axis=0, keepdims=True) + 1e-5)
    return m, s


def _tc_feat(x, m, s, wf):
    def body(x_ref, m_ref, s_ref, w_ref, o_ref):
        h = (x_ref[...] - m_ref[...]) / s_ref[...] + 1e-4
        o_ref[...] = jnp.maximum(
            _dot3(h, w_ref[...]), 0.0
        )

    return pl.pallas_call(
        body, out_shape=jax.ShapeDtypeStruct((N, H), F32)
    )(x, m, s, wf)


def _tc_gin_a(hs, agg, w1, b1):

    def body(hs_ref, a_ref, w1_ref, b1_ref, u_ref):
        t = hs_ref[...] + a_ref[0, :N, :] + a_ref[1, :N, :]
        u_ref[...] = _dot3(t, w1_ref[...]) + b1_ref[...]

    return pl.pallas_call(
        body, out_shape=jax.ShapeDtypeStruct((N, H), F32)
    )(hs, agg, w1, b1)


def _tc_gin_b(u0, m, s, w2, b2):

    def body(u_ref, m_ref, s_ref, w2_ref, b2_ref, h_ref, h2_ref):
        u = jnp.maximum((u_ref[...] - m_ref[...]) / s_ref[...] + 1e-4, 0.0)
        v = _dot3(u, w2_ref[...]) + b2_ref[...]
        h = jnp.maximum(v, 0.0)
        h_ref[...] = h
        h2_ref[...] = 2.0 * h

    return pl.pallas_call(
        body,
        out_shape=(
            jax.ShapeDtypeStruct((N, H), F32),
            jax.ShapeDtypeStruct((N, H), F32),
        ),
    )(u0, m, s, w2, b2)


def _tc_att(h, wea, bea, wna, bna, wctx, wobj):

    def body(h_ref, wea_ref, bea_ref, wna_ref, bna_ref,
             wc_ref, wo_ref, xcw_ref, xow_ref, da_ref, db_ref):
        h = h_ref[...]
        nl = _dot3(h, wna_ref[...]) + bna_ref[...]
        mx = jnp.max(nl, axis=-1, keepdims=True)
        ex = jnp.exp(nl - mx)
        na = ex / jnp.sum(ex, axis=-1, keepdims=True)
        xc = na[:, 0:1] * h
        xo = na[:, 1:2] * h
        xcw_ref[...] = _dot3(_bn_in(xc), wc_ref[...])
        xow_ref[...] = _dot3(_bn_in(xo), wo_ref[...])
        wea = wea_ref[...]
        eaa = _dot3(h, wea[:H, :]) + bea_ref[...]
        eab = _dot3(h, wea[H:, :])
        da_ref[...] = eaa[:, 1:2] - eaa[:, 0:1]
        db_ref[...] = eab[:, 1:2] - eab[:, 0:1]

    return pl.pallas_call(
        body,
        out_shape=(
            jax.ShapeDtypeStruct((N, H), F32),
            jax.ShapeDtypeStruct((N, H), F32),
            jax.ShapeDtypeStruct((N, 1), F32),
            jax.ShapeDtypeStruct((N, 1), F32),
        ),
    )(h, wea, bea, wna, bna, wctx, wobj)


ER = E // 128


def _tc_edge_sig(de2, row2, col2):

    def body(de_ref, r_ref, c_ref, wc_ref, wo_ref):
        d = de_ref[...]
        keep = (r_ref[...] != c_ref[...]).astype(F32)
        z = 1.0 / (1.0 + jnp.exp(-jnp.abs(d)))
        so = jnp.where(d >= 0.0, z, 1.0 - z)
        wc_ref[...] = (1.0 - so) * keep
        wo_ref[...] = so * keep

    return pl.pallas_call(
        body,
        out_shape=(
            jax.ShapeDtypeStruct((ER, 128), F32),
            jax.ShapeDtypeStruct((ER, 128), F32),
        ),
    )(de2, row2, col2)


def _tc_deg(dcp, dop, xcw, xow):
    def body(dc_in, do_in, xc_ref, xo_ref, yc_ref, yo_ref, dc_ref, do_ref):
        degc = 1.0 + dc_in[0, :N, :] + dc_in[1, :N, :]
        dego = 1.0 + do_in[0, :N, :] + do_in[1, :N, :]
        disc = 1.0 / jnp.sqrt(jnp.maximum(degc, 1e-12))
        diso = 1.0 / jnp.sqrt(jnp.maximum(dego, 1e-12))
        yc_ref[...] = disc * xc_ref[...]
        yo_ref[...] = diso * xo_ref[...]
        dc_ref[...] = disc
        do_ref[...] = diso

    return pl.pallas_call(
        body,
        out_shape=(
            jax.ShapeDtypeStruct((N, H), F32),
            jax.ShapeDtypeStruct((N, H), F32),
            jax.ShapeDtypeStruct((N, 1), F32),
            jax.ShapeDtypeStruct((N, 1), F32),
        ),
    )(dcp, dop, xcw, xow)


def _tc_prepool(accc, yc, dc, bctx, acco, yo, do_, bobj):

    def body(ac_ref, yc_ref, dc_ref, bc_ref, ao_ref, yo_ref, do_ref, bo_ref,
             xc_ref, xo_ref):
        xc_ref[...] = jnp.zeros((NP, H), F32)
        xo_ref[...] = jnp.zeros((NP, H), F32)
        xc_ref[:N, :] = jnp.maximum(
            dc_ref[...] * (ac_ref[0, :N, :] + ac_ref[1, :N, :] + yc_ref[...])
            + bc_ref[...], 0.0
        )
        xo_ref[:N, :] = jnp.maximum(
            do_ref[...] * (ao_ref[0, :N, :] + ao_ref[1, :N, :] + yo_ref[...])
            + bo_ref[...], 0.0
        )

    return pl.pallas_call(
        body,
        out_shape=(
            jax.ShapeDtypeStruct((NP, H), F32),
            jax.ShapeDtypeStruct((NP, H), F32),
        ),
    )(accc, yc, dc, bctx, acco, yo, do_, bobj)


KP = 64
PRW = NP // NW
NPCH = PRW // KP
GPT = G // NS


def _sc_pool(xcp, xop, batchp, zpool):

    @functools.partial(
        pl.kernel,
        out_type=(
            jax.ShapeDtypeStruct((NC, G, H), F32),
            jax.ShapeDtypeStruct((NC, G, H), F32),
        ),
        mesh=_mesh(),
        scratch_types=[
            pltpu.VMEM((KP,), I32),
            pltpu.VMEM((KP, H), F32),
            pltpu.VMEM((KP, H), F32),
            pltpu.VMEM_SHARED((G, H), F32),
            pltpu.VMEM_SHARED((G, H), F32),
        ],
    )
    def k(xc_hbm, xo_hbm, b_hbm, z_hbm, pc_hbm, po_hbm,
          bidx, rowsc, rowso, accc, acco):
        c = lax.axis_index("c")
        s = lax.axis_index("s")
        pltpu.sync_copy(z_hbm, accc.at[pl.ds(s * GPT, GPT)])
        pltpu.sync_copy(z_hbm, acco.at[pl.ds(s * GPT, GPT)])
        plsc.subcore_barrier()
        base = (c * NS + s) * PRW

        def body(j, carry):
            off = base + j * KP
            pltpu.sync_copy(b_hbm.at[pl.ds(off, KP)], bidx)
            pltpu.sync_copy(xc_hbm.at[pl.ds(off, KP)], rowsc)
            pltpu.sync_copy(xo_hbm.at[pl.ds(off, KP)], rowso)
            pltpu.sync_copy(rowsc, accc.at[bidx], add=True)
            pltpu.sync_copy(rowso, acco.at[bidx], add=True)
            return carry

        lax.fori_loop(0, NPCH, body, 0)
        plsc.subcore_barrier()
        pltpu.sync_copy(
            accc.at[pl.ds(s * GPT, GPT)], pc_hbm.at[c, pl.ds(s * GPT, GPT)]
        )
        pltpu.sync_copy(
            acco.at[pl.ds(s * GPT, GPT)], po_hbm.at[c, pl.ds(s * GPT, GPT)]
        )

    return k(xcp, xop, batchp, zpool)


def _tc_readout(z, w1, b1, w2, b2, z_add=None):
    def body(z_ref, za_ref, w1_ref, b1_ref, w2_ref, b2_ref, o_ref):
        z = _bn_in(z_ref[...] + za_ref[...])
        z = jnp.maximum(
            _dot3(z, w1_ref[...]) + b1_ref[...], 0.0
        )
        z = _bn_in(z)
        z = _dot3(z, w2_ref[...]) + b2_ref[...]
        mx = jnp.max(z, axis=-1, keepdims=True)
        ez = jnp.exp(z - mx)
        o_ref[...] = z - mx - jnp.log(jnp.sum(ez, axis=-1, keepdims=True))

    if z_add is None:
        z_add = jnp.zeros((G, H), F32)
    return pl.pallas_call(
        body, out_shape=jax.ShapeDtypeStruct((G, C), F32)
    )(z, z_add, w1, b1, w2, b2)


def _tc_combine(pc2, po2):

    def body(pc_ref, po_ref, pc_o, po_o):
        pc_o[...] = pc_ref[0] + pc_ref[1]
        po_o[...] = po_ref[0] + po_ref[1]

    return pl.pallas_call(
        body,
        out_shape=(
            jax.ShapeDtypeStruct((G, H), F32),
            jax.ShapeDtypeStruct((G, H), F32),
        ),
    )(pc2, po2)




def kernel(x, edge_index, batch, params):
    row = edge_index[0].astype(I32)
    col = edge_index[1].astype(I32)
    p = params

    def b2(v):
        return v.reshape(1, -1)

    zrows = jnp.zeros((RPT, H), F32)
    zdeg = jnp.zeros((RPT,), F32)

    mx_, sx_ = _stats(x)
    h = _tc_feat(x, mx_, sx_, p["W_feat"])
    hs = h
    for i in range(L):
        agg = _sc_segsum(hs, row, col, zrows)
        u0 = _tc_gin_a(hs, agg, p["gin%d_W1" % i], b2(p["gin%d_b1" % i]))
        mu_, su_ = _stats(u0)
        h, hs = _tc_gin_b(
            u0, mu_, su_, p["gin%d_W2" % i], b2(p["gin%d_b2" % i])
        )

    xcw, xow, da2, db2 = _tc_att(
        h, p["W_ea"], b2(p["b_ea"]), p["W_na"], b2(p["b_na"]),
        p["W_ctx"], p["W_obj"],
    )
    de = _sc_edge_logits(da2.reshape(N), db2.reshape(N), row, col)
    wc2, wo2 = _tc_edge_sig(
        de.reshape(ER, 128), row.reshape(ER, 128), col.reshape(ER, 128)
    )
    wc = wc2.reshape(E)
    wo = wo2.reshape(E)
    dcp, dop = _sc_deg(wc, wo, row, zdeg)
    yc, yo, dc, do_ = _tc_deg(
        dcp.reshape(NC, NP, 1), dop.reshape(NC, NP, 1), xcw, xow
    )
    accc = _sc_gcn_agg(yc, jnp.broadcast_to(wc[:, None], (E, 16)), row, col, zrows)
    acco = _sc_gcn_agg(yo, jnp.broadcast_to(wo[:, None], (E, 16)), row, col, zrows)
    xcp, xop = _tc_prepool(
        accc, yc, dc, b2(p["b_ctx"]), acco, yo, do_, b2(p["b_obj"])
    )
    batchp = jnp.concatenate([batch.astype(I32), jnp.zeros((NP - N,), I32)])
    zpool = jnp.zeros((GPT, H), F32)
    pc2, po2 = _sc_pool(xcp, xop, batchp, zpool)
    pc, po = _tc_combine(pc2, po2)

    perm = jax.random.permutation(jax.random.key(1), G)
    oc = _tc_readout(pc, p["fc1_c_W"], b2(p["fc1_c_b"]),
                     p["fc2_c_W"], b2(p["fc2_c_b"]))
    oo = _tc_readout(po, p["fc1_o_W"], b2(p["fc1_o_b"]),
                     p["fc2_o_W"], b2(p["fc2_o_b"]))
    ox = _tc_readout(pc[perm], p["fc1_co_W"], b2(p["fc1_co_b"]),
                     p["fc2_co_W"], b2(p["fc2_co_b"]), z_add=po)
    return (oc, oo, ox)

# --- scband reference (transcript-rebuilt; emitter-appended) ---
"""Pipeline reference for scband-causal-gin-87823491268858 (READ-ONLY COPY).

The authoritative reference and input builder live on the scoring server;
editing this copy changes nothing except your own understanding.
"""

import jax, jax.numpy as jnp
import numpy as np

H = 128
D = 128
N = 10000
E = 320000
G = 128
C = 2
L = 3

def _bn(x, eps=1e-5):
    m = jnp.mean(x, axis=0, keepdims=True)
    v = jnp.var(x, axis=0, keepdims=True)
    return (x - m) / jnp.sqrt(v + eps) + 1e-4

def _gin(x, src, dst, n, W1, b1, W2, b2):
    agg = jax.ops.segment_sum(x[src], dst, num_segments=n)
    h = x + agg
    h = h @ W1 + b1
    h = _bn(h)
    h = jax.nn.relu(h)
    h = h @ W2 + b2
    return jax.nn.relu(h)

def _gcn(x, W, b, row, col, keep_mask, ew, n):
    x = x @ W
    r = jnp.concatenate([row, jnp.arange(n)])
    c = jnp.concatenate([col, jnp.arange(n)])
    w = jnp.concatenate([ew * keep_mask, jnp.ones((n,), x.dtype)])
    deg = jax.ops.segment_sum(w, r, num_segments=n)
    dis = jnp.clip(deg, 1e-12) ** -0.5
    norm = dis[r] * w * dis[c]
    agg = jax.ops.segment_sum(norm[:, None] * x[r], c, num_segments=n)
    return agg + b

def _readout(x, W1, b1, W2, b2):
    x = _bn(x)
    x = jax.nn.relu(x @ W1 + b1)
    x = _bn(x)
    x = x @ W2 + b2
    return jax.nn.log_softmax(x, axis=-1)

def _forward(x, params, edge_index, batch):
    n = x.shape[0]
    row, col = edge_index[0], edge_index[1]
    keep_mask = (edge_index[0] != edge_index[1]).astype(x.dtype)
    h = _bn(x)
    h = jax.nn.relu(h @ params['W_feat'])
    for i in range(L):
        h_old = h
        inp = h if i == 0 else h + h_old
        h = _gin(inp, row, col, n, params['gin%d_W1' % i], params['gin%d_b1' % i], params['gin%d_W2' % i], params['gin%d_b2' % i])
    edge_rep = jnp.concatenate([h[row], h[col]], axis=-1)
    edge_att = jax.nn.softmax(edge_rep @ params['W_ea'] + params['b_ea'], axis=-1)
    ewc, ewo = edge_att[:, 0], edge_att[:, 1]
    node_att = jax.nn.softmax(h @ params['W_na'] + params['b_na'], axis=-1)
    xc = node_att[:, 0:1] * h
    xo = node_att[:, 1:2] * h
    xc = jax.nn.relu(_gcn(_bn(xc), params['W_ctx'], params['b_ctx'], row, col, keep_mask, ewc, n))
    xo = jax.nn.relu(_gcn(_bn(xo), params['W_obj'], params['b_obj'], row, col, keep_mask, ewo, n))
    xc = jax.ops.segment_sum(xc, batch, num_segments=G)
    xo = jax.ops.segment_sum(xo, batch, num_segments=G)
    xc_logis = _readout(xc, params['fc1_c_W'], params['fc1_c_b'], params['fc2_c_W'], params['fc2_c_b'])
    perm = jax.random.permutation(jax.random.key(1), G)
    xco = xc[perm] + xo
    xco_logis = _readout(xco, params['fc1_co_W'], params['fc1_co_b'], params['fc2_co_W'], params['fc2_co_b'])
    xo_logis = _readout(xo, params['fc1_o_W'], params['fc1_o_b'], params['fc2_o_W'], params['fc2_o_b'])
    return (xc_logis, xo_logis, xco_logis)

def setup_inputs(seed: int = 0):
    key = jax.random.key(seed)
    ks = jax.random.split(key, 40)
    x = jax.random.normal(ks[0], (N, D), dtype=jnp.float32)
    edge_index = jax.random.randint(ks[1], (2, E), 0, N)
    batch = jnp.sort(jax.random.randint(ks[2], (N,), 0, G))
    def w(k, shape, fan):
        return jax.random.normal(k, shape, dtype=jnp.float32) * (1.0 / np.sqrt(fan))
    params = {'W_feat': w(ks[3], (D, H), D)}
    for i in range(L):
        params['gin%d_W1' % i] = w(ks[4 + 4 * i], (H, H), H)
        params['gin%d_b1' % i] = jnp.zeros((H,), jnp.float32)
        params['gin%d_W2' % i] = w(ks[5 + 4 * i], (H, H), H)
        params['gin%d_b2' % i] = jnp.zeros((H,), jnp.float32)
    params['W_ea'] = w(ks[16], (2 * H, 2), 2 * H)
    params['b_ea'] = jnp.zeros((2,), jnp.float32)
    params['W_na'] = w(ks[17], (H, 2), H)
    params['b_na'] = jnp.zeros((2,), jnp.float32)
    params['W_ctx'] = w(ks[18], (H, H), H)
    params['b_ctx'] = jnp.zeros((H,), jnp.float32)
    params['W_obj'] = w(ks[19], (H, H), H)
    params['b_obj'] = jnp.zeros((H,), jnp.float32)
    for j, nm in enumerate(['c', 'o', 'co']):
        params['fc1_%s_W' % nm] = w(ks[20 + 4 * j], (H, H), H)
        params['fc1_%s_b' % nm] = jnp.zeros((H,), jnp.float32)
        params['fc2_%s_W' % nm] = w(ks[21 + 4 * j], (H, C), H)
        params['fc2_%s_b' % nm] = jnp.zeros((C,), jnp.float32)
    return {'x': x, 'edge_index': edge_index, 'batch': batch, 'params': params}

def reference(x, edge_index, batch, params):
    return _forward(x, params, edge_index, batch)

if __name__ == "__main__":
    import jax
    _d = setup_inputs()
    print(jax.jit(kernel)(*tuple(_d.values())))

</pallas_src>

<mosaic_0001>
#map = affine_map<(d0, d1) -> (0, 0)>
#map1 = affine_map<(d0, d1) -> (0)>
#map2 = affine_map<(d0, d1) -> (0, 0, 0)>
module attributes {stable_mosaic.version = 14 : i64} {
  func.func @k(%arg0: i32, %arg1: i32, %arg2: memref<10000x128xf32, #tpu.memory_space<hbm>>, %arg3: memref<320000xi32, #tpu.memory_space<hbm>>, %arg4: memref<320000xi32, #tpu.memory_space<hbm>>, %arg5: memref<640x128xf32, #tpu.memory_space<hbm>>, %arg6: memref<2x10240x128xf32, #tpu.memory_space<hbm>>, %arg7: memref<80xi32, #tpu.memory_space<vmem>>, %arg8: memref<80xi32, #tpu.memory_space<vmem>>, %arg9: memref<80x128xf32, #tpu.memory_space<vmem>>, %arg10: memref<10240x128xf32, #tpu.memory_space<vmem_shared>>, %arg11: memref<!tpu.dma_semaphore, #tpu.memory_space<semaphore_mem>>) attributes {dimension_semantics = [#tpu.dimension_semantics<core_parallel>, #tpu.dimension_semantics<subcore_parallel>], iteration_bounds = array<i64: 2, 16>, scalar_prefetch = 0 : i64, scratch_operands = 5 : i64, tpu.core_type = #tpu.core_type<sc_vector_subcore>, window_params = [{transform_indices = #map}, {transform_indices = #map1}, {transform_indices = #map1}, {transform_indices = #map}, {transform_indices = #map2}]} {
    %mul3A = arith.constant 640 : i32
    %mul3A_0 = arith.muli %arg1, %mul3A : i32
    "tpu.region"() ({
      %run_scoped3A = tpu.sem_alloc : memref<!tpu.dma_semaphore, #tpu.memory_space<semaphore_mem>>
      %dma_start3A = arith.constant 0 : i32
      %dma_start3A_15 = tpu.memref_slice %arg10[%mul3A_0, %dma_start3A] : memref<10240x128xf32, #tpu.memory_space<vmem_shared>> -> memref<640x128xf32, #tpu.memory_space<vmem_shared>>
      tpu.enqueue_dma source(%arg5 : memref<640x128xf32, #tpu.memory_space<hbm>>) target(%dma_start3A_15 : memref<640x128xf32, #tpu.memory_space<vmem_shared>>) target_semaphore(%run_scoped3A : memref<!tpu.dma_semaphore, #tpu.memory_space<semaphore_mem>>)
      %dma_wait3A = arith.constant 0 : i32
      %dma_wait3A_16 = tpu.memref_slice %arg10[%mul3A_0, %dma_wait3A] : memref<10240x128xf32, #tpu.memory_space<vmem_shared>> -> memref<640x128xf32, #tpu.memory_space<vmem_shared>>
      tpu.wait_dma2 semaphore(%run_scoped3A : memref<!tpu.dma_semaphore, #tpu.memory_space<semaphore_mem>>) src(%arg5 : memref<640x128xf32, #tpu.memory_space<hbm>>) dst(%dma_wait3A_16 : memref<640x128xf32, #tpu.memory_space<vmem_shared>>)
      tpu.yield
    }) : () -> ()
    %barrier3A = arith.constant 0 : index
    tpu.barrier barrier_id(%barrier3A)
    %mul3A_1 = arith.constant 16 : i32
    %mul3A_2 = arith.muli %arg0, %mul3A_1 : i32
    %add3A = arith.addi %mul3A_2, %arg1 : i32
    %mul3A_3 = arith.constant 10000 : i32
    %mul3A_4 = arith.muli %add3A, %mul3A_3 : i32
    %scan3A = arith.constant 0 : i32
    %scan3A_5 = arith.constant 0 : i32
    %scan3A_6 = arith.constant 125 : i32
    %scan3A_7 = arith.addi %scan3A_5, %scan3A_6 : i32
    %scan3A_8 = arith.constant 1 : i32
    scf.for %scan3A_15 = %scan3A_5 to %scan3A_7 step %scan3A_8  : i32 {
      %mul3A_16 = arith.constant 80 : i32
      %mul3A_17 = arith.muli %scan3A_15, %mul3A_16 : i32
      %add3A_18 = arith.addi %mul3A_4, %mul3A_17 : i32
      "tpu.region"() ({
        %run_scoped3A = tpu.sem_alloc : memref<!tpu.dma_semaphore, #tpu.memory_space<semaphore_mem>>
        %dma_start3A_23 = tpu.memref_slice %arg3[%add3A_18] : memref<320000xi32, #tpu.memory_space<hbm>> -> memref<80xi32, #tpu.memory_space<hbm>>
        %dma_start3A_24 = tpu.memref_slice %arg3[%add3A_18] : memref<320000xi32, #tpu.memory_space<hbm>> -> memref<80xi32, #tpu.memory_space<hbm>>
        tpu.enqueue_dma source(%dma_start3A_24 : memref<80xi32, #tpu.memory_space<hbm>>) target(%arg7 : memref<80xi32, #tpu.memory_space<vmem>>) target_semaphore(%run_scoped3A : memref<!tpu.dma_semaphore, #tpu.memory_space<semaphore_mem>>)
        %dma_wait3A_25 = tpu.memref_slice %arg3[%add3A_18] : memref<320000xi32, #tpu.memory_space<hbm>> -> memref<80xi32, #tpu.memory_space<hbm>>
        %dma_wait3A_26 = tpu.memref_slice %arg3[%add3A_18] : memref<320000xi32, #tpu.memory_space<hbm>> -> memref<80xi32, #tpu.memory_space<hbm>>
        tpu.wait_dma2 semaphore(%run_scoped3A : memref<!tpu.dma_semaphore, #tpu.memory_space<semaphore_mem>>) src(%dma_wait3A_26 : memref<80xi32, #tpu.memory_space<hbm>>) dst(%arg7 : memref<80xi32, #tpu.memory_space<vmem>>)
        tpu.yield
      }) : () -> ()
      "tpu.region"() ({
        %run_scoped3A = tpu.sem_alloc : memref<!tpu.dma_semaphore, #tpu.memory_space<semaphore_mem>>
        %dma_start3A_23 = tpu.memref_slice %arg4[%add3A_18] : memref<320000xi32, #tpu.memory_space<hbm>> -> memref<80xi32, #tpu.memory_space<hbm>>
        %dma_start3A_24 = tpu.memref_slice %arg4[%add3A_18] : memref<320000xi32, #tpu.memory_space<hbm>> -> memref<80xi32, #tpu.memory_space<hbm>>
        tpu.enqueue_dma source(%dma_start3A_24 : memref<80xi32, #tpu.memory_space<hbm>>) target(%arg8 : memref<80xi32, #tpu.memory_space<vmem>>) target_semaphore(%run_scoped3A : memref<!tpu.dma_semaphore, #tpu.memory_space<semaphore_mem>>)
        %dma_wait3A_25 = tpu.memref_slice %arg4[%add3A_18] : memref<320000xi32, #tpu.memory_space<hbm>> -> memref<80xi32, #tpu.memory_space<hbm>>
        %dma_wait3A_26 = tpu.memref_slice %arg4[%add3A_18] : memref<320000xi32, #tpu.memory_space<hbm>> -> memref<80xi32, #tpu.memory_space<hbm>>
        tpu.wait_dma2 semaphore(%run_scoped3A : memref<!tpu.dma_semaphore, #tpu.memory_space<semaphore_mem>>) src(%dma_wait3A_26 : memref<80xi32, #tpu.memory_space<hbm>>) dst(%arg8 : memref<80xi32, #tpu.memory_space<vmem>>)
        tpu.yield
      }) : () -> ()
      %dma_start3A = arith.constant 0 : i32
      %dma_start3A_19 = arith.constant 0 : i32
      %dma_start3A_20 = tpu.memref_slice %arg2[%dma_start3A, %dma_start3A_19] : memref<10000x128xf32, #tpu.memory_space<hbm>> -> memref<10000x128xf32, #tpu.memory_space<hbm>>
      tpu.enqueue_indirect_dma source(%dma_start3A_20 : memref<10000x128xf32, #tpu.memory_space<hbm>>) target(%arg9 : memref<80x128xf32, #tpu.memory_space<vmem>>) offsets(%arg7 : memref<80xi32, #tpu.memory_space<vmem>>) semaphore(%arg11 : memref<!tpu.dma_semaphore, #tpu.memory_space<semaphore_mem>>)
      %dma_wait3A = arith.constant 0 : i32
      %dma_wait3A_21 = arith.constant 0 : i32
      %dma_wait3A_22 = tpu.memref_slice %arg2[%dma_wait3A, %dma_wait3A_21] : memref<10000x128xf32, #tpu.memory_space<hbm>> -> memref<10000x128xf32, #tpu.memory_space<hbm>>
      tpu.wait_indirect_dma semaphore(%arg11 : memref<!tpu.dma_semaphore, #tpu.memory_space<semaphore_mem>>) src(%dma_wait3A_22 : memref<10000x128xf32, #tpu.memory_space<hbm>>) dst(%arg9 : memref<80x128xf32, #tpu.memory_space<vmem>>)
      "tpu.region"() ({
        %run_scoped3A = tpu.sem_alloc : memref<!tpu.dma_semaphore, #tpu.memory_space<semaphore_mem>>
        %dma_start3A_23 = arith.constant 0 : i32
        %dma_start3A_24 = arith.constant 0 : i32
        %dma_start3A_25 = tpu.memref_slice %arg10[%dma_start3A_23, %dma_start3A_24] : memref<10240x128xf32, #tpu.memory_space<vmem_shared>> -> memref<10240x128xf32, #tpu.memory_space<vmem_shared>>
        tpu.enqueue_indirect_dma source(%arg9 : memref<80x128xf32, #tpu.memory_space<vmem>>) target(%dma_start3A_25 : memref<10240x128xf32, #tpu.memory_space<vmem_shared>>) offsets(%arg8 : memref<80xi32, #tpu.memory_space<vmem>>) semaphore(%run_scoped3A : memref<!tpu.dma_semaphore, #tpu.memory_space<semaphore_mem>>) {add = true}
        %dma_wait3A_26 = arith.constant 0 : i32
        %dma_wait3A_27 = arith.constant 0 : i32
        %dma_wait3A_28 = tpu.memref_slice %arg10[%dma_wait3A_26, %dma_wait3A_27] : memref<10240x128xf32, #tpu.memory_space<vmem_shared>> -> memref<10240x128xf32, #tpu.memory_space<vmem_shared>>
        tpu.wait_indirect_dma semaphore(%run_scoped3A : memref<!tpu.dma_semaphore, #tpu.memory_space<semaphore_mem>>) src(%arg9 : memref<80x128xf32, #tpu.memory_space<vmem>>) dst(%dma_wait3A_28 : memref<10240x128xf32, #tpu.memory_space<vmem_shared>>)
        tpu.yield
      }) : () -> ()
    }
    %scan3A_9 = arith.constant 125 : i32
    %barrier3A_10 = arith.constant 0 : index
    tpu.barrier barrier_id(%barrier3A_10)
    %mul3A_11 = arith.constant 640 : i32
    %mul3A_12 = arith.muli %arg1, %mul3A_11 : i32
    %mul3A_13 = arith.constant 640 : i32
    %mul3A_14 = arith.muli %arg1, %mul3A_13 : i32
    "tpu.region"() ({
      %run_scoped3A = tpu.sem_alloc : memref<!tpu.dma_semaphore, #tpu.memory_space<semaphore_mem>>
      %dma_start3A = arith.constant 0 : i32
      %dma_start3A_15 = tpu.memref_slice %arg6[%arg0, %mul3A_14, %dma_start3A] : memref<2x10240x128xf32, #tpu.memory_space<hbm>> -> memref<1x640x128xf32, #tpu.memory_space<hbm>>
      %dma_start3A_16 = tpu.memref_squeeze %dma_start3A_15 : memref<1x640x128xf32, #tpu.memory_space<hbm>> -> memref<640x128xf32, #tpu.memory_space<hbm>>
      %dma_start3A_17 = arith.constant 0 : i32
      %dma_start3A_18 = tpu.memref_slice %arg10[%mul3A_12, %dma_start3A_17] : memref<10240x128xf32, #tpu.memory_space<vmem_shared>> -> memref<640x128xf32, #tpu.memory_space<vmem_shared>>
      tpu.enqueue_dma source(%dma_start3A_18 : memref<640x128xf32, #tpu.memory_space<vmem_shared>>) target(%dma_start3A_16 : memref<640x128xf32, #tpu.memory_space<hbm>>) target_semaphore(%run_scoped3A : memref<!tpu.dma_semaphore, #tpu.memory_space<semaphore_mem>>)
      %dma_wait3A = arith.constant 0 : i32
      %dma_wait3A_19 = tpu.memref_slice %arg6[%arg0, %mul3A_14, %dma_wait3A] : memref<2x10240x128xf32, #tpu.memory_space<hbm>> -> memref<1x640x128xf32, #tpu.memory_space<hbm>>
      %dma_wait3A_20 = tpu.memref_squeeze %dma_wait3A_19 : memref<1x640x128xf32, #tpu.memory_space<hbm>> -> memref<640x128xf32, #tpu.memory_space<hbm>>
      %dma_wait3A_21 = arith.constant 0 : i32
      %dma_wait3A_22 = tpu.memref_slice %arg10[%mul3A_12, %dma_wait3A_21] : memref<10240x128xf32, #tpu.memory_space<vmem_shared>> -> memref<640x128xf32, #tpu.memory_space<vmem_shared>>
      tpu.wait_dma2 semaphore(%run_scoped3A : memref<!tpu.dma_semaphore, #tpu.memory_space<semaphore_mem>>) src(%dma_wait3A_22 : memref<640x128xf32, #tpu.memory_space<vmem_shared>>) dst(%dma_wait3A_20 : memref<640x128xf32, #tpu.memory_space<hbm>>)
      tpu.yield
    }) : () -> ()
    return
  }
}

#map = affine_map<(d0, d1) -> (0, 0)>
#map1 = affine_map<(d0, d1) -> (0)>
#map2 = affine_map<(d0, d1) -> (0, 0, 0)>
module attributes {stable_mosaic.version = 14 : i64} {
  func.func @k(%arg0: i32, %arg1: i32, %arg2: memref<10000x128xf32, #tpu.memory_space<hbm>>, %arg3: memref<320000xi32, #tpu.memory_space<hbm>>, %arg4: memref<320000xi32, #tpu.memory_space<hbm>>, %arg5: memref<640x128xf32, #tpu.memory_space<hbm>>, %arg6: memref<2x10240x128xf32, #tpu.memory_space<hbm>>, %arg7: memref<80xi32, #tpu.memory_space<vmem>>, %arg8: memref<80xi32, #tpu.memory_space<vmem>>, %arg9: memref<80x128xf32, #tpu.memory_space<vmem>>, %arg10: memref<10240x128xf32, #tpu.memory_space<vmem_shared>>, %arg11: memref<!tpu.dma_semaphore, #tpu.memory_space<semaphore_mem>>) attributes {dimension_semantics = [#tpu.dimension_semantics<core_parallel>, #tpu.dimension_semantics<subcore_parallel>], iteration_bounds = array<i64: 2, 16>, scalar_prefetch = 0 : i64, scratch_operands = 5 : i64, tpu.core_type = #tpu.core_type<sc_vector_subcore>, window_params = [{transform_indices = #map}, {transform_indices = #map1}, {transform_indices = #map1}, {transform_indices = #map}, {transform_indices = #map2}]} {
    %mul3A = arith.constant 640 : i32
    %mul3A_0 = arith.muli %arg1, %mul3A : i32
    "tpu.region"() ({
      %run_scoped3A = tpu.sem_alloc : memref<!tpu.dma_semaphore, #tpu.memory_space<semaphore_mem>>
      %dma_start3A = arith.constant 0 : i32
      %dma_start3A_15 = tpu.memref_slice %arg10[%mul3A_0, %dma_start3A] : memref<10240x128xf32, #tpu.memory_space<vmem_shared>> -> memref<640x128xf32, #tpu.memory_space<vmem_shared>>
      tpu.enqueue_dma source(%arg5 : memref<640x128xf32, #tpu.memory_space<hbm>>) target(%dma_start3A_15 : memref<640x128xf32, #tpu.memory_space<vmem_shared>>) target_semaphore(%run_scoped3A : memref<!tpu.dma_semaphore, #tpu.memory_space<semaphore_mem>>)
      %dma_wait3A = arith.constant 0 : i32
      %dma_wait3A_16 = tpu.memref_slice %arg10[%mul3A_0, %dma_wait3A] : memref<10240x128xf32, #tpu.memory_space<vmem_shared>> -> memref<640x128xf32, #tpu.memory_space<vmem_shared>>
      tpu.wait_dma2 semaphore(%run_scoped3A : memref<!tpu.dma_semaphore, #tpu.memory_space<semaphore_mem>>) src(%arg5 : memref<640x128xf32, #tpu.memory_space<hbm>>) dst(%dma_wait3A_16 : memref<640x128xf32, #tpu.memory_space<vmem_shared>>)
      tpu.yield
    }) : () -> ()
    %barrier3A = arith.constant 0 : index
    tpu.barrier barrier_id(%barrier3A)
    %mul3A_1 = arith.constant 16 : i32
    %mul3A_2 = arith.muli %arg0, %mul3A_1 : i32
    %add3A = arith.addi %mul3A_2, %arg1 : i32
    %mul3A_3 = arith.constant 10000 : i32
    %mul3A_4 = arith.muli %add3A, %mul3A_3 : i32
    %scan3A = arith.constant 0 : i32
    %scan3A_5 = arith.constant 0 : i32
    %scan3A_6 = arith.constant 125 : i32
    %scan3A_7 = arith.addi %scan3A_5, %scan3A_6 : i32
    %scan3A_8 = arith.constant 1 : i32
    scf.for %scan3A_15 = %scan3A_5 to %scan3A_7 step %scan3A_8  : i32 {
      %mul3A_16 = arith.constant 80 : i32
      %mul3A_17 = arith.muli %scan3A_15, %mul3A_16 : i32
      %add3A_18 = arith.addi %mul3A_4, %mul3A_17 : i32
      "tpu.region"() ({
        %run_scoped3A = tpu.sem_alloc : memref<!tpu.dma_semaphore, #tpu.memory_space<semaphore_mem>>
        %dma_start3A_23 = tpu.memref_slice %arg3[%add3A_18] : memref<320000xi32, #tpu.memory_space<hbm>> -> memref<80xi32, #tpu.memory_space<hbm>>
        %dma_start3A_24 = tpu.memref_slice %arg3[%add3A_18] : memref<320000xi32, #tpu.memory_space<hbm>> -> memref<80xi32, #tpu.memory_space<hbm>>
        tpu.enqueue_dma source(%dma_start3A_24 : memref<80xi32, #tpu.memory_space<hbm>>) target(%arg7 : memref<80xi32, #tpu.memory_space<vmem>>) target_semaphore(%run_scoped3A : memref<!tpu.dma_semaphore, #tpu.memory_space<semaphore_mem>>)
        %dma_wait3A_25 = tpu.memref_slice %arg3[%add3A_18] : memref<320000xi32, #tpu.memory_space<hbm>> -> memref<80xi32, #tpu.memory_space<hbm>>
        %dma_wait3A_26 = tpu.memref_slice %arg3[%add3A_18] : memref<320000xi32, #tpu.memory_space<hbm>> -> memref<80xi32, #tpu.memory_space<hbm>>
        tpu.wait_dma2 semaphore(%run_scoped3A : memref<!tpu.dma_semaphore, #tpu.memory_space<semaphore_mem>>) src(%dma_wait3A_26 : memref<80xi32, #tpu.memory_space<hbm>>) dst(%arg7 : memref<80xi32, #tpu.memory_space<vmem>>)
        tpu.yield
      }) : () -> ()
      "tpu.region"() ({
        %run_scoped3A = tpu.sem_alloc : memref<!tpu.dma_semaphore, #tpu.memory_space<semaphore_mem>>
        %dma_start3A_23 = tpu.memref_slice %arg4[%add3A_18] : memref<320000xi32, #tpu.memory_space<hbm>> -> memref<80xi32, #tpu.memory_space<hbm>>
        %dma_start3A_24 = tpu.memref_slice %arg4[%add3A_18] : memref<320000xi32, #tpu.memory_space<hbm>> -> memref<80xi32, #tpu.memory_space<hbm>>
        tpu.enqueue_dma source(%dma_start3A_24 : memref<80xi32, #tpu.memory_space<hbm>>) target(%arg8 : memref<80xi32, #tpu.memory_space<vmem>>) target_semaphore(%run_scoped3A : memref<!tpu.dma_semaphore, #tpu.memory_space<semaphore_mem>>)
        %dma_wait3A_25 = tpu.memref_slice %arg4[%add3A_18] : memref<320000xi32, #tpu.memory_space<hbm>> -> memref<80xi32, #tpu.memory_space<hbm>>
        %dma_wait3A_26 = tpu.memref_slice %arg4[%add3A_18] : memref<320000xi32, #tpu.memory_space<hbm>> -> memref<80xi32, #tpu.memory_space<hbm>>
        tpu.wait_dma2 semaphore(%run_scoped3A : memref<!tpu.dma_semaphore, #tpu.memory_space<semaphore_mem>>) src(%dma_wait3A_26 : memref<80xi32, #tpu.memory_space<hbm>>) dst(%arg8 : memref<80xi32, #tpu.memory_space<vmem>>)
        tpu.yield
      }) : () -> ()
      %dma_start3A = arith.constant 0 : i32
      %dma_start3A_19 = arith.constant 0 : i32
      %dma_start3A_20 = tpu.memref_slice %arg2[%dma_start3A, %dma_start3A_19] : memref<10000x128xf32, #tpu.memory_space<hbm>> -> memref<10000x128xf32, #tpu.memory_space<hbm>>
      tpu.enqueue_indirect_dma source(%dma_start3A_20 : memref<10000x128xf32, #tpu.memory_space<hbm>>) target(%arg9 : memref<80x128xf32, #tpu.memory_space<vmem>>) offsets(%arg7 : memref<80xi32, #tpu.memory_space<vmem>>) semaphore(%arg11 : memref<!tpu.dma_semaphore, #tpu.memory_space<semaphore_mem>>)
      %dma_wait3A = arith.constant 0 : i32
      %dma_wait3A_21 = arith.constant 0 : i32
      %dma_wait3A_22 = tpu.memref_slice %arg2[%dma_wait3A, %dma_wait3A_21] : memref<10000x128xf32, #tpu.memory_space<hbm>> -> memref<10000x128xf32, #tpu.memory_space<hbm>>
      tpu.wait_indirect_dma semaphore(%arg11 : memref<!tpu.dma_semaphore, #tpu.memory_space<semaphore_mem>>) src(%dma_wait3A_22 : memref<10000x128xf32, #tpu.memory_space<hbm>>) dst(%arg9 : memref<80x128xf32, #tpu.memory_space<vmem>>)
      "tpu.region"() ({
        %run_scoped3A = tpu.sem_alloc : memref<!tpu.dma_semaphore, #tpu.memory_space<semaphore_mem>>
        %dma_start3A_23 = arith.constant 0 : i32
        %dma_start3A_24 = arith.constant 0 : i32
        %dma_start3A_25 = tpu.memref_slice %arg10[%dma_start3A_23, %dma_start3A_24] : memref<10240x128xf32, #tpu.memory_space<vmem_shared>> -> memref<10240x128xf32, #tpu.memory_space<vmem_shared>>
        tpu.enqueue_indirect_dma source(%arg9 : memref<80x128xf32, #tpu.memory_space<vmem>>) target(%dma_start3A_25 : memref<10240x128xf32, #tpu.memory_space<vmem_shared>>) offsets(%arg8 : memref<80xi32, #tpu.memory_space<vmem>>) semaphore(%run_scoped3A : memref<!tpu.dma_semaphore, #tpu.memory_space<semaphore_mem>>) {add = true}
        %dma_wait3A_26 = arith.constant 0 : i32
        %dma_wait3A_27 = arith.constant 0 : i32
        %dma_wait3A_28 = tpu.memref_slice %arg10[%dma_wait3A_26, %dma_wait3A_27] : memref<10240x128xf32, #tpu.memory_space<vmem_shared>> -> memref<10240x128xf32, #tpu.memory_space<vmem_shared>>
        tpu.wait_indirect_dma semaphore(%run_scoped3A : memref<!tpu.dma_semaphore, #tpu.memory_space<semaphore_mem>>) src(%arg9 : memref<80x128xf32, #tpu.memory_space<vmem>>) dst(%dma_wait3A_28 : memref<10240x128xf32, #tpu.memory_space<vmem_shared>>)
        tpu.yield
      }) : () -> ()
    }
    %scan3A_9 = arith.constant 125 : i32
    %barrier3A_10 = arith.constant 0 : index
    tpu.barrier barrier_id(%barrier3A_10)
    %mul3A_11 = arith.constant 640 : i32
    %mul3A_12 = arith.muli %arg1, %mul3A_11 : i32
    %mul3A_13 = arith.constant 640 : i32
    %mul3A_14 = arith.muli %arg1, %mul3A_13 : i32
    "tpu.region"() ({
      %run_scoped3A = tpu.sem_alloc : memref<!tpu.dma_semaphore, #tpu.memory_space<semaphore_mem>>
      %dma_start3A = arith.constant 0 : i32
      %dma_start3A_15 = tpu.memref_slice %arg6[%arg0, %mul3A_14, %dma_start3A] : memref<2x10240x128xf32, #tpu.memory_space<hbm>> -> memref<1x640x128xf32, #tpu.memory_space<hbm>>
      %dma_start3A_16 = tpu.memref_squeeze %dma_start3A_15 : memref<1x640x128xf32, #tpu.memory_space<hbm>> -> memref<640x128xf32, #tpu.memory_space<hbm>>
      %dma_start3A_17 = arith.constant 0 : i32
      %dma_start3A_18 = tpu.memref_slice %arg10[%mul3A_12, %dma_start3A_17] : memref<10240x128xf32, #tpu.memory_space<vmem_shared>> -> memref<640x128xf32, #tpu.memory_space<vmem_shared>>
      tpu.enqueue_dma source(%dma_start3A_18 : memref<640x128xf32, #tpu.memory_space<vmem_shared>>) target(%dma_start3A_16 : memref<640x128xf32, #tpu.memory_space<hbm>>) target_semaphore(%run_scoped3A : memref<!tpu.dma_semaphore, #tpu.memory_space<semaphore_mem>>)
      %dma_wait3A = arith.constant 0 : i32
      %dma_wait3A_19 = tpu.memref_slice %arg6[%arg0, %mul3A_14, %dma_wait3A] : memref<2x10240x128xf32, #tpu.memory_space<hbm>> -> memref<1x640x128xf32, #tpu.memory_space<hbm>>
      %dma_wait3A_20 = tpu.memref_squeeze %dma_wait3A_19 : memref<1x640x128xf32, #tpu.memory_space<hbm>> -> memref<640x128xf32, #tpu.memory_space<hbm>>
      %dma_wait3A_21 = arith.constant 0 : i32
      %dma_wait3A_22 = tpu.memref_slice %arg10[%mul3A_12, %dma_wait3A_21] : memref<10240x128xf32, #tpu.memory_space<vmem_shared>> -> memref<640x128xf32, #tpu.memory_space<vmem_shared>>
      tpu.wait_dma2 semaphore(%run_scoped3A : memref<!tpu.dma_semaphore, #tpu.memory_space<semaphore_mem>>) src(%dma_wait3A_22 : memref<640x128xf32, #tpu.memory_space<vmem_shared>>) dst(%dma_wait3A_20 : memref<640x128xf32, #tpu.memory_space<hbm>>)
      tpu.yield
    }) : () -> ()
    return
  }
}

#map = affine_map<(d0, d1) -> (0)>
module attributes {stable_mosaic.version = 14 : i64} {
  func.func @k(%arg0: i32, %arg1: i32, %arg2: memref<10000xf32, #tpu.memory_space<hbm>>, %arg3: memref<10000xf32, #tpu.memory_space<hbm>>, %arg4: memref<320000xi32, #tpu.memory_space<hbm>>, %arg5: memref<320000xi32, #tpu.memory_space<hbm>>, %arg6: memref<320000xf32, #tpu.memory_space<hbm>>, %arg7: memref<80xi32, #tpu.memory_space<vmem>>, %arg8: memref<80xi32, #tpu.memory_space<vmem>>, %arg9: memref<80xf32, #tpu.memory_space<vmem>>, %arg10: memref<80xf32, #tpu.memory_space<vmem>>, %arg11: memref<80xf32, #tpu.memory_space<vmem>>, %arg12: memref<!tpu.dma_semaphore, #tpu.memory_space<semaphore_mem>>, %arg13: memref<!tpu.dma_semaphore, #tpu.memory_space<semaphore_mem>>) attributes {dimension_semantics = [#tpu.dimension_semantics<core_parallel>, #tpu.dimension_semantics<subcore_parallel>], iteration_bounds = array<i64: 2, 16>, scalar_prefetch = 0 : i64, scratch_operands = 7 : i64, tpu.core_type = #tpu.core_type<sc_vector_subcore>, window_params = [{transform_indices = #map}, {transform_indices = #map}, {transform_indices = #map}, {transform_indices = #map}, {transform_indices = #map}]} {
    %mul3A = arith.constant 16 : i32
    %mul3A_0 = arith.muli %arg0, %mul3A : i32
    %add3A = arith.addi %mul3A_0, %arg1 : i32
    %mul3A_1 = arith.constant 10000 : i32
    %mul3A_2 = arith.muli %add3A, %mul3A_1 : i32
    %scan3A = arith.constant 0 : i32
    %scan3A_3 = arith.constant 0 : i32
    %scan3A_4 = arith.constant 125 : i32
    %scan3A_5 = arith.addi %scan3A_3, %scan3A_4 : i32
    %scan3A_6 = arith.constant 1 : i32
    scf.for %scan3A_8 = %scan3A_3 to %scan3A_5 step %scan3A_6  : i32 {
      %mul3A_9 = arith.constant 80 : i32
      %mul3A_10 = arith.muli %scan3A_8, %mul3A_9 : i32
      %add3A_11 = arith.addi %mul3A_2, %mul3A_10 : i32
      "tpu.region"() ({
        %run_scoped3A = tpu.sem_alloc : memref<!tpu.dma_semaphore, #tpu.memory_space<semaphore_mem>>
        %dma_start3A_71 = tpu.memref_slice %arg4[%add3A_11] : memref<320000xi32, #tpu.memory_space<hbm>> -> memref<80xi32, #tpu.memory_space<hbm>>
        %dma_start3A_72 = tpu.memref_slice %arg4[%add3A_11] : memref<320000xi32, #tpu.memory_space<hbm>> -> memref<80xi32, #tpu.memory_space<hbm>>
        tpu.enqueue_dma source(%dma_start3A_72 : memref<80xi32, #tpu.memory_space<hbm>>) target(%arg7 : memref<80xi32, #tpu.memory_space<vmem>>) target_semaphore(%run_scoped3A : memref<!tpu.dma_semaphore, #tpu.memory_space<semaphore_mem>>)
        %dma_wait3A_73 = tpu.memref_slice %arg4[%add3A_11] : memref<320000xi32, #tpu.memory_space<hbm>> -> memref<80xi32, #tpu.memory_space<hbm>>
        %dma_wait3A_74 = tpu.memref_slice %arg4[%add3A_11] : memref<320000xi32, #tpu.memory_space<hbm>> -> memref<80xi32, #tpu.memory_space<hbm>>
        tpu.wait_dma2 semaphore(%run_scoped3A : memref<!tpu.dma_semaphore, #tpu.memory_space<semaphore_mem>>) src(%dma_wait3A_74 : memref<80xi32, #tpu.memory_space<hbm>>) dst(%arg7 : memref<80xi32, #tpu.memory_space<vmem>>)
        tpu.yield
      }) : () -> ()
      "tpu.region"() ({
        %run_scoped3A = tpu.sem_alloc : memref<!tpu.dma_semaphore, #tpu.memory_space<semaphore_mem>>
        %dma_start3A_71 = tpu.memref_slice %arg5[%add3A_11] : memref<320000xi32, #tpu.memory_space<hbm>> -> memref<80xi32, #tpu.memory_space<hbm>>
        %dma_start3A_72 = tpu.memref_slice %arg5[%add3A_11] : memref<320000xi32, #tpu.memory_space<hbm>> -> memref<80xi32, #tpu.memory_space<hbm>>
        tpu.enqueue_dma source(%dma_start3A_72 : memref<80xi32, #tpu.memory_space<hbm>>) target(%arg8 : memref<80xi32, #tpu.memory_space<vmem>>) target_semaphore(%run_scoped3A : memref<!tpu.dma_semaphore, #tpu.memory_space<semaphore_mem>>)
        %dma_wait3A_73 = tpu.memref_slice %arg5[%add3A_11] : memref<320000xi32, #tpu.memory_space<hbm>> -> memref<80xi32, #tpu.memory_space<hbm>>
        %dma_wait3A_74 = tpu.memref_slice %arg5[%add3A_11] : memref<320000xi32, #tpu.memory_space<hbm>> -> memref<80xi32, #tpu.memory_space<hbm>>
        tpu.wait_dma2 semaphore(%run_scoped3A : memref<!tpu.dma_semaphore, #tpu.memory_space<semaphore_mem>>) src(%dma_wait3A_74 : memref<80xi32, #tpu.memory_space<hbm>>) dst(%arg8 : memref<80xi32, #tpu.memory_space<vmem>>)
        tpu.yield
      }) : () -> ()
      %dma_start3A = arith.constant 0 : i32
      %dma_start3A_12 = tpu.memref_slice %arg2[%dma_start3A] : memref<10000xf32, #tpu.memory_space<hbm>> -> memref<10000xf32, #tpu.memory_space<hbm>>
      tpu.enqueue_indirect_dma source(%dma_start3A_12 : memref<10000xf32, #tpu.memory_space<hbm>>) target(%arg9 : memref<80xf32, #tpu.memory_space<vmem>>) offsets(%arg7 : memref<80xi32, #tpu.memory_space<vmem>>) semaphore(%arg12 : memref<!tpu.dma_semaphore, #tpu.memory_space<semaphore_mem>>)
      %dma_start3A_13 = arith.constant 0 : i32
      %dma_start3A_14 = tpu.memref_slice %arg3[%dma_start3A_13] : memref<10000xf32, #tpu.memory_space<hbm>> -> memref<10000xf32, #tpu.memory_space<hbm>>
      tpu.enqueue_indirect_dma source(%dma_start3A_14 : memref<10000xf32, #tpu.memory_space<hbm>>) target(%arg10 : memref<80xf32, #tpu.memory_space<vmem>>) offsets(%arg8 : memref<80xi32, #tpu.memory_space<vmem>>) semaphore(%arg13 : memref<!tpu.dma_semaphore, #tpu.memory_space<semaphore_mem>>)
      %dma_wait3A = arith.constant 0 : i32
      %dma_wait3A_15 = tpu.memref_slice %arg2[%dma_wait3A] : memref<10000xf32, #tpu.memory_space<hbm>> -> memref<10000xf32, #tpu.memory_space<hbm>>
      tpu.wait_indirect_dma semaphore(%arg12 : memref<!tpu.dma_semaphore, #tpu.memory_space<semaphore_mem>>) src(%dma_wait3A_15 : memref<10000xf32, #tpu.memory_space<hbm>>) dst(%arg9 : memref<80xf32, #tpu.memory_space<vmem>>)
      %dma_wait3A_16 = arith.constant 0 : i32
      %dma_wait3A_17 = tpu.memref_slice %arg3[%dma_wait3A_16] : memref<10000xf32, #tpu.memory_space<hbm>> -> memref<10000xf32, #tpu.memory_space<hbm>>
      tpu.wait_indirect_dma semaphore(%arg13 : memref<!tpu.dma_semaphore, #tpu.memory_space<semaphore_mem>>) src(%dma_wait3A_17 : memref<10000xf32, #tpu.memory_space<hbm>>) dst(%arg10 : memref<80xf32, #tpu.memory_space<vmem>>)
      %get3A = arith.constant 0 : index
      %get3A_18 = tpu.vector_load %arg9[%get3A] {strides = array<i32>} : memref<80xf32, #tpu.memory_space<vmem>>, vector<16xf32>,
      %get3A_19 = vector.shape_cast %get3A_18 : vector<16xf32> to vector<16xf32>
      %get3A_20 = arith.constant 0 : index
      %get3A_21 = tpu.vector_load %arg10[%get3A_20] {strides = array<i32>} : memref<80xf32, #tpu.memory_space<vmem>>, vector<16xf32>,
      %get3A_22 = vector.shape_cast %get3A_21 : vector<16xf32> to vector<16xf32>
      %add3A_23 = arith.addf %get3A_19, %get3A_22 : vector<16xf32>
      %swap3A = arith.constant 0 : index
      %swap3A_24 = tpu.vector_load %arg11[%swap3A] {strides = array<i32>} : memref<80xf32, #tpu.memory_space<vmem>>, vector<16xf32>,
      %swap3A_25 = vector.shape_cast %swap3A_24 : vector<16xf32> to vector<16xf32>
      %swap3A_26 = vector.shape_cast %add3A_23 : vector<16xf32> to vector<16xf32>
      tpu.vector_store %arg11[%swap3A], %swap3A_26 {strides = array<i32>} : memref<80xf32, #tpu.memory_space<vmem>>, vector<16xf32>,
      %get3A_27 = arith.constant 16 : index
      %get3A_28 = tpu.vector_load %arg9[%get3A_27] {strides = array<i32>} : memref<80xf32, #tpu.memory_space<vmem>>, vector<16xf32>,
      %get3A_29 = vector.shape_cast %get3A_28 : vector<16xf32> to vector<16xf32>
      %get3A_30 = arith.constant 16 : index
      %get3A_31 = tpu.vector_load %arg10[%get3A_30] {strides = array<i32>} : memref<80xf32, #tpu.memory_space<vmem>>, vector<16xf32>,
      %get3A_32 = vector.shape_cast %get3A_31 : vector<16xf32> to vector<16xf32>
      %add3A_33 = arith.addf %get3A_29, %get3A_32 : vector<16xf32>
      %swap3A_34 = arith.constant 16 : index
      %swap3A_35 = tpu.vector_load %arg11[%swap3A_34] {strides = array<i32>} : memref<80xf32, #tpu.memory_space<vmem>>, vector<16xf32>,
      %swap3A_36 = vector.shape_cast %swap3A_35 : vector<16xf32> to vector<16xf32>
      %swap3A_37 = vector.shape_cast %add3A_33 : vector<16xf32> to vector<16xf32>
      tpu.vector_store %arg11[%swap3A_34], %swap3A_37 {strides = array<i32>} : memref<80xf32, #tpu.memory_space<vmem>>, vector<16xf32>,
      %get3A_38 = arith.constant 32 : index
      %get3A_39 = tpu.vector_load %arg9[%get3A_38] {strides = array<i32>} : memref<80xf32, #tpu.memory_space<vmem>>, vector<16xf32>,
      %get3A_40 = vector.shape_cast %get3A_39 : vector<16xf32> to vector<16xf32>
      %get3A_41 = arith.constant 32 : index
      %get3A_42 = tpu.vector_load %arg10[%get3A_41] {strides = array<i32>} : memref<80xf32, #tpu.memory_space<vmem>>, vector<16xf32>,
      %get3A_43 = vector.shape_cast %get3A_42 : vector<16xf32> to vector<16xf32>
      %add3A_44 = arith.addf %get3A_40, %get3A_43 : vector<16xf32>
      %swap3A_45 = arith.constant 32 : index
      %swap3A_46 = tpu.vector_load %arg11[%swap3A_45] {strides = array<i32>} : memref<80xf32, #tpu.memory_space<vmem>>, vector<16xf32>,
      %swap3A_47 = vector.shape_cast %swap3A_46 : vector<16xf32> to vector<16xf32>
      %swap3A_48 = vector.shape_cast %add3A_44 : vector<16xf32> to vector<16xf32>
      tpu.vector_store %arg11[%swap3A_45], %swap3A_48 {strides = array<i32>} : memref<80xf32, #tpu.memory_space<vmem>>, vector<16xf32>,
      %get3A_49 = arith.constant 48 : index
      %get3A_50 = tpu.vector_load %arg9[%get3A_49] {strides = array<i32>} : memref<80xf32, #tpu.memory_space<vmem>>, vector<16xf32>,
      %get3A_51 = vector.shape_cast %get3A_50 : vector<16xf32> to vector<16xf32>
      %get3A_52 = arith.constant 48 : index
      %get3A_53 = tpu.vector_load %arg10[%get3A_52] {strides = array<i32>} : memref<80xf32, #tpu.memory_space<vmem>>, vector<16xf32>,
      %get3A_54 = vector.shape_cast %get3A_53 : vector<16xf32> to vector<16xf32>
      %add3A_55 = arith.addf %get3A_51, %get3A_54 : vector<16xf32>
      %swap3A_56 = arith.constant 48 : index
      %swap3A_57 = tpu.vector_load %arg11[%swap3A_56] {strides = array<i32>} : memref<80xf32, #tpu.memory_space<vmem>>, vector<16xf32>,
      %swap3A_58 = vector.shape_cast %swap3A_57 : vector<16xf32> to vector<16xf32>
      %swap3A_59 = vector.shape_cast %add3A_55 : vector<16xf32> to vector<16xf32>
      tpu.vector_store %arg11[%swap3A_56], %swap3A_59 {strides = array<i32>} : memref<80xf32, #tpu.memory_space<vmem>>, vector<16xf32>,
      %get3A_60 = arith.constant 64 : index
      %get3A_61 = tpu.vector_load %arg9[%get3A_60] {strides = array<i32>} : memref<80xf32, #tpu.memory_space<vmem>>, vector<16xf32>,
      %get3A_62 = vector.shape_cast %get3A_61 : vector<16xf32> to vector<16xf32>
      %get3A_63 = arith.constant 64 : index
      %get3A_64 = tpu.vector_load %arg10[%get3A_63] {strides = array<i32>} : memref<80xf32, #tpu.memory_space<vmem>>, vector<16xf32>,
      %get3A_65 = vector.shape_cast %get3A_64 : vector<16xf32> to vector<16xf32>
      %add3A_66 = arith.addf %get3A_62, %get3A_65 : vector<16xf32>
      %swap3A_67 = arith.constant 64 : index
      %swap3A_68 = tpu.vector_load %arg11[%swap3A_67] {strides = array<i32>} : memref<80xf32, #tpu.memory_space<vmem>>, vector<16xf32>,
      %swap3A_69 = vector.shape_cast %swap3A_68 : vector<16xf32> to vector<16xf32>
      %swap3A_70 = vector.shape_cast %add3A_66 : vector<16xf32> to vector<16xf32>
      tpu.vector_store %arg11[%swap3A_67], %swap3A_70 {strides = array<i32>} : memref<80xf32, #tpu.memory_space<vmem>>, vector<16xf32>,
      "tpu.region"() ({
        %run_scoped3A = tpu.sem_alloc : memref<!tpu.dma_semaphore, #tpu.memory_space<semaphore_mem>>
        %dma_start3A_71 = tpu.memref_slice %arg6[%add3A_11] : memref<320000xf32, #tpu.memory_space<hbm>> -> memref<80xf32, #tpu.memory_space<hbm>>
        %dma_start3A_72 = tpu.memref_slice %arg6[%add3A_11] : memref<320000xf32, #tpu.memory_space<hbm>> -> memref<80xf32, #tpu.memory_space<hbm>>
        tpu.enqueue_dma source(%arg11 : memref<80xf32, #tpu.memory_space<vmem>>) target(%dma_start3A_72 : memref<80xf32, #tpu.memory_space<hbm>>) target_semaphore(%run_scoped3A : memref<!tpu.dma_semaphore, #tpu.memory_space<semaphore_mem>>)
        %dma_wait3A_73 = tpu.memref_slice %arg6[%add3A_11] : memref<320000xf32, #tpu.memory_space<hbm>> -> memref<80xf32, #tpu.memory_space<hbm>>
        %dma_wait3A_74 = tpu.memref_slice %arg6[%add3A_11] : memref<320000xf32, #tpu.memory_space<hbm>> -> memref<80xf32, #tpu.memory_space<hbm>>
        tpu.wait_dma2 semaphore(%run_scoped3A : memref<!tpu.dma_semaphore, #tpu.memory_space<semaphore_mem>>) src(%arg11 : memref<80xf32, #tpu.memory_space<vmem>>) dst(%dma_wait3A_74 : memref<80xf32, #tpu.memory_space<hbm>>)
        tpu.yield
      }) : () -> ()
    }
    %scan3A_7 = arith.constant 125 : i32
    return
  }
}

#map = affine_map<(d0, d1) -> (0, 0)>
#map1 = affine_map<(d0, d1) -> (0)>
#map2 = affine_map<(d0, d1) -> (0, 0, 0)>
module attributes {stable_mosaic.version = 14 : i64} {
  func.func @k(%arg0: i32, %arg1: i32, %arg2: memref<10000x128xf32, #tpu.memory_space<hbm>>, %arg3: memref<320000xi32, #tpu.memory_space<hbm>>, %arg4: memref<320000xi32, #tpu.memory_space<hbm>>, %arg5: memref<640x128xf32, #tpu.memory_space<hbm>>, %arg6: memref<2x10240x128xf32, #tpu.memory_space<hbm>>, %arg7: memref<80xi32, #tpu.memory_space<vmem>>, %arg8: memref<80xi32, #tpu.memory_space<vmem>>, %arg9: memref<80x128xf32, #tpu.memory_space<vmem>>, %arg10: memref<10240x128xf32, #tpu.memory_space<vmem_shared>>, %arg11: memref<!tpu.dma_semaphore, #tpu.memory_space<semaphore_mem>>) attributes {dimension_semantics = [#tpu.dimension_semantics<core_parallel>, #tpu.dimension_semantics<subcore_parallel>], iteration_bounds = array<i64: 2, 16>, scalar_prefetch = 0 : i64, scratch_operands = 5 : i64, tpu.core_type = #tpu.core_type<sc_vector_subcore>, window_params = [{transform_indices = #map}, {transform_indices = #map1}, {transform_indices = #map1}, {transform_indices = #map}, {transform_indices = #map2}]} {
    %mul3A = arith.constant 640 : i32
    %mul3A_0 = arith.muli %arg1, %mul3A : i32
    "tpu.region"() ({
      %run_scoped3A = tpu.sem_alloc : memref<!tpu.dma_semaphore, #tpu.memory_space<semaphore_mem>>
      %dma_start3A = arith.constant 0 : i32
      %dma_start3A_15 = tpu.memref_slice %arg10[%mul3A_0, %dma_start3A] : memref<10240x128xf32, #tpu.memory_space<vmem_shared>> -> memref<640x128xf32, #tpu.memory_space<vmem_shared>>
      tpu.enqueue_dma source(%arg5 : memref<640x128xf32, #tpu.memory_space<hbm>>) target(%dma_start3A_15 : memref<640x128xf32, #tpu.memory_space<vmem_shared>>) target_semaphore(%run_scoped3A : memref<!tpu.dma_semaphore, #tpu.memory_space<semaphore_mem>>)
      %dma_wait3A = arith.constant 0 : i32
      %dma_wait3A_16 = tpu.memref_slice %arg10[%mul3A_0, %dma_wait3A] : memref<10240x128xf32, #tpu.memory_space<vmem_shared>> -> memref<640x128xf32, #tpu.memory_space<vmem_shared>>
      tpu.wait_dma2 semaphore(%run_scoped3A : memref<!tpu.dma_semaphore, #tpu.memory_space<semaphore_mem>>) src(%arg5 : memref<640x128xf32, #tpu.memory_space<hbm>>) dst(%dma_wait3A_16 : memref<640x128xf32, #tpu.memory_space<vmem_shared>>)
      tpu.yield
    }) : () -> ()
    %barrier3A = arith.constant 0 : index
    tpu.barrier barrier_id(%barrier3A)
    %mul3A_1 = arith.constant 16 : i32
    %mul3A_2 = arith.muli %arg0, %mul3A_1 : i32
    %add3A = arith.addi %mul3A_2, %arg1 : i32
    %mul3A_3 = arith.constant 10000 : i32
    %mul3A_4 = arith.muli %add3A, %mul3A_3 : i32
    %scan3A = arith.constant 0 : i32
    %scan3A_5 = arith.constant 0 : i32
    %scan3A_6 = arith.constant 125 : i32
    %scan3A_7 = arith.addi %scan3A_5, %scan3A_6 : i32
    %scan3A_8 = arith.constant 1 : i32
    scf.for %scan3A_15 = %scan3A_5 to %scan3A_7 step %scan3A_8  : i32 {
      %mul3A_16 = arith.constant 80 : i32
      %mul3A_17 = arith.muli %scan3A_15, %mul3A_16 : i32
      %add3A_18 = arith.addi %mul3A_4, %mul3A_17 : i32
      "tpu.region"() ({
        %run_scoped3A = tpu.sem_alloc : memref<!tpu.dma_semaphore, #tpu.memory_space<semaphore_mem>>
        %dma_start3A_23 = tpu.memref_slice %arg3[%add3A_18] : memref<320000xi32, #tpu.memory_space<hbm>> -> memref<80xi32, #tpu.memory_space<hbm>>
        %dma_start3A_24 = tpu.memref_slice %arg3[%add3A_18] : memref<320000xi32, #tpu.memory_space<hbm>> -> memref<80xi32, #tpu.memory_space<hbm>>
        tpu.enqueue_dma source(%dma_start3A_24 : memref<80xi32, #tpu.memory_space<hbm>>) target(%arg7 : memref<80xi32, #tpu.memory_space<vmem>>) target_semaphore(%run_scoped3A : memref<!tpu.dma_semaphore, #tpu.memory_space<semaphore_mem>>)
        %dma_wait3A_25 = tpu.memref_slice %arg3[%add3A_18] : memref<320000xi32, #tpu.memory_space<hbm>> -> memref<80xi32, #tpu.memory_space<hbm>>
        %dma_wait3A_26 = tpu.memref_slice %arg3[%add3A_18] : memref<320000xi32, #tpu.memory_space<hbm>> -> memref<80xi32, #tpu.memory_space<hbm>>
        tpu.wait_dma2 semaphore(%run_scoped3A : memref<!tpu.dma_semaphore, #tpu.memory_space<semaphore_mem>>) src(%dma_wait3A_26 : memref<80xi32, #tpu.memory_space<hbm>>) dst(%arg7 : memref<80xi32, #tpu.memory_space<vmem>>)
        tpu.yield
      }) : () -> ()
      "tpu.region"() ({
        %run_scoped3A = tpu.sem_alloc : memref<!tpu.dma_semaphore, #tpu.memory_space<semaphore_mem>>
        %dma_start3A_23 = tpu.memref_slice %arg4[%add3A_18] : memref<320000xi32, #tpu.memory_space<hbm>> -> memref<80xi32, #tpu.memory_space<hbm>>
        %dma_start3A_24 = tpu.memref_slice %arg4[%add3A_18] : memref<320000xi32, #tpu.memory_space<hbm>> -> memref<80xi32, #tpu.memory_space<hbm>>
        tpu.enqueue_dma source(%dma_start3A_24 : memref<80xi32, #tpu.memory_space<hbm>>) target(%arg8 : memref<80xi32, #tpu.memory_space<vmem>>) target_semaphore(%run_scoped3A : memref<!tpu.dma_semaphore, #tpu.memory_space<semaphore_mem>>)
        %dma_wait3A_25 = tpu.memref_slice %arg4[%add3A_18] : memref<320000xi32, #tpu.memory_space<hbm>> -> memref<80xi32, #tpu.memory_space<hbm>>
        %dma_wait3A_26 = tpu.memref_slice %arg4[%add3A_18] : memref<320000xi32, #tpu.memory_space<hbm>> -> memref<80xi32, #tpu.memory_space<hbm>>
        tpu.wait_dma2 semaphore(%run_scoped3A : memref<!tpu.dma_semaphore, #tpu.memory_space<semaphore_mem>>) src(%dma_wait3A_26 : memref<80xi32, #tpu.memory_space<hbm>>) dst(%arg8 : memref<80xi32, #tpu.memory_space<vmem>>)
        tpu.yield
      }) : () -> ()
      %dma_start3A = arith.constant 0 : i32
      %dma_start3A_19 = arith.constant 0 : i32
      %dma_start3A_20 = tpu.memref_slice %arg2[%dma_start3A, %dma_start3A_19] : memref<10000x128xf32, #tpu.memory_space<hbm>> -> memref<10000x128xf32, #tpu.memory_space<hbm>>
      tpu.enqueue_indirect_dma source(%dma_start3A_20 : memref<10000x128xf32, #tpu.memory_space<hbm>>) target(%arg9 : memref<80x128xf32, #tpu.memory_space<vmem>>) offsets(%arg7 : memref<80xi32, #tpu.memory_space<vmem>>) semaphore(%arg11 : memref<!tpu.dma_semaphore, #tpu.memory_space<semaphore_mem>>)
      %dma_wait3A = arith.constant 0 : i32
      %dma_wait3A_21 = arith.constant 0 : i32
      %dma_wait3A_22 = tpu.memref_slice %arg2[%dma_wait3A, %dma_wait3A_21] : memref<10000x128xf32, #tpu.memory_space<hbm>> -> memref<10000x128xf32, #tpu.memory_space<hbm>>
      tpu.wait_indirect_dma semaphore(%arg11 : memref<!tpu.dma_semaphore, #tpu.memory_space<semaphore_mem>>) src(%dma_wait3A_22 : memref<10000x128xf32, #tpu.memory_space<hbm>>) dst(%arg9 : memref<80x128xf32, #tpu.memory_space<vmem>>)
      "tpu.region"() ({
        %run_scoped3A = tpu.sem_alloc : memref<!tpu.dma_semaphore, #tpu.memory_space<semaphore_mem>>
        %dma_start3A_23 = arith.constant 0 : i32
        %dma_start3A_24 = arith.constant 0 : i32
        %dma_start3A_25 = tpu.memref_slice %arg10[%dma_start3A_23, %dma_start3A_24] : memref<10240x128xf32, #tpu.memory_space<vmem_shared>> -> memref<10240x128xf32, #tpu.memory_space<vmem_shared>>
        tpu.enqueue_indirect_dma source(%arg9 : memref<80x128xf32, #tpu.memory_space<vmem>>) target(%dma_start3A_25 : memref<10240x128xf32, #tpu.memory_space<vmem_shared>>) offsets(%arg8 : memref<80xi32, #tpu.memory_space<vmem>>) semaphore(%run_scoped3A : memref<!tpu.dma_semaphore, #tpu.memory_space<semaphore_mem>>) {add = true}
        %dma_wait3A_26 = arith.constant 0 : i32
        %dma_wait3A_27 = arith.constant 0 : i32
        %dma_wait3A_28 = tpu.memref_slice %arg10[%dma_wait3A_26, %dma_wait3A_27] : memref<10240x128xf32, #tpu.memory_space<vmem_shared>> -> memref<10240x128xf32, #tpu.memory_space<vmem_shared>>
        tpu.wait_indirect_dma semaphore(%run_scoped3A : memref<!tpu.dma_semaphore, #tpu.memory_space<semaphore_mem>>) src(%arg9 : memref<80x128xf32, #tpu.memory_space<vmem>>) dst(%dma_wait3A_28 : memref<10240x128xf32, #tpu.memory_space<vmem_shared>>)
        tpu.yield
      }) : () -> ()
    }
    %scan3A_9 = arith.constant 125 : i32
    %barrier3A_10 = arith.constant 0 : index
    tpu.barrier barrier_id(%barrier3A_10)
    %mul3A_11 = arith.constant 640 : i32
    %mul3A_12 = arith.muli %arg1, %mul3A_11 : i32
    %mul3A_13 = arith.constant 640 : i32
    %mul3A_14 = arith.muli %arg1, %mul3A_13 : i32
    "tpu.region"() ({
      %run_scoped3A = tpu.sem_alloc : memref<!tpu.dma_semaphore, #tpu.memory_space<semaphore_mem>>
      %dma_start3A = arith.constant 0 : i32
      %dma_start3A_15 = tpu.memref_slice %arg6[%arg0, %mul3A_14, %dma_start3A] : memref<2x10240x128xf32, #tpu.memory_space<hbm>> -> memref<1x640x128xf32, #tpu.memory_space<hbm>>
      %dma_start3A_16 = tpu.memref_squeeze %dma_start3A_15 : memref<1x640x128xf32, #tpu.memory_space<hbm>> -> memref<640x128xf32, #tpu.memory_space<hbm>>
      %dma_start3A_17 = arith.constant 0 : i32
      %dma_start3A_18 = tpu.memref_slice %arg10[%mul3A_12, %dma_start3A_17] : memref<10240x128xf32, #tpu.memory_space<vmem_shared>> -> memref<640x128xf32, #tpu.memory_space<vmem_shared>>
      tpu.enqueue_dma source(%dma_start3A_18 : memref<640x128xf32, #tpu.memory_space<vmem_shared>>) target(%dma_start3A_16 : memref<640x128xf32, #tpu.memory_space<hbm>>) target_semaphore(%run_scoped3A : memref<!tpu.dma_semaphore, #tpu.memory_space<semaphore_mem>>)
      %dma_wait3A = arith.constant 0 : i32
      %dma_wait3A_19 = tpu.memref_slice %arg6[%arg0, %mul3A_14, %dma_wait3A] : memref<2x10240x128xf32, #tpu.memory_space<hbm>> -> memref<1x640x128xf32, #tpu.memory_space<hbm>>
      %dma_wait3A_20 = tpu.memref_squeeze %dma_wait3A_19 : memref<1x640x128xf32, #tpu.memory_space<hbm>> -> memref<640x128xf32, #tpu.memory_space<hbm>>
      %dma_wait3A_21 = arith.constant 0 : i32
      %dma_wait3A_22 = tpu.memref_slice %arg10[%mul3A_12, %dma_wait3A_21] : memref<10240x128xf32, #tpu.memory_space<vmem_shared>> -> memref<640x128xf32, #tpu.memory_space<vmem_shared>>
      tpu.wait_dma2 semaphore(%run_scoped3A : memref<!tpu.dma_semaphore, #tpu.memory_space<semaphore_mem>>) src(%dma_wait3A_22 : memref<640x128xf32, #tpu.memory_space<vmem_shared>>) dst(%dma_wait3A_20 : memref<640x128xf32, #tpu.memory_space<hbm>>)
      tpu.yield
    }) : () -> ()
    return
  }
}

#map = affine_map<(d0, d1) -> (0)>
module attributes {stable_mosaic.version = 14 : i64} {
  func.func @k(%arg0: i32, %arg1: i32, %arg2: memref<320000xf32, #tpu.memory_space<hbm>>, %arg3: memref<320000xf32, #tpu.memory_space<hbm>>, %arg4: memref<320000xi32, #tpu.memory_space<hbm>>, %arg5: memref<640xf32, #tpu.memory_space<hbm>>, %arg6: memref<20480xf32, #tpu.memory_space<hbm>>, %arg7: memref<20480xf32, #tpu.memory_space<hbm>>, %arg8: memref<80xi32, #tpu.memory_space<vmem>>, %arg9: memref<80xf32, #tpu.memory_space<vmem>>, %arg10: memref<80xf32, #tpu.memory_space<vmem>>, %arg11: memref<10240xf32, #tpu.memory_space<vmem_shared>>, %arg12: memref<10240xf32, #tpu.memory_space<vmem_shared>>) attributes {dimension_semantics = [#tpu.dimension_semantics<core_parallel>, #tpu.dimension_semantics<subcore_parallel>], iteration_bounds = array<i64: 2, 16>, scalar_prefetch = 0 : i64, scratch_operands = 5 : i64, tpu.core_type = #tpu.core_type<sc_vector_subcore>, window_params = [{transform_indices = #map}, {transform_indices = #map}, {transform_indices = #map}, {transform_indices = #map}, {transform_indices = #map}, {transform_indices = #map}]} {
    %mul3A = arith.constant 640 : i32
    %mul3A_0 = arith.muli %arg1, %mul3A : i32
    "tpu.region"() ({
      %run_scoped3A = tpu.sem_alloc : memref<!tpu.dma_semaphore, #tpu.memory_space<semaphore_mem>>
      %dma_start3A = tpu.memref_slice %arg11[%mul3A_0] : memref<10240xf32, #tpu.memory_space<vmem_shared>> -> memref<640xf32, #tpu.memory_space<vmem_shared>>
      tpu.enqueue_dma source(%arg5 : memref<640xf32, #tpu.memory_space<hbm>>) target(%dma_start3A : memref<640xf32, #tpu.memory_space<vmem_shared>>) target_semaphore(%run_scoped3A : memref<!tpu.dma_semaphore, #tpu.memory_space<semaphore_mem>>)
      %dma_wait3A = tpu.memref_slice %arg11[%mul3A_0] : memref<10240xf32, #tpu.memory_space<vmem_shared>> -> memref<640xf32, #tpu.memory_space<vmem_shared>>
      tpu.wait_dma2 semaphore(%run_scoped3A : memref<!tpu.dma_semaphore, #tpu.memory_space<semaphore_mem>>) src(%arg5 : memref<640xf32, #tpu.memory_space<hbm>>) dst(%dma_wait3A : memref<640xf32, #tpu.memory_space<vmem_shared>>)
      tpu.yield
    }) : () -> ()
    %mul3A_1 = arith.constant 640 : i32
    %mul3A_2 = arith.muli %arg1, %mul3A_1 : i32
    "tpu.region"() ({
      %run_scoped3A = tpu.sem_alloc : memref<!tpu.dma_semaphore, #tpu.memory_space<semaphore_mem>>
      %dma_start3A = tpu.memref_slice %arg12[%mul3A_2] : memref<10240xf32, #tpu.memory_space<vmem_shared>> -> memref<640xf32, #tpu.memory_space<vmem_shared>>
      tpu.enqueue_dma source(%arg5 : memref<640xf32, #tpu.memory_space<hbm>>) target(%dma_start3A : memref<640xf32, #tpu.memory_space<vmem_shared>>) target_semaphore(%run_scoped3A : memref<!tpu.dma_semaphore, #tpu.memory_space<semaphore_mem>>)
      %dma_wait3A = tpu.memref_slice %arg12[%mul3A_2] : memref<10240xf32, #tpu.memory_space<vmem_shared>> -> memref<640xf32, #tpu.memory_space<vmem_shared>>
      tpu.wait_dma2 semaphore(%run_scoped3A : memref<!tpu.dma_semaphore, #tpu.memory_space<semaphore_mem>>) src(%arg5 : memref<640xf32, #tpu.memory_space<hbm>>) dst(%dma_wait3A : memref<640xf32, #tpu.memory_space<vmem_shared>>)
      tpu.yield
    }) : () -> ()
    %barrier3A = arith.constant 0 : index
    tpu.barrier barrier_id(%barrier3A)
    %mul3A_3 = arith.constant 16 : i32
    %mul3A_4 = arith.muli %arg0, %mul3A_3 : i32
    %add3A = arith.addi %mul3A_4, %arg1 : i32
    %mul3A_5 = arith.constant 10000 : i32
    %mul3A_6 = arith.muli %add3A, %mul3A_5 : i32
    %scan3A = arith.constant 0 : i32
    %scan3A_7 = arith.constant 0 : i32
    %scan3A_8 = arith.constant 125 : i32
    %scan3A_9 = arith.addi %scan3A_7, %scan3A_8 : i32
    %scan3A_10 = arith.constant 1 : i32
    scf.for %scan3A_27 = %scan3A_7 to %scan3A_9 step %scan3A_10  : i32 {
      %mul3A_28 = arith.constant 80 : i32
      %mul3A_29 = arith.muli %scan3A_27, %mul3A_28 : i32
      %add3A_30 = arith.addi %mul3A_6, %mul3A_29 : i32
      "tpu.region"() ({
        %run_scoped3A = tpu.sem_alloc : memref<!tpu.dma_semaphore, #tpu.memory_space<semaphore_mem>>
        %dma_start3A = tpu.memref_slice %arg4[%add3A_30] : memref<320000xi32, #tpu.memory_space<hbm>> -> memref<80xi32, #tpu.memory_space<hbm>>
        %dma_start3A_31 = tpu.memref_slice %arg4[%add3A_30] : memref<320000xi32, #tpu.memory_space<hbm>> -> memref<80xi32, #tpu.memory_space<hbm>>
        tpu.enqueue_dma source(%dma_start3A_31 : memref<80xi32, #tpu.memory_space<hbm>>) target(%arg8 : memref<80xi32, #tpu.memory_space<vmem>>) target_semaphore(%run_scoped3A : memref<!tpu.dma_semaphore, #tpu.memory_space<semaphore_mem>>)
        %dma_wait3A = tpu.memref_slice %arg4[%add3A_30] : memref<320000xi32, #tpu.memory_space<hbm>> -> memref<80xi32, #tpu.memory_space<hbm>>
        %dma_wait3A_32 = tpu.memref_slice %arg4[%add3A_30] : memref<320000xi32, #tpu.memory_space<hbm>> -> memref<80xi32, #tpu.memory_space<hbm>>
        tpu.wait_dma2 semaphore(%run_scoped3A : memref<!tpu.dma_semaphore, #tpu.memory_space<semaphore_mem>>) src(%dma_wait3A_32 : memref<80xi32, #tpu.memory_space<hbm>>) dst(%arg8 : memref<80xi32, #tpu.memory_space<vmem>>)
        tpu.yield
      }) : () -> ()
      "tpu.region"() ({
        %run_scoped3A = tpu.sem_alloc : memref<!tpu.dma_semaphore, #tpu.memory_space<semaphore_mem>>
        %dma_start3A = tpu.memref_slice %arg2[%add3A_30] : memref<320000xf32, #tpu.memory_space<hbm>> -> memref<80xf32, #tpu.memory_space<hbm>>
        %dma_start3A_31 = tpu.memref_slice %arg2[%add3A_30] : memref<320000xf32, #tpu.memory_space<hbm>> -> memref<80xf32, #tpu.memory_space<hbm>>
        tpu.enqueue_dma source(%dma_start3A_31 : memref<80xf32, #tpu.memory_space<hbm>>) target(%arg9 : memref<80xf32, #tpu.memory_space<vmem>>) target_semaphore(%run_scoped3A : memref<!tpu.dma_semaphore, #tpu.memory_space<semaphore_mem>>)
        %dma_wait3A = tpu.memref_slice %arg2[%add3A_30] : memref<320000xf32, #tpu.memory_space<hbm>> -> memref<80xf32, #tpu.memory_space<hbm>>
        %dma_wait3A_32 = tpu.memref_slice %arg2[%add3A_30] : memref<320000xf32, #tpu.memory_space<hbm>> -> memref<80xf32, #tpu.memory_space<hbm>>
        tpu.wait_dma2 semaphore(%run_scoped3A : memref<!tpu.dma_semaphore, #tpu.memory_space<semaphore_mem>>) src(%dma_wait3A_32 : memref<80xf32, #tpu.memory_space<hbm>>) dst(%arg9 : memref<80xf32, #tpu.memory_space<vmem>>)
        tpu.yield
      }) : () -> ()
      "tpu.region"() ({
        %run_scoped3A = tpu.sem_alloc : memref<!tpu.dma_semaphore, #tpu.memory_space<semaphore_mem>>
        %dma_start3A = tpu.memref_slice %arg3[%add3A_30] : memref<320000xf32, #tpu.memory_space<hbm>> -> memref<80xf32, #tpu.memory_space<hbm>>
        %dma_start3A_31 = tpu.memref_slice %arg3[%add3A_30] : memref<320000xf32, #tpu.memory_space<hbm>> -> memref<80xf32, #tpu.memory_space<hbm>>
        tpu.enqueue_dma source(%dma_start3A_31 : memref<80xf32, #tpu.memory_space<hbm>>) target(%arg10 : memref<80xf32, #tpu.memory_space<vmem>>) target_semaphore(%run_scoped3A : memref<!tpu.dma_semaphore, #tpu.memory_space<semaphore_mem>>)
        %dma_wait3A = tpu.memref_slice %arg3[%add3A_30] : memref<320000xf32, #tpu.memory_space<hbm>> -> memref<80xf32, #tpu.memory_space<hbm>>
        %dma_wait3A_32 = tpu.memref_slice %arg3[%add3A_30] : memref<320000xf32, #tpu.memory_space<hbm>> -> memref<80xf32, #tpu.memory_space<hbm>>
        tpu.wait_dma2 semaphore(%run_scoped3A : memref<!tpu.dma_semaphore, #tpu.memory_space<semaphore_mem>>) src(%dma_wait3A_32 : memref<80xf32, #tpu.memory_space<hbm>>) dst(%arg10 : memref<80xf32, #tpu.memory_space<vmem>>)
        tpu.yield
      }) : () -> ()
      "tpu.region"() ({
        %run_scoped3A = tpu.sem_alloc : memref<!tpu.dma_semaphore, #tpu.memory_space<semaphore_mem>>
        %dma_start3A = arith.constant 0 : i32
        %dma_start3A_31 = tpu.memref_slice %arg11[%dma_start3A] : memref<10240xf32, #tpu.memory_space<vmem_shared>> -> memref<10240xf32, #tpu.memory_space<vmem_shared>>
        tpu.enqueue_indirect_dma source(%arg9 : memref<80xf32, #tpu.memory_space<vmem>>) target(%dma_start3A_31 : memref<10240xf32, #tpu.memory_space<vmem_shared>>) offsets(%arg8 : memref<80xi32, #tpu.memory_space<vmem>>) semaphore(%run_scoped3A : memref<!tpu.dma_semaphore, #tpu.memory_space<semaphore_mem>>) {add = true}
        %dma_wait3A = arith.constant 0 : i32
        %dma_wait3A_32 = tpu.memref_slice %arg11[%dma_wait3A] : memref<10240xf32, #tpu.memory_space<vmem_shared>> -> memref<10240xf32, #tpu.memory_space<vmem_shared>>
        tpu.wait_indirect_dma semaphore(%run_scoped3A : memref<!tpu.dma_semaphore, #tpu.memory_space<semaphore_mem>>) src(%arg9 : memref<80xf32, #tpu.memory_space<vmem>>) dst(%dma_wait3A_32 : memref<10240xf32, #tpu.memory_space<vmem_shared>>)
        tpu.yield
      }) : () -> ()
      "tpu.region"() ({
        %run_scoped3A = tpu.sem_alloc : memref<!tpu.dma_semaphore, #tpu.memory_space<semaphore_mem>>
        %dma_start3A = arith.constant 0 : i32
        %dma_start3A_31 = tpu.memref_slice %arg12[%dma_start3A] : memref<10240xf32, #tpu.memory_space<vmem_shared>> -> memref<10240xf32, #tpu.memory_space<vmem_shared>>
        tpu.enqueue_indirect_dma source(%arg10 : memref<80xf32, #tpu.memory_space<vmem>>) target(%dma_start3A_31 : memref<10240xf32, #tpu.memory_space<vmem_shared>>) offsets(%arg8 : memref<80xi32, #tpu.memory_space<vmem>>) semaphore(%run_scoped3A : memref<!tpu.dma_semaphore, #tpu.memory_space<semaphore_mem>>) {add = true}
        %dma_wait3A = arith.constant 0 : i32
        %dma_wait3A_32 = tpu.memref_slice %arg12[%dma_wait3A] : memref<10240xf32, #tpu.memory_space<vmem_shared>> -> memref<10240xf32, #tpu.memory_space<vmem_shared>>
        tpu.wait_indirect_dma semaphore(%run_scoped3A : memref<!tpu.dma_semaphore, #tpu.memory_space<semaphore_mem>>) src(%arg10 : memref<80xf32, #tpu.memory_space<vmem>>) dst(%dma_wait3A_32 : memref<10240xf32, #tpu.memory_space<vmem_shared>>)
        tpu.yield
      }) : () -> ()
    }
    %scan3A_11 = arith.constant 125 : i32
    %barrier3A_12 = arith.constant 0 : index
    tpu.barrier barrier_id(%barrier3A_12)
    %mul3A_13 = arith.constant 640 : i32
    %mul3A_14 = arith.muli %arg1, %mul3A_13 : i32
    %mul3A_15 = arith.constant 10240 : i32
    %mul3A_16 = arith.muli %arg0, %mul3A_15 : i32
    %mul3A_17 = arith.constant 640 : i32
    %mul3A_18 = arith.muli %arg1, %mul3A_17 : i32
    %add3A_19 = arith.addi %mul3A_16, %mul3A_18 : i32
    "tpu.region"() ({
      %run_scoped3A = tpu.sem_alloc : memref<!tpu.dma_semaphore, #tpu.memory_space<semaphore_mem>>
      %dma_start3A = tpu.memref_slice %arg6[%add3A_19] : memref<20480xf32, #tpu.memory_space<hbm>> -> memref<640xf32, #tpu.memory_space<hbm>>
      %dma_start3A_27 = tpu.memref_slice %arg11[%mul3A_14] : memref<10240xf32, #tpu.memory_space<vmem_shared>> -> memref<640xf32, #tpu.memory_space<vmem_shared>>
      tpu.enqueue_dma source(%dma_start3A_27 : memref<640xf32, #tpu.memory_space<vmem_shared>>) target(%dma_start3A : memref<640xf32, #tpu.memory_space<hbm>>) target_semaphore(%run_scoped3A : memref<!tpu.dma_semaphore, #tpu.memory_space<semaphore_mem>>)
      %dma_wait3A = tpu.memref_slice %arg6[%add3A_19] : memref<20480xf32, #tpu.memory_space<hbm>> -> memref<640xf32, #tpu.memory_space<hbm>>
      %dma_wait3A_28 = tpu.memref_slice %arg11[%mul3A_14] : memref<10240xf32, #tpu.memory_space<vmem_shared>> -> memref<640xf32, #tpu.memory_space<vmem_shared>>
      tpu.wait_dma2 semaphore(%run_scoped3A : memref<!tpu.dma_semaphore, #tpu.memory_space<semaphore_mem>>) src(%dma_wait3A_28 : memref<640xf32, #tpu.memory_space<vmem_shared>>) dst(%dma_wait3A : memref<640xf32, #tpu.memory_space<hbm>>)
      tpu.yield
    }) : () -> ()
    %mul3A_20 = arith.constant 640 : i32
    %mul3A_21 = arith.muli %arg1, %mul3A_20 : i32
    %mul3A_22 = arith.constant 10240 : i32
    %mul3A_23 = arith.muli %arg0, %mul3A_22 : i32
    %mul3A_24 = arith.constant 640 : i32
    %mul3A_25 = arith.muli %arg1, %mul3A_24 : i32
    %add3A_26 = arith.addi %mul3A_23, %mul3A_25 : i32
    "tpu.region"() ({
      %run_scoped3A = tpu.sem_alloc : memref<!tpu.dma_semaphore, #tpu.memory_space<semaphore_mem>>
      %dma_start3A = tpu.memref_slice %arg7[%add3A_26] : memref<20480xf32, #tpu.memory_space<hbm>> -> memref<640xf32, #tpu.memory_space<hbm>>
      %dma_start3A_27 = tpu.memref_slice %arg12[%mul3A_21] : memref<10240xf32, #tpu.memory_space<vmem_shared>> -> memref<640xf32, #tpu.memory_space<vmem_shared>>
      tpu.enqueue_dma source(%dma_start3A_27 : memref<640xf32, #tpu.memory_space<vmem_shared>>) target(%dma_start3A : memref<640xf32, #tpu.memory_space<hbm>>) target_semaphore(%run_scoped3A : memref<!tpu.dma_semaphore, #tpu.memory_space<semaphore_mem>>)
      %dma_wait3A = tpu.memref_slice %arg7[%add3A_26] : memref<20480xf32, #tpu.memory_space<hbm>> -> memref<640xf32, #tpu.memory_space<hbm>>
      %dma_wait3A_28 = tpu.memref_slice %arg12[%mul3A_21] : memref<10240xf32, #tpu.memory_space<vmem_shared>> -> memref<640xf32, #tpu.memory_space<vmem_shared>>
      tpu.wait_dma2 semaphore(%run_scoped3A : memref<!tpu.dma_semaphore, #tpu.memory_space<semaphore_mem>>) src(%dma_wait3A_28 : memref<640xf32, #tpu.memory_space<vmem_shared>>) dst(%dma_wait3A : memref<640xf32, #tpu.memory_space<hbm>>)
      tpu.yield
    }) : () -> ()
    return
  }
}

#map = affine_map<(d0, d1) -> (0, 0)>
#map1 = affine_map<(d0, d1) -> (0)>
#map2 = affine_map<(d0, d1) -> (0, 0, 0)>
module attributes {stable_mosaic.version = 14 : i64} {
  func.func @k(%arg0: i32, %arg1: i32, %arg2: memref<10000x128xf32, #tpu.memory_space<hbm>>, %arg3: memref<320000x16xf32, #tpu.memory_space<hbm>>, %arg4: memref<320000xi32, #tpu.memory_space<hbm>>, %arg5: memref<320000xi32, #tpu.memory_space<hbm>>, %arg6: memref<640x128xf32, #tpu.memory_space<hbm>>, %arg7: memref<2x10240x128xf32, #tpu.memory_space<hbm>>, %arg8: memref<80xi32, #tpu.memory_space<vmem>>, %arg9: memref<80xi32, #tpu.memory_space<vmem>>, %arg10: memref<80x16xf32, #tpu.memory_space<vmem>>, %arg11: memref<80x128xf32, #tpu.memory_space<vmem>>, %arg12: memref<10240x128xf32, #tpu.memory_space<vmem_shared>>, %arg13: memref<!tpu.dma_semaphore, #tpu.memory_space<semaphore_mem>>) attributes {dimension_semantics = [#tpu.dimension_semantics<core_parallel>, #tpu.dimension_semantics<subcore_parallel>], iteration_bounds = array<i64: 2, 16>, scalar_prefetch = 0 : i64, scratch_operands = 6 : i64, tpu.core_type = #tpu.core_type<sc_vector_subcore>, window_params = [{transform_indices = #map}, {transform_indices = #map}, {transform_indices = #map1}, {transform_indices = #map1}, {transform_indices = #map}, {transform_indices = #map2}]} {
    %mul3A = arith.constant 640 : i32
    %mul3A_0 = arith.muli %arg1, %mul3A : i32
    "tpu.region"() ({
      %run_scoped3A = tpu.sem_alloc : memref<!tpu.dma_semaphore, #tpu.memory_space<semaphore_mem>>
      %dma_start3A = arith.constant 0 : i32
      %dma_start3A_15 = tpu.memref_slice %arg12[%mul3A_0, %dma_start3A] : memref<10240x128xf32, #tpu.memory_space<vmem_shared>> -> memref<640x128xf32, #tpu.memory_space<vmem_shared>>
      tpu.enqueue_dma source(%arg6 : memref<640x128xf32, #tpu.memory_space<hbm>>) target(%dma_start3A_15 : memref<640x128xf32, #tpu.memory_space<vmem_shared>>) target_semaphore(%run_scoped3A : memref<!tpu.dma_semaphore, #tpu.memory_space<semaphore_mem>>)
      %dma_wait3A = arith.constant 0 : i32
      %dma_wait3A_16 = tpu.memref_slice %arg12[%mul3A_0, %dma_wait3A] : memref<10240x128xf32, #tpu.memory_space<vmem_shared>> -> memref<640x128xf32, #tpu.memory_space<vmem_shared>>
      tpu.wait_dma2 semaphore(%run_scoped3A : memref<!tpu.dma_semaphore, #tpu.memory_space<semaphore_mem>>) src(%arg6 : memref<640x128xf32, #tpu.memory_space<hbm>>) dst(%dma_wait3A_16 : memref<640x128xf32, #tpu.memory_space<vmem_shared>>)
      tpu.yield
    }) : () -> ()
    %barrier3A = arith.constant 0 : index
    tpu.barrier barrier_id(%barrier3A)
    %mul3A_1 = arith.constant 16 : i32
    %mul3A_2 = arith.muli %arg0, %mul3A_1 : i32
    %add3A = arith.addi %mul3A_2, %arg1 : i32
    %mul3A_3 = arith.constant 10000 : i32
    %mul3A_4 = arith.muli %add3A, %mul3A_3 : i32
    %scan3A = arith.constant 0 : i32
    %scan3A_5 = arith.constant 0 : i32
    %scan3A_6 = arith.constant 125 : i32
    %scan3A_7 = arith.addi %scan3A_5, %scan3A_6 : i32
    %scan3A_8 = arith.constant 1 : i32
    scf.for %scan3A_15 = %scan3A_5 to %scan3A_7 step %scan3A_8  : i32 {
      %mul3A_16 = arith.constant 80 : i32
      %mul3A_17 = arith.muli %scan3A_15, %mul3A_16 : i32
      %add3A_18 = arith.addi %mul3A_4, %mul3A_17 : i32
      "tpu.region"() ({
        %run_scoped3A = tpu.sem_alloc : memref<!tpu.dma_semaphore, #tpu.memory_space<semaphore_mem>>
        %dma_start3A_29 = tpu.memref_slice %arg4[%add3A_18] : memref<320000xi32, #tpu.memory_space<hbm>> -> memref<80xi32, #tpu.memory_space<hbm>>
        %dma_start3A_30 = tpu.memref_slice %arg4[%add3A_18] : memref<320000xi32, #tpu.memory_space<hbm>> -> memref<80xi32, #tpu.memory_space<hbm>>
        tpu.enqueue_dma source(%dma_start3A_30 : memref<80xi32, #tpu.memory_space<hbm>>) target(%arg8 : memref<80xi32, #tpu.memory_space<vmem>>) target_semaphore(%run_scoped3A : memref<!tpu.dma_semaphore, #tpu.memory_space<semaphore_mem>>)
        %dma_wait3A_31 = tpu.memref_slice %arg4[%add3A_18] : memref<320000xi32, #tpu.memory_space<hbm>> -> memref<80xi32, #tpu.memory_space<hbm>>
        %dma_wait3A_32 = tpu.memref_slice %arg4[%add3A_18] : memref<320000xi32, #tpu.memory_space<hbm>> -> memref<80xi32, #tpu.memory_space<hbm>>
        tpu.wait_dma2 semaphore(%run_scoped3A : memref<!tpu.dma_semaphore, #tpu.memory_space<semaphore_mem>>) src(%dma_wait3A_32 : memref<80xi32, #tpu.memory_space<hbm>>) dst(%arg8 : memref<80xi32, #tpu.memory_space<vmem>>)
        tpu.yield
      }) : () -> ()
      "tpu.region"() ({
        %run_scoped3A = tpu.sem_alloc : memref<!tpu.dma_semaphore, #tpu.memory_space<semaphore_mem>>
        %dma_start3A_29 = tpu.memref_slice %arg5[%add3A_18] : memref<320000xi32, #tpu.memory_space<hbm>> -> memref<80xi32, #tpu.memory_space<hbm>>
        %dma_start3A_30 = tpu.memref_slice %arg5[%add3A_18] : memref<320000xi32, #tpu.memory_space<hbm>> -> memref<80xi32, #tpu.memory_space<hbm>>
        tpu.enqueue_dma source(%dma_start3A_30 : memref<80xi32, #tpu.memory_space<hbm>>) target(%arg9 : memref<80xi32, #tpu.memory_space<vmem>>) target_semaphore(%run_scoped3A : memref<!tpu.dma_semaphore, #tpu.memory_space<semaphore_mem>>)
        %dma_wait3A_31 = tpu.memref_slice %arg5[%add3A_18] : memref<320000xi32, #tpu.memory_space<hbm>> -> memref<80xi32, #tpu.memory_space<hbm>>
        %dma_wait3A_32 = tpu.memref_slice %arg5[%add3A_18] : memref<320000xi32, #tpu.memory_space<hbm>> -> memref<80xi32, #tpu.memory_space<hbm>>
        tpu.wait_dma2 semaphore(%run_scoped3A : memref<!tpu.dma_semaphore, #tpu.memory_space<semaphore_mem>>) src(%dma_wait3A_32 : memref<80xi32, #tpu.memory_space<hbm>>) dst(%arg9 : memref<80xi32, #tpu.memory_space<vmem>>)
        tpu.yield
      }) : () -> ()
      "tpu.region"() ({
        %run_scoped3A = tpu.sem_alloc : memref<!tpu.dma_semaphore, #tpu.memory_space<semaphore_mem>>
        %dma_start3A_29 = arith.constant 0 : i32
        %dma_start3A_30 = tpu.memref_slice %arg3[%add3A_18, %dma_start3A_29] : memref<320000x16xf32, #tpu.memory_space<hbm>> -> memref<80x16xf32, #tpu.memory_space<hbm>>
        %dma_start3A_31 = arith.constant 0 : i32
        %dma_start3A_32 = tpu.memref_slice %arg3[%add3A_18, %dma_start3A_31] : memref<320000x16xf32, #tpu.memory_space<hbm>> -> memref<80x16xf32, #tpu.memory_space<hbm>>
        tpu.enqueue_dma source(%dma_start3A_32 : memref<80x16xf32, #tpu.memory_space<hbm>>) target(%arg10 : memref<80x16xf32, #tpu.memory_space<vmem>>) target_semaphore(%run_scoped3A : memref<!tpu.dma_semaphore, #tpu.memory_space<semaphore_mem>>)
        %dma_wait3A_33 = arith.constant 0 : i32
        %dma_wait3A_34 = tpu.memref_slice %arg3[%add3A_18, %dma_wait3A_33] : memref<320000x16xf32, #tpu.memory_space<hbm>> -> memref<80x16xf32, #tpu.memory_space<hbm>>
        %dma_wait3A_35 = arith.constant 0 : i32
        %dma_wait3A_36 = tpu.memref_slice %arg3[%add3A_18, %dma_wait3A_35] : memref<320000x16xf32, #tpu.memory_space<hbm>> -> memref<80x16xf32, #tpu.memory_space<hbm>>
        tpu.wait_dma2 semaphore(%run_scoped3A : memref<!tpu.dma_semaphore, #tpu.memory_space<semaphore_mem>>) src(%dma_wait3A_36 : memref<80x16xf32, #tpu.memory_space<hbm>>) dst(%arg10 : memref<80x16xf32, #tpu.memory_space<vmem>>)
        tpu.yield
      }) : () -> ()
      %dma_start3A = arith.constant 0 : i32
      %dma_start3A_19 = arith.constant 0 : i32
      %dma_start3A_20 = tpu.memref_slice %arg2[%dma_start3A, %dma_start3A_19] : memref<10000x128xf32, #tpu.memory_space<hbm>> -> memref<10000x128xf32, #tpu.memory_space<hbm>>
      tpu.enqueue_indirect_dma source(%dma_start3A_20 : memref<10000x128xf32, #tpu.memory_space<hbm>>) target(%arg11 : memref<80x128xf32, #tpu.memory_space<vmem>>) offsets(%arg8 : memref<80xi32, #tpu.memory_space<vmem>>) semaphore(%arg13 : memref<!tpu.dma_semaphore, #tpu.memory_space<semaphore_mem>>)
      %dma_wait3A = arith.constant 0 : i32
      %dma_wait3A_21 = arith.constant 0 : i32
      %dma_wait3A_22 = tpu.memref_slice %arg2[%dma_wait3A, %dma_wait3A_21] : memref<10000x128xf32, #tpu.memory_space<hbm>> -> memref<10000x128xf32, #tpu.memory_space<hbm>>
      tpu.wait_indirect_dma semaphore(%arg13 : memref<!tpu.dma_semaphore, #tpu.memory_space<semaphore_mem>>) src(%dma_wait3A_22 : memref<10000x128xf32, #tpu.memory_space<hbm>>) dst(%arg11 : memref<80x128xf32, #tpu.memory_space<vmem>>)
      %scan3A_23 = arith.constant 0 : i32
      %scan3A_24 = arith.constant 0 : i32
      %scan3A_25 = arith.constant 80 : i32
      %scan3A_26 = arith.addi %scan3A_24, %scan3A_25 : i32
      %scan3A_27 = arith.constant 1 : i32
      scf.for %scan3A_29 = %scan3A_24 to %scan3A_26 step %scan3A_27  : i32 {
        %get3A = arith.index_cast %scan3A_29 : i32 to index
        %get3A_30 = arith.constant 0 : index
        %get3A_31 = tpu.vector_load %arg10[%get3A, %get3A_30] {strides = array<i32>} : memref<80x16xf32, #tpu.memory_space<vmem>>, vector<1x16xf32>,
        %get3A_32 = vector.shape_cast %get3A_31 : vector<1x16xf32> to vector<16xf32>
        %get3A_33 = arith.index_cast %scan3A_29 : i32 to index
        %get3A_34 = arith.constant 0 : index
        %get3A_35 = tpu.vector_load %arg11[%get3A_33, %get3A_34] {strides = array<i32>} : memref<80x128xf32, #tpu.memory_space<vmem>>, vector<1x16xf32>,
        %get3A_36 = vector.shape_cast %get3A_35 : vector<1x16xf32> to vector<16xf32>
        %mul3A_37 = arith.mulf %get3A_36, %get3A_32 : vector<16xf32>
        %swap3A = arith.index_cast %scan3A_29 : i32 to index
        %swap3A_38 = arith.constant 0 : index
        %swap3A_39 = tpu.vector_load %arg11[%swap3A, %swap3A_38] {strides = array<i32>} : memref<80x128xf32, #tpu.memory_space<vmem>>, vector<1x16xf32>,
        %swap3A_40 = vector.shape_cast %swap3A_39 : vector<1x16xf32> to vector<16xf32>
        %swap3A_41 = vector.shape_cast %mul3A_37 : vector<16xf32> to vector<1x16xf32>
        tpu.vector_store %arg11[%swap3A, %swap3A_38], %swap3A_41 {strides = array<i32>} : memref<80x128xf32, #tpu.memory_space<vmem>>, vector<1x16xf32>,
        %get3A_42 = arith.index_cast %scan3A_29 : i32 to index
        %get3A_43 = arith.constant 16 : index
        %get3A_44 = tpu.vector_load %arg11[%get3A_42, %get3A_43] {strides = array<i32>} : memref<80x128xf32, #tpu.memory_space<vmem>>, vector<1x16xf32>,
        %get3A_45 = vector.shape_cast %get3A_44 : vector<1x16xf32> to vector<16xf32>
        %mul3A_46 = arith.mulf %get3A_45, %get3A_32 : vector<16xf32>
        %swap3A_47 = arith.index_cast %scan3A_29 : i32 to index
        %swap3A_48 = arith.constant 16 : index
        %swap3A_49 = tpu.vector_load %arg11[%swap3A_47, %swap3A_48] {strides = array<i32>} : memref<80x128xf32, #tpu.memory_space<vmem>>, vector<1x16xf32>,
        %swap3A_50 = vector.shape_cast %swap3A_49 : vector<1x16xf32> to vector<16xf32>
        %swap3A_51 = vector.shape_cast %mul3A_46 : vector<16xf32> to vector<1x16xf32>
        tpu.vector_store %arg11[%swap3A_47, %swap3A_48], %swap3A_51 {strides = array<i32>} : memref<80x128xf32, #tpu.memory_space<vmem>>, vector<1x16xf32>,
        %get3A_52 = arith.index_cast %scan3A_29 : i32 to index
        %get3A_53 = arith.constant 32 : index
        %get3A_54 = tpu.vector_load %arg11[%get3A_52, %get3A_53] {strides = array<i32>} : memref<80x128xf32, #tpu.memory_space<vmem>>, vector<1x16xf32>,
        %get3A_55 = vector.shape_cast %get3A_54 : vector<1x16xf32> to vector<16xf32>
        %mul3A_56 = arith.mulf %get3A_55, %get3A_32 : vector<16xf32>
        %swap3A_57 = arith.index_cast %scan3A_29 : i32 to index
        %swap3A_58 = arith.constant 32 : index
        %swap3A_59 = tpu.vector_load %arg11[%swap3A_57, %swap3A_58] {strides = array<i32>} : memref<80x128xf32, #tpu.memory_space<vmem>>, vector<1x16xf32>,
        %swap3A_60 = vector.shape_cast %swap3A_59 : vector<1x16xf32> to vector<16xf32>
        %swap3A_61 = vector.shape_cast %mul3A_56 : vector<16xf32> to vector<1x16xf32>
        tpu.vector_store %arg11[%swap3A_57, %swap3A_58], %swap3A_61 {strides = array<i32>} : memref<80x128xf32, #tpu.memory_space<vmem>>, vector<1x16xf32>,
        %get3A_62 = arith.index_cast %scan3A_29 : i32 to index
        %get3A_63 = arith.constant 48 : index
        %get3A_64 = tpu.vector_load %arg11[%get3A_62, %get3A_63] {strides = array<i32>} : memref<80x128xf32, #tpu.memory_space<vmem>>, vector<1x16xf32>,
        %get3A_65 = vector.shape_cast %get3A_64 : vector<1x16xf32> to vector<16xf32>
        %mul3A_66 = arith.mulf %get3A_65, %get3A_32 : vector<16xf32>
        %swap3A_67 = arith.index_cast %scan3A_29 : i32 to index
        %swap3A_68 = arith.constant 48 : index
        %swap3A_69 = tpu.vector_load %arg11[%swap3A_67, %swap3A_68] {strides = array<i32>} : memref<80x128xf32, #tpu.memory_space<vmem>>, vector<1x16xf32>,
        %swap3A_70 = vector.shape_cast %swap3A_69 : vector<1x16xf32> to vector<16xf32>
        %swap3A_71 = vector.shape_cast %mul3A_66 : vector<16xf32> to vector<1x16xf32>
        tpu.vector_store %arg11[%swap3A_67, %swap3A_68], %swap3A_71 {strides = array<i32>} : memref<80x128xf32, #tpu.memory_space<vmem>>, vector<1x16xf32>,
        %get3A_72 = arith.index_cast %scan3A_29 : i32 to index
        %get3A_73 = arith.constant 64 : index
        %get3A_74 = tpu.vector_load %arg11[%get3A_72, %get3A_73] {strides = array<i32>} : memref<80x128xf32, #tpu.memory_space<vmem>>, vector<1x16xf32>,
        %get3A_75 = vector.shape_cast %get3A_74 : vector<1x16xf32> to vector<16xf32>
        %mul3A_76 = arith.mulf %get3A_75, %get3A_32 : vector<16xf32>
        %swap3A_77 = arith.index_cast %scan3A_29 : i32 to index
        %swap3A_78 = arith.constant 64 : index
        %swap3A_79 = tpu.vector_load %arg11[%swap3A_77, %swap3A_78] {strides = array<i32>} : memref<80x128xf32, #tpu.memory_space<vmem>>, vector<1x16xf32>,
        %swap3A_80 = vector.shape_cast %swap3A_79 : vector<1x16xf32> to vector<16xf32>
        %swap3A_81 = vector.shape_cast %mul3A_76 : vector<16xf32> to vector<1x16xf32>
        tpu.vector_store %arg11[%swap3A_77, %swap3A_78], %swap3A_81 {strides = array<i32>} : memref<80x128xf32, #tpu.memory_space<vmem>>, vector<1x16xf32>,
        %get3A_82 = arith.index_cast %scan3A_29 : i32 to index
        %get3A_83 = arith.constant 80 : index
        %get3A_84 = tpu.vector_load %arg11[%get3A_82, %get3A_83] {strides = array<i32>} : memref<80x128xf32, #tpu.memory_space<vmem>>, vector<1x16xf32>,
        %get3A_85 = vector.shape_cast %get3A_84 : vector<1x16xf32> to vector<16xf32>
        %mul3A_86 = arith.mulf %get3A_85, %get3A_32 : vector<16xf32>
        %swap3A_87 = arith.index_cast %scan3A_29 : i32 to index
        %swap3A_88 = arith.constant 80 : index
        %swap3A_89 = tpu.vector_load %arg11[%swap3A_87, %swap3A_88] {strides = array<i32>} : memref<80x128xf32, #tpu.memory_space<vmem>>, vector<1x16xf32>,
        %swap3A_90 = vector.shape_cast %swap3A_89 : vector<1x16xf32> to vector<16xf32>
        %swap3A_91 = vector.shape_cast %mul3A_86 : vector<16xf32> to vector<1x16xf32>
        tpu.vector_store %arg11[%swap3A_87, %swap3A_88], %swap3A_91 {strides = array<i32>} : memref<80x128xf32, #tpu.memory_space<vmem>>, vector<1x16xf32>,
        %get3A_92 = arith.index_cast %scan3A_29 : i32 to index
        %get3A_93 = arith.constant 96 : index
        %get3A_94 = tpu.vector_load %arg11[%get3A_92, %get3A_93] {strides = array<i32>} : memref<80x128xf32, #tpu.memory_space<vmem>>, vector<1x16xf32>,
        %get3A_95 = vector.shape_cast %get3A_94 : vector<1x16xf32> to vector<16xf32>
        %mul3A_96 = arith.mulf %get3A_95, %get3A_32 : vector<16xf32>
        %swap3A_97 = arith.index_cast %scan3A_29 : i32 to index
        %swap3A_98 = arith.constant 96 : index
        %swap3A_99 = tpu.vector_load %arg11[%swap3A_97, %swap3A_98] {strides = array<i32>} : memref<80x128xf32, #tpu.memory_space<vmem>>, vector<1x16xf32>,
        %swap3A_100 = vector.shape_cast %swap3A_99 : vector<1x16xf32> to vector<16xf32>
        %swap3A_101 = vector.shape_cast %mul3A_96 : vector<16xf32> to vector<1x16xf32>
        tpu.vector_store %arg11[%swap3A_97, %swap3A_98], %swap3A_101 {strides = array<i32>} : memref<80x128xf32, #tpu.memory_space<vmem>>, vector<1x16xf32>,
        %get3A_102 = arith.index_cast %scan3A_29 : i32 to index
        %get3A_103 = arith.constant 112 : index
        %get3A_104 = tpu.vector_load %arg11[%get3A_102, %get3A_103] {strides = array<i32>} : memref<80x128xf32, #tpu.memory_space<vmem>>, vector<1x16xf32>,
        %get3A_105 = vector.shape_cast %get3A_104 : vector<1x16xf32> to vector<16xf32>
        %mul3A_106 = arith.mulf %get3A_105, %get3A_32 : vector<16xf32>
        %swap3A_107 = arith.index_cast %scan3A_29 : i32 to index
        %swap3A_108 = arith.constant 112 : index
        %swap3A_109 = tpu.vector_load %arg11[%swap3A_107, %swap3A_108] {strides = array<i32>} : memref<80x128xf32, #tpu.memory_space<vmem>>, vector<1x16xf32>,
        %swap3A_110 = vector.shape_cast %swap3A_109 : vector<1x16xf32> to vector<16xf32>
        %swap3A_111 = vector.shape_cast %mul3A_106 : vector<16xf32> to vector<1x16xf32>
        tpu.vector_store %arg11[%swap3A_107, %swap3A_108], %swap3A_111 {strides = array<i32>} : memref<80x128xf32, #tpu.memory_space<vmem>>, vector<1x16xf32>,
      }
      %scan3A_28 = arith.constant 80 : i32
      "tpu.region"() ({
        %run_scoped3A = tpu.sem_alloc : memref<!tpu.dma_semaphore, #tpu.memory_space<semaphore_mem>>
        %dma_start3A_29 = arith.constant 0 : i32
        %dma_start3A_30 = arith.constant 0 : i32
        %dma_start3A_31 = tpu.memref_slice %arg12[%dma_start3A_29, %dma_start3A_30] : memref<10240x128xf32, #tpu.memory_space<vmem_shared>> -> memref<10240x128xf32, #tpu.memory_space<vmem_shared>>
        tpu.enqueue_indirect_dma source(%arg11 : memref<80x128xf32, #tpu.memory_space<vmem>>) target(%dma_start3A_31 : memref<10240x128xf32, #tpu.memory_space<vmem_shared>>) offsets(%arg9 : memref<80xi32, #tpu.memory_space<vmem>>) semaphore(%run_scoped3A : memref<!tpu.dma_semaphore, #tpu.memory_space<semaphore_mem>>) {add = true}
        %dma_wait3A_32 = arith.constant 0 : i32
        %dma_wait3A_33 = arith.constant 0 : i32
        %dma_wait3A_34 = tpu.memref_slice %arg12[%dma_wait3A_32, %dma_wait3A_33] : memref<10240x128xf32, #tpu.memory_space<vmem_shared>> -> memref<10240x128xf32, #tpu.memory_space<vmem_shared>>
        tpu.wait_indirect_dma semaphore(%run_scoped3A : memref<!tpu.dma_semaphore, #tpu.memory_space<semaphore_mem>>) src(%arg11 : memref<80x128xf32, #tpu.memory_space<vmem>>) dst(%dma_wait3A_34 : memref<10240x128xf32, #tpu.memory_space<vmem_shared>>)
        tpu.yield
      }) : () -> ()
    }
    %scan3A_9 = arith.constant 125 : i32
    %barrier3A_10 = arith.constant 0 : index
    tpu.barrier barrier_id(%barrier3A_10)
    %mul3A_11 = arith.constant 640 : i32
    %mul3A_12 = arith.muli %arg1, %mul3A_11 : i32
    %mul3A_13 = arith.constant 640 : i32
    %mul3A_14 = arith.muli %arg1, %mul3A_13 : i32
    "tpu.region"() ({
      %run_scoped3A = tpu.sem_alloc : memref<!tpu.dma_semaphore, #tpu.memory_space<semaphore_mem>>
      %dma_start3A = arith.constant 0 : i32
      %dma_start3A_15 = tpu.memref_slice %arg7[%arg0, %mul3A_14, %dma_start3A] : memref<2x10240x128xf32, #tpu.memory_space<hbm>> -> memref<1x640x128xf32, #tpu.memory_space<hbm>>
      %dma_start3A_16 = tpu.memref_squeeze %dma_start3A_15 : memref<1x640x128xf32, #tpu.memory_space<hbm>> -> memref<640x128xf32, #tpu.memory_space<hbm>>
      %dma_start3A_17 = arith.constant 0 : i32
      %dma_start3A_18 = tpu.memref_slice %arg12[%mul3A_12, %dma_start3A_17] : memref<10240x128xf32, #tpu.memory_space<vmem_shared>> -> memref<640x128xf32, #tpu.memory_space<vmem_shared>>
      tpu.enqueue_dma source(%dma_start3A_18 : memref<640x128xf32, #tpu.memory_space<vmem_shared>>) target(%dma_start3A_16 : memref<640x128xf32, #tpu.memory_space<hbm>>) target_semaphore(%run_scoped3A : memref<!tpu.dma_semaphore, #tpu.memory_space<semaphore_mem>>)
      %dma_wait3A = arith.constant 0 : i32
      %dma_wait3A_19 = tpu.memref_slice %arg7[%arg0, %mul3A_14, %dma_wait3A] : memref<2x10240x128xf32, #tpu.memory_space<hbm>> -> memref<1x640x128xf32, #tpu.memory_space<hbm>>
      %dma_wait3A_20 = tpu.memref_squeeze %dma_wait3A_19 : memref<1x640x128xf32, #tpu.memory_space<hbm>> -> memref<640x128xf32, #tpu.memory_space<hbm>>
      %dma_wait3A_21 = arith.constant 0 : i32
      %dma_wait3A_22 = tpu.memref_slice %arg12[%mul3A_12, %dma_wait3A_21] : memref<10240x128xf32, #tpu.memory_space<vmem_shared>> -> memref<640x128xf32, #tpu.memory_space<vmem_shared>>
      tpu.wait_dma2 semaphore(%run_scoped3A : memref<!tpu.dma_semaphore, #tpu.memory_space<semaphore_mem>>) src(%dma_wait3A_22 : memref<640x128xf32, #tpu.memory_space<vmem_shared>>) dst(%dma_wait3A_20 : memref<640x128xf32, #tpu.memory_space<hbm>>)
      tpu.yield
    }) : () -> ()
    return
  }
}

#map = affine_map<(d0, d1) -> (0, 0)>
#map1 = affine_map<(d0, d1) -> (0)>
#map2 = affine_map<(d0, d1) -> (0, 0, 0)>
module attributes {stable_mosaic.version = 14 : i64} {
  func.func @k(%arg0: i32, %arg1: i32, %arg2: memref<10000x128xf32, #tpu.memory_space<hbm>>, %arg3: memref<320000x16xf32, #tpu.memory_space<hbm>>, %arg4: memref<320000xi32, #tpu.memory_space<hbm>>, %arg5: memref<320000xi32, #tpu.memory_space<hbm>>, %arg6: memref<640x128xf32, #tpu.memory_space<hbm>>, %arg7: memref<2x10240x128xf32, #tpu.memory_space<hbm>>, %arg8: memref<80xi32, #tpu.memory_space<vmem>>, %arg9: memref<80xi32, #tpu.memory_space<vmem>>, %arg10: memref<80x16xf32, #tpu.memory_space<vmem>>, %arg11: memref<80x128xf32, #tpu.memory_space<vmem>>, %arg12: memref<10240x128xf32, #tpu.memory_space<vmem_shared>>, %arg13: memref<!tpu.dma_semaphore, #tpu.memory_space<semaphore_mem>>) attributes {dimension_semantics = [#tpu.dimension_semantics<core_parallel>, #tpu.dimension_semantics<subcore_parallel>], iteration_bounds = array<i64: 2, 16>, scalar_prefetch = 0 : i64, scratch_operands = 6 : i64, tpu.core_type = #tpu.core_type<sc_vector_subcore>, window_params = [{transform_indices = #map}, {transform_indices = #map}, {transform_indices = #map1}, {transform_indices = #map1}, {transform_indices = #map}, {transform_indices = #map2}]} {
    %mul3A = arith.constant 640 : i32
    %mul3A_0 = arith.muli %arg1, %mul3A : i32
    "tpu.region"() ({
      %run_scoped3A = tpu.sem_alloc : memref<!tpu.dma_semaphore, #tpu.memory_space<semaphore_mem>>
      %dma_start3A = arith.constant 0 : i32
      %dma_start3A_15 = tpu.memref_slice %arg12[%mul3A_0, %dma_start3A] : memref<10240x128xf32, #tpu.memory_space<vmem_shared>> -> memref<640x128xf32, #tpu.memory_space<vmem_shared>>
      tpu.enqueue_dma source(%arg6 : memref<640x128xf32, #tpu.memory_space<hbm>>) target(%dma_start3A_15 : memref<640x128xf32, #tpu.memory_space<vmem_shared>>) target_semaphore(%run_scoped3A : memref<!tpu.dma_semaphore, #tpu.memory_space<semaphore_mem>>)
      %dma_wait3A = arith.constant 0 : i32
      %dma_wait3A_16 = tpu.memref_slice %arg12[%mul3A_0, %dma_wait3A] : memref<10240x128xf32, #tpu.memory_space<vmem_shared>> -> memref<640x128xf32, #tpu.memory_space<vmem_shared>>
      tpu.wait_dma2 semaphore(%run_scoped3A : memref<!tpu.dma_semaphore, #tpu.memory_space<semaphore_mem>>) src(%arg6 : memref<640x128xf32, #tpu.memory_space<hbm>>) dst(%dma_wait3A_16 : memref<640x128xf32, #tpu.memory_space<vmem_shared>>)
      tpu.yield
    }) : () -> ()
    %barrier3A = arith.constant 0 : index
    tpu.barrier barrier_id(%barrier3A)
    %mul3A_1 = arith.constant 16 : i32
    %mul3A_2 = arith.muli %arg0, %mul3A_1 : i32
    %add3A = arith.addi %mul3A_2, %arg1 : i32
    %mul3A_3 = arith.constant 10000 : i32
    %mul3A_4 = arith.muli %add3A, %mul3A_3 : i32
    %scan3A = arith.constant 0 : i32
    %scan3A_5 = arith.constant 0 : i32
    %scan3A_6 = arith.constant 125 : i32
    %scan3A_7 = arith.addi %scan3A_5, %scan3A_6 : i32
    %scan3A_8 = arith.constant 1 : i32
    scf.for %scan3A_15 = %scan3A_5 to %scan3A_7 step %scan3A_8  : i32 {
      %mul3A_16 = arith.constant 80 : i32
      %mul3A_17 = arith.muli %scan3A_15, %mul3A_16 : i32
      %add3A_18 = arith.addi %mul3A_4, %mul3A_17 : i32
      "tpu.region"() ({
        %run_scoped3A = tpu.sem_alloc : memref<!tpu.dma_semaphore, #tpu.memory_space<semaphore_mem>>
        %dma_start3A_29 = tpu.memref_slice %arg4[%add3A_18] : memref<320000xi32, #tpu.memory_space<hbm>> -> memref<80xi32, #tpu.memory_space<hbm>>
        %dma_start3A_30 = tpu.memref_slice %arg4[%add3A_18] : memref<320000xi32, #tpu.memory_space<hbm>> -> memref<80xi32, #tpu.memory_space<hbm>>
        tpu.enqueue_dma source(%dma_start3A_30 : memref<80xi32, #tpu.memory_space<hbm>>) target(%arg8 : memref<80xi32, #tpu.memory_space<vmem>>) target_semaphore(%run_scoped3A : memref<!tpu.dma_semaphore, #tpu.memory_space<semaphore_mem>>)
        %dma_wait3A_31 = tpu.memref_slice %arg4[%add3A_18] : memref<320000xi32, #tpu.memory_space<hbm>> -> memref<80xi32, #tpu.memory_space<hbm>>
        %dma_wait3A_32 = tpu.memref_slice %arg4[%add3A_18] : memref<320000xi32, #tpu.memory_space<hbm>> -> memref<80xi32, #tpu.memory_space<hbm>>
        tpu.wait_dma2 semaphore(%run_scoped3A : memref<!tpu.dma_semaphore, #tpu.memory_space<semaphore_mem>>) src(%dma_wait3A_32 : memref<80xi32, #tpu.memory_space<hbm>>) dst(%arg8 : memref<80xi32, #tpu.memory_space<vmem>>)
        tpu.yield
      }) : () -> ()
      "tpu.region"() ({
        %run_scoped3A = tpu.sem_alloc : memref<!tpu.dma_semaphore, #tpu.memory_space<semaphore_mem>>
        %dma_start3A_29 = tpu.memref_slice %arg5[%add3A_18] : memref<320000xi32, #tpu.memory_space<hbm>> -> memref<80xi32, #tpu.memory_space<hbm>>
        %dma_start3A_30 = tpu.memref_slice %arg5[%add3A_18] : memref<320000xi32, #tpu.memory_space<hbm>> -> memref<80xi32, #tpu.memory_space<hbm>>
        tpu.enqueue_dma source(%dma_start3A_30 : memref<80xi32, #tpu.memory_space<hbm>>) target(%arg9 : memref<80xi32, #tpu.memory_space<vmem>>) target_semaphore(%run_scoped3A : memref<!tpu.dma_semaphore, #tpu.memory_space<semaphore_mem>>)
        %dma_wait3A_31 = tpu.memref_slice %arg5[%add3A_18] : memref<320000xi32, #tpu.memory_space<hbm>> -> memref<80xi32, #tpu.memory_space<hbm>>
        %dma_wait3A_32 = tpu.memref_slice %arg5[%add3A_18] : memref<320000xi32, #tpu.memory_space<hbm>> -> memref<80xi32, #tpu.memory_space<hbm>>
        tpu.wait_dma2 semaphore(%run_scoped3A : memref<!tpu.dma_semaphore, #tpu.memory_space<semaphore_mem>>) src(%dma_wait3A_32 : memref<80xi32, #tpu.memory_space<hbm>>) dst(%arg9 : memref<80xi32, #tpu.memory_space<vmem>>)
        tpu.yield
      }) : () -> ()
      "tpu.region"() ({
        %run_scoped3A = tpu.sem_alloc : memref<!tpu.dma_semaphore, #tpu.memory_space<semaphore_mem>>
        %dma_start3A_29 = arith.constant 0 : i32
        %dma_start3A_30 = tpu.memref_slice %arg3[%add3A_18, %dma_start3A_29] : memref<320000x16xf32, #tpu.memory_space<hbm>> -> memref<80x16xf32, #tpu.memory_space<hbm>>
        %dma_start3A_31 = arith.constant 0 : i32
        %dma_start3A_32 = tpu.memref_slice %arg3[%add3A_18, %dma_start3A_31] : memref<320000x16xf32, #tpu.memory_space<hbm>> -> memref<80x16xf32, #tpu.memory_space<hbm>>
        tpu.enqueue_dma source(%dma_start3A_32 : memref<80x16xf32, #tpu.memory_space<hbm>>) target(%arg10 : memref<80x16xf32, #tpu.memory_space<vmem>>) target_semaphore(%run_scoped3A : memref<!tpu.dma_semaphore, #tpu.memory_space<semaphore_mem>>)
        %dma_wait3A_33 = arith.constant 0 : i32
        %dma_wait3A_34 = tpu.memref_slice %arg3[%add3A_18, %dma_wait3A_33] : memref<320000x16xf32, #tpu.memory_space<hbm>> -> memref<80x16xf32, #tpu.memory_space<hbm>>
        %dma_wait3A_35 = arith.constant 0 : i32
        %dma_wait3A_36 = tpu.memref_slice %arg3[%add3A_18, %dma_wait3A_35] : memref<320000x16xf32, #tpu.memory_space<hbm>> -> memref<80x16xf32, #tpu.memory_space<hbm>>
        tpu.wait_dma2 semaphore(%run_scoped3A : memref<!tpu.dma_semaphore, #tpu.memory_space<semaphore_mem>>) src(%dma_wait3A_36 : memref<80x16xf32, #tpu.memory_space<hbm>>) dst(%arg10 : memref<80x16xf32, #tpu.memory_space<vmem>>)
        tpu.yield
      }) : () -> ()
      %dma_start3A = arith.constant 0 : i32
      %dma_start3A_19 = arith.constant 0 : i32
      %dma_start3A_20 = tpu.memref_slice %arg2[%dma_start3A, %dma_start3A_19] : memref<10000x128xf32, #tpu.memory_space<hbm>> -> memref<10000x128xf32, #tpu.memory_space<hbm>>
      tpu.enqueue_indirect_dma source(%dma_start3A_20 : memref<10000x128xf32, #tpu.memory_space<hbm>>) target(%arg11 : memref<80x128xf32, #tpu.memory_space<vmem>>) offsets(%arg8 : memref<80xi32, #tpu.memory_space<vmem>>) semaphore(%arg13 : memref<!tpu.dma_semaphore, #tpu.memory_space<semaphore_mem>>)
      %dma_wait3A = arith.constant 0 : i32
      %dma_wait3A_21 = arith.constant 0 : i32
      %dma_wait3A_22 = tpu.memref_slice %arg2[%dma_wait3A, %dma_wait3A_21] : memref<10000x128xf32, #tpu.memory_space<hbm>> -> memref<10000x128xf32, #tpu.memory_space<hbm>>
      tpu.wait_indirect_dma semaphore(%arg13 : memref<!tpu.dma_semaphore, #tpu.memory_space<semaphore_mem>>) src(%dma_wait3A_22 : memref<10000x128xf32, #tpu.memory_space<hbm>>) dst(%arg11 : memref<80x128xf32, #tpu.memory_space<vmem>>)
      %scan3A_23 = arith.constant 0 : i32
      %scan3A_24 = arith.constant 0 : i32
      %scan3A_25 = arith.constant 80 : i32
      %scan3A_26 = arith.addi %scan3A_24, %scan3A_25 : i32
      %scan3A_27 = arith.constant 1 : i32
      scf.for %scan3A_29 = %scan3A_24 to %scan3A_26 step %scan3A_27  : i32 {
        %get3A = arith.index_cast %scan3A_29 : i32 to index
        %get3A_30 = arith.constant 0 : index
        %get3A_31 = tpu.vector_load %arg10[%get3A, %get3A_30] {strides = array<i32>} : memref<80x16xf32, #tpu.memory_space<vmem>>, vector<1x16xf32>,
        %get3A_32 = vector.shape_cast %get3A_31 : vector<1x16xf32> to vector<16xf32>
        %get3A_33 = arith.index_cast %scan3A_29 : i32 to index
        %get3A_34 = arith.constant 0 : index
        %get3A_35 = tpu.vector_load %arg11[%get3A_33, %get3A_34] {strides = array<i32>} : memref<80x128xf32, #tpu.memory_space<vmem>>, vector<1x16xf32>,
        %get3A_36 = vector.shape_cast %get3A_35 : vector<1x16xf32> to vector<16xf32>
        %mul3A_37 = arith.mulf %get3A_36, %get3A_32 : vector<16xf32>
        %swap3A = arith.index_cast %scan3A_29 : i32 to index
        %swap3A_38 = arith.constant 0 : index
        %swap3A_39 = tpu.vector_load %arg11[%swap3A, %swap3A_38] {strides = array<i32>} : memref<80x128xf32, #tpu.memory_space<vmem>>, vector<1x16xf32>,
        %swap3A_40 = vector.shape_cast %swap3A_39 : vector<1x16xf32> to vector<16xf32>
        %swap3A_41 = vector.shape_cast %mul3A_37 : vector<16xf32> to vector<1x16xf32>
        tpu.vector_store %arg11[%swap3A, %swap3A_38], %swap3A_41 {strides = array<i32>} : memref<80x128xf32, #tpu.memory_space<vmem>>, vector<1x16xf32>,
        %get3A_42 = arith.index_cast %scan3A_29 : i32 to index
        %get3A_43 = arith.constant 16 : index
        %get3A_44 = tpu.vector_load %arg11[%get3A_42, %get3A_43] {strides = array<i32>} : memref<80x128xf32, #tpu.memory_space<vmem>>, vector<1x16xf32>,
        %get3A_45 = vector.shape_cast %get3A_44 : vector<1x16xf32> to vector<16xf32>
        %mul3A_46 = arith.mulf %get3A_45, %get3A_32 : vector<16xf32>
        %swap3A_47 = arith.index_cast %scan3A_29 : i32 to index
        %swap3A_48 = arith.constant 16 : index
        %swap3A_49 = tpu.vector_load %arg11[%swap3A_47, %swap3A_48] {strides = array<i32>} : memref<80x128xf32, #tpu.memory_space<vmem>>, vector<1x16xf32>,
        %swap3A_50 = vector.shape_cast %swap3A_49 : vector<1x16xf32> to vector<16xf32>
        %swap3A_51 = vector.shape_cast %mul3A_46 : vector<16xf32> to vector<1x16xf32>
        tpu.vector_store %arg11[%swap3A_47, %swap3A_48], %swap3A_51 {strides = array<i32>} : memref<80x128xf32, #tpu.memory_space<vmem>>, vector<1x16xf32>,
        %get3A_52 = arith.index_cast %scan3A_29 : i32 to index
        %get3A_53 = arith.constant 32 : index
        %get3A_54 = tpu.vector_load %arg11[%get3A_52, %get3A_53] {strides = array<i32>} : memref<80x128xf32, #tpu.memory_space<vmem>>, vector<1x16xf32>,
        %get3A_55 = vector.shape_cast %get3A_54 : vector<1x16xf32> to vector<16xf32>
        %mul3A_56 = arith.mulf %get3A_55, %get3A_32 : vector<16xf32>
        %swap3A_57 = arith.index_cast %scan3A_29 : i32 to index
        %swap3A_58 = arith.constant 32 : index
        %swap3A_59 = tpu.vector_load %arg11[%swap3A_57, %swap3A_58] {strides = array<i32>} : memref<80x128xf32, #tpu.memory_space<vmem>>, vector<1x16xf32>,
        %swap3A_60 = vector.shape_cast %swap3A_59 : vector<1x16xf32> to vector<16xf32>
        %swap3A_61 = vector.shape_cast %mul3A_56 : vector<16xf32> to vector<1x16xf32>
        tpu.vector_store %arg11[%swap3A_57, %swap3A_58], %swap3A_61 {strides = array<i32>} : memref<80x128xf32, #tpu.memory_space<vmem>>, vector<1x16xf32>,
        %get3A_62 = arith.index_cast %scan3A_29 : i32 to index
        %get3A_63 = arith.constant 48 : index
        %get3A_64 = tpu.vector_load %arg11[%get3A_62, %get3A_63] {strides = array<i32>} : memref<80x128xf32, #tpu.memory_space<vmem>>, vector<1x16xf32>,
        %get3A_65 = vector.shape_cast %get3A_64 : vector<1x16xf32> to vector<16xf32>
        %mul3A_66 = arith.mulf %get3A_65, %get3A_32 : vector<16xf32>
        %swap3A_67 = arith.index_cast %scan3A_29 : i32 to index
        %swap3A_68 = arith.constant 48 : index
        %swap3A_69 = tpu.vector_load %arg11[%swap3A_67, %swap3A_68] {strides = array<i32>} : memref<80x128xf32, #tpu.memory_space<vmem>>, vector<1x16xf32>,
        %swap3A_70 = vector.shape_cast %swap3A_69 : vector<1x16xf32> to vector<16xf32>
        %swap3A_71 = vector.shape_cast %mul3A_66 : vector<16xf32> to vector<1x16xf32>
        tpu.vector_store %arg11[%swap3A_67, %swap3A_68], %swap3A_71 {strides = array<i32>} : memref<80x128xf32, #tpu.memory_space<vmem>>, vector<1x16xf32>,
        %get3A_72 = arith.index_cast %scan3A_29 : i32 to index
        %get3A_73 = arith.constant 64 : index
        %get3A_74 = tpu.vector_load %arg11[%get3A_72, %get3A_73] {strides = array<i32>} : memref<80x128xf32, #tpu.memory_space<vmem>>, vector<1x16xf32>,
        %get3A_75 = vector.shape_cast %get3A_74 : vector<1x16xf32> to vector<16xf32>
        %mul3A_76 = arith.mulf %get3A_75, %get3A_32 : vector<16xf32>
        %swap3A_77 = arith.index_cast %scan3A_29 : i32 to index
        %swap3A_78 = arith.constant 64 : index
        %swap3A_79 = tpu.vector_load %arg11[%swap3A_77, %swap3A_78] {strides = array<i32>} : memref<80x128xf32, #tpu.memory_space<vmem>>, vector<1x16xf32>,
        %swap3A_80 = vector.shape_cast %swap3A_79 : vector<1x16xf32> to vector<16xf32>
        %swap3A_81 = vector.shape_cast %mul3A_76 : vector<16xf32> to vector<1x16xf32>
        tpu.vector_store %arg11[%swap3A_77, %swap3A_78], %swap3A_81 {strides = array<i32>} : memref<80x128xf32, #tpu.memory_space<vmem>>, vector<1x16xf32>,
        %get3A_82 = arith.index_cast %scan3A_29 : i32 to index
        %get3A_83 = arith.constant 80 : index
        %get3A_84 = tpu.vector_load %arg11[%get3A_82, %get3A_83] {strides = array<i32>} : memref<80x128xf32, #tpu.memory_space<vmem>>, vector<1x16xf32>,
        %get3A_85 = vector.shape_cast %get3A_84 : vector<1x16xf32> to vector<16xf32>
        %mul3A_86 = arith.mulf %get3A_85, %get3A_32 : vector<16xf32>
        %swap3A_87 = arith.index_cast %scan3A_29 : i32 to index
        %swap3A_88 = arith.constant 80 : index
        %swap3A_89 = tpu.vector_load %arg11[%swap3A_87, %swap3A_88] {strides = array<i32>} : memref<80x128xf32, #tpu.memory_space<vmem>>, vector<1x16xf32>,
        %swap3A_90 = vector.shape_cast %swap3A_89 : vector<1x16xf32> to vector<16xf32>
        %swap3A_91 = vector.shape_cast %mul3A_86 : vector<16xf32> to vector<1x16xf32>
        tpu.vector_store %arg11[%swap3A_87, %swap3A_88], %swap3A_91 {strides = array<i32>} : memref<80x128xf32, #tpu.memory_space<vmem>>, vector<1x16xf32>,
        %get3A_92 = arith.index_cast %scan3A_29 : i32 to index
        %get3A_93 = arith.constant 96 : index
        %get3A_94 = tpu.vector_load %arg11[%get3A_92, %get3A_93] {strides = array<i32>} : memref<80x128xf32, #tpu.memory_space<vmem>>, vector<1x16xf32>,
        %get3A_95 = vector.shape_cast %get3A_94 : vector<1x16xf32> to vector<16xf32>
        %mul3A_96 = arith.mulf %get3A_95, %get3A_32 : vector<16xf32>
        %swap3A_97 = arith.index_cast %scan3A_29 : i32 to index
        %swap3A_98 = arith.constant 96 : index
        %swap3A_99 = tpu.vector_load %arg11[%swap3A_97, %swap3A_98] {strides = array<i32>} : memref<80x128xf32, #tpu.memory_space<vmem>>, vector<1x16xf32>,
        %swap3A_100 = vector.shape_cast %swap3A_99 : vector<1x16xf32> to vector<16xf32>
        %swap3A_101 = vector.shape_cast %mul3A_96 : vector<16xf32> to vector<1x16xf32>
        tpu.vector_store %arg11[%swap3A_97, %swap3A_98], %swap3A_101 {strides = array<i32>} : memref<80x128xf32, #tpu.memory_space<vmem>>, vector<1x16xf32>,
        %get3A_102 = arith.index_cast %scan3A_29 : i32 to index
        %get3A_103 = arith.constant 112 : index
        %get3A_104 = tpu.vector_load %arg11[%get3A_102, %get3A_103] {strides = array<i32>} : memref<80x128xf32, #tpu.memory_space<vmem>>, vector<1x16xf32>,
        %get3A_105 = vector.shape_cast %get3A_104 : vector<1x16xf32> to vector<16xf32>
        %mul3A_106 = arith.mulf %get3A_105, %get3A_32 : vector<16xf32>
        %swap3A_107 = arith.index_cast %scan3A_29 : i32 to index
        %swap3A_108 = arith.constant 112 : index
        %swap3A_109 = tpu.vector_load %arg11[%swap3A_107, %swap3A_108] {strides = array<i32>} : memref<80x128xf32, #tpu.memory_space<vmem>>, vector<1x16xf32>,
        %swap3A_110 = vector.shape_cast %swap3A_109 : vector<1x16xf32> to vector<16xf32>
        %swap3A_111 = vector.shape_cast %mul3A_106 : vector<16xf32> to vector<1x16xf32>
        tpu.vector_store %arg11[%swap3A_107, %swap3A_108], %swap3A_111 {strides = array<i32>} : memref<80x128xf32, #tpu.memory_space<vmem>>, vector<1x16xf32>,
      }
      %scan3A_28 = arith.constant 80 : i32
      "tpu.region"() ({
        %run_scoped3A = tpu.sem_alloc : memref<!tpu.dma_semaphore, #tpu.memory_space<semaphore_mem>>
        %dma_start3A_29 = arith.constant 0 : i32
        %dma_start3A_30 = arith.constant 0 : i32
        %dma_start3A_31 = tpu.memref_slice %arg12[%dma_start3A_29, %dma_start3A_30] : memref<10240x128xf32, #tpu.memory_space<vmem_shared>> -> memref<10240x128xf32, #tpu.memory_space<vmem_shared>>
        tpu.enqueue_indirect_dma source(%arg11 : memref<80x128xf32, #tpu.memory_space<vmem>>) target(%dma_start3A_31 : memref<10240x128xf32, #tpu.memory_space<vmem_shared>>) offsets(%arg9 : memref<80xi32, #tpu.memory_space<vmem>>) semaphore(%run_scoped3A : memref<!tpu.dma_semaphore, #tpu.memory_space<semaphore_mem>>) {add = true}
        %dma_wait3A_32 = arith.constant 0 : i32
        %dma_wait3A_33 = arith.constant 0 : i32
        %dma_wait3A_34 = tpu.memref_slice %arg12[%dma_wait3A_32, %dma_wait3A_33] : memref<10240x128xf32, #tpu.memory_space<vmem_shared>> -> memref<10240x128xf32, #tpu.memory_space<vmem_shared>>
        tpu.wait_indirect_dma semaphore(%run_scoped3A : memref<!tpu.dma_semaphore, #tpu.memory_space<semaphore_mem>>) src(%arg11 : memref<80x128xf32, #tpu.memory_space<vmem>>) dst(%dma_wait3A_34 : memref<10240x128xf32, #tpu.memory_space<vmem_shared>>)
        tpu.yield
      }) : () -> ()
    }
    %scan3A_9 = arith.constant 125 : i32
    %barrier3A_10 = arith.constant 0 : index
    tpu.barrier barrier_id(%barrier3A_10)
    %mul3A_11 = arith.constant 640 : i32
    %mul3A_12 = arith.muli %arg1, %mul3A_11 : i32
    %mul3A_13 = arith.constant 640 : i32
    %mul3A_14 = arith.muli %arg1, %mul3A_13 : i32
    "tpu.region"() ({
      %run_scoped3A = tpu.sem_alloc : memref<!tpu.dma_semaphore, #tpu.memory_space<semaphore_mem>>
      %dma_start3A = arith.constant 0 : i32
      %dma_start3A_15 = tpu.memref_slice %arg7[%arg0, %mul3A_14, %dma_start3A] : memref<2x10240x128xf32, #tpu.memory_space<hbm>> -> memref<1x640x128xf32, #tpu.memory_space<hbm>>
      %dma_start3A_16 = tpu.memref_squeeze %dma_start3A_15 : memref<1x640x128xf32, #tpu.memory_space<hbm>> -> memref<640x128xf32, #tpu.memory_space<hbm>>
      %dma_start3A_17 = arith.constant 0 : i32
      %dma_start3A_18 = tpu.memref_slice %arg12[%mul3A_12, %dma_start3A_17] : memref<10240x128xf32, #tpu.memory_space<vmem_shared>> -> memref<640x128xf32, #tpu.memory_space<vmem_shared>>
      tpu.enqueue_dma source(%dma_start3A_18 : memref<640x128xf32, #tpu.memory_space<vmem_shared>>) target(%dma_start3A_16 : memref<640x128xf32, #tpu.memory_space<hbm>>) target_semaphore(%run_scoped3A : memref<!tpu.dma_semaphore, #tpu.memory_space<semaphore_mem>>)
      %dma_wait3A = arith.constant 0 : i32
      %dma_wait3A_19 = tpu.memref_slice %arg7[%arg0, %mul3A_14, %dma_wait3A] : memref<2x10240x128xf32, #tpu.memory_space<hbm>> -> memref<1x640x128xf32, #tpu.memory_space<hbm>>
      %dma_wait3A_20 = tpu.memref_squeeze %dma_wait3A_19 : memref<1x640x128xf32, #tpu.memory_space<hbm>> -> memref<640x128xf32, #tpu.memory_space<hbm>>
      %dma_wait3A_21 = arith.constant 0 : i32
      %dma_wait3A_22 = tpu.memref_slice %arg12[%mul3A_12, %dma_wait3A_21] : memref<10240x128xf32, #tpu.memory_space<vmem_shared>> -> memref<640x128xf32, #tpu.memory_space<vmem_shared>>
      tpu.wait_dma2 semaphore(%run_scoped3A : memref<!tpu.dma_semaphore, #tpu.memory_space<semaphore_mem>>) src(%dma_wait3A_22 : memref<640x128xf32, #tpu.memory_space<vmem_shared>>) dst(%dma_wait3A_20 : memref<640x128xf32, #tpu.memory_space<hbm>>)
      tpu.yield
    }) : () -> ()
    return
  }
}

#map = affine_map<(d0, d1) -> (0, 0)>
#map1 = affine_map<(d0, d1) -> (0)>
#map2 = affine_map<(d0, d1) -> (0, 0, 0)>
module attributes {stable_mosaic.version = 14 : i64} {
  func.func @k(%arg0: i32, %arg1: i32, %arg2: memref<10240x128xf32, #tpu.memory_space<hbm>>, %arg3: memref<10240x128xf32, #tpu.memory_space<hbm>>, %arg4: memref<10240xi32, #tpu.memory_space<hbm>>, %arg5: memref<8x128xf32, #tpu.memory_space<hbm>>, %arg6: memref<2x128x128xf32, #tpu.memory_space<hbm>>, %arg7: memref<2x128x128xf32, #tpu.memory_space<hbm>>, %arg8: memref<64xi32, #tpu.memory_space<vmem>>, %arg9: memref<64x128xf32, #tpu.memory_space<vmem>>, %arg10: memref<64x128xf32, #tpu.memory_space<vmem>>, %arg11: memref<128x128xf32, #tpu.memory_space<vmem_shared>>, %arg12: memref<128x128xf32, #tpu.memory_space<vmem_shared>>) attributes {dimension_semantics = [#tpu.dimension_semantics<core_parallel>, #tpu.dimension_semantics<subcore_parallel>], iteration_bounds = array<i64: 2, 16>, scalar_prefetch = 0 : i64, scratch_operands = 5 : i64, tpu.core_type = #tpu.core_type<sc_vector_subcore>, window_params = [{transform_indices = #map}, {transform_indices = #map}, {transform_indices = #map1}, {transform_indices = #map}, {transform_indices = #map2}, {transform_indices = #map2}]} {
    %mul3A = arith.constant 8 : i32
    %mul3A_0 = arith.muli %arg1, %mul3A : i32
    "tpu.region"() ({
      %run_scoped3A = tpu.sem_alloc : memref<!tpu.dma_semaphore, #tpu.memory_space<semaphore_mem>>
      %dma_start3A = arith.constant 0 : i32
      %dma_start3A_21 = tpu.memref_slice %arg11[%mul3A_0, %dma_start3A] : memref<128x128xf32, #tpu.memory_space<vmem_shared>> -> memref<8x128xf32, #tpu.memory_space<vmem_shared>>
      tpu.enqueue_dma source(%arg5 : memref<8x128xf32, #tpu.memory_space<hbm>>) target(%dma_start3A_21 : memref<8x128xf32, #tpu.memory_space<vmem_shared>>) target_semaphore(%run_scoped3A : memref<!tpu.dma_semaphore, #tpu.memory_space<semaphore_mem>>)
      %dma_wait3A = arith.constant 0 : i32
      %dma_wait3A_22 = tpu.memref_slice %arg11[%mul3A_0, %dma_wait3A] : memref<128x128xf32, #tpu.memory_space<vmem_shared>> -> memref<8x128xf32, #tpu.memory_space<vmem_shared>>
      tpu.wait_dma2 semaphore(%run_scoped3A : memref<!tpu.dma_semaphore, #tpu.memory_space<semaphore_mem>>) src(%arg5 : memref<8x128xf32, #tpu.memory_space<hbm>>) dst(%dma_wait3A_22 : memref<8x128xf32, #tpu.memory_space<vmem_shared>>)
      tpu.yield
    }) : () -> ()
    %mul3A_1 = arith.constant 8 : i32
    %mul3A_2 = arith.muli %arg1, %mul3A_1 : i32
    "tpu.region"() ({
      %run_scoped3A = tpu.sem_alloc : memref<!tpu.dma_semaphore, #tpu.memory_space<semaphore_mem>>
      %dma_start3A = arith.constant 0 : i32
      %dma_start3A_21 = tpu.memref_slice %arg12[%mul3A_2, %dma_start3A] : memref<128x128xf32, #tpu.memory_space<vmem_shared>> -> memref<8x128xf32, #tpu.memory_space<vmem_shared>>
      tpu.enqueue_dma source(%arg5 : memref<8x128xf32, #tpu.memory_space<hbm>>) target(%dma_start3A_21 : memref<8x128xf32, #tpu.memory_space<vmem_shared>>) target_semaphore(%run_scoped3A : memref<!tpu.dma_semaphore, #tpu.memory_space<semaphore_mem>>)
      %dma_wait3A = arith.constant 0 : i32
      %dma_wait3A_22 = tpu.memref_slice %arg12[%mul3A_2, %dma_wait3A] : memref<128x128xf32, #tpu.memory_space<vmem_shared>> -> memref<8x128xf32, #tpu.memory_space<vmem_shared>>
      tpu.wait_dma2 semaphore(%run_scoped3A : memref<!tpu.dma_semaphore, #tpu.memory_space<semaphore_mem>>) src(%arg5 : memref<8x128xf32, #tpu.memory_space<hbm>>) dst(%dma_wait3A_22 : memref<8x128xf32, #tpu.memory_space<vmem_shared>>)
      tpu.yield
    }) : () -> ()
    %barrier3A = arith.constant 0 : index
    tpu.barrier barrier_id(%barrier3A)
    %mul3A_3 = arith.constant 16 : i32
    %mul3A_4 = arith.muli %arg0, %mul3A_3 : i32
    %add3A = arith.addi %mul3A_4, %arg1 : i32
    %mul3A_5 = arith.constant 320 : i32
    %mul3A_6 = arith.muli %add3A, %mul3A_5 : i32
    %scan3A = arith.constant 0 : i32
    %scan3A_7 = arith.constant 0 : i32
    %scan3A_8 = arith.constant 5 : i32
    %scan3A_9 = arith.addi %scan3A_7, %scan3A_8 : i32
    %scan3A_10 = arith.constant 1 : i32
    scf.for %scan3A_21 = %scan3A_7 to %scan3A_9 step %scan3A_10  : i32 {
      %mul3A_22 = arith.constant 64 : i32
      %mul3A_23 = arith.muli %scan3A_21, %mul3A_22 : i32
      %add3A_24 = arith.addi %mul3A_6, %mul3A_23 : i32
      "tpu.region"() ({
        %run_scoped3A = tpu.sem_alloc : memref<!tpu.dma_semaphore, #tpu.memory_space<semaphore_mem>>
        %dma_start3A = tpu.memref_slice %arg4[%add3A_24] : memref<10240xi32, #tpu.memory_space<hbm>> -> memref<64xi32, #tpu.memory_space<hbm>>
        %dma_start3A_25 = tpu.memref_slice %arg4[%add3A_24] : memref<10240xi32, #tpu.memory_space<hbm>> -> memref<64xi32, #tpu.memory_space<hbm>>
        tpu.enqueue_dma source(%dma_start3A_25 : memref<64xi32, #tpu.memory_space<hbm>>) target(%arg8 : memref<64xi32, #tpu.memory_space<vmem>>) target_semaphore(%run_scoped3A : memref<!tpu.dma_semaphore, #tpu.memory_space<semaphore_mem>>)
        %dma_wait3A = tpu.memref_slice %arg4[%add3A_24] : memref<10240xi32, #tpu.memory_space<hbm>> -> memref<64xi32, #tpu.memory_space<hbm>>
        %dma_wait3A_26 = tpu.memref_slice %arg4[%add3A_24] : memref<10240xi32, #tpu.memory_space<hbm>> -> memref<64xi32, #tpu.memory_space<hbm>>
        tpu.wait_dma2 semaphore(%run_scoped3A : memref<!tpu.dma_semaphore, #tpu.memory_space<semaphore_mem>>) src(%dma_wait3A_26 : memref<64xi32, #tpu.memory_space<hbm>>) dst(%arg8 : memref<64xi32, #tpu.memory_space<vmem>>)
        tpu.yield
      }) : () -> ()
      "tpu.region"() ({
        %run_scoped3A = tpu.sem_alloc : memref<!tpu.dma_semaphore, #tpu.memory_space<semaphore_mem>>
        %dma_start3A = arith.constant 0 : i32
        %dma_start3A_25 = tpu.memref_slice %arg2[%add3A_24, %dma_start3A] : memref<10240x128xf32, #tpu.memory_space<hbm>> -> memref<64x128xf32, #tpu.memory_space<hbm>>
        %dma_start3A_26 = arith.constant 0 : i32
        %dma_start3A_27 = tpu.memref_slice %arg2[%add3A_24, %dma_start3A_26] : memref<10240x128xf32, #tpu.memory_space<hbm>> -> memref<64x128xf32, #tpu.memory_space<hbm>>
        tpu.enqueue_dma source(%dma_start3A_27 : memref<64x128xf32, #tpu.memory_space<hbm>>) target(%arg9 : memref<64x128xf32, #tpu.memory_space<vmem>>) target_semaphore(%run_scoped3A : memref<!tpu.dma_semaphore, #tpu.memory_space<semaphore_mem>>)
        %dma_wait3A = arith.constant 0 : i32
        %dma_wait3A_28 = tpu.memref_slice %arg2[%add3A_24, %dma_wait3A] : memref<10240x128xf32, #tpu.memory_space<hbm>> -> memref<64x128xf32, #tpu.memory_space<hbm>>
        %dma_wait3A_29 = arith.constant 0 : i32
        %dma_wait3A_30 = tpu.memref_slice %arg2[%add3A_24, %dma_wait3A_29] : memref<10240x128xf32, #tpu.memory_space<hbm>> -> memref<64x128xf32, #tpu.memory_space<hbm>>
        tpu.wait_dma2 semaphore(%run_scoped3A : memref<!tpu.dma_semaphore, #tpu.memory_space<semaphore_mem>>) src(%dma_wait3A_30 : memref<64x128xf32, #tpu.memory_space<hbm>>) dst(%arg9 : memref<64x128xf32, #tpu.memory_space<vmem>>)
        tpu.yield
      }) : () -> ()
      "tpu.region"() ({
        %run_scoped3A = tpu.sem_alloc : memref<!tpu.dma_semaphore, #tpu.memory_space<semaphore_mem>>
        %dma_start3A = arith.constant 0 : i32
        %dma_start3A_25 = tpu.memref_slice %arg3[%add3A_24, %dma_start3A] : memref<10240x128xf32, #tpu.memory_space<hbm>> -> memref<64x128xf32, #tpu.memory_space<hbm>>
        %dma_start3A_26 = arith.constant 0 : i32
        %dma_start3A_27 = tpu.memref_slice %arg3[%add3A_24, %dma_start3A_26] : memref<10240x128xf32, #tpu.memory_space<hbm>> -> memref<64x128xf32, #tpu.memory_space<hbm>>
        tpu.enqueue_dma source(%dma_start3A_27 : memref<64x128xf32, #tpu.memory_space<hbm>>) target(%arg10 : memref<64x128xf32, #tpu.memory_space<vmem>>) target_semaphore(%run_scoped3A : memref<!tpu.dma_semaphore, #tpu.memory_space<semaphore_mem>>)
        %dma_wait3A = arith.constant 0 : i32
        %dma_wait3A_28 = tpu.memref_slice %arg3[%add3A_24, %dma_wait3A] : memref<10240x128xf32, #tpu.memory_space<hbm>> -> memref<64x128xf32, #tpu.memory_space<hbm>>
        %dma_wait3A_29 = arith.constant 0 : i32
        %dma_wait3A_30 = tpu.memref_slice %arg3[%add3A_24, %dma_wait3A_29] : memref<10240x128xf32, #tpu.memory_space<hbm>> -> memref<64x128xf32, #tpu.memory_space<hbm>>
        tpu.wait_dma2 semaphore(%run_scoped3A : memref<!tpu.dma_semaphore, #tpu.memory_space<semaphore_mem>>) src(%dma_wait3A_30 : memref<64x128xf32, #tpu.memory_space<hbm>>) dst(%arg10 : memref<64x128xf32, #tpu.memory_space<vmem>>)
        tpu.yield
      }) : () -> ()
      "tpu.region"() ({
        %run_scoped3A = tpu.sem_alloc : memref<!tpu.dma_semaphore, #tpu.memory_space<semaphore_mem>>
        %dma_start3A = arith.constant 0 : i32
        %dma_start3A_25 = arith.constant 0 : i32
        %dma_start3A_26 = tpu.memref_slice %arg11[%dma_start3A, %dma_start3A_25] : memref<128x128xf32, #tpu.memory_space<vmem_shared>> -> memref<128x128xf32, #tpu.memory_space<vmem_shared>>
        tpu.enqueue_indirect_dma source(%arg9 : memref<64x128xf32, #tpu.memory_space<vmem>>) target(%dma_start3A_26 : memref<128x128xf32, #tpu.memory_space<vmem_shared>>) offsets(%arg8 : memref<64xi32, #tpu.memory_space<vmem>>) semaphore(%run_scoped3A : memref<!tpu.dma_semaphore, #tpu.memory_space<semaphore_mem>>) {add = true}
        %dma_wait3A = arith.constant 0 : i32
        %dma_wait3A_27 = arith.constant 0 : i32
        %dma_wait3A_28 = tpu.memref_slice %arg11[%dma_wait3A, %dma_wait3A_27] : memref<128x128xf32, #tpu.memory_space<vmem_shared>> -> memref<128x128xf32, #tpu.memory_space<vmem_shared>>
        tpu.wait_indirect_dma semaphore(%run_scoped3A : memref<!tpu.dma_semaphore, #tpu.memory_space<semaphore_mem>>) src(%arg9 : memref<64x128xf32, #tpu.memory_space<vmem>>) dst(%dma_wait3A_28 : memref<128x128xf32, #tpu.memory_space<vmem_shared>>)
        tpu.yield
      }) : () -> ()
      "tpu.region"() ({
        %run_scoped3A = tpu.sem_alloc : memref<!tpu.dma_semaphore, #tpu.memory_space<semaphore_mem>>
        %dma_start3A = arith.constant 0 : i32
        %dma_start3A_25 = arith.constant 0 : i32
        %dma_start3A_26 = tpu.memref_slice %arg12[%dma_start3A, %dma_start3A_25] : memref<128x128xf32, #tpu.memory_space<vmem_shared>> -> memref<128x128xf32, #tpu.memory_space<vmem_shared>>
        tpu.enqueue_indirect_dma source(%arg10 : memref<64x128xf32, #tpu.memory_space<vmem>>) target(%dma_start3A_26 : memref<128x128xf32, #tpu.memory_space<vmem_shared>>) offsets(%arg8 : memref<64xi32, #tpu.memory_space<vmem>>) semaphore(%run_scoped3A : memref<!tpu.dma_semaphore, #tpu.memory_space<semaphore_mem>>) {add = true}
        %dma_wait3A = arith.constant 0 : i32
        %dma_wait3A_27 = arith.constant 0 : i32
        %dma_wait3A_28 = tpu.memref_slice %arg12[%dma_wait3A, %dma_wait3A_27] : memref<128x128xf32, #tpu.memory_space<vmem_shared>> -> memref<128x128xf32, #tpu.memory_space<vmem_shared>>
        tpu.wait_indirect_dma semaphore(%run_scoped3A : memref<!tpu.dma_semaphore, #tpu.memory_space<semaphore_mem>>) src(%arg10 : memref<64x128xf32, #tpu.memory_space<vmem>>) dst(%dma_wait3A_28 : memref<128x128xf32, #tpu.memory_space<vmem_shared>>)
        tpu.yield
      }) : () -> ()
    }
    %scan3A_11 = arith.constant 5 : i32
    %barrier3A_12 = arith.constant 0 : index
    tpu.barrier barrier_id(%barrier3A_12)
    %mul3A_13 = arith.constant 8 : i32
    %mul3A_14 = arith.muli %arg1, %mul3A_13 : i32
    %mul3A_15 = arith.constant 8 : i32
    %mul3A_16 = arith.muli %arg1, %mul3A_15 : i32
    "tpu.region"() ({
      %run_scoped3A = tpu.sem_alloc : memref<!tpu.dma_semaphore, #tpu.memory_space<semaphore_mem>>
      %dma_start3A = arith.constant 0 : i32
      %dma_start3A_21 = tpu.memref_slice %arg6[%arg0, %mul3A_16, %dma_start3A] : memref<2x128x128xf32, #tpu.memory_space<hbm>> -> memref<1x8x128xf32, #tpu.memory_space<hbm>>
      %dma_start3A_22 = tpu.memref_squeeze %dma_start3A_21 : memref<1x8x128xf32, #tpu.memory_space<hbm>> -> memref<8x128xf32, #tpu.memory_space<hbm>>
      %dma_start3A_23 = arith.constant 0 : i32
      %dma_start3A_24 = tpu.memref_slice %arg11[%mul3A_14, %dma_start3A_23] : memref<128x128xf32, #tpu.memory_space<vmem_shared>> -> memref<8x128xf32, #tpu.memory_space<vmem_shared>>
      tpu.enqueue_dma source(%dma_start3A_24 : memref<8x128xf32, #tpu.memory_space<vmem_shared>>) target(%dma_start3A_22 : memref<8x128xf32, #tpu.memory_space<hbm>>) target_semaphore(%run_scoped3A : memref<!tpu.dma_semaphore, #tpu.memory_space<semaphore_mem>>)
      %dma_wait3A = arith.constant 0 : i32
      %dma_wait3A_25 = tpu.memref_slice %arg6[%arg0, %mul3A_16, %dma_wait3A] : memref<2x128x128xf32, #tpu.memory_space<hbm>> -> memref<1x8x128xf32, #tpu.memory_space<hbm>>
      %dma_wait3A_26 = tpu.memref_squeeze %dma_wait3A_25 : memref<1x8x128xf32, #tpu.memory_space<hbm>> -> memref<8x128xf32, #tpu.memory_space<hbm>>
      %dma_wait3A_27 = arith.constant 0 : i32
      %dma_wait3A_28 = tpu.memref_slice %arg11[%mul3A_14, %dma_wait3A_27] : memref<128x128xf32, #tpu.memory_space<vmem_shared>> -> memref<8x128xf32, #tpu.memory_space<vmem_shared>>
      tpu.wait_dma2 semaphore(%run_scoped3A : memref<!tpu.dma_semaphore, #tpu.memory_space<semaphore_mem>>) src(%dma_wait3A_28 : memref<8x128xf32, #tpu.memory_space<vmem_shared>>) dst(%dma_wait3A_26 : memref<8x128xf32, #tpu.memory_space<hbm>>)
      tpu.yield
    }) : () -> ()
    %mul3A_17 = arith.constant 8 : i32
    %mul3A_18 = arith.muli %arg1, %mul3A_17 : i32
    %mul3A_19 = arith.constant 8 : i32
    %mul3A_20 = arith.muli %arg1, %mul3A_19 : i32
    "tpu.region"() ({
      %run_scoped3A = tpu.sem_alloc : memref<!tpu.dma_semaphore, #tpu.memory_space<semaphore_mem>>
      %dma_start3A = arith.constant 0 : i32
      %dma_start3A_21 = tpu.memref_slice %arg7[%arg0, %mul3A_20, %dma_start3A] : memref<2x128x128xf32, #tpu.memory_space<hbm>> -> memref<1x8x128xf32, #tpu.memory_space<hbm>>
      %dma_start3A_22 = tpu.memref_squeeze %dma_start3A_21 : memref<1x8x128xf32, #tpu.memory_space<hbm>> -> memref<8x128xf32, #tpu.memory_space<hbm>>
      %dma_start3A_23 = arith.constant 0 : i32
      %dma_start3A_24 = tpu.memref_slice %arg12[%mul3A_18, %dma_start3A_23] : memref<128x128xf32, #tpu.memory_space<vmem_shared>> -> memref<8x128xf32, #tpu.memory_space<vmem_shared>>
      tpu.enqueue_dma source(%dma_start3A_24 : memref<8x128xf32, #tpu.memory_space<vmem_shared>>) target(%dma_start3A_22 : memref<8x128xf32, #tpu.memory_space<hbm>>) target_semaphore(%run_scoped3A : memref<!tpu.dma_semaphore, #tpu.memory_space<semaphore_mem>>)
      %dma_wait3A = arith.constant 0 : i32
      %dma_wait3A_25 = tpu.memref_slice %arg7[%arg0, %mul3A_20, %dma_wait3A] : memref<2x128x128xf32, #tpu.memory_space<hbm>> -> memref<1x8x128xf32, #tpu.memory_space<hbm>>
      %dma_wait3A_26 = tpu.memref_squeeze %dma_wait3A_25 : memref<1x8x128xf32, #tpu.memory_space<hbm>> -> memref<8x128xf32, #tpu.memory_space<hbm>>
      %dma_wait3A_27 = arith.constant 0 : i32
      %dma_wait3A_28 = tpu.memref_slice %arg12[%mul3A_18, %dma_wait3A_27] : memref<128x128xf32, #tpu.memory_space<vmem_shared>> -> memref<8x128xf32, #tpu.memory_space<vmem_shared>>
      tpu.wait_dma2 semaphore(%run_scoped3A : memref<!tpu.dma_semaphore, #tpu.memory_space<semaphore_mem>>) src(%dma_wait3A_28 : memref<8x128xf32, #tpu.memory_space<vmem_shared>>) dst(%dma_wait3A_26 : memref<8x128xf32, #tpu.memory_space<hbm>>)
      tpu.yield
    }) : () -> ()
    return
  }
}

module attributes {stable_mosaic.version = 14 : i64} {
  func.func @body(%arg0: memref<10000x128xf32, #tpu.memory_space<vmem>>, %arg1: memref<1x128xf32, #tpu.memory_space<vmem>>, %arg2: memref<1x128xf32, #tpu.memory_space<vmem>>, %arg3: memref<128x128xf32, #tpu.memory_space<vmem>>, %arg4: memref<10000x128xf32, #tpu.memory_space<vmem>>) attributes {dimension_semantics = [], scalar_prefetch = 0 : i64, scratch_operands = 0 : i64, tpu.core_type = #tpu.core_type<tc>} {
    %get3A = arith.constant 0 : index
    %get3A_0 = arith.constant 0 : index
    %get3A_1 = vector.load %arg0[%get3A, %get3A_0] : memref<10000x128xf32, #tpu.memory_space<vmem>>, vector<10000x128xf32>
    %get3A_2 = arith.constant 0 : index
    %get3A_3 = arith.constant 0 : index
    %get3A_4 = vector.load %arg1[%get3A_2, %get3A_3] : memref<1x128xf32, #tpu.memory_space<vmem>>, vector<1x128xf32>
    %sub3A = vector.broadcast %get3A_4 : vector<1x128xf32> to vector<10000x128xf32>
    %sub3A_5 = arith.subf %get3A_1, %sub3A : vector<10000x128xf32>
    %get3A_6 = arith.constant 0 : index
    %get3A_7 = arith.constant 0 : index
    %get3A_8 = vector.load %arg2[%get3A_6, %get3A_7] : memref<1x128xf32, #tpu.memory_space<vmem>>, vector<1x128xf32>
    %div3A = vector.broadcast %get3A_8 : vector<1x128xf32> to vector<10000x128xf32>
    %div3A_9 = arith.divf %sub3A_5, %div3A : vector<10000x128xf32>
    %add3A = arith.constant 9.99999974E-5 : f32
    %add3A_10 = vector.broadcast %add3A : f32 to vector<10000x128xf32>
    %add3A_11 = arith.addf %div3A_9, %add3A_10 : vector<10000x128xf32>
    %get3A_12 = arith.constant 0 : index
    %get3A_13 = arith.constant 0 : index
    %get3A_14 = vector.load %arg3[%get3A_12, %get3A_13] : memref<128x128xf32, #tpu.memory_space<vmem>>, vector<128x128xf32>
    %dot_general3A = arith.constant dense<0.000000e+00> : vector<10000x128xf32>
    %dot_general3A_15 = tpu.matmul %add3A_11, %get3A_14, %dot_general3A {dimension_numbers = #tpu.dot_dimension_numbers<[1], [0], [0], [1], [0, 0, 1, 1], [], []>, transpose_lhs_hint = false} : vector<10000x128xf32>, vector<128x128xf32>, vector<10000x128xf32> -> vector<10000x128xf32>
    %max3A = arith.constant 0.000000e+00 : f32
    %max3A_16 = vector.broadcast %max3A : f32 to vector<10000x128xf32>
    %max3A_17 = arith.maximumf %dot_general3A_15, %max3A_16 : vector<10000x128xf32>
    %swap3A = arith.constant 0 : index
    %swap3A_18 = arith.constant 0 : index
    %swap3A_19 = vector.load %arg4[%swap3A, %swap3A_18] : memref<10000x128xf32, #tpu.memory_space<vmem>>, vector<10000x128xf32>
    tpu.vector_store %arg4[%swap3A, %swap3A_18], %max3A_17 {strides = array<i32>} : memref<10000x128xf32, #tpu.memory_space<vmem>>, vector<10000x128xf32>,
    return
  }
}

module attributes {stable_mosaic.version = 14 : i64} {
  func.func @body(%arg0: memref<10000x128xf32, #tpu.memory_space<vmem>>, %arg1: memref<2x10240x128xf32, #tpu.memory_space<vmem>>, %arg2: memref<128x128xf32, #tpu.memory_space<vmem>>, %arg3: memref<1x128xf32, #tpu.memory_space<vmem>>, %arg4: memref<10000x128xf32, #tpu.memory_space<vmem>>) attributes {dimension_semantics = [], scalar_prefetch = 0 : i64, scratch_operands = 0 : i64, tpu.core_type = #tpu.core_type<tc>} {
    %get3A = arith.constant 0 : index
    %get3A_0 = arith.constant 0 : index
    %get3A_1 = vector.load %arg0[%get3A, %get3A_0] : memref<10000x128xf32, #tpu.memory_space<vmem>>, vector<10000x128xf32>
    %get3A_2 = arith.constant 0 : index
    %get3A_3 = arith.constant 0 : index
    %get3A_4 = arith.constant 0 : index
    %get3A_5 = vector.load %arg1[%get3A_2, %get3A_3, %get3A_4] : memref<2x10240x128xf32, #tpu.memory_space<vmem>>, vector<1x10000x128xf32>
    %get3A_6 = vector.shape_cast %get3A_5 : vector<1x10000x128xf32> to vector<10000x128xf32>
    %add3A = arith.addf %get3A_1, %get3A_6 : vector<10000x128xf32>
    %get3A_7 = arith.constant 1 : index
    %get3A_8 = arith.constant 0 : index
    %get3A_9 = arith.constant 0 : index
    %get3A_10 = vector.load %arg1[%get3A_7, %get3A_8, %get3A_9] : memref<2x10240x128xf32, #tpu.memory_space<vmem>>, vector<1x10000x128xf32>
    %get3A_11 = vector.shape_cast %get3A_10 : vector<1x10000x128xf32> to vector<10000x128xf32>
    %add3A_12 = arith.addf %add3A, %get3A_11 : vector<10000x128xf32>
    %get3A_13 = arith.constant 0 : index
    %get3A_14 = arith.constant 0 : index
    %get3A_15 = vector.load %arg2[%get3A_13, %get3A_14] : memref<128x128xf32, #tpu.memory_space<vmem>>, vector<128x128xf32>
    %dot_general3A = arith.constant dense<0.000000e+00> : vector<10000x128xf32>
    %dot_general3A_16 = tpu.matmul %add3A_12, %get3A_15, %dot_general3A {dimension_numbers = #tpu.dot_dimension_numbers<[1], [0], [0], [1], [0, 0, 1, 1], [], []>, transpose_lhs_hint = false} : vector<10000x128xf32>, vector<128x128xf32>, vector<10000x128xf32> -> vector<10000x128xf32>
    %get3A_17 = arith.constant 0 : index
    %get3A_18 = arith.constant 0 : index
    %get3A_19 = vector.load %arg3[%get3A_17, %get3A_18] : memref<1x128xf32, #tpu.memory_space<vmem>>, vector<1x128xf32>
    %add3A_20 = vector.broadcast %get3A_19 : vector<1x128xf32> to vector<10000x128xf32>
    %add3A_21 = arith.addf %dot_general3A_16, %add3A_20 : vector<10000x128xf32>
    %swap3A = arith.constant 0 : index
    %swap3A_22 = arith.constant 0 : index
    %swap3A_23 = vector.load %arg4[%swap3A, %swap3A_22] : memref<10000x128xf32, #tpu.memory_space<vmem>>, vector<10000x128xf32>
    tpu.vector_store %arg4[%swap3A, %swap3A_22], %add3A_21 {strides = array<i32>} : memref<10000x128xf32, #tpu.memory_space<vmem>>, vector<10000x128xf32>,
    return
  }
}

module attributes {stable_mosaic.version = 14 : i64} {
  func.func @body(%arg0: memref<10000x128xf32, #tpu.memory_space<vmem>>, %arg1: memref<1x128xf32, #tpu.memory_space<vmem>>, %arg2: memref<1x128xf32, #tpu.memory_space<vmem>>, %arg3: memref<128x128xf32, #tpu.memory_space<vmem>>, %arg4: memref<1x128xf32, #tpu.memory_space<vmem>>, %arg5: memref<10000x128xf32, #tpu.memory_space<vmem>>, %arg6: memref<10000x128xf32, #tpu.memory_space<vmem>>) attributes {dimension_semantics = [], scalar_prefetch = 0 : i64, scratch_operands = 0 : i64, tpu.core_type = #tpu.core_type<tc>} {
    %get3A = arith.constant 0 : index
    %get3A_0 = arith.constant 0 : index
    %get3A_1 = vector.load %arg0[%get3A, %get3A_0] : memref<10000x128xf32, #tpu.memory_space<vmem>>, vector<10000x128xf32>
    %get3A_2 = arith.constant 0 : index
    %get3A_3 = arith.constant 0 : index
    %get3A_4 = vector.load %arg1[%get3A_2, %get3A_3] : memref<1x128xf32, #tpu.memory_space<vmem>>, vector<1x128xf32>
    %sub3A = vector.broadcast %get3A_4 : vector<1x128xf32> to vector<10000x128xf32>
    %sub3A_5 = arith.subf %get3A_1, %sub3A : vector<10000x128xf32>
    %get3A_6 = arith.constant 0 : index
    %get3A_7 = arith.constant 0 : index
    %get3A_8 = vector.load %arg2[%get3A_6, %get3A_7] : memref<1x128xf32, #tpu.memory_space<vmem>>, vector<1x128xf32>
    %div3A = vector.broadcast %get3A_8 : vector<1x128xf32> to vector<10000x128xf32>
    %div3A_9 = arith.divf %sub3A_5, %div3A : vector<10000x128xf32>
    %add3A = arith.constant 9.99999974E-5 : f32
    %add3A_10 = vector.broadcast %add3A : f32 to vector<10000x128xf32>
    %add3A_11 = arith.addf %div3A_9, %add3A_10 : vector<10000x128xf32>
    %max3A = arith.constant 0.000000e+00 : f32
    %max3A_12 = vector.broadcast %max3A : f32 to vector<10000x128xf32>
    %max3A_13 = arith.maximumf %add3A_11, %max3A_12 : vector<10000x128xf32>
    %get3A_14 = arith.constant 0 : index
    %get3A_15 = arith.constant 0 : index
    %get3A_16 = vector.load %arg3[%get3A_14, %get3A_15] : memref<128x128xf32, #tpu.memory_space<vmem>>, vector<128x128xf32>
    %dot_general3A = arith.constant dense<0.000000e+00> : vector<10000x128xf32>
    %dot_general3A_17 = tpu.matmul %max3A_13, %get3A_16, %dot_general3A {dimension_numbers = #tpu.dot_dimension_numbers<[1], [0], [0], [1], [0, 0, 1, 1], [], []>, transpose_lhs_hint = false} : vector<10000x128xf32>, vector<128x128xf32>, vector<10000x128xf32> -> vector<10000x128xf32>
    %get3A_18 = arith.constant 0 : index
    %get3A_19 = arith.constant 0 : index
    %get3A_20 = vector.load %arg4[%get3A_18, %get3A_19] : memref<1x128xf32, #tpu.memory_space<vmem>>, vector<1x128xf32>
    %add3A_21 = vector.broadcast %get3A_20 : vector<1x128xf32> to vector<10000x128xf32>
    %add3A_22 = arith.addf %dot_general3A_17, %add3A_21 : vector<10000x128xf32>
    %max3A_23 = arith.constant 0.000000e+00 : f32
    %max3A_24 = vector.broadcast %max3A_23 : f32 to vector<10000x128xf32>
    %max3A_25 = arith.maximumf %add3A_22, %max3A_24 : vector<10000x128xf32>
    %swap3A = arith.constant 0 : index
    %swap3A_26 = arith.constant 0 : index
    %swap3A_27 = vector.load %arg5[%swap3A, %swap3A_26] : memref<10000x128xf32, #tpu.memory_space<vmem>>, vector<10000x128xf32>
    tpu.vector_store %arg5[%swap3A, %swap3A_26], %max3A_25 {strides = array<i32>} : memref<10000x128xf32, #tpu.memory_space<vmem>>, vector<10000x128xf32>,
    %mul3A = arith.constant 2.000000e+00 : f32
    %mul3A_28 = vector.broadcast %mul3A : f32 to vector<10000x128xf32>
    %mul3A_29 = arith.mulf %mul3A_28, %max3A_25 : vector<10000x128xf32>
    %swap3A_30 = arith.constant 0 : index
    %swap3A_31 = arith.constant 0 : index
    %swap3A_32 = vector.load %arg6[%swap3A_30, %swap3A_31] : memref<10000x128xf32, #tpu.memory_space<vmem>>, vector<10000x128xf32>
    tpu.vector_store %arg6[%swap3A_30, %swap3A_31], %mul3A_29 {strides = array<i32>} : memref<10000x128xf32, #tpu.memory_space<vmem>>, vector<10000x128xf32>,
    return
  }
}

module attributes {stable_mosaic.version = 14 : i64} {
  func.func @body(%arg0: memref<10000x128xf32, #tpu.memory_space<vmem>>, %arg1: memref<1x128xf32, #tpu.memory_space<vmem>>, %arg2: memref<1x128xf32, #tpu.memory_space<vmem>>, %arg3: memref<128x128xf32, #tpu.memory_space<vmem>>, %arg4: memref<1x128xf32, #tpu.memory_space<vmem>>, %arg5: memref<10000x128xf32, #tpu.memory_space<vmem>>, %arg6: memref<10000x128xf32, #tpu.memory_space<vmem>>) attributes {dimension_semantics = [], scalar_prefetch = 0 : i64, scratch_operands = 0 : i64, tpu.core_type = #tpu.core_type<tc>} {
    %get3A = arith.constant 0 : index
    %get3A_0 = arith.constant 0 : index
    %get3A_1 = vector.load %arg0[%get3A, %get3A_0] : memref<10000x128xf32, #tpu.memory_space<vmem>>, vector<10000x128xf32>
    %get3A_2 = arith.constant 0 : index
    %get3A_3 = arith.constant 0 : index
    %get3A_4 = vector.load %arg1[%get3A_2, %get3A_3] : memref<1x128xf32, #tpu.memory_space<vmem>>, vector<1x128xf32>
    %sub3A = vector.broadcast %get3A_4 : vector<1x128xf32> to vector<10000x128xf32>
    %sub3A_5 = arith.subf %get3A_1, %sub3A : vector<10000x128xf32>
    %get3A_6 = arith.constant 0 : index
    %get3A_7 = arith.constant 0 : index
    %get3A_8 = vector.load %arg2[%get3A_6, %get3A_7] : memref<1x128xf32, #tpu.memory_space<vmem>>, vector<1x128xf32>
    %div3A = vector.broadcast %get3A_8 : vector<1x128xf32> to vector<10000x128xf32>
    %div3A_9 = arith.divf %sub3A_5, %div3A : vector<10000x128xf32>
    %add3A = arith.constant 9.99999974E-5 : f32
    %add3A_10 = vector.broadcast %add3A : f32 to vector<10000x128xf32>
    %add3A_11 = arith.addf %div3A_9, %add3A_10 : vector<10000x128xf32>
    %max3A = arith.constant 0.000000e+00 : f32
    %max3A_12 = vector.broadcast %max3A : f32 to vector<10000x128xf32>
    %max3A_13 = arith.maximumf %add3A_11, %max3A_12 : vector<10000x128xf32>
    %get3A_14 = arith.constant 0 : index
    %get3A_15 = arith.constant 0 : index
    %get3A_16 = vector.load %arg3[%get3A_14, %get3A_15] : memref<128x128xf32, #tpu.memory_space<vmem>>, vector<128x128xf32>
    %dot_general3A = arith.constant dense<0.000000e+00> : vector<10000x128xf32>
    %dot_general3A_17 = tpu.matmul %max3A_13, %get3A_16, %dot_general3A {dimension_numbers = #tpu.dot_dimension_numbers<[1], [0], [0], [1], [0, 0, 1, 1], [], []>, transpose_lhs_hint = false} : vector<10000x128xf32>, vector<128x128xf32>, vector<10000x128xf32> -> vector<10000x128xf32>
    %get3A_18 = arith.constant 0 : index
    %get3A_19 = arith.constant 0 : index
    %get3A_20 = vector.load %arg4[%get3A_18, %get3A_19] : memref<1x128xf32, #tpu.memory_space<vmem>>, vector<1x128xf32>
    %add3A_21 = vector.broadcast %get3A_20 : vector<1x128xf32> to vector<10000x128xf32>
    %add3A_22 = arith.addf %dot_general3A_17, %add3A_21 : vector<10000x128xf32>
    %max3A_23 = arith.constant 0.000000e+00 : f32
    %max3A_24 = vector.broadcast %max3A_23 : f32 to vector<10000x128xf32>
    %max3A_25 = arith.maximumf %add3A_22, %max3A_24 : vector<10000x128xf32>
    %swap3A = arith.constant 0 : index
    %swap3A_26 = arith.constant 0 : index
    %swap3A_27 = vector.load %arg5[%swap3A, %swap3A_26] : memref<10000x128xf32, #tpu.memory_space<vmem>>, vector<10000x128xf32>
    tpu.vector_store %arg5[%swap3A, %swap3A_26], %max3A_25 {strides = array<i32>} : memref<10000x128xf32, #tpu.memory_space<vmem>>, vector<10000x128xf32>,
    %mul3A = arith.constant 2.000000e+00 : f32
    %mul3A_28 = vector.broadcast %mul3A : f32 to vector<10000x128xf32>
    %mul3A_29 = arith.mulf %mul3A_28, %max3A_25 : vector<10000x128xf32>
    %swap3A_30 = arith.constant 0 : index
    %swap3A_31 = arith.constant 0 : index
    %swap3A_32 = vector.load %arg6[%swap3A_30, %swap3A_31] : memref<10000x128xf32, #tpu.memory_space<vmem>>, vector<10000x128xf32>
    tpu.vector_store %arg6[%swap3A_30, %swap3A_31], %mul3A_29 {strides = array<i32>} : memref<10000x128xf32, #tpu.memory_space<vmem>>, vector<10000x128xf32>,
    return
  }
}

module attributes {stable_mosaic.version = 14 : i64} {
  func.func @body(%arg0: memref<10000x128xf32, #tpu.memory_space<vmem>>, %arg1: memref<256x2xf32, #tpu.memory_space<vmem>>, %arg2: memref<1x2xf32, #tpu.memory_space<vmem>>, %arg3: memref<128x2xf32, #tpu.memory_space<vmem>>, %arg4: memref<1x2xf32, #tpu.memory_space<vmem>>, %arg5: memref<128x128xf32, #tpu.memory_space<vmem>>, %arg6: memref<128x128xf32, #tpu.memory_space<vmem>>, %arg7: memref<10000x128xf32, #tpu.memory_space<vmem>>, %arg8: memref<10000x128xf32, #tpu.memory_space<vmem>>, %arg9: memref<10000x1xf32, #tpu.memory_space<vmem>>, %arg10: memref<10000x1xf32, #tpu.memory_space<vmem>>) attributes {dimension_semantics = [], scalar_prefetch = 0 : i64, scratch_operands = 0 : i64, tpu.core_type = #tpu.core_type<tc>} {
    %get3A = arith.constant 0 : index
    %get3A_0 = arith.constant 0 : index
    %get3A_1 = vector.load %arg0[%get3A, %get3A_0] : memref<10000x128xf32, #tpu.memory_space<vmem>>, vector<10000x128xf32>
    %get3A_2 = arith.constant 0 : index
    %get3A_3 = arith.constant 0 : index
    %get3A_4 = vector.load %arg3[%get3A_2, %get3A_3] : memref<128x2xf32, #tpu.memory_space<vmem>>, vector<128x2xf32>
    %dot_general3A = arith.constant dense<0.000000e+00> : vector<10000x2xf32>
    %dot_general3A_5 = tpu.matmul %get3A_1, %get3A_4, %dot_general3A {dimension_numbers = #tpu.dot_dimension_numbers<[1], [0], [0], [1], [0, 0, 1, 1], [], []>, transpose_lhs_hint = false} : vector<10000x128xf32>, vector<128x2xf32>, vector<10000x2xf32> -> vector<10000x2xf32>
    %get3A_6 = arith.constant 0 : index
    %get3A_7 = arith.constant 0 : index
    %get3A_8 = vector.load %arg4[%get3A_6, %get3A_7] : memref<1x2xf32, #tpu.memory_space<vmem>>, vector<1x2xf32>
    %add3A = vector.broadcast %get3A_8 : vector<1x2xf32> to vector<10000x2xf32>
    %add3A_9 = arith.addf %dot_general3A_5, %add3A : vector<10000x2xf32>
    %reduce_max3A = arith.constant dense<0xFF800000> : vector<10000xf32>
    %reduce_max3A_10 = vector.multi_reduction <maximumf>, %add3A_9, %reduce_max3A [1] : vector<10000x2xf32> to vector<10000xf32>
    %broadcast_in_dim3A = vector.shape_cast %reduce_max3A_10 : vector<10000xf32> to vector<10000x1xf32>
    %sub3A = vector.broadcast %broadcast_in_dim3A : vector<10000x1xf32> to vector<10000x2xf32>
    %sub3A_11 = arith.subf %add3A_9, %sub3A : vector<10000x2xf32>
    %exp3A = math.exp %sub3A_11 : vector<10000x2xf32>
    %reduce_sum3A = arith.constant dense<0.000000e+00> : vector<10000xf32>
    %reduce_sum3A_12 = vector.multi_reduction <add>, %exp3A, %reduce_sum3A [1] : vector<10000x2xf32> to vector<10000xf32>
    %broadcast_in_dim3A_13 = vector.shape_cast %reduce_sum3A_12 : vector<10000xf32> to vector<10000x1xf32>
    %div3A = vector.broadcast %broadcast_in_dim3A_13 : vector<10000x1xf32> to vector<10000x2xf32>
    %div3A_14 = arith.divf %exp3A, %div3A : vector<10000x2xf32>
    %slice3A = vector.extract_strided_slice %div3A_14 {offsets = [0, 0], sizes = [10000, 1], strides = [1, 1]} : vector<10000x2xf32> to vector<10000x1xf32>
    %mul3A = vector.broadcast %slice3A : vector<10000x1xf32> to vector<10000x128xf32>
    %mul3A_15 = arith.mulf %mul3A, %get3A_1 : vector<10000x128xf32>
    %slice3A_16 = vector.extract_strided_slice %div3A_14 {offsets = [0, 1], sizes = [10000, 1], strides = [1, 1]} : vector<10000x2xf32> to vector<10000x1xf32>
    %mul3A_17 = vector.broadcast %slice3A_16 : vector<10000x1xf32> to vector<10000x128xf32>
    %mul3A_18 = arith.mulf %mul3A_17, %get3A_1 : vector<10000x128xf32>
    %reduce_sum3A_19 = arith.constant dense<0.000000e+00> : vector<128xf32>
    %reduce_sum3A_20 = vector.multi_reduction <add>, %mul3A_15, %reduce_sum3A_19 [0] : vector<10000x128xf32> to vector<128xf32>
    %broadcast_in_dim3A_21 = vector.shape_cast %reduce_sum3A_20 : vector<128xf32> to vector<1x128xf32>
    %div3A_22 = arith.constant 1.000000e+04 : f32
    %div3A_23 = vector.broadcast %div3A_22 : f32 to vector<1x128xf32>
    %div3A_24 = arith.divf %broadcast_in_dim3A_21, %div3A_23 : vector<1x128xf32>
    %sub3A_25 = vector.broadcast %div3A_24 : vector<1x128xf32> to vector<10000x128xf32>
    %sub3A_26 = arith.subf %mul3A_15, %sub3A_25 : vector<10000x128xf32>
    %mul3A_27 = arith.mulf %sub3A_26, %sub3A_26 : vector<10000x128xf32>
    %reduce_sum3A_28 = arith.constant dense<0.000000e+00> : vector<128xf32>
    %reduce_sum3A_29 = vector.multi_reduction <add>, %mul3A_27, %reduce_sum3A_28 [0] : vector<10000x128xf32> to vector<128xf32>
    %broadcast_in_dim3A_30 = vector.shape_cast %reduce_sum3A_29 : vector<128xf32> to vector<1x128xf32>
    %div3A_31 = arith.constant 1.000000e+04 : f32
    %div3A_32 = vector.broadcast %div3A_31 : f32 to vector<1x128xf32>
    %div3A_33 = arith.divf %broadcast_in_dim3A_30, %div3A_32 : vector<1x128xf32>
    %add3A_34 = arith.constant 9.99999974E-6 : f32
    %add3A_35 = vector.broadcast %add3A_34 : f32 to vector<1x128xf32>
    %add3A_36 = arith.addf %div3A_33, %add3A_35 : vector<1x128xf32>
    %sqrt3A = math.sqrt %add3A_36 : vector<1x128xf32>
    %div3A_37 = vector.broadcast %sqrt3A : vector<1x128xf32> to vector<10000x128xf32>
    %div3A_38 = arith.divf %sub3A_26, %div3A_37 : vector<10000x128xf32>
    %add3A_39 = arith.constant 9.99999974E-5 : f32
    %add3A_40 = vector.broadcast %add3A_39 : f32 to vector<10000x128xf32>
    %add3A_41 = arith.addf %div3A_38, %add3A_40 : vector<10000x128xf32>
    %get3A_42 = arith.constant 0 : index
    %get3A_43 = arith.constant 0 : index
    %get3A_44 = vector.load %arg5[%get3A_42, %get3A_43] : memref<128x128xf32, #tpu.memory_space<vmem>>, vector<128x128xf32>
    %dot_general3A_45 = arith.constant dense<0.000000e+00> : vector<10000x128xf32>
    %dot_general3A_46 = tpu.matmul %add3A_41, %get3A_44, %dot_general3A_45 {dimension_numbers = #tpu.dot_dimension_numbers<[1], [0], [0], [1], [0, 0, 1, 1], [], []>, transpose_lhs_hint = false} : vector<10000x128xf32>, vector<128x128xf32>, vector<10000x128xf32> -> vector<10000x128xf32>
    %swap3A = arith.constant 0 : index
    %swap3A_47 = arith.constant 0 : index
    %swap3A_48 = vector.load %arg7[%swap3A, %swap3A_47] : memref<10000x128xf32, #tpu.memory_space<vmem>>, vector<10000x128xf32>
    tpu.vector_store %arg7[%swap3A, %swap3A_47], %dot_general3A_46 {strides = array<i32>} : memref<10000x128xf32, #tpu.memory_space<vmem>>, vector<10000x128xf32>,
    %reduce_sum3A_49 = arith.constant dense<0.000000e+00> : vector<128xf32>
    %reduce_sum3A_50 = vector.multi_reduction <add>, %mul3A_18, %reduce_sum3A_49 [0] : vector<10000x128xf32> to vector<128xf32>
    %broadcast_in_dim3A_51 = vector.shape_cast %reduce_sum3A_50 : vector<128xf32> to vector<1x128xf32>
    %div3A_52 = arith.constant 1.000000e+04 : f32
    %div3A_53 = vector.broadcast %div3A_52 : f32 to vector<1x128xf32>
    %div3A_54 = arith.divf %broadcast_in_dim3A_51, %div3A_53 : vector<1x128xf32>
    %sub3A_55 = vector.broadcast %div3A_54 : vector<1x128xf32> to vector<10000x128xf32>
    %sub3A_56 = arith.subf %mul3A_18, %sub3A_55 : vector<10000x128xf32>
    %mul3A_57 = arith.mulf %sub3A_56, %sub3A_56 : vector<10000x128xf32>
    %reduce_sum3A_58 = arith.constant dense<0.000000e+00> : vector<128xf32>
    %reduce_sum3A_59 = vector.multi_reduction <add>, %mul3A_57, %reduce_sum3A_58 [0] : vector<10000x128xf32> to vector<128xf32>
    %broadcast_in_dim3A_60 = vector.shape_cast %reduce_sum3A_59 : vector<128xf32> to vector<1x128xf32>
    %div3A_61 = arith.constant 1.000000e+04 : f32
    %div3A_62 = vector.broadcast %div3A_61 : f32 to vector<1x128xf32>
    %div3A_63 = arith.divf %broadcast_in_dim3A_60, %div3A_62 : vector<1x128xf32>
    %add3A_64 = arith.constant 9.99999974E-6 : f32
    %add3A_65 = vector.broadcast %add3A_64 : f32 to vector<1x128xf32>
    %add3A_66 = arith.addf %div3A_63, %add3A_65 : vector<1x128xf32>
    %sqrt3A_67 = math.sqrt %add3A_66 : vector<1x128xf32>
    %div3A_68 = vector.broadcast %sqrt3A_67 : vector<1x128xf32> to vector<10000x128xf32>
    %div3A_69 = arith.divf %sub3A_56, %div3A_68 : vector<10000x128xf32>
    %add3A_70 = arith.constant 9.99999974E-5 : f32
    %add3A_71 = vector.broadcast %add3A_70 : f32 to vector<10000x128xf32>
    %add3A_72 = arith.addf %div3A_69, %add3A_71 : vector<10000x128xf32>
    %get3A_73 = arith.constant 0 : index
    %get3A_74 = arith.constant 0 : index
    %get3A_75 = vector.load %arg6[%get3A_73, %get3A_74] : memref<128x128xf32, #tpu.memory_space<vmem>>, vector<128x128xf32>
    %dot_general3A_76 = arith.constant dense<0.000000e+00> : vector<10000x128xf32>
    %dot_general3A_77 = tpu.matmul %add3A_72, %get3A_75, %dot_general3A_76 {dimension_numbers = #tpu.dot_dimension_numbers<[1], [0], [0], [1], [0, 0, 1, 1], [], []>, transpose_lhs_hint = false} : vector<10000x128xf32>, vector<128x128xf32>, vector<10000x128xf32> -> vector<10000x128xf32>
    %swap3A_78 = arith.constant 0 : index
    %swap3A_79 = arith.constant 0 : index
    %swap3A_80 = vector.load %arg8[%swap3A_78, %swap3A_79] : memref<10000x128xf32, #tpu.memory_space<vmem>>, vector<10000x128xf32>
    tpu.vector_store %arg8[%swap3A_78, %swap3A_79], %dot_general3A_77 {strides = array<i32>} : memref<10000x128xf32, #tpu.memory_space<vmem>>, vector<10000x128xf32>,
    %get3A_81 = arith.constant 0 : index
    %get3A_82 = arith.constant 0 : index
    %get3A_83 = vector.load %arg1[%get3A_81, %get3A_82] : memref<256x2xf32, #tpu.memory_space<vmem>>, vector<256x2xf32>
    %slice3A_84 = vector.extract_strided_slice %get3A_83 {offsets = [0, 0], sizes = [128, 2], strides = [1, 1]} : vector<256x2xf32> to vector<128x2xf32>
    %dot_general3A_85 = arith.constant dense<0.000000e+00> : vector<10000x2xf32>
    %dot_general3A_86 = tpu.matmul %get3A_1, %slice3A_84, %dot_general3A_85 {dimension_numbers = #tpu.dot_dimension_numbers<[1], [0], [0], [1], [0, 0, 1, 1], [], []>, transpose_lhs_hint = false} : vector<10000x128xf32>, vector<128x2xf32>, vector<10000x2xf32> -> vector<10000x2xf32>
    %get3A_87 = arith.constant 0 : index
    %get3A_88 = arith.constant 0 : index
    %get3A_89 = vector.load %arg2[%get3A_87, %get3A_88] : memref<1x2xf32, #tpu.memory_space<vmem>>, vector<1x2xf32>
    %add3A_90 = vector.broadcast %get3A_89 : vector<1x2xf32> to vector<10000x2xf32>
    %add3A_91 = arith.addf %dot_general3A_86, %add3A_90 : vector<10000x2xf32>
    %slice3A_92 = vector.extract_strided_slice %get3A_83 {offsets = [128, 0], sizes = [128, 2], strides = [1, 1]} : vector<256x2xf32> to vector<128x2xf32>
    %dot_general3A_93 = arith.constant dense<0.000000e+00> : vector<10000x2xf32>
    %dot_general3A_94 = tpu.matmul %get3A_1, %slice3A_92, %dot_general3A_93 {dimension_numbers = #tpu.dot_dimension_numbers<[1], [0], [0], [1], [0, 0, 1, 1], [], []>, transpose_lhs_hint = false} : vector<10000x128xf32>, vector<128x2xf32>, vector<10000x2xf32> -> vector<10000x2xf32>
    %slice3A_95 = vector.extract_strided_slice %add3A_91 {offsets = [0, 1], sizes = [10000, 1], strides = [1, 1]} : vector<10000x2xf32> to vector<10000x1xf32>
    %slice3A_96 = vector.extract_strided_slice %add3A_91 {offsets = [0, 0], sizes = [10000, 1], strides = [1, 1]} : vector<10000x2xf32> to vector<10000x1xf32>
    %sub3A_97 = arith.subf %slice3A_95, %slice3A_96 : vector<10000x1xf32>
    %swap3A_98 = arith.constant 0 : index
    %swap3A_99 = arith.constant 0 : index
    %swap3A_100 = vector.load %arg9[%swap3A_98, %swap3A_99] : memref<10000x1xf32, #tpu.memory_space<vmem>>, vector<10000x1xf32>
    tpu.vector_store %arg9[%swap3A_98, %swap3A_99], %sub3A_97 {strides = array<i32>} : memref<10000x1xf32, #tpu.memory_space<vmem>>, vector<10000x1xf32>,
    %slice3A_101 = vector.extract_strided_slice %dot_general3A_94 {offsets = [0, 1], sizes = [10000, 1], strides = [1, 1]} : vector<10000x2xf32> to vector<10000x1xf32>
    %slice3A_102 = vector.extract_strided_slice %dot_general3A_94 {offsets = [0, 0], sizes = [10000, 1], strides = [1, 1]} : vector<10000x2xf32> to vector<10000x1xf32>
    %sub3A_103 = arith.subf %slice3A_101, %slice3A_102 : vector<10000x1xf32>
    %swap3A_104 = arith.constant 0 : index
    %swap3A_105 = arith.constant 0 : index
    %swap3A_106 = vector.load %arg10[%swap3A_104, %swap3A_105] : memref<10000x1xf32, #tpu.memory_space<vmem>>, vector<10000x1xf32>
    tpu.vector_store %arg10[%swap3A_104, %swap3A_105], %sub3A_103 {strides = array<i32>} : memref<10000x1xf32, #tpu.memory_space<vmem>>, vector<10000x1xf32>,
    return
  }
}

module attributes {stable_mosaic.version = 14 : i64} {
  func.func @body(%arg0: memref<2500x128xf32, #tpu.memory_space<vmem>>, %arg1: memref<2500x128xi32, #tpu.memory_space<vmem>>, %arg2: memref<2500x128xi32, #tpu.memory_space<vmem>>, %arg3: memref<2500x128xf32, #tpu.memory_space<vmem>>, %arg4: memref<2500x128xf32, #tpu.memory_space<vmem>>) attributes {dimension_semantics = [], scalar_prefetch = 0 : i64, scratch_operands = 0 : i64, tpu.core_type = #tpu.core_type<tc>} {
    %get3A = arith.constant 0 : index
    %get3A_0 = arith.constant 0 : index
    %get3A_1 = vector.load %arg0[%get3A, %get3A_0] : memref<2500x128xf32, #tpu.memory_space<vmem>>, vector<2500x128xf32>
    %get3A_2 = arith.constant 0 : index
    %get3A_3 = arith.constant 0 : index
    %get3A_4 = vector.load %arg1[%get3A_2, %get3A_3] : memref<2500x128xi32, #tpu.memory_space<vmem>>, vector<2500x128xi32>
    %get3A_5 = arith.constant 0 : index
    %get3A_6 = arith.constant 0 : index
    %get3A_7 = vector.load %arg2[%get3A_5, %get3A_6] : memref<2500x128xi32, #tpu.memory_space<vmem>>, vector<2500x128xi32>
    %ne3A = arith.cmpi ne, %get3A_4, %get3A_7 : vector<2500x128xi32>
    %convert_element_type3A = arith.extui %ne3A : vector<2500x128xi1> to vector<2500x128xi32>
    %convert_element_type3A_8 = arith.sitofp %convert_element_type3A : vector<2500x128xi32> to vector<2500x128xf32>
    %abs3A = math.absf %get3A_1 : vector<2500x128xf32>
    %neg3A = arith.constant 0.000000e+00 : f32
    %neg3A_9 = vector.broadcast %neg3A : f32 to vector<2500x128xf32>
    %neg3A_10 = arith.subf %neg3A_9, %abs3A : vector<2500x128xf32>
    %exp3A = math.exp %neg3A_10 : vector<2500x128xf32>
    %add3A = arith.constant 1.000000e+00 : f32
    %add3A_11 = vector.broadcast %add3A : f32 to vector<2500x128xf32>
    %add3A_12 = arith.addf %add3A_11, %exp3A : vector<2500x128xf32>
    %div3A = arith.constant 1.000000e+00 : f32
    %div3A_13 = vector.broadcast %div3A : f32 to vector<2500x128xf32>
    %div3A_14 = arith.divf %div3A_13, %add3A_12 : vector<2500x128xf32>
    %ge3A = arith.constant 0.000000e+00 : f32
    %ge3A_15 = vector.broadcast %ge3A : f32 to vector<2500x128xf32>
    %ge3A_16 = arith.cmpf oge, %get3A_1, %ge3A_15 : vector<2500x128xf32>
    %sub3A = arith.constant 1.000000e+00 : f32
    %sub3A_17 = vector.broadcast %sub3A : f32 to vector<2500x128xf32>
    %sub3A_18 = arith.subf %sub3A_17, %div3A_14 : vector<2500x128xf32>
    %select_n3A = arith.select %ge3A_16, %div3A_14, %sub3A_18 : vector<2500x128xi1>, vector<2500x128xf32>
    %sub3A_19 = arith.constant 1.000000e+00 : f32
    %sub3A_20 = vector.broadcast %sub3A_19 : f32 to vector<2500x128xf32>
    %sub3A_21 = arith.subf %sub3A_20, %select_n3A : vector<2500x128xf32>
    %mul3A = arith.mulf %sub3A_21, %convert_element_type3A_8 : vector<2500x128xf32>
    %swap3A = arith.constant 0 : index
    %swap3A_22 = arith.constant 0 : index
    %swap3A_23 = vector.load %arg3[%swap3A, %swap3A_22] : memref<2500x128xf32, #tpu.memory_space<vmem>>, vector<2500x128xf32>
    tpu.vector_store %arg3[%swap3A, %swap3A_22], %mul3A {strides = array<i32>} : memref<2500x128xf32, #tpu.memory_space<vmem>>, vector<2500x128xf32>,
    %mul3A_24 = arith.mulf %select_n3A, %convert_element_type3A_8 : vector<2500x128xf32>
    %swap3A_25 = arith.constant 0 : index
    %swap3A_26 = arith.constant 0 : index
    %swap3A_27 = vector.load %arg4[%swap3A_25, %swap3A_26] : memref<2500x128xf32, #tpu.memory_space<vmem>>, vector<2500x128xf32>
    tpu.vector_store %arg4[%swap3A_25, %swap3A_26], %mul3A_24 {strides = array<i32>} : memref<2500x128xf32, #tpu.memory_space<vmem>>, vector<2500x128xf32>,
    return
  }
}

module attributes {stable_mosaic.version = 14 : i64} {
  func.func @body(%arg0: memref<2x10240x1xf32, #tpu.memory_space<vmem>>, %arg1: memref<2x10240x1xf32, #tpu.memory_space<vmem>>, %arg2: memref<10000x128xf32, #tpu.memory_space<vmem>>, %arg3: memref<10000x128xf32, #tpu.memory_space<vmem>>, %arg4: memref<10000x128xf32, #tpu.memory_space<vmem>>, %arg5: memref<10000x128xf32, #tpu.memory_space<vmem>>, %arg6: memref<10000x1xf32, #tpu.memory_space<vmem>>, %arg7: memref<10000x1xf32, #tpu.memory_space<vmem>>) attributes {dimension_semantics = [], scalar_prefetch = 0 : i64, scratch_operands = 0 : i64, tpu.core_type = #tpu.core_type<tc>} {
    %get3A = arith.constant 0 : index
    %get3A_0 = arith.constant 0 : index
    %get3A_1 = arith.constant 0 : index
    %get3A_2 = vector.load %arg0[%get3A, %get3A_0, %get3A_1] : memref<2x10240x1xf32, #tpu.memory_space<vmem>>, vector<1x10000x1xf32>
    %get3A_3 = vector.shape_cast %get3A_2 : vector<1x10000x1xf32> to vector<10000x1xf32>
    %add3A = arith.constant 1.000000e+00 : f32
    %add3A_4 = vector.broadcast %add3A : f32 to vector<10000x1xf32>
    %add3A_5 = arith.addf %add3A_4, %get3A_3 : vector<10000x1xf32>
    %get3A_6 = arith.constant 1 : index
    %get3A_7 = arith.constant 0 : index
    %get3A_8 = arith.constant 0 : index
    %get3A_9 = vector.load %arg0[%get3A_6, %get3A_7, %get3A_8] : memref<2x10240x1xf32, #tpu.memory_space<vmem>>, vector<1x10000x1xf32>
    %get3A_10 = vector.shape_cast %get3A_9 : vector<1x10000x1xf32> to vector<10000x1xf32>
    %add3A_11 = arith.addf %add3A_5, %get3A_10 : vector<10000x1xf32>
    %get3A_12 = arith.constant 0 : index
    %get3A_13 = arith.constant 0 : index
    %get3A_14 = arith.constant 0 : index
    %get3A_15 = vector.load %arg1[%get3A_12, %get3A_13, %get3A_14] : memref<2x10240x1xf32, #tpu.memory_space<vmem>>, vector<1x10000x1xf32>
    %get3A_16 = vector.shape_cast %get3A_15 : vector<1x10000x1xf32> to vector<10000x1xf32>
    %add3A_17 = arith.constant 1.000000e+00 : f32
    %add3A_18 = vector.broadcast %add3A_17 : f32 to vector<10000x1xf32>
    %add3A_19 = arith.addf %add3A_18, %get3A_16 : vector<10000x1xf32>
    %get3A_20 = arith.constant 1 : index
    %get3A_21 = arith.constant 0 : index
    %get3A_22 = arith.constant 0 : index
    %get3A_23 = vector.load %arg1[%get3A_20, %get3A_21, %get3A_22] : memref<2x10240x1xf32, #tpu.memory_space<vmem>>, vector<1x10000x1xf32>
    %get3A_24 = vector.shape_cast %get3A_23 : vector<1x10000x1xf32> to vector<10000x1xf32>
    %add3A_25 = arith.addf %add3A_19, %get3A_24 : vector<10000x1xf32>
    %max3A = arith.constant 9.99999996E-13 : f32
    %max3A_26 = vector.broadcast %max3A : f32 to vector<10000x1xf32>
    %max3A_27 = arith.maximumf %add3A_11, %max3A_26 : vector<10000x1xf32>
    %sqrt3A = math.sqrt %max3A_27 : vector<10000x1xf32>
    %div3A = arith.constant 1.000000e+00 : f32
    %div3A_28 = vector.broadcast %div3A : f32 to vector<10000x1xf32>
    %div3A_29 = arith.divf %div3A_28, %sqrt3A : vector<10000x1xf32>
    %max3A_30 = arith.constant 9.99999996E-13 : f32
    %max3A_31 = vector.broadcast %max3A_30 : f32 to vector<10000x1xf32>
    %max3A_32 = arith.maximumf %add3A_25, %max3A_31 : vector<10000x1xf32>
    %sqrt3A_33 = math.sqrt %max3A_32 : vector<10000x1xf32>
    %div3A_34 = arith.constant 1.000000e+00 : f32
    %div3A_35 = vector.broadcast %div3A_34 : f32 to vector<10000x1xf32>
    %div3A_36 = arith.divf %div3A_35, %sqrt3A_33 : vector<10000x1xf32>
    %get3A_37 = arith.constant 0 : index
    %get3A_38 = arith.constant 0 : index
    %get3A_39 = vector.load %arg2[%get3A_37, %get3A_38] : memref<10000x128xf32, #tpu.memory_space<vmem>>, vector<10000x128xf32>
    %mul3A = vector.broadcast %div3A_29 : vector<10000x1xf32> to vector<10000x128xf32>
    %mul3A_40 = arith.mulf %mul3A, %get3A_39 : vector<10000x128xf32>
    %swap3A = arith.constant 0 : index
    %swap3A_41 = arith.constant 0 : index
    %swap3A_42 = vector.load %arg4[%swap3A, %swap3A_41] : memref<10000x128xf32, #tpu.memory_space<vmem>>, vector<10000x128xf32>
    tpu.vector_store %arg4[%swap3A, %swap3A_41], %mul3A_40 {strides = array<i32>} : memref<10000x128xf32, #tpu.memory_space<vmem>>, vector<10000x128xf32>,
    %get3A_43 = arith.constant 0 : index
    %get3A_44 = arith.constant 0 : index
    %get3A_45 = vector.load %arg3[%get3A_43, %get3A_44] : memref<10000x128xf32, #tpu.memory_space<vmem>>, vector<10000x128xf32>
    %mul3A_46 = vector.broadcast %div3A_36 : vector<10000x1xf32> to vector<10000x128xf32>
    %mul3A_47 = arith.mulf %mul3A_46, %get3A_45 : vector<10000x128xf32>
    %swap3A_48 = arith.constant 0 : index
    %swap3A_49 = arith.constant 0 : index
    %swap3A_50 = vector.load %arg5[%swap3A_48, %swap3A_49] : memref<10000x128xf32, #tpu.memory_space<vmem>>, vector<10000x128xf32>
    tpu.vector_store %arg5[%swap3A_48, %swap3A_49], %mul3A_47 {strides = array<i32>} : memref<10000x128xf32, #tpu.memory_space<vmem>>, vector<10000x128xf32>,
    %swap3A_51 = arith.constant 0 : index
    %swap3A_52 = arith.constant 0 : index
    %swap3A_53 = vector.load %arg6[%swap3A_51, %swap3A_52] : memref<10000x1xf32, #tpu.memory_space<vmem>>, vector<10000x1xf32>
    tpu.vector_store %arg6[%swap3A_51, %swap3A_52], %div3A_29 {strides = array<i32>} : memref<10000x1xf32, #tpu.memory_space<vmem>>, vector<10000x1xf32>,
    %swap3A_54 = arith.constant 0 : index
    %swap3A_55 = arith.constant 0 : index
    %swap3A_56 = vector.load %arg7[%swap3A_54, %swap3A_55] : memref<10000x1xf32, #tpu.memory_space<vmem>>, vector<10000x1xf32>
    tpu.vector_store %arg7[%swap3A_54, %swap3A_55], %div3A_36 {strides = array<i32>} : memref<10000x1xf32, #tpu.memory_space<vmem>>, vector<10000x1xf32>,
    return
  }
}

module attributes {stable_mosaic.version = 14 : i64} {
  func.func @body(%arg0: memref<2x10240x128xf32, #tpu.memory_space<vmem>>, %arg1: memref<10000x128xf32, #tpu.memory_space<vmem>>, %arg2: memref<10000x1xf32, #tpu.memory_space<vmem>>, %arg3: memref<1x128xf32, #tpu.memory_space<vmem>>, %arg4: memref<2x10240x128xf32, #tpu.memory_space<vmem>>, %arg5: memref<10000x128xf32, #tpu.memory_space<vmem>>, %arg6: memref<10000x1xf32, #tpu.memory_space<vmem>>, %arg7: memref<1x128xf32, #tpu.memory_space<vmem>>, %arg8: memref<10240x128xf32, #tpu.memory_space<vmem>>, %arg9: memref<10240x128xf32, #tpu.memory_space<vmem>>) attributes {dimension_semantics = [], scalar_prefetch = 0 : i64, scratch_operands = 0 : i64, tpu.core_type = #tpu.core_type<tc>} {
    %broadcast_in_dim3A = arith.constant 0.000000e+00 : f32
    %broadcast_in_dim3A_0 = vector.broadcast %broadcast_in_dim3A : f32 to vector<10240x128xf32>
    %swap3A = arith.constant 0 : index
    %swap3A_1 = arith.constant 0 : index
    %swap3A_2 = vector.load %arg8[%swap3A, %swap3A_1] : memref<10240x128xf32, #tpu.memory_space<vmem>>, vector<10240x128xf32>
    tpu.vector_store %arg8[%swap3A, %swap3A_1], %broadcast_in_dim3A_0 {strides = array<i32>} : memref<10240x128xf32, #tpu.memory_space<vmem>>, vector<10240x128xf32>,
    %broadcast_in_dim3A_3 = arith.constant 0.000000e+00 : f32
    %broadcast_in_dim3A_4 = vector.broadcast %broadcast_in_dim3A_3 : f32 to vector<10240x128xf32>
    %swap3A_5 = arith.constant 0 : index
    %swap3A_6 = arith.constant 0 : index
    %swap3A_7 = vector.load %arg9[%swap3A_5, %swap3A_6] : memref<10240x128xf32, #tpu.memory_space<vmem>>, vector<10240x128xf32>
    tpu.vector_store %arg9[%swap3A_5, %swap3A_6], %broadcast_in_dim3A_4 {strides = array<i32>} : memref<10240x128xf32, #tpu.memory_space<vmem>>, vector<10240x128xf32>,
    %get3A = arith.constant 0 : index
    %get3A_8 = arith.constant 0 : index
    %get3A_9 = vector.load %arg2[%get3A, %get3A_8] : memref<10000x1xf32, #tpu.memory_space<vmem>>, vector<10000x1xf32>
    %get3A_10 = arith.constant 0 : index
    %get3A_11 = arith.constant 0 : index
    %get3A_12 = arith.constant 0 : index
    %get3A_13 = vector.load %arg0[%get3A_10, %get3A_11, %get3A_12] : memref<2x10240x128xf32, #tpu.memory_space<vmem>>, vector<1x10000x128xf32>
    %get3A_14 = vector.shape_cast %get3A_13 : vector<1x10000x128xf32> to vector<10000x128xf32>
    %get3A_15 = arith.constant 1 : index
    %get3A_16 = arith.constant 0 : index
    %get3A_17 = arith.constant 0 : index
    %get3A_18 = vector.load %arg0[%get3A_15, %get3A_16, %get3A_17] : memref<2x10240x128xf32, #tpu.memory_space<vmem>>, vector<1x10000x128xf32>
    %get3A_19 = vector.shape_cast %get3A_18 : vector<1x10000x128xf32> to vector<10000x128xf32>
    %add3A = arith.addf %get3A_14, %get3A_19 : vector<10000x128xf32>
    %get3A_20 = arith.constant 0 : index
    %get3A_21 = arith.constant 0 : index
    %get3A_22 = vector.load %arg1[%get3A_20, %get3A_21] : memref<10000x128xf32, #tpu.memory_space<vmem>>, vector<10000x128xf32>
    %add3A_23 = arith.addf %add3A, %get3A_22 : vector<10000x128xf32>
    %mul3A = vector.broadcast %get3A_9 : vector<10000x1xf32> to vector<10000x128xf32>
    %mul3A_24 = arith.mulf %mul3A, %add3A_23 : vector<10000x128xf32>
    %get3A_25 = arith.constant 0 : index
    %get3A_26 = arith.constant 0 : index
    %get3A_27 = vector.load %arg3[%get3A_25, %get3A_26] : memref<1x128xf32, #tpu.memory_space<vmem>>, vector<1x128xf32>
    %add3A_28 = vector.broadcast %get3A_27 : vector<1x128xf32> to vector<10000x128xf32>
    %add3A_29 = arith.addf %mul3A_24, %add3A_28 : vector<10000x128xf32>
    %max3A = arith.constant 0.000000e+00 : f32
    %max3A_30 = vector.broadcast %max3A : f32 to vector<10000x128xf32>
    %max3A_31 = arith.maximumf %add3A_29, %max3A_30 : vector<10000x128xf32>
    %swap3A_32 = arith.constant 0 : index
    %swap3A_33 = arith.constant 0 : index
    %swap3A_34 = vector.load %arg8[%swap3A_32, %swap3A_33] : memref<10240x128xf32, #tpu.memory_space<vmem>>, vector<10000x128xf32>
    tpu.vector_store %arg8[%swap3A_32, %swap3A_33], %max3A_31 {strides = array<i32>} : memref<10240x128xf32, #tpu.memory_space<vmem>>, vector<10000x128xf32>,
    %get3A_35 = arith.constant 0 : index
    %get3A_36 = arith.constant 0 : index
    %get3A_37 = vector.load %arg6[%get3A_35, %get3A_36] : memref<10000x1xf32, #tpu.memory_space<vmem>>, vector<10000x1xf32>
    %get3A_38 = arith.constant 0 : index
    %get3A_39 = arith.constant 0 : index
    %get3A_40 = arith.constant 0 : index
    %get3A_41 = vector.load %arg4[%get3A_38, %get3A_39, %get3A_40] : memref<2x10240x128xf32, #tpu.memory_space<vmem>>, vector<1x10000x128xf32>
    %get3A_42 = vector.shape_cast %get3A_41 : vector<1x10000x128xf32> to vector<10000x128xf32>
    %get3A_43 = arith.constant 1 : index
    %get3A_44 = arith.constant 0 : index
    %get3A_45 = arith.constant 0 : index
    %get3A_46 = vector.load %arg4[%get3A_43, %get3A_44, %get3A_45] : memref<2x10240x128xf32, #tpu.memory_space<vmem>>, vector<1x10000x128xf32>
    %get3A_47 = vector.shape_cast %get3A_46 : vector<1x10000x128xf32> to vector<10000x128xf32>
    %add3A_48 = arith.addf %get3A_42, %get3A_47 : vector<10000x128xf32>
    %get3A_49 = arith.constant 0 : index
    %get3A_50 = arith.constant 0 : index
    %get3A_51 = vector.load %arg5[%get3A_49, %get3A_50] : memref<10000x128xf32, #tpu.memory_space<vmem>>, vector<10000x128xf32>
    %add3A_52 = arith.addf %add3A_48, %get3A_51 : vector<10000x128xf32>
    %mul3A_53 = vector.broadcast %get3A_37 : vector<10000x1xf32> to vector<10000x128xf32>
    %mul3A_54 = arith.mulf %mul3A_53, %add3A_52 : vector<10000x128xf32>
    %get3A_55 = arith.constant 0 : index
    %get3A_56 = arith.constant 0 : index
    %get3A_57 = vector.load %arg7[%get3A_55, %get3A_56] : memref<1x128xf32, #tpu.memory_space<vmem>>, vector<1x128xf32>
    %add3A_58 = vector.broadcast %get3A_57 : vector<1x128xf32> to vector<10000x128xf32>
    %add3A_59 = arith.addf %mul3A_54, %add3A_58 : vector<10000x128xf32>
    %max3A_60 = arith.constant 0.000000e+00 : f32
    %max3A_61 = vector.broadcast %max3A_60 : f32 to vector<10000x128xf32>
    %max3A_62 = arith.maximumf %add3A_59, %max3A_61 : vector<10000x128xf32>
    %swap3A_63 = arith.constant 0 : index
    %swap3A_64 = arith.constant 0 : index
    %swap3A_65 = vector.load %arg9[%swap3A_63, %swap3A_64] : memref<10240x128xf32, #tpu.memory_space<vmem>>, vector<10000x128xf32>
    tpu.vector_store %arg9[%swap3A_63, %swap3A_64], %max3A_62 {strides = array<i32>} : memref<10240x128xf32, #tpu.memory_space<vmem>>, vector<10000x128xf32>,
    return
  }
}

module attributes {stable_mosaic.version = 14 : i64} {
  func.func @body(%arg0: memref<2x128x128xf32, #tpu.memory_space<vmem>>, %arg1: memref<2x128x128xf32, #tpu.memory_space<vmem>>, %arg2: memref<128x128xf32, #tpu.memory_space<vmem>>, %arg3: memref<128x128xf32, #tpu.memory_space<vmem>>) attributes {dimension_semantics = [], scalar_prefetch = 0 : i64, scratch_operands = 0 : i64, tpu.core_type = #tpu.core_type<tc>} {
    %get3A = arith.constant 0 : index
    %get3A_0 = arith.constant 0 : index
    %get3A_1 = arith.constant 0 : index
    %get3A_2 = vector.load %arg0[%get3A, %get3A_0, %get3A_1] : memref<2x128x128xf32, #tpu.memory_space<vmem>>, vector<1x128x128xf32>
    %get3A_3 = vector.shape_cast %get3A_2 : vector<1x128x128xf32> to vector<128x128xf32>
    %get3A_4 = arith.constant 1 : index
    %get3A_5 = arith.constant 0 : index
    %get3A_6 = arith.constant 0 : index
    %get3A_7 = vector.load %arg0[%get3A_4, %get3A_5, %get3A_6] : memref<2x128x128xf32, #tpu.memory_space<vmem>>, vector<1x128x128xf32>
    %get3A_8 = vector.shape_cast %get3A_7 : vector<1x128x128xf32> to vector<128x128xf32>
    %add3A = arith.addf %get3A_3, %get3A_8 : vector<128x128xf32>
    %swap3A = arith.constant 0 : index
    %swap3A_9 = arith.constant 0 : index
    %swap3A_10 = vector.load %arg2[%swap3A, %swap3A_9] : memref<128x128xf32, #tpu.memory_space<vmem>>, vector<128x128xf32>
    tpu.vector_store %arg2[%swap3A, %swap3A_9], %add3A {strides = array<i32>} : memref<128x128xf32, #tpu.memory_space<vmem>>, vector<128x128xf32>,
    %get3A_11 = arith.constant 0 : index
    %get3A_12 = arith.constant 0 : index
    %get3A_13 = arith.constant 0 : index
    %get3A_14 = vector.load %arg1[%get3A_11, %get3A_12, %get3A_13] : memref<2x128x128xf32, #tpu.memory_space<vmem>>, vector<1x128x128xf32>
    %get3A_15 = vector.shape_cast %get3A_14 : vector<1x128x128xf32> to vector<128x128xf32>
    %get3A_16 = arith.constant 1 : index
    %get3A_17 = arith.constant 0 : index
    %get3A_18 = arith.constant 0 : index
    %get3A_19 = vector.load %arg1[%get3A_16, %get3A_17, %get3A_18] : memref<2x128x128xf32, #tpu.memory_space<vmem>>, vector<1x128x128xf32>
    %get3A_20 = vector.shape_cast %get3A_19 : vector<1x128x128xf32> to vector<128x128xf32>
    %add3A_21 = arith.addf %get3A_15, %get3A_20 : vector<128x128xf32>
    %swap3A_22 = arith.constant 0 : index
    %swap3A_23 = arith.constant 0 : index
    %swap3A_24 = vector.load %arg3[%swap3A_22, %swap3A_23] : memref<128x128xf32, #tpu.memory_space<vmem>>, vector<128x128xf32>
    tpu.vector_store %arg3[%swap3A_22, %swap3A_23], %add3A_21 {strides = array<i32>} : memref<128x128xf32, #tpu.memory_space<vmem>>, vector<128x128xf32>,
    return
  }
}

module attributes {stable_mosaic.version = 14 : i64} {
  func.func @body(%arg0: memref<128x128xf32, #tpu.memory_space<vmem>>, %arg1: memref<128x128xf32, #tpu.memory_space<vmem>>, %arg2: memref<128x128xf32, #tpu.memory_space<vmem>>, %arg3: memref<1x128xf32, #tpu.memory_space<vmem>>, %arg4: memref<128x2xf32, #tpu.memory_space<vmem>>, %arg5: memref<1x2xf32, #tpu.memory_space<vmem>>, %arg6: memref<128x2xf32, #tpu.memory_space<vmem>>) attributes {dimension_semantics = [], scalar_prefetch = 0 : i64, scratch_operands = 0 : i64, tpu.core_type = #tpu.core_type<tc>} {
    %get3A = arith.constant 0 : index
    %get3A_0 = arith.constant 0 : index
    %get3A_1 = vector.load %arg0[%get3A, %get3A_0] : memref<128x128xf32, #tpu.memory_space<vmem>>, vector<128x128xf32>
    %get3A_2 = arith.constant 0 : index
    %get3A_3 = arith.constant 0 : index
    %get3A_4 = vector.load %arg1[%get3A_2, %get3A_3] : memref<128x128xf32, #tpu.memory_space<vmem>>, vector<128x128xf32>
    %add3A = arith.addf %get3A_1, %get3A_4 : vector<128x128xf32>
    %reduce_sum3A = arith.constant dense<0.000000e+00> : vector<128xf32>
    %reduce_sum3A_5 = vector.multi_reduction <add>, %add3A, %reduce_sum3A [0] : vector<128x128xf32> to vector<128xf32>
    %broadcast_in_dim3A = vector.shape_cast %reduce_sum3A_5 : vector<128xf32> to vector<1x128xf32>
    %div3A = arith.constant 1.280000e+02 : f32
    %div3A_6 = vector.broadcast %div3A : f32 to vector<1x128xf32>
    %div3A_7 = arith.divf %broadcast_in_dim3A, %div3A_6 : vector<1x128xf32>
    %sub3A = vector.broadcast %div3A_7 : vector<1x128xf32> to vector<128x128xf32>
    %sub3A_8 = arith.subf %add3A, %sub3A : vector<128x128xf32>
    %mul3A = arith.mulf %sub3A_8, %sub3A_8 : vector<128x128xf32>
    %reduce_sum3A_9 = arith.constant dense<0.000000e+00> : vector<128xf32>
    %reduce_sum3A_10 = vector.multi_reduction <add>, %mul3A, %reduce_sum3A_9 [0] : vector<128x128xf32> to vector<128xf32>
    %broadcast_in_dim3A_11 = vector.shape_cast %reduce_sum3A_10 : vector<128xf32> to vector<1x128xf32>
    %div3A_12 = arith.constant 1.280000e+02 : f32
    %div3A_13 = vector.broadcast %div3A_12 : f32 to vector<1x128xf32>
    %div3A_14 = arith.divf %broadcast_in_dim3A_11, %div3A_13 : vector<1x128xf32>
    %add3A_15 = arith.constant 9.99999974E-6 : f32
    %add3A_16 = vector.broadcast %add3A_15 : f32 to vector<1x128xf32>
    %add3A_17 = arith.addf %div3A_14, %add3A_16 : vector<1x128xf32>
    %sqrt3A = math.sqrt %add3A_17 : vector<1x128xf32>
    %div3A_18 = vector.broadcast %sqrt3A : vector<1x128xf32> to vector<128x128xf32>
    %div3A_19 = arith.divf %sub3A_8, %div3A_18 : vector<128x128xf32>
    %add3A_20 = arith.constant 9.99999974E-5 : f32
    %add3A_21 = vector.broadcast %add3A_20 : f32 to vector<128x128xf32>
    %add3A_22 = arith.addf %div3A_19, %add3A_21 : vector<128x128xf32>
    %get3A_23 = arith.constant 0 : index
    %get3A_24 = arith.constant 0 : index
    %get3A_25 = vector.load %arg2[%get3A_23, %get3A_24] : memref<128x128xf32, #tpu.memory_space<vmem>>, vector<128x128xf32>
    %dot_general3A = arith.constant dense<0.000000e+00> : vector<128x128xf32>
    %dot_general3A_26 = tpu.matmul %add3A_22, %get3A_25, %dot_general3A {dimension_numbers = #tpu.dot_dimension_numbers<[1], [0], [0], [1], [0, 0, 1, 1], [], []>, transpose_lhs_hint = false} : vector<128x128xf32>, vector<128x128xf32>, vector<128x128xf32> -> vector<128x128xf32>
    %get3A_27 = arith.constant 0 : index
    %get3A_28 = arith.constant 0 : index
    %get3A_29 = vector.load %arg3[%get3A_27, %get3A_28] : memref<1x128xf32, #tpu.memory_space<vmem>>, vector<1x128xf32>
    %add3A_30 = vector.broadcast %get3A_29 : vector<1x128xf32> to vector<128x128xf32>
    %add3A_31 = arith.addf %dot_general3A_26, %add3A_30 : vector<128x128xf32>
    %max3A = arith.constant 0.000000e+00 : f32
    %max3A_32 = vector.broadcast %max3A : f32 to vector<128x128xf32>
    %max3A_33 = arith.maximumf %add3A_31, %max3A_32 : vector<128x128xf32>
    %reduce_sum3A_34 = arith.constant dense<0.000000e+00> : vector<128xf32>
    %reduce_sum3A_35 = vector.multi_reduction <add>, %max3A_33, %reduce_sum3A_34 [0] : vector<128x128xf32> to vector<128xf32>
    %broadcast_in_dim3A_36 = vector.shape_cast %reduce_sum3A_35 : vector<128xf32> to vector<1x128xf32>
    %div3A_37 = arith.constant 1.280000e+02 : f32
    %div3A_38 = vector.broadcast %div3A_37 : f32 to vector<1x128xf32>
    %div3A_39 = arith.divf %broadcast_in_dim3A_36, %div3A_38 : vector<1x128xf32>
    %sub3A_40 = vector.broadcast %div3A_39 : vector<1x128xf32> to vector<128x128xf32>
    %sub3A_41 = arith.subf %max3A_33, %sub3A_40 : vector<128x128xf32>
    %mul3A_42 = arith.mulf %sub3A_41, %sub3A_41 : vector<128x128xf32>
    %reduce_sum3A_43 = arith.constant dense<0.000000e+00> : vector<128xf32>
    %reduce_sum3A_44 = vector.multi_reduction <add>, %mul3A_42, %reduce_sum3A_43 [0] : vector<128x128xf32> to vector<128xf32>
    %broadcast_in_dim3A_45 = vector.shape_cast %reduce_sum3A_44 : vector<128xf32> to vector<1x128xf32>
    %div3A_46 = arith.constant 1.280000e+02 : f32
    %div3A_47 = vector.broadcast %div3A_46 : f32 to vector<1x128xf32>
    %div3A_48 = arith.divf %broadcast_in_dim3A_45, %div3A_47 : vector<1x128xf32>
    %add3A_49 = arith.constant 9.99999974E-6 : f32
    %add3A_50 = vector.broadcast %add3A_49 : f32 to vector<1x128xf32>
    %add3A_51 = arith.addf %div3A_48, %add3A_50 : vector<1x128xf32>
    %sqrt3A_52 = math.sqrt %add3A_51 : vector<1x128xf32>
    %div3A_53 = vector.broadcast %sqrt3A_52 : vector<1x128xf32> to vector<128x128xf32>
    %div3A_54 = arith.divf %sub3A_41, %div3A_53 : vector<128x128xf32>
    %add3A_55 = arith.constant 9.99999974E-5 : f32
    %add3A_56 = vector.broadcast %add3A_55 : f32 to vector<128x128xf32>
    %add3A_57 = arith.addf %div3A_54, %add3A_56 : vector<128x128xf32>
    %get3A_58 = arith.constant 0 : index
    %get3A_59 = arith.constant 0 : index
    %get3A_60 = vector.load %arg4[%get3A_58, %get3A_59] : memref<128x2xf32, #tpu.memory_space<vmem>>, vector<128x2xf32>
    %dot_general3A_61 = arith.constant dense<0.000000e+00> : vector<128x2xf32>
    %dot_general3A_62 = tpu.matmul %add3A_57, %get3A_60, %dot_general3A_61 {dimension_numbers = #tpu.dot_dimension_numbers<[1], [0], [0], [1], [0, 0, 1, 1], [], []>, transpose_lhs_hint = false} : vector<128x128xf32>, vector<128x2xf32>, vector<128x2xf32> -> vector<128x2xf32>
    %get3A_63 = arith.constant 0 : index
    %get3A_64 = arith.constant 0 : index
    %get3A_65 = vector.load %arg5[%get3A_63, %get3A_64] : memref<1x2xf32, #tpu.memory_space<vmem>>, vector<1x2xf32>
    %add3A_66 = vector.broadcast %get3A_65 : vector<1x2xf32> to vector<128x2xf32>
    %add3A_67 = arith.addf %dot_general3A_62, %add3A_66 : vector<128x2xf32>
    %reduce_max3A = arith.constant dense<0xFF800000> : vector<128xf32>
    %reduce_max3A_68 = vector.multi_reduction <maximumf>, %add3A_67, %reduce_max3A [1] : vector<128x2xf32> to vector<128xf32>
    %broadcast_in_dim3A_69 = vector.shape_cast %reduce_max3A_68 : vector<128xf32> to vector<128x1xf32>
    %sub3A_70 = vector.broadcast %broadcast_in_dim3A_69 : vector<128x1xf32> to vector<128x2xf32>
    %sub3A_71 = arith.subf %add3A_67, %sub3A_70 : vector<128x2xf32>
    %exp3A = math.exp %sub3A_71 : vector<128x2xf32>
    %sub3A_72 = vector.broadcast %broadcast_in_dim3A_69 : vector<128x1xf32> to vector<128x2xf32>
    %sub3A_73 = arith.subf %add3A_67, %sub3A_72 : vector<128x2xf32>
    %reduce_sum3A_74 = arith.constant dense<0.000000e+00> : vector<128xf32>
    %reduce_sum3A_75 = vector.multi_reduction <add>, %exp3A, %reduce_sum3A_74 [1] : vector<128x2xf32> to vector<128xf32>
    %broadcast_in_dim3A_76 = vector.shape_cast %reduce_sum3A_75 : vector<128xf32> to vector<128x1xf32>
    %log3A = math.log %broadcast_in_dim3A_76 : vector<128x1xf32>
    %sub3A_77 = vector.broadcast %log3A : vector<128x1xf32> to vector<128x2xf32>
    %sub3A_78 = arith.subf %sub3A_73, %sub3A_77 : vector<128x2xf32>
    %swap3A = arith.constant 0 : index
    %swap3A_79 = arith.constant 0 : index
    %swap3A_80 = vector.load %arg6[%swap3A, %swap3A_79] : memref<128x2xf32, #tpu.memory_space<vmem>>, vector<128x2xf32>
    tpu.vector_store %arg6[%swap3A, %swap3A_79], %sub3A_78 {strides = array<i32>} : memref<128x2xf32, #tpu.memory_space<vmem>>, vector<128x2xf32>,
    return
  }
}

</mosaic_0001>

<sc_bundles>
// kernel: kernel.25.cloned.1.call-start
scs
__scs_entry_jumppad:
0x0: {  	(pc) =	sbr.rel $0x88, $3  }
0x1: {  	(tag) =	ssettag $0x0;
	lr =	simm.s32 $0x1  }
0x2: {  	[smem:$0x3F7D] =	sst lr;
	_ =	strace $0xD0000000  }
0x3: {  	_ = 	snop  }
0x4: {  	_ = 	snop  }
0x5: {  	_ = 	snop  }
0x6: {  	_ = 	snop  }
0x7: {  	_ = 	snop  }
__scs_overlays_trampoline_lowered:
0x8: {  	[smem:$0x3F8C] =	sst s0  }
0x9: {  	[smem:$0x3F8D] =	sst s1  }
0xa: {  	[smem:$0x3F8E] =	sst s2  }
0xb: {  	[smem:$0x3F8F] =	sst s3  }
0xc: {  	[smem:$0x3F90] =	sst s4  }
0xd: {  	[smem:$0x3F91] =	sst s5  }
0xe: {  	[smem:$0x3F92] =	sst s6  }
0xf: {  	[smem:$0x3F93] =	sst s7  }
0x10: {  	[smem:$0x3F94] =	sst s8  }
0x11: {  	[smem:$0x3F95] =	sst s9;
	s0 =	simm.s32 @!p0 $0x0  }
0x12: {  	s1 =	sld [smem:$0x3F7B];
	s0 =	simm.s32 @p0 $0x1  }
0x13: {  	[smem:$0x3F96] =	sst s0;
	s0 =	simm.s32 @!p1 $0x0  }
0x14: {  	s2 =	sld [smem:$0x3F7A];
	s0 =	simm.s32 @p1 $0x1  }
0x15: {  	[smem:$0x3F97] =	sst s0;
	s0 =	simm.s32 @!p2 $0x0  }
0x16: {  	s3 =	sld [smem:$0x3FDB];
	s0 =	simm.s32 @p2 $0x1  }
0x17: {  	s4 =	simm.s32 $0x1BF5;
	[smem:$0x3F99] =	sst s0  }
0x18: {  	s0 =	sld [smem:$0x3F7C];
	_ =	swait.ge [sflag:s4], $0x0  }
0x19: {  	s7 =	sld [smem:$0x3F7D]  }
0x1a: {  	s8 =	sadd.s32 $0xFFFFE003, lr  }
0x1b: {  	s9 =	sadd.s32 $0xFFFFFEF7, lr;
	s5 =	simm.s32 $0xFFFFFFFF;
	p2 =	slt.u32 s8, $0xFFFFF086  }
0x1c: {  	p1 =	slt.u32 s9, $0xF7A;
	s5 =	simm.s32 @!p2 $0x0  }
0x1d: {  	s5 =	simm.s32 @p1 $0x1;
	p0 =	seq.s32 s7, s2  }
0x1e: {  	s7 =	smul.u32 @!p0 $0xF7A, s2;
	p2 =	seq.s32 @!p0 s5, $0x0  }
0x1f: {  	s9 =	smul.u32 $0xF7A, s1;
	s8 =	simm.s32 @!p0 $0x1BF5;
	p2 =	por !p2, p0  }
0x20: {  	[sflag:s8] =	ssyncset.s32 @!p0 $0xFFFFF086;
	s6 =	sadd.s32 @!p0 s3, s7;
	s7 =	simm.s32 @!p0 $0x108  }
0x21: {  	s3 =	sadd.s32 s3, s9;
	s6 =	sadd.s32 @!p0 $0x88, s6;
	s7 =	simm.s32 @p2 $0x1082  }
0x22: {  	[simem:s7], [sflag:s8] =	dma.local @!p0 [hbm:s6], $0xF7A  }
0x23: {  	s9 =	sor.u32 $0xD0000000, s2;
	s6 =	simm.s32 $0x108;
	_ =	swait.ge @!p0 [sflag:s8], $0x0  }
0x24: {  	s3 =	sadd.s32 $0x88, s3;
	s6 =	simm.s32 @!p1 $0x1082;
	[sflag:s4] =	ssyncset.s32 $0xFFFFF086  }
0x25: {  	[simem:s6], [sflag:s4] =	dma.local [hbm:s3], $0xF7A  }
0x26: {  	[smem:$0x3F7D] =	sst s1;
	(tag) =	ssettag s2;
	_ =	strace s9  }
0x27: {  	s1 =	sld [smem:$0x3F8D]  }
0x28: {  	s2 =	sld [smem:$0x3F8E]  }
0x29: {  	s4 =	sld [smem:$0x3F90]  }
0x2a: {  	p0 =	seq.s32 s5, $0x0;
	s5 =	sld [smem:$0x3F91]  }
0x2b: {  	s6 =	sld [smem:$0x3F92]  }
0x2c: {  	s7 =	sld [smem:$0x3F93]  }
0x2d: {  	s3 =	simm.s32 $0x108;
	s8 =	sld [smem:$0x3F94]  }
0x2e: {  	s3 =	simm.s32 @!p0 $0x1082;
	s9 =	sld [smem:$0x3F95]  }
0x2f: {  	lr =	sadd.s32 s0, s3;
	s0 =	sld [smem:$0x3F8C]  }
0x30: {  	s3 =	sld [smem:$0x3F8F]  }
0x31: {  	[smem:$0x3F98] =	sst s10  }
0x32: {  	s10 =	sld [smem:$0x3F96];
	_ =	sdelay $0x3  }
0x33: {  	p0 =	seq.s32 s10, $0x1;
	s10 =	sld [smem:$0x3F98];
	_ =	sdelay $0x3  }
0x34: {  	[smem:$0x3F98] =	sst s10  }
0x35: {  	s10 =	sld [smem:$0x3F97];
	_ =	sdelay $0x3  }
0x36: {  	p1 =	seq.s32 s10, $0x1;
	s10 =	sld [smem:$0x3F98];
	_ =	sdelay $0x3  }
0x37: {  	[smem:$0x3F98] =	sst s10  }
0x38: {  	s10 =	sld [smem:$0x3F99]  }
0x39: {  	_ = 	snop;
	(pc) =	sbr.ind lr, $3  }
0x3a: {  	_ = 	snop  }
0x3b: {  	_ = 	snop  }
0x3c: {  	p2 =	seq.s32 s10, $0x1;
	s10 =	sld [smem:$0x3F98]  }
0x3d: {  	_ =	shalt  }
0x3e: {  	_ =	shalt  }
0x3f: {  	_ =	shalt  }
0x40: {  	_ =	shalt  }
0x41: {  	_ =	shalt  }
0x42: {  	_ =	shalt  }
0x43: {  	_ =	shalt  }
0x44: {  	_ =	shalt  }
0x45: {  	_ =	shalt  }
0x46: {  	_ =	shalt  }
0x47: {  	_ =	shalt  }
0x48: {  	_ =	shalt  }
0x49: {  	_ =	shalt  }
0x4a: {  	_ =	shalt  }
0x4b: {  	_ =	shalt  }
0x4c: {  	_ =	shalt  }
0x4d: {  	_ =	shalt  }
0x4e: {  	_ =	shalt  }
0x4f: {  	_ =	shalt  }
0x50: {  	_ =	shalt  }
0x51: {  	_ =	shalt  }
0x52: {  	_ =	shalt  }
0x53: {  	_ =	shalt  }
0x54: {  	_ =	shalt  }
0x55: {  	_ =	shalt  }
0x56: {  	_ =	shalt  }
0x57: {  	_ =	shalt  }
0x58: {  	_ =	shalt  }
0x59: {  	_ =	shalt  }
0x5a: {  	_ =	shalt  }
0x5b: {  	_ =	shalt  }
0x5c: {  	_ =	shalt  }
0x5d: {  	_ =	shalt  }
0x5e: {  	_ =	shalt  }
0x5f: {  	_ =	shalt  }
0x60: {  	_ =	shalt  }
0x61: {  	_ =	shalt  }
0x62: {  	_ =	shalt  }
0x63: {  	_ =	shalt  }
0x64: {  	_ =	shalt  }
0x65: {  	_ =	shalt  }
0x66: {  	_ =	shalt  }
0x67: {  	_ =	shalt  }
0x68: {  	_ =	shalt  }
0x69: {  	_ =	shalt  }
0x6a: {  	_ =	shalt  }
0x6b: {  	_ =	shalt  }
0x6c: {  	_ =	shalt  }
0x6d: {  	_ =	shalt  }
0x6e: {  	_ =	shalt  }
0x6f: {  	_ =	shalt  }
0x70: {  	_ =	shalt  }
0x71: {  	_ =	shalt  }
0x72: {  	_ =	shalt  }
0x73: {  	_ =	shalt  }
0x74: {  	_ =	shalt  }
0x75: {  	_ =	shalt  }
0x76: {  	_ =	shalt  }
0x77: {  	_ =	shalt  }
0x78: {  	_ =	shalt  }
0x79: {  	_ =	shalt  }
0x7a: {  	_ =	shalt  }
0x7b: {  	_ =	shalt  }
0x7c: {  	_ =	shalt  }
0x7d: {  	_ =	shalt  }
0x7e: {  	_ =	shalt  }
0x7f: {  	_ =	shalt  }
0x80: {  	_ =	shalt  }
0x81: {  	_ =	shalt  }
0x82: {  	_ =	shalt  }
0x83: {  	_ =	shalt  }
0x84: {  	_ =	shalt  }
0x85: {  	_ =	shalt  }
0x86: {  	_ =	shalt  }
0x87: {  	_ =	shalt  }
.Lfunc_end0:
.L_simem_size_0:
called_computation_lowered:
.L_overlay_start_0:
0x88: {  	s2 =	sld [smem:$0x3FD9]  }
0x89: {  	s3 =	sld [smem:$0x3FFE];
	_ =	sdelay $0x1  }
0x8a: {  	s1 =	srdreg.scid  }
0x8b: {  	s0 =	sand.u32 $0x1, s1  }
0x8c: {  	s16 =	sshll.u32 s0, $0xA;
	s2 =	sadd.s32 s3, s2  }
0x8d: {  	s2 =	sadd.s32 s2, s16  }
0x8e: {  	[smem:$0x3FA4] =	sst s2  }
0x8f: {  	_ = 	snop  }
0x90: {  	(tm) =	ssettm $0x1  }
0x91: {  	s17 =	sld [smem:$0x3FFB];
	_ =	sdelay $0x3  }
0x92: {  	_ =	strace s17  }
0x93: {  	s2 =	sld [smem:$0x3FFC];
	_ =	sdelay $0x3  }
0x94: {  	_ =	strace s2  }
0x95: {  	s2 =	sld [smem:$0x3FFD];
	_ =	sdelay $0x3  }
0x96: {  	_ =	strace s2  }
0x97: {  	_ =	strace $0x8FFFFFFF  }
0x98: {  	s18 =	sld [smem:$0x3FDB];
	_ =	sdelay $0x1  }
0x99: {  	s19 =	simm.s32 $_scs_section_size  }
0x9a: {  	s4 =	simm.s32 $_size__tile_overlayer_lowered;
	s5 =	simm.s32 $_tile_overlayer_lowered  }
0x9b: {  	s22 =	simm.s32 $0x1BFF;
	s21 =	sshll.u32 s5, $0x1;
	s2 =	sadd.s32 s19, s18  }
0x9c: {  	s6 =	simm.s32 $0x0;
	s20 =	sshll.u32 s4, $0x1;
	s4 =	sadd.s32 s21, s2  }
0x9d: {  	[timem:s6], [sflag:s22] =	dma.local [hbm:s4], s20  }
0x9e: {  	_ =	swait.ge [sflag:s22], s20  }
0x9f: {  	s3 =	ssub.s32 $0x0, s20;
	[sflag:s22] =	ssyncset.done $0x0  }
0xa0: {  	[sflag:s22] =	ssyncadd.s32 s3;
	_ =	sdelay $0x1  }
0xa1: {  	s23 =	simm.s32 $0x1B8B  }
0xa2: {  	_ =	swait.ge [sflag:s23], $0x1  }
0xa3: {  	[sflag:s23] =	ssyncset.done $0x0  }
0xa4: {  	s25 =	simm.s32 $0x1B8E;
	s24 =	sld [smem:$0x3FFE];
	[sflag:s23] =	ssyncadd.s32 $0xFFFFFFFF  }
0xa5: {  	s26 =	simm.s32 $execute0_lowered;
	[smem:$0x3FD2] =	sst s25  }
0xa6: {  	s4 =	sshll.u32 s26, $0x1;
	_ =	strace $0x80000046;
	[dreg:$0x1] =	wrdreg $0xFFFFFFFF  }
0xa7: {  	s28 =	simm.s32 $_size_execute0_lowered;
	s2 =	sadd.s32 s2, s4;
	[dreg:$0x0] =	wrdreg $0x0  }
0xa8: {  	s4 =	sshll.u32 s28, $0x1;
	[dreg:$0x2] =	wrdreg s2  }
0xa9: {  	[dreg:$0x3] =	wrdreg s4  }
0xaa: {  	[dreg:$0x4] =	wrdreg $0xC0  }
0xab: {  	_ =	task [dreg:s6], $0x5FFFF  }
0xac: {  	[dreg:$0x1] =	wrdreg $0xFFFFFFFF  }
0xad: {  	[dreg:$0x0] =	wrdreg $0x60  }
0xae: {  	[dreg:$0x2] =	wrdreg s24  }
0xaf: {  	[dreg:$0x3] =	wrdreg $0x29000  }
0xb0: {  	[dreg:$0x4] =	wrdreg $0x9  }
0xb1: {  	_ =	task.clear_ibuf [dreg:s6], $0x5FFFF;
	_ =	strace $0x90000046  }
0xb2: {  	s29 =	simm.s32 $0x9;
	_ =	strace $0x80000048  }
0xb3: {  	_ =	swait.ge [sflag:s29], $0x1  }
0xb4: {  	[sflag:s29] =	ssyncadd.s32 $0xFFFFFFFF  }
0xb5: {  	_ =	strace $0x90000048  }
0xb6: {  	_ =	sfence  }
0xb7: {  	s30 =	sld [smem:$0x0];
	_ =	sdelay $0x2  }
0xb8: {  	s31 =	sshll.u32 s1, $0xD;
	s1 =	sshrl.u32 s1, $0x2  }
0xb9: {  	s3 =	sand.u32 $0x4000, s31;
	s1 =	sadd.s32 s1, s30  }
0xba: {  	s0 =	sor.u32 s3, s0;
	s1 =	sshll.u32 s1, $0x11  }
0xbb: {  	s0 =	sor.u32 s1, s0  }
0xbc: {  	s0 =	sadd.s32 $0x8F2B, s0  }
0xbd: {  	[sflag:s0] =	ssyncadd.remote.s32 $0x1  }
0xbe: {  	_ =	sfence.sel $0xFFFF  }
0xbf: {  	[dreg:$0x0] =	wrdreg $0xFFFFFFFF;
	(pc) =	sbr.abs _section_cstart, $3  }
0xc0: {  	[dreg:$0x1] =	wrdreg $0xFFFFFFFF  }
0xc1: {  	_ =	task.clear_ibuf [dreg:s6], $0x2FFFF;
	_ =	strace $0x9FFFFFFF  }
0xc2: {  	(tm) =	ssettm $0x7FFFFFFF  }
0xc3: {  	_ =	shalt  }
tec
execute0_lowered:
.L_overlay_start_1:
0x0: {  	(tag) =	ssettag $0x1  }
0x1: {  	s6 =	rddreg [dreg:$0x0]  }
0x2: {  	s2 =	rddreg [dreg:$0x1]  }
0x3: {  	s0 =	srdreg.scid;
	s1 =	rddreg [dreg:$0x2]  }
0x4: {  	s3 =	simm.s32 $0x0;
	s13 =	simm.s32 $0x80;
	s7 =	sand.u32 $0x1, s0  }
0x5: {  	s14 =	simm.s32 $0x50;
	s0 =	stileid.u32;
	s4 =	smul.u32 $0x27100, s7  }
0x6: {  	s15 =	simm.s32 $0x100;
	s16 =	simm.s32 $0x1;
	s5 =	smul.u32 $0x2710, s0  }
0x7: {  	s17 =	simm.s32 $0x0;
	[smem:$0x7FF] =	sst s3;
	s8 =	smul.u32 $0x140000, s7  }
0x8: {  	s9 =	smul.u32 $0x14000, s0;
	_ =	strace $0x80000047;
	s7 =	ssub.s32 $0x2, s7  }
0x9: {  	s29 =	smul.u32 $0x50000, s0;
	s31 =	sshll.u32 s0, $0x6;
	s30 =	sshrl.u32 s7, $0x1  }
0xa: {  	s5 =	sadd.s32 s5, s4;
	s4 =	sadd.s32 $0x1AE00, s6;
	s8 =	sadd.s32 s9, s8  }
0xb: {  	s9 =	sshrl.u32 s29, $0x2;
	s11 =	ssub.s32 s7, s30;
	s5 =	sshrl.u32 s5, $0x3  }
0xc: {  	s8 =	sshrl.u32 s8, $0x3;
	s12 =	sadd.s32 s9, s2;
	s10 =	sadd.s32 s5, s6  }
0xd: {  	s5 =	sadd.s32 $0x42000, s6;
	s8 =	sadd.s32 s8, s6;
	s6 =	sor.u32 $0x1C02, s31  }
0xe: {  	s7 =	sadd.s32 $0x44800, s8;
	s8 =	smax.u32 s11, $0x1;
	s9 =	sadd.s32 $0x7200, s10  }
0xf: {  	s10 =	sadd.s32 $0x11000, s10;
	s11 =	sshrl.u32 s12, $0x3;
	s12 =	simm.s32 $0x2  }
.LBB2_1:
0x10: {  	[spmem:s11], [sflag:s6] =	dma.local [hbm:s5], $0x2800  }
0x11: {  	_ =	swait.ge [sflag:s12], $0x2800  }
0x12: {  	[sflag:s12] =	ssyncset.done $0x0  }
0x13: {  	[sflag:s12] =	ssyncadd.s32 $0xFFFFD800  }
0x14: {  	s18 =	sadd.s32 $0x0, s10;
	[bflag:$0x0] =	sbarrier.arrive $0xFFFF  }
0x15: {  	[tilespmem:s3], [sflag:$0x2] =	stream.linear.gather [hbm4b:s18+s3], $0x50, $0x38;
	[tilespmem:$0x16900] =	vst v63  }
0x16: {  	_ =	swait.ge [sflag:s12], $0x50  }
0x17: {  	[sflag:s12] =	ssyncset.done $0x0  }
0x18: {  	s31 =	sadd.s32 $0x0, s9;
	[sflag:s12] =	ssyncadd.s32 $0xFFFFFFB0  }
0x19: {  	[tilespmem:s13], [sflag:$0x2] =	stream.linear.gather [hbm4b:s31+s3], $0x50, $0x38;
	[tilespmem:$0x16900] =	vst v63  }
0x1a: {  	_ =	swait.ge [sflag:s12], $0x50  }
0x1b: {  	[sflag:s12] =	ssyncset.done $0x0  }
0x1c: {  	[sflag:s12] =	ssyncadd.s32 $0xFFFFFFB0  }
0x1d: {  	[tilespmem:s15], [sflag:$0x1] =	stream.indirect.gather [hbm4b:s4+s14], $0x80, s3, s14, $0xb8;
	[tilespmem:$0x16900] =	vst v63  }
0x1e: {  	_ =	swait.ge [sflag:s16], $0x2800  }
0x1f: {  	[sflag:s16] =	ssyncset.done $0x0  }
0x20: {  	[sflag:s16] =	ssyncadd.s32 $0xFFFFD800  }
0x21: {  	[spmem:s2] =	stream.indirect.scatter.add.f32 [tilespmem:s15], [sflag:$0x2], $0x80, s13, s14, $0xb8;
	[tilespmem:$0x16900] =	vst v63  }
0x22: {  	_ =	swait.ge [sflag:s12], $0x2800  }
0x23: {  	s19 =	simm.s32 $0x14;
	s18 =	simm.s32 $0xA;
	[sflag:s12] =	ssyncset.done $0x0  }
.LBB2_2:
0x24: {  	s20 =	sadd.s32 s18, s10  }
0x25: {  	[sflag:s12] =	ssyncadd.s32 $0xFFFFD800;
	s21 =	smov.u32 s19;
	s22 =	sadd.s32 $0xA, s19  }
0x26: {  	[tilespmem:s3], [sflag:$0x2] =	stream.linear.gather [hbm4b:s20+s3], $0x50, $0x38;
	[tilespmem:$0x16900] =	vst v63  }
0x27: {  	p0 =	sne.s32 s19, $0x4D8;
	_ =	swait.ge [sflag:s12], $0x50  }
0x28: {  	[sflag:s12] =	ssyncset.done $0x0  }
0x29: {  	s19 =	sadd.s32 s18, s9;
	s18 =	smov.u32 s21;
	[sflag:s12] =	ssyncadd.s32 $0xFFFFFFB0  }
0x2a: {  	[tilespmem:s13], [sflag:$0x2] =	stream.linear.gather [hbm4b:s19+s3], $0x50, $0x38;
	[tilespmem:$0x16900] =	vst v63  }
0x2b: {  	_ =	swait.ge [sflag:s12], $0x50  }
0x2c: {  	[sflag:s12] =	ssyncset.done $0x0  }
0x2d: {  	[sflag:s12] =	ssyncadd.s32 $0xFFFFFFB0  }
0x2e: {  	[tilespmem:s15], [sflag:$0x1] =	stream.indirect.gather [hbm4b:s4+s14], $0x80, s3, s14, $0xb8;
	[tilespmem:$0x16900] =	vst v63  }
0x2f: {  	_ =	swait.ge [sflag:s16], $0x2800  }
.Ltmp0:
0x30: {  	[sflag:s16] =	ssyncset.done $0x0;
	(pc) =	sbr.rel @p0 .LBB2_2-.Ltmp0, $4  }
0x31: {  	[sflag:s16] =	ssyncadd.s32 $0xFFFFD800  }
0x32: {  	[spmem:s2] =	stream.indirect.scatter.add.f32 [tilespmem:s15], [sflag:$0x2], $0x80, s13, s14, $0xb8;
	[tilespmem:$0x16900] =	vst v63  }
0x33: {  	_ =	swait.ge [sflag:s12], $0x2800  }
0x34: {  	s19 =	smov.u32 s22;
	[sflag:s12] =	ssyncset.done $0x0  }
0x35: {  	s19 =	sadd.s32 s18, s10;
	[sflag:s12] =	ssyncadd.s32 $0xFFFFD800  }
0x36: {  	[tilespmem:s3], [sflag:$0x2] =	stream.linear.gather [hbm4b:s19+s3], $0x50, $0x38;
	[tilespmem:$0x16900] =	vst v63  }
0x37: {  	_ =	swait.ge [sflag:s12], $0x50  }
0x38: {  	[sflag:s12] =	ssyncset.done $0x0  }
0x39: {  	s31 =	sadd.s32 s18, s9;
	[sflag:s12] =	ssyncadd.s32 $0xFFFFFFB0  }
0x3a: {  	[tilespmem:s13], [sflag:$0x2] =	stream.linear.gather [hbm4b:s31+s3], $0x50, $0x38;
	[tilespmem:$0x16900] =	vst v63  }
0x3b: {  	_ =	swait.ge [sflag:s12], $0x50  }
0x3c: {  	[sflag:s12] =	ssyncset.done $0x0  }
0x3d: {  	[sflag:s12] =	ssyncadd.s32 $0xFFFFFFB0  }
0x3e: {  	[tilespmem:s15], [sflag:$0x1] =	stream.indirect.gather [hbm4b:s4+s14], $0x80, s3, s14, $0xb8;
	[tilespmem:$0x16900] =	vst v63  }
0x3f: {  	_ =	swait.ge [sflag:s16], $0x2800  }
0x40: {  	[sflag:s16] =	ssyncset.done $0x0  }
0x41: {  	[sflag:s16] =	ssyncadd.s32 $0xFFFFD800  }
0x42: {  	[spmem:s2] =	stream.indirect.scatter.add.f32 [tilespmem:s15], [sflag:$0x2], $0x80, s13, s14, $0xb8;
	[tilespmem:$0x16900] =	vst v63  }
0x43: {  	_ =	swait.ge [sflag:s12], $0x2800  }
0x44: {  	s17 =	sadd.s32 $0x1, s17;
	[sflag:s12] =	ssyncset.done $0x0  }
0x45: {  	p0 =	sne.s32 s17, s8;
	[sflag:s12] =	ssyncadd.s32 $0xFFFFD800  }
.Ltmp1:
0x46: {  	[bflag:$0x0] =	sbarrier.arrive $0xFFFF;
	(pc) =	sbr.rel @p0 .LBB2_1-.Ltmp1, $4  }
0x47: {  	[hbm:s7], [sflag:s6] =	dma.local [spmem:s11], $0x2800  }
0x48: {  	_ =	swait.ge [sflag:s12], $0x2800  }
0x49: {  	[sflag:s12] =	ssyncset.done $0x0  }
0x4a: {  	[sflag:s12] =	ssyncadd.s32 $0xFFFFD800  }
0x4b: {  	_ =	sfence.sel $0x180000  }
0x4c: {  	[bflag:$0x0] =	sbarrier.arrive $0xFFFF  }
0x4d: {  	p0 =	sne.s32 s0, $0x0;
	_ =	strace $0x90000047  }
0x4e: {  	s0 =	sadd.s32 @!p0 $0x100000, s1;
	[bflag:$0x2] =	sbarrier.arrive $0xFFFF  }
0x4f: {  	[sflag:s0] =	ssyncadd.tile.s32 @!p0 $0x1;
	_ =	shalt  }
.Lfunc_end2:
_tile_overlayer_lowered:
.L_overlay_start_2:
0x50: {  	(tag) =	ssettag $0x2  }
0x51: {  	s0 =	rddreg [dreg:$0x0];
	s2 =	stileid.u32  }
0x52: {  	s1 =	rddreg [dreg:$0x1];
	p0 =	sne.s32 s2, $0x0  }
0x53: {  	s3 =	rddreg [dreg:$0x2];
	[bflag:$0x3] =	sbarrier.arrive $0xFFFF;
	s2 =	simm.s32 @!p0 $0x1C02  }
0x54: {  	[timem:s3], [sflag:s2] =	dma.local @!p0 [hbm:s0], s1  }
0x55: {  	s0 =	simm.s32 @!p0 $0x2  }
0x56: {  	_ =	swait.ge @!p0 [sflag:s0], s1  }
0x57: {  	s1 =	ssub.s32 @!p0 $0x0, s1;
	[sflag:s0] =	ssyncset.done @!p0 $0x0  }
0x58: {  	[sflag:s0] =	ssyncadd.s32 @!p0 s1  }
0x59: {  	[bflag:$0x3] =	sbarrier.arrive $0xFFFF  }
0x5a: {  	_ =	shalt  }

// kernel: kernel.28.cloned.1.call-start
scs
__scs_entry_jumppad:
0x0: {  	(pc) =	sbr.rel $0x88, $3  }
0x1: {  	(tag) =	ssettag $0x0;
	lr =	simm.s32 $0x1  }
0x2: {  	[smem:$0x3F7D] =	sst lr;
	_ =	strace $0xD0000000  }
0x3: {  	_ = 	snop  }
0x4: {  	_ = 	snop  }
0x5: {  	_ = 	snop  }
0x6: {  	_ = 	snop  }
0x7: {  	_ = 	snop  }
__scs_overlays_trampoline_lowered:
0x8: {  	[smem:$0x3F8C] =	sst s0  }
0x9: {  	[smem:$0x3F8D] =	sst s1  }
0xa: {  	[smem:$0x3F8E] =	sst s2  }
0xb: {  	[smem:$0x3F8F] =	sst s3  }
0xc: {  	[smem:$0x3F90] =	sst s4  }
0xd: {  	[smem:$0x3F91] =	sst s5  }
0xe: {  	[smem:$0x3F92] =	sst s6  }
0xf: {  	[smem:$0x3F93] =	sst s7  }
0x10: {  	[smem:$0x3F94] =	sst s8  }
0x11: {  	[smem:$0x3F95] =	sst s9;
	s0 =	simm.s32 @!p0 $0x0  }
0x12: {  	s1 =	sld [smem:$0x3F7B];
	s0 =	simm.s32 @p0 $0x1  }
0x13: {  	[smem:$0x3F96] =	sst s0;
	s0 =	simm.s32 @!p1 $0x0  }
0x14: {  	s2 =	sld [smem:$0x3F7A];
	s0 =	simm.s32 @p1 $0x1  }
0x15: {  	[smem:$0x3F97] =	sst s0;
	s0 =	simm.s32 @!p2 $0x0  }
0x16: {  	s3 =	sld [smem:$0x3FDB];
	s0 =	simm.s32 @p2 $0x1  }
0x17: {  	s4 =	simm.s32 $0x1BF5;
	[smem:$0x3F99] =	sst s0  }
0x18: {  	s0 =	sld [smem:$0x3F7C];
	_ =	swait.ge [sflag:s4], $0x0  }
0x19: {  	s7 =	sld [smem:$0x3F7D]  }
0x1a: {  	s8 =	sadd.s32 $0xFFFFE003, lr  }
0x1b: {  	s9 =	sadd.s32 $0xFFFFFEF7, lr;
	s5 =	simm.s32 $0xFFFFFFFF;
	p2 =	slt.u32 s8, $0xFFFFF086  }
0x1c: {  	p1 =	slt.u32 s9, $0xF7A;
	s5 =	simm.s32 @!p2 $0x0  }
0x1d: {  	s5 =	simm.s32 @p1 $0x1;
	p0 =	seq.s32 s7, s2  }
0x1e: {  	s7 =	smul.u32 @!p0 $0xF7A, s2;
	p2 =	seq.s32 @!p0 s5, $0x0  }
0x1f: {  	s9 =	smul.u32 $0xF7A, s1;
	s8 =	simm.s32 @!p0 $0x1BF5;
	p2 =	por !p2, p0  }
0x20: {  	[sflag:s8] =	ssyncset.s32 @!p0 $0xFFFFF086;
	s6 =	sadd.s32 @!p0 s3, s7;
	s7 =	simm.s32 @!p0 $0x108  }
0x21: {  	s3 =	sadd.s32 s3, s9;
	s6 =	sadd.s32 @!p0 $0x88, s6;
	s7 =	simm.s32 @p2 $0x1082  }
0x22: {  	[simem:s7], [sflag:s8] =	dma.local @!p0 [hbm:s6], $0xF7A  }
0x23: {  	s9 =	sor.u32 $0xD0000000, s2;
	s6 =	simm.s32 $0x108;
	_ =	swait.ge @!p0 [sflag:s8], $0x0  }
0x24: {  	s3 =	sadd.s32 $0x88, s3;
	s6 =	simm.s32 @!p1 $0x1082;
	[sflag:s4] =	ssyncset.s32 $0xFFFFF086  }
0x25: {  	[simem:s6], [sflag:s4] =	dma.local [hbm:s3], $0xF7A  }
0x26: {  	[smem:$0x3F7D] =	sst s1;
	(tag) =	ssettag s2;
	_ =	strace s9  }
0x27: {  	s1 =	sld [smem:$0x3F8D]  }
0x28: {  	s2 =	sld [smem:$0x3F8E]  }
0x29: {  	s4 =	sld [smem:$0x3F90]  }
0x2a: {  	p0 =	seq.s32 s5, $0x0;
	s5 =	sld [smem:$0x3F91]  }
0x2b: {  	s6 =	sld [smem:$0x3F92]  }
0x2c: {  	s7 =	sld [smem:$0x3F93]  }
0x2d: {  	s3 =	simm.s32 $0x108;
	s8 =	sld [smem:$0x3F94]  }
0x2e: {  	s3 =	simm.s32 @!p0 $0x1082;
	s9 =	sld [smem:$0x3F95]  }
0x2f: {  	lr =	sadd.s32 s0, s3;
	s0 =	sld [smem:$0x3F8C]  }
0x30: {  	s3 =	sld [smem:$0x3F8F]  }
0x31: {  	[smem:$0x3F98] =	sst s10  }
0x32: {  	s10 =	sld [smem:$0x3F96];
	_ =	sdelay $0x3  }
0x33: {  	p0 =	seq.s32 s10, $0x1;
	s10 =	sld [smem:$0x3F98];
	_ =	sdelay $0x3  }
0x34: {  	[smem:$0x3F98] =	sst s10  }
0x35: {  	s10 =	sld [smem:$0x3F97];
	_ =	sdelay $0x3  }
0x36: {  	p1 =	seq.s32 s10, $0x1;
	s10 =	sld [smem:$0x3F98];
	_ =	sdelay $0x3  }
0x37: {  	[smem:$0x3F98] =	sst s10  }
0x38: {  	s10 =	sld [smem:$0x3F99]  }
0x39: {  	_ = 	snop;
	(pc) =	sbr.ind lr, $3  }
0x3a: {  	_ = 	snop  }
0x3b: {  	_ = 	snop  }
0x3c: {  	p2 =	seq.s32 s10, $0x1;
	s10 =	sld [smem:$0x3F98]  }
0x3d: {  	_ =	shalt  }
0x3e: {  	_ =	shalt  }
0x3f: {  	_ =	shalt  }
0x40: {  	_ =	shalt  }
0x41: {  	_ =	shalt  }
0x42: {  	_ =	shalt  }
0x43: {  	_ =	shalt  }
0x44: {  	_ =	shalt  }
0x45: {  	_ =	shalt  }
0x46: {  	_ =	shalt  }
0x47: {  	_ =	shalt  }
0x48: {  	_ =	shalt  }
0x49: {  	_ =	shalt  }
0x4a: {  	_ =	shalt  }
0x4b: {  	_ =	shalt  }
0x4c: {  	_ =	shalt  }
0x4d: {  	_ =	shalt  }
0x4e: {  	_ =	shalt  }
0x4f: {  	_ =	shalt  }
0x50: {  	_ =	shalt  }
0x51: {  	_ =	shalt  }
0x52: {  	_ =	shalt  }
0x53: {  	_ =	shalt  }
0x54: {  	_ =	shalt  }
0x55: {  	_ =	shalt  }
0x56: {  	_ =	shalt  }
0x57: {  	_ =	shalt  }
0x58: {  	_ =	shalt  }
0x59: {  	_ =	shalt  }
0x5a: {  	_ =	shalt  }
0x5b: {  	_ =	shalt  }
0x5c: {  	_ =	shalt  }
0x5d: {  	_ =	shalt  }
0x5e: {  	_ =	shalt  }
0x5f: {  	_ =	shalt  }
0x60: {  	_ =	shalt  }
0x61: {  	_ =	shalt  }
0x62: {  	_ =	shalt  }
0x63: {  	_ =	shalt  }
0x64: {  	_ =	shalt  }
0x65: {  	_ =	shalt  }
0x66: {  	_ =	shalt  }
0x67: {  	_ =	shalt  }
0x68: {  	_ =	shalt  }
0x69: {  	_ =	shalt  }
0x6a: {  	_ =	shalt  }
0x6b: {  	_ =	shalt  }
0x6c: {  	_ =	shalt  }
0x6d: {  	_ =	shalt  }
0x6e: {  	_ =	shalt  }
0x6f: {  	_ =	shalt  }
0x70: {  	_ =	shalt  }
0x71: {  	_ =	shalt  }
0x72: {  	_ =	shalt  }
0x73: {  	_ =	shalt  }
0x74: {  	_ =	shalt  }
0x75: {  	_ =	shalt  }
0x76: {  	_ =	shalt  }
0x77: {  	_ =	shalt  }
0x78: {  	_ =	shalt  }
0x79: {  	_ =	shalt  }
0x7a: {  	_ =	shalt  }
0x7b: {  	_ =	shalt  }
0x7c: {  	_ =	shalt  }
0x7d: {  	_ =	shalt  }
0x7e: {  	_ =	shalt  }
0x7f: {  	_ =	shalt  }
0x80: {  	_ =	shalt  }
0x81: {  	_ =	shalt  }
0x82: {  	_ =	shalt  }
0x83: {  	_ =	shalt  }
0x84: {  	_ =	shalt  }
0x85: {  	_ =	shalt  }
0x86: {  	_ =	shalt  }
0x87: {  	_ =	shalt  }
.Lfunc_end0:
.L_simem_size_0:
called_computation.1_lowered:
.L_overlay_start_0:
0x88: {  	s2 =	sld [smem:$0x3FD9]  }
0x89: {  	s3 =	sld [smem:$0x3FFE];
	_ =	sdelay $0x1  }
0x8a: {  	s1 =	srdreg.scid  }
0x8b: {  	s0 =	sand.u32 $0x1, s1  }
0x8c: {  	s16 =	sshll.u32 s0, $0xA;
	s2 =	sadd.s32 s3, s2  }
0x8d: {  	s2 =	sadd.s32 s2, s16  }
0x8e: {  	[smem:$0x3FA4] =	sst s2  }
0x8f: {  	_ = 	snop  }
0x90: {  	(tm) =	ssettm $0x1  }
0x91: {  	s17 =	sld [smem:$0x3FFB];
	_ =	sdelay $0x3  }
0x92: {  	_ =	strace s17  }
0x93: {  	s2 =	sld [smem:$0x3FFC];
	_ =	sdelay $0x3  }
0x94: {  	_ =	strace s2  }
0x95: {  	s2 =	sld [smem:$0x3FFD];
	_ =	sdelay $0x3  }
0x96: {  	_ =	strace s2  }
0x97: {  	_ =	strace $0x8FFFFFFF  }
0x98: {  	s18 =	sld [smem:$0x3FDB];
	_ =	sdelay $0x1  }
0x99: {  	s19 =	simm.s32 $_scs_section_size  }
0x9a: {  	s4 =	simm.s32 $_size__tile_overlayer_lowered;
	s5 =	simm.s32 $_tile_overlayer_lowered  }
0x9b: {  	s22 =	simm.s32 $0x1BFF;
	s21 =	sshll.u32 s5, $0x1;
	s2 =	sadd.s32 s19, s18  }
0x9c: {  	s6 =	simm.s32 $0x0;
	s20 =	sshll.u32 s4, $0x1;
	s4 =	sadd.s32 s21, s2  }
0x9d: {  	[timem:s6], [sflag:s22] =	dma.local [hbm:s4], s20  }
0x9e: {  	_ =	swait.ge [sflag:s22], s20  }
0x9f: {  	s3 =	ssub.s32 $0x0, s20;
	[sflag:s22] =	ssyncset.done $0x0  }
0xa0: {  	[sflag:s22] =	ssyncadd.s32 s3;
	_ =	sdelay $0x1  }
0xa1: {  	s23 =	simm.s32 $0x1B8B  }
0xa2: {  	_ =	swait.ge [sflag:s23], $0x1  }
0xa3: {  	[sflag:s23] =	ssyncset.done $0x0  }
0xa4: {  	s25 =	simm.s32 $0x1B8E;
	s24 =	sld [smem:$0x3FFE];
	[sflag:s23] =	ssyncadd.s32 $0xFFFFFFFF  }
0xa5: {  	s26 =	simm.s32 $execute0_lowered;
	[smem:$0x3FD2] =	sst s25  }
0xa6: {  	s4 =	sshll.u32 s26, $0x1;
	_ =	strace $0x80000049;
	[dreg:$0x1] =	wrdreg $0xFFFFFFFF  }
0xa7: {  	s28 =	simm.s32 $_size_execute0_lowered;
	s2 =	sadd.s32 s2, s4;
	[dreg:$0x0] =	wrdreg $0x0  }
0xa8: {  	s4 =	sshll.u32 s28, $0x1;
	[dreg:$0x2] =	wrdreg s2  }
0xa9: {  	[dreg:$0x3] =	wrdreg s4  }
0xaa: {  	[dreg:$0x4] =	wrdreg $0xC0  }
0xab: {  	_ =	task [dreg:s6], $0x5FFFF  }
0xac: {  	[dreg:$0x1] =	wrdreg $0xFFFFFFFF  }
0xad: {  	[dreg:$0x0] =	wrdreg $0x60  }
0xae: {  	[dreg:$0x2] =	wrdreg s24  }
0xaf: {  	[dreg:$0x3] =	wrdreg $0x29000  }
0xb0: {  	[dreg:$0x4] =	wrdreg $0x9  }
0xb1: {  	_ =	task.clear_ibuf [dreg:s6], $0x5FFFF;
	_ =	strace $0x90000049  }
0xb2: {  	s29 =	simm.s32 $0x9;
	_ =	strace $0x8000004B  }
0xb3: {  	_ =	swait.ge [sflag:s29], $0x1  }
0xb4: {  	[sflag:s29] =	ssyncadd.s32 $0xFFFFFFFF  }
0xb5: {  	_ =	strace $0x9000004B  }
0xb6: {  	_ =	sfence  }
0xb7: {  	s30 =	sld [smem:$0x0];
	_ =	sdelay $0x2  }
0xb8: {  	s31 =	sshll.u32 s1, $0xD;
	s1 =	sshrl.u32 s1, $0x2  }
0xb9: {  	s3 =	sand.u32 $0x4000, s31;
	s1 =	sadd.s32 s1, s30  }
0xba: {  	s0 =	sor.u32 s3, s0;
	s1 =	sshll.u32 s1, $0x11  }
0xbb: {  	s0 =	sor.u32 s1, s0  }
0xbc: {  	s0 =	sadd.s32 $0x8F2B, s0  }
0xbd: {  	[sflag:s0] =	ssyncadd.remote.s32 $0x1  }
0xbe: {  	_ =	sfence.sel $0xFFFF  }
0xbf: {  	[dreg:$0x0] =	wrdreg $0xFFFFFFFF;
	(pc) =	sbr.abs _section_cstart, $3  }
0xc0: {  	[dreg:$0x1] =	wrdreg $0xFFFFFFFF  }
0xc1: {  	_ =	task.clear_ibuf [dreg:s6], $0x2FFFF;
	_ =	strace $0x9FFFFFFF  }
0xc2: {  	(tm) =	ssettm $0x7FFFFFFF  }
0xc3: {  	_ =	shalt  }
tec
execute0_lowered:
.L_overlay_start_1:
0x0: {  	(tag) =	ssettag $0x1  }
0x1: {  	s6 =	rddreg [dreg:$0x0]  }
0x2: {  	s2 =	rddreg [dreg:$0x1]  }
0x3: {  	s0 =	srdreg.scid;
	s1 =	rddreg [dreg:$0x2]  }
0x4: {  	s3 =	simm.s32 $0x0;
	s13 =	simm.s32 $0x80;
	s7 =	sand.u32 $0x1, s0  }
0x5: {  	s14 =	simm.s32 $0x50;
	s0 =	stileid.u32;
	s4 =	smul.u32 $0x27100, s7  }
0x6: {  	s15 =	simm.s32 $0x100;
	s16 =	simm.s32 $0x1;
	s5 =	smul.u32 $0x2710, s0  }
0x7: {  	s17 =	simm.s32 $0x0;
	[smem:$0x7FF] =	sst s3;
	s8 =	smul.u32 $0x140000, s7  }
0x8: {  	s9 =	smul.u32 $0x14000, s0;
	_ =	strace $0x8000004A;
	s7 =	ssub.s32 $0x2, s7  }
0x9: {  	s29 =	smul.u32 $0x50000, s0;
	s31 =	sshll.u32 s0, $0x6;
	s30 =	sshrl.u32 s7, $0x1  }
0xa: {  	s5 =	sadd.s32 s5, s4;
	s4 =	sadd.s32 $0x1AE00, s6;
	s8 =	sadd.s32 s9, s8  }
0xb: {  	s9 =	sshrl.u32 s29, $0x2;
	s11 =	ssub.s32 s7, s30;
	s5 =	sshrl.u32 s5, $0x3  }
0xc: {  	s8 =	sshrl.u32 s8, $0x3;
	s12 =	sadd.s32 s9, s2;
	s10 =	sadd.s32 s5, s6  }
0xd: {  	s5 =	sadd.s32 $0x42000, s6;
	s8 =	sadd.s32 s8, s6;
	s6 =	sor.u32 $0x1C02, s31  }
0xe: {  	s7 =	sadd.s32 $0x44800, s8;
	s8 =	smax.u32 s11, $0x1;
	s9 =	sadd.s32 $0x7200, s10  }
0xf: {  	s10 =	sadd.s32 $0x11000, s10;
	s11 =	sshrl.u32 s12, $0x3;
	s12 =	simm.s32 $0x2  }
.LBB2_1:
0x10: {  	[spmem:s11], [sflag:s6] =	dma.local [hbm:s5], $0x2800  }
0x11: {  	_ =	swait.ge [sflag:s12], $0x2800  }
0x12: {  	[sflag:s12] =	ssyncset.done $0x0  }
0x13: {  	[sflag:s12] =	ssyncadd.s32 $0xFFFFD800  }
0x14: {  	s18 =	sadd.s32 $0x0, s10;
	[bflag:$0x0] =	sbarrier.arrive $0xFFFF  }
0x15: {  	[tilespmem:s3], [sflag:$0x2] =	stream.linear.gather [hbm4b:s18+s3], $0x50, $0x38;
	[tilespmem:$0x16900] =	vst v63  }
0x16: {  	_ =	swait.ge [sflag:s12], $0x50  }
0x17: {  	[sflag:s12] =	ssyncset.done $0x0  }
0x18: {  	s31 =	sadd.s32 $0x0, s9;
	[sflag:s12] =	ssyncadd.s32 $0xFFFFFFB0  }
0x19: {  	[tilespmem:s13], [sflag:$0x2] =	stream.linear.gather [hbm4b:s31+s3], $0x50, $0x38;
	[tilespmem:$0x16900] =	vst v63  }
0x1a: {  	_ =	swait.ge [sflag:s12], $0x50  }
0x1b: {  	[sflag:s12] =	ssyncset.done $0x0  }
0x1c: {  	[sflag:s12] =	ssyncadd.s32 $0xFFFFFFB0  }
0x1d: {  	[tilespmem:s15], [sflag:$0x1] =	stream.indirect.gather [hbm4b:s4+s14], $0x80, s3, s14, $0xb8;
	[tilespmem:$0x16900] =	vst v63  }
0x1e: {  	_ =	swait.ge [sflag:s16], $0x2800  }
0x1f: {  	[sflag:s16] =	ssyncset.done $0x0  }
0x20: {  	[sflag:s16] =	ssyncadd.s32 $0xFFFFD800  }
0x21: {  	[spmem:s2] =	stream.indirect.scatter.add.f32 [tilespmem:s15], [sflag:$0x2], $0x80, s13, s14, $0xb8;
	[tilespmem:$0x16900] =	vst v63  }
0x22: {  	_ =	swait.ge [sflag:s12], $0x2800  }
0x23: {  	s19 =	simm.s32 $0x14;
	s18 =	simm.s32 $0xA;
	[sflag:s12] =	ssyncset.done $0x0  }
.LBB2_2:
0x24: {  	s20 =	sadd.s32 s18, s10  }
0x25: {  	[sflag:s12] =	ssyncadd.s32 $0xFFFFD800;
	s21 =	smov.u32 s19;
	s22 =	sadd.s32 $0xA, s19  }
0x26: {  	[tilespmem:s3], [sflag:$0x2] =	stream.linear.gather [hbm4b:s20+s3], $0x50, $0x38;
	[tilespmem:$0x16900] =	vst v63  }
0x27: {  	p0 =	sne.s32 s19, $0x4D8;
	_ =	swait.ge [sflag:s12], $0x50  }
0x28: {  	[sflag:s12] =	ssyncset.done $0x0  }
0x29: {  	s19 =	sadd.s32 s18, s9;
	s18 =	smov.u32 s21;
	[sflag:s12] =	ssyncadd.s32 $0xFFFFFFB0  }
0x2a: {  	[tilespmem:s13], [sflag:$0x2] =	stream.linear.gather [hbm4b:s19+s3], $0x50, $0x38;
	[tilespmem:$0x16900] =	vst v63  }
0x2b: {  	_ =	swait.ge [sflag:s12], $0x50  }
0x2c: {  	[sflag:s12] =	ssyncset.done $0x0  }
0x2d: {  	[sflag:s12] =	ssyncadd.s32 $0xFFFFFFB0  }
0x2e: {  	[tilespmem:s15], [sflag:$0x1] =	stream.indirect.gather [hbm4b:s4+s14], $0x80, s3, s14, $0xb8;
	[tilespmem:$0x16900] =	vst v63  }
0x2f: {  	_ =	swait.ge [sflag:s16], $0x2800  }
.Ltmp0:
0x30: {  	[sflag:s16] =	ssyncset.done $0x0;
	(pc) =	sbr.rel @p0 .LBB2_2-.Ltmp0, $4  }
0x31: {  	[sflag:s16] =	ssyncadd.s32 $0xFFFFD800  }
0x32: {  	[spmem:s2] =	stream.indirect.scatter.add.f32 [tilespmem:s15], [sflag:$0x2], $0x80, s13, s14, $0xb8;
	[tilespmem:$0x16900] =	vst v63  }
0x33: {  	_ =	swait.ge [sflag:s12], $0x2800  }
0x34: {  	s19 =	smov.u32 s22;
	[sflag:s12] =	ssyncset.done $0x0  }
0x35: {  	s19 =	sadd.s32 s18, s10;
	[sflag:s12] =	ssyncadd.s32 $0xFFFFD800  }
0x36: {  	[tilespmem:s3], [sflag:$0x2] =	stream.linear.gather [hbm4b:s19+s3], $0x50, $0x38;
	[tilespmem:$0x16900] =	vst v63  }
0x37: {  	_ =	swait.ge [sflag:s12], $0x50  }
0x38: {  	[sflag:s12] =	ssyncset.done $0x0  }
0x39: {  	s31 =	sadd.s32 s18, s9;
	[sflag:s12] =	ssyncadd.s32 $0xFFFFFFB0  }
0x3a: {  	[tilespmem:s13], [sflag:$0x2] =	stream.linear.gather [hbm4b:s31+s3], $0x50, $0x38;
	[tilespmem:$0x16900] =	vst v63  }
0x3b: {  	_ =	swait.ge [sflag:s12], $0x50  }
0x3c: {  	[sflag:s12] =	ssyncset.done $0x0  }
0x3d: {  	[sflag:s12] =	ssyncadd.s32 $0xFFFFFFB0  }
0x3e: {  	[tilespmem:s15], [sflag:$0x1] =	stream.indirect.gather [hbm4b:s4+s14], $0x80, s3, s14, $0xb8;
	[tilespmem:$0x16900] =	vst v63  }
0x3f: {  	_ =	swait.ge [sflag:s16], $0x2800  }
0x40: {  	[sflag:s16] =	ssyncset.done $0x0  }
0x41: {  	[sflag:s16] =	ssyncadd.s32 $0xFFFFD800  }
0x42: {  	[spmem:s2] =	stream.indirect.scatter.add.f32 [tilespmem:s15], [sflag:$0x2], $0x80, s13, s14, $0xb8;
	[tilespmem:$0x16900] =	vst v63  }
0x43: {  	_ =	swait.ge [sflag:s12], $0x2800  }
0x44: {  	s17 =	sadd.s32 $0x1, s17;
	[sflag:s12] =	ssyncset.done $0x0  }
0x45: {  	p0 =	sne.s32 s17, s8;
	[sflag:s12] =	ssyncadd.s32 $0xFFFFD800  }
.Ltmp1:
0x46: {  	[bflag:$0x0] =	sbarrier.arrive $0xFFFF;
	(pc) =	sbr.rel @p0 .LBB2_1-.Ltmp1, $4  }
0x47: {  	[hbm:s7], [sflag:s6] =	dma.local [spmem:s11], $0x2800  }
0x48: {  	_ =	swait.ge [sflag:s12], $0x2800  }
0x49: {  	[sflag:s12] =	ssyncset.done $0x0  }
0x4a: {  	[sflag:s12] =	ssyncadd.s32 $0xFFFFD800  }
0x4b: {  	_ =	sfence.sel $0x180000  }
0x4c: {  	[bflag:$0x0] =	sbarrier.arrive $0xFFFF  }
0x4d: {  	p0 =	sne.s32 s0, $0x0;
	_ =	strace $0x9000004A  }
0x4e: {  	s0 =	sadd.s32 @!p0 $0x100000, s1;
	[bflag:$0x2] =	sbarrier.arrive $0xFFFF  }
0x4f: {  	[sflag:s0] =	ssyncadd.tile.s32 @!p0 $0x1;
	_ =	shalt  }
.Lfunc_end2:
_tile_overlayer_lowered:
.L_overlay_start_2:
0x50: {  	(tag) =	ssettag $0x2  }
0x51: {  	s0 =	rddreg [dreg:$0x0];
	s2 =	stileid.u32  }
0x52: {  	s1 =	rddreg [dreg:$0x1];
	p0 =	sne.s32 s2, $0x0  }
0x53: {  	s3 =	rddreg [dreg:$0x2];
	[bflag:$0x3] =	sbarrier.arrive $0xFFFF;
	s2 =	simm.s32 @!p0 $0x1C02  }
0x54: {  	[timem:s3], [sflag:s2] =	dma.local @!p0 [hbm:s0], s1  }
0x55: {  	s0 =	simm.s32 @!p0 $0x2  }
0x56: {  	_ =	swait.ge @!p0 [sflag:s0], s1  }
0x57: {  	s1 =	ssub.s32 @!p0 $0x0, s1;
	[sflag:s0] =	ssyncset.done @!p0 $0x0  }
0x58: {  	[sflag:s0] =	ssyncadd.s32 @!p0 s1  }
0x59: {  	[bflag:$0x3] =	sbarrier.arrive $0xFFFF  }
0x5a: {  	_ =	shalt  }

// kernel: kernel.31.cloned.1.call-start
scs
__scs_entry_jumppad:
0x0: {  	(pc) =	sbr.rel $0x88, $3  }
0x1: {  	(tag) =	ssettag $0x0;
	lr =	simm.s32 $0x1  }
0x2: {  	[smem:$0x3F7D] =	sst lr;
	_ =	strace $0xD0000000  }
0x3: {  	_ = 	snop  }
0x4: {  	_ = 	snop  }
0x5: {  	_ = 	snop  }
0x6: {  	_ = 	snop  }
0x7: {  	_ = 	snop  }
__scs_overlays_trampoline_lowered:
0x8: {  	[smem:$0x3F8C] =	sst s0  }
0x9: {  	[smem:$0x3F8D] =	sst s1  }
0xa: {  	[smem:$0x3F8E] =	sst s2  }
0xb: {  	[smem:$0x3F8F] =	sst s3  }
0xc: {  	[smem:$0x3F90] =	sst s4  }
0xd: {  	[smem:$0x3F91] =	sst s5  }
0xe: {  	[smem:$0x3F92] =	sst s6  }
0xf: {  	[smem:$0x3F93] =	sst s7  }
0x10: {  	[smem:$0x3F94] =	sst s8  }
0x11: {  	[smem:$0x3F95] =	sst s9;
	s0 =	simm.s32 @!p0 $0x0  }
0x12: {  	s1 =	sld [smem:$0x3F7B];
	s0 =	simm.s32 @p0 $0x1  }
0x13: {  	[smem:$0x3F96] =	sst s0;
	s0 =	simm.s32 @!p1 $0x0  }
0x14: {  	s2 =	sld [smem:$0x3F7A];
	s0 =	simm.s32 @p1 $0x1  }
0x15: {  	[smem:$0x3F97] =	sst s0;
	s0 =	simm.s32 @!p2 $0x0  }
0x16: {  	s3 =	sld [smem:$0x3FDB];
	s0 =	simm.s32 @p2 $0x1  }
0x17: {  	s4 =	simm.s32 $0x1BF5;
	[smem:$0x3F99] =	sst s0  }
0x18: {  	s0 =	sld [smem:$0x3F7C];
	_ =	swait.ge [sflag:s4], $0x0  }
0x19: {  	s7 =	sld [smem:$0x3F7D]  }
0x1a: {  	s8 =	sadd.s32 $0xFFFFE003, lr  }
0x1b: {  	s9 =	sadd.s32 $0xFFFFFEF7, lr;
	s5 =	simm.s32 $0xFFFFFFFF;
	p2 =	slt.u32 s8, $0xFFFFF086  }
0x1c: {  	p1 =	slt.u32 s9, $0xF7A;
	s5 =	simm.s32 @!p2 $0x0  }
0x1d: {  	s5 =	simm.s32 @p1 $0x1;
	p0 =	seq.s32 s7, s2  }
0x1e: {  	s7 =	smul.u32 @!p0 $0xF7A, s2;
	p2 =	seq.s32 @!p0 s5, $0x0  }
0x1f: {  	s9 =	smul.u32 $0xF7A, s1;
	s8 =	simm.s32 @!p0 $0x1BF5;
	p2 =	por !p2, p0  }
0x20: {  	[sflag:s8] =	ssyncset.s32 @!p0 $0xFFFFF086;
	s6 =	sadd.s32 @!p0 s3, s7;
	s7 =	simm.s32 @!p0 $0x108  }
0x21: {  	s3 =	sadd.s32 s3, s9;
	s6 =	sadd.s32 @!p0 $0x88, s6;
	s7 =	simm.s32 @p2 $0x1082  }
0x22: {  	[simem:s7], [sflag:s8] =	dma.local @!p0 [hbm:s6], $0xF7A  }
0x23: {  	s9 =	sor.u32 $0xD0000000, s2;
	s6 =	simm.s32 $0x108;
	_ =	swait.ge @!p0 [sflag:s8], $0x0  }
0x24: {  	s3 =	sadd.s32 $0x88, s3;
	s6 =	simm.s32 @!p1 $0x1082;
	[sflag:s4] =	ssyncset.s32 $0xFFFFF086  }
0x25: {  	[simem:s6], [sflag:s4] =	dma.local [hbm:s3], $0xF7A  }
0x26: {  	[smem:$0x3F7D] =	sst s1;
	(tag) =	ssettag s2;
	_ =	strace s9  }
0x27: {  	s1 =	sld [smem:$0x3F8D]  }
0x28: {  	s2 =	sld [smem:$0x3F8E]  }
0x29: {  	s4 =	sld [smem:$0x3F90]  }
0x2a: {  	p0 =	seq.s32 s5, $0x0;
	s5 =	sld [smem:$0x3F91]  }
0x2b: {  	s6 =	sld [smem:$0x3F92]  }
0x2c: {  	s7 =	sld [smem:$0x3F93]  }
0x2d: {  	s3 =	simm.s32 $0x108;
	s8 =	sld [smem:$0x3F94]  }
0x2e: {  	s3 =	simm.s32 @!p0 $0x1082;
	s9 =	sld [smem:$0x3F95]  }
0x2f: {  	lr =	sadd.s32 s0, s3;
	s0 =	sld [smem:$0x3F8C]  }
0x30: {  	s3 =	sld [smem:$0x3F8F]  }
0x31: {  	[smem:$0x3F98] =	sst s10  }
0x32: {  	s10 =	sld [smem:$0x3F96];
	_ =	sdelay $0x3  }
0x33: {  	p0 =	seq.s32 s10, $0x1;
	s10 =	sld [smem:$0x3F98];
	_ =	sdelay $0x3  }
0x34: {  	[smem:$0x3F98] =	sst s10  }
0x35: {  	s10 =	sld [smem:$0x3F97];
	_ =	sdelay $0x3  }
0x36: {  	p1 =	seq.s32 s10, $0x1;
	s10 =	sld [smem:$0x3F98];
	_ =	sdelay $0x3  }
0x37: {  	[smem:$0x3F98] =	sst s10  }
0x38: {  	s10 =	sld [smem:$0x3F99]  }
0x39: {  	_ = 	snop;
	(pc) =	sbr.ind lr, $3  }
0x3a: {  	_ = 	snop  }
0x3b: {  	_ = 	snop  }
0x3c: {  	p2 =	seq.s32 s10, $0x1;
	s10 =	sld [smem:$0x3F98]  }
0x3d: {  	_ =	shalt  }
0x3e: {  	_ =	shalt  }
0x3f: {  	_ =	shalt  }
0x40: {  	_ =	shalt  }
0x41: {  	_ =	shalt  }
0x42: {  	_ =	shalt  }
0x43: {  	_ =	shalt  }
0x44: {  	_ =	shalt  }
0x45: {  	_ =	shalt  }
0x46: {  	_ =	shalt  }
0x47: {  	_ =	shalt  }
0x48: {  	_ =	shalt  }
0x49: {  	_ =	shalt  }
0x4a: {  	_ =	shalt  }
0x4b: {  	_ =	shalt  }
0x4c: {  	_ =	shalt  }
0x4d: {  	_ =	shalt  }
0x4e: {  	_ =	shalt  }
0x4f: {  	_ =	shalt  }
0x50: {  	_ =	shalt  }
0x51: {  	_ =	shalt  }
0x52: {  	_ =	shalt  }
0x53: {  	_ =	shalt  }
0x54: {  	_ =	shalt  }
0x55: {  	_ =	shalt  }
0x56: {  	_ =	shalt  }
0x57: {  	_ =	shalt  }
0x58: {  	_ =	shalt  }
0x59: {  	_ =	shalt  }
0x5a: {  	_ =	shalt  }
0x5b: {  	_ =	shalt  }
0x5c: {  	_ =	shalt  }
0x5d: {  	_ =	shalt  }
0x5e: {  	_ =	shalt  }
0x5f: {  	_ =	shalt  }
0x60: {  	_ =	shalt  }
0x61: {  	_ =	shalt  }
0x62: {  	_ =	shalt  }
0x63: {  	_ =	shalt  }
0x64: {  	_ =	shalt  }
0x65: {  	_ =	shalt  }
0x66: {  	_ =	shalt  }
0x67: {  	_ =	shalt  }
0x68: {  	_ =	shalt  }
0x69: {  	_ =	shalt  }
0x6a: {  	_ =	shalt  }
0x6b: {  	_ =	shalt  }
0x6c: {  	_ =	shalt  }
0x6d: {  	_ =	shalt  }
0x6e: {  	_ =	shalt  }
0x6f: {  	_ =	shalt  }
0x70: {  	_ =	shalt  }
0x71: {  	_ =	shalt  }
0x72: {  	_ =	shalt  }
0x73: {  	_ =	shalt  }
0x74: {  	_ =	shalt  }
0x75: {  	_ =	shalt  }
0x76: {  	_ =	shalt  }
0x77: {  	_ =	shalt  }
0x78: {  	_ =	shalt  }
0x79: {  	_ =	shalt  }
0x7a: {  	_ =	shalt  }
0x7b: {  	_ =	shalt  }
0x7c: {  	_ =	shalt  }
0x7d: {  	_ =	shalt  }
0x7e: {  	_ =	shalt  }
0x7f: {  	_ =	shalt  }
0x80: {  	_ =	shalt  }
0x81: {  	_ =	shalt  }
0x82: {  	_ =	shalt  }
0x83: {  	_ =	shalt  }
0x84: {  	_ =	shalt  }
0x85: {  	_ =	shalt  }
0x86: {  	_ =	shalt  }
0x87: {  	_ =	shalt  }
.Lfunc_end0:
.L_simem_size_0:
called_computation.2_lowered:
.L_overlay_start_0:
0x88: {  	s2 =	sld [smem:$0x3FD9]  }
0x89: {  	s3 =	sld [smem:$0x3FFE];
	_ =	sdelay $0x1  }
0x8a: {  	s1 =	srdreg.scid  }
0x8b: {  	s0 =	sand.u32 $0x1, s1  }
0x8c: {  	s16 =	sshll.u32 s0, $0xA;
	s2 =	sadd.s32 s3, s2  }
0x8d: {  	s2 =	sadd.s32 s2, s16  }
0x8e: {  	[smem:$0x3FA4] =	sst s2  }
0x8f: {  	_ = 	snop  }
0x90: {  	(tm) =	ssettm $0x1  }
0x91: {  	s17 =	sld [smem:$0x3FFB];
	_ =	sdelay $0x3  }
0x92: {  	_ =	strace s17  }
0x93: {  	s2 =	sld [smem:$0x3FFC];
	_ =	sdelay $0x3  }
0x94: {  	_ =	strace s2  }
0x95: {  	s2 =	sld [smem:$0x3FFD];
	_ =	sdelay $0x3  }
0x96: {  	_ =	strace s2  }
0x97: {  	_ =	strace $0x8FFFFFFF  }
0x98: {  	s18 =	sld [smem:$0x3FDB];
	_ =	sdelay $0x1  }
0x99: {  	s19 =	simm.s32 $_scs_section_size  }
0x9a: {  	s4 =	simm.s32 $_size__tile_overlayer_lowered;
	s5 =	simm.s32 $_tile_overlayer_lowered  }
0x9b: {  	s22 =	simm.s32 $0x1BFF;
	s21 =	sshll.u32 s5, $0x1;
	s2 =	sadd.s32 s19, s18  }
0x9c: {  	s6 =	simm.s32 $0x0;
	s20 =	sshll.u32 s4, $0x1;
	s4 =	sadd.s32 s21, s2  }
0x9d: {  	[timem:s6], [sflag:s22] =	dma.local [hbm:s4], s20  }
0x9e: {  	_ =	swait.ge [sflag:s22], s20  }
0x9f: {  	s3 =	ssub.s32 $0x0, s20;
	[sflag:s22] =	ssyncset.done $0x0  }
0xa0: {  	[sflag:s22] =	ssyncadd.s32 s3;
	_ =	sdelay $0x1  }
0xa1: {  	s23 =	simm.s32 $0x1B8B  }
0xa2: {  	_ =	swait.ge [sflag:s23], $0x1  }
0xa3: {  	[sflag:s23] =	ssyncset.done $0x0  }
0xa4: {  	s25 =	simm.s32 $0x1B8E;
	s24 =	sld [smem:$0x3FFE];
	[sflag:s23] =	ssyncadd.s32 $0xFFFFFFFF  }
0xa5: {  	s26 =	simm.s32 $execute0_lowered;
	[smem:$0x3FD2] =	sst s25  }
0xa6: {  	s4 =	sshll.u32 s26, $0x1;
	_ =	strace $0x8000004C;
	[dreg:$0x1] =	wrdreg $0xFFFFFFFF  }
0xa7: {  	s28 =	simm.s32 $_size_execute0_lowered;
	s2 =	sadd.s32 s2, s4;
	[dreg:$0x0] =	wrdreg $0x0  }
0xa8: {  	s4 =	sshll.u32 s28, $0x1;
	[dreg:$0x2] =	wrdreg s2  }
0xa9: {  	[dreg:$0x3] =	wrdreg s4  }
0xaa: {  	[dreg:$0x4] =	wrdreg $0xC0  }
0xab: {  	_ =	task [dreg:s6], $0x5FFFF  }
0xac: {  	[dreg:$0x1] =	wrdreg $0xFFFFFFFF  }
0xad: {  	[dreg:$0x0] =	wrdreg $0x60  }
0xae: {  	[dreg:$0x2] =	wrdreg s24  }
0xaf: {  	[dreg:$0x3] =	wrdreg $0x29000  }
0xb0: {  	[dreg:$0x4] =	wrdreg $0x9  }
0xb1: {  	_ =	task.clear_ibuf [dreg:s6], $0x5FFFF;
	_ =	strace $0x9000004C  }
0xb2: {  	s29 =	simm.s32 $0x9;
	_ =	strace $0x8000004E  }
0xb3: {  	_ =	swait.ge [sflag:s29], $0x1  }
0xb4: {  	[sflag:s29] =	ssyncadd.s32 $0xFFFFFFFF  }
0xb5: {  	_ =	strace $0x9000004E  }
0xb6: {  	_ =	sfence  }
0xb7: {  	s30 =	sld [smem:$0x0];
	_ =	sdelay $0x2  }
0xb8: {  	s31 =	sshll.u32 s1, $0xD;
	s1 =	sshrl.u32 s1, $0x2  }
0xb9: {  	s3 =	sand.u32 $0x4000, s31;
	s1 =	sadd.s32 s1, s30  }
0xba: {  	s0 =	sor.u32 s3, s0;
	s1 =	sshll.u32 s1, $0x11  }
0xbb: {  	s0 =	sor.u32 s1, s0  }
0xbc: {  	s0 =	sadd.s32 $0x8F2B, s0  }
0xbd: {  	[sflag:s0] =	ssyncadd.remote.s32 $0x1  }
0xbe: {  	_ =	sfence.sel $0xFFFF  }
0xbf: {  	[dreg:$0x0] =	wrdreg $0xFFFFFFFF;
	(pc) =	sbr.abs _section_cstart, $3  }
0xc0: {  	[dreg:$0x1] =	wrdreg $0xFFFFFFFF  }
0xc1: {  	_ =	task.clear_ibuf [dreg:s6], $0x2FFFF;
	_ =	strace $0x9FFFFFFF  }
0xc2: {  	(tm) =	ssettm $0x7FFFFFFF  }
0xc3: {  	_ =	shalt  }
tec
execute0_lowered:
.L_overlay_start_1:
0x0: {  	(tag) =	ssettag $0x1  }
0x1: {  	s6 =	rddreg [dreg:$0x0]  }
0x2: {  	s2 =	rddreg [dreg:$0x1]  }
0x3: {  	s0 =	srdreg.scid;
	s1 =	rddreg [dreg:$0x2]  }
0x4: {  	s3 =	simm.s32 $0x0;
	s13 =	simm.s32 $0x80;
	s7 =	sand.u32 $0x1, s0  }
0x5: {  	s14 =	simm.s32 $0x50;
	s0 =	stileid.u32;
	s4 =	smul.u32 $0x27100, s7  }
0x6: {  	s15 =	simm.s32 $0x100;
	s16 =	simm.s32 $0x1;
	s5 =	smul.u32 $0x2710, s0  }
0x7: {  	s17 =	simm.s32 $0x0;
	[smem:$0x7FF] =	sst s3;
	s8 =	smul.u32 $0x140000, s7  }
0x8: {  	s9 =	smul.u32 $0x14000, s0;
	_ =	strace $0x8000004D;
	s7 =	ssub.s32 $0x2, s7  }
0x9: {  	s29 =	smul.u32 $0x50000, s0;
	s31 =	sshll.u32 s0, $0x6;
	s30 =	sshrl.u32 s7, $0x1  }
0xa: {  	s5 =	sadd.s32 s5, s4;
	s4 =	sadd.s32 $0x1AE00, s6;
	s8 =	sadd.s32 s9, s8  }
0xb: {  	s9 =	sshrl.u32 s29, $0x2;
	s11 =	ssub.s32 s7, s30;
	s5 =	sshrl.u32 s5, $0x3  }
0xc: {  	s8 =	sshrl.u32 s8, $0x3;
	s12 =	sadd.s32 s9, s2;
	s10 =	sadd.s32 s5, s6  }
0xd: {  	s5 =	sadd.s32 $0x42000, s6;
	s8 =	sadd.s32 s8, s6;
	s6 =	sor.u32 $0x1C02, s31  }
0xe: {  	s7 =	sadd.s32 $0x44800, s8;
	s8 =	smax.u32 s11, $0x1;
	s9 =	sadd.s32 $0x7200, s10  }
0xf: {  	s10 =	sadd.s32 $0x11000, s10;
	s11 =	sshrl.u32 s12, $0x3;
	s12 =	simm.s32 $0x2  }
.LBB2_1:
0x10: {  	[spmem:s11], [sflag:s6] =	dma.local [hbm:s5], $0x2800  }
0x11: {  	_ =	swait.ge [sflag:s12], $0x2800  }
0x12: {  	[sflag:s12] =	ssyncset.done $0x0  }
0x13: {  	[sflag:s12] =	ssyncadd.s32 $0xFFFFD800  }
0x14: {  	s18 =	sadd.s32 $0x0, s10;
	[bflag:$0x0] =	sbarrier.arrive $0xFFFF  }
0x15: {  	[tilespmem:s3], [sflag:$0x2] =	stream.linear.gather [hbm4b:s18+s3], $0x50, $0x38;
	[tilespmem:$0x16900] =	vst v63  }
0x16: {  	_ =	swait.ge [sflag:s12], $0x50  }
0x17: {  	[sflag:s12] =	ssyncset.done $0x0  }
0x18: {  	s31 =	sadd.s32 $0x0, s9;
	[sflag:s12] =	ssyncadd.s32 $0xFFFFFFB0  }
0x19: {  	[tilespmem:s13], [sflag:$0x2] =	stream.linear.gather [hbm4b:s31+s3], $0x50, $0x38;
	[tilespmem:$0x16900] =	vst v63  }
0x1a: {  	_ =	swait.ge [sflag:s12], $0x50  }
0x1b: {  	[sflag:s12] =	ssyncset.done $0x0  }
0x1c: {  	[sflag:s12] =	ssyncadd.s32 $0xFFFFFFB0  }
0x1d: {  	[tilespmem:s15], [sflag:$0x1] =	stream.indirect.gather [hbm4b:s4+s14], $0x80, s3, s14, $0xb8;
	[tilespmem:$0x16900] =	vst v63  }
0x1e: {  	_ =	swait.ge [sflag:s16], $0x2800  }
0x1f: {  	[sflag:s16] =	ssyncset.done $0x0  }
0x20: {  	[sflag:s16] =	ssyncadd.s32 $0xFFFFD800  }
0x21: {  	[spmem:s2] =	stream.indirect.scatter.add.f32 [tilespmem:s15], [sflag:$0x2], $0x80, s13, s14, $0xb8;
	[tilespmem:$0x16900] =	vst v63  }
0x22: {  	_ =	swait.ge [sflag:s12], $0x2800  }
0x23: {  	s19 =	simm.s32 $0x14;
	s18 =	simm.s32 $0xA;
	[sflag:s12] =	ssyncset.done $0x0  }
.LBB2_2:
0x24: {  	s20 =	sadd.s32 s18, s10  }
0x25: {  	[sflag:s12] =	ssyncadd.s32 $0xFFFFD800;
	s21 =	smov.u32 s19;
	s22 =	sadd.s32 $0xA, s19  }
0x26: {  	[tilespmem:s3], [sflag:$0x2] =	stream.linear.gather [hbm4b:s20+s3], $0x50, $0x38;
	[tilespmem:$0x16900] =	vst v63  }
0x27: {  	p0 =	sne.s32 s19, $0x4D8;
	_ =	swait.ge [sflag:s12], $0x50  }
0x28: {  	[sflag:s12] =	ssyncset.done $0x0  }
0x29: {  	s19 =	sadd.s32 s18, s9;
	s18 =	smov.u32 s21;
	[sflag:s12] =	ssyncadd.s32 $0xFFFFFFB0  }
0x2a: {  	[tilespmem:s13], [sflag:$0x2] =	stream.linear.gather [hbm4b:s19+s3], $0x50, $0x38;
	[tilespmem:$0x16900] =	vst v63  }
0x2b: {  	_ =	swait.ge [sflag:s12], $0x50  }
0x2c: {  	[sflag:s12] =	ssyncset.done $0x0  }
0x2d: {  	[sflag:s12] =	ssyncadd.s32 $0xFFFFFFB0  }
0x2e: {  	[tilespmem:s15], [sflag:$0x1] =	stream.indirect.gather [hbm4b:s4+s14], $0x80, s3, s14, $0xb8;
	[tilespmem:$0x16900] =	vst v63  }
0x2f: {  	_ =	swait.ge [sflag:s16], $0x2800  }
.Ltmp0:
0x30: {  	[sflag:s16] =	ssyncset.done $0x0;
	(pc) =	sbr.rel @p0 .LBB2_2-.Ltmp0, $4  }
0x31: {  	[sflag:s16] =	ssyncadd.s32 $0xFFFFD800  }
0x32: {  	[spmem:s2] =	stream.indirect.scatter.add.f32 [tilespmem:s15], [sflag:$0x2], $0x80, s13, s14, $0xb8;
	[tilespmem:$0x16900] =	vst v63  }
0x33: {  	_ =	swait.ge [sflag:s12], $0x2800  }
0x34: {  	s19 =	smov.u32 s22;
	[sflag:s12] =	ssyncset.done $0x0  }
0x35: {  	s19 =	sadd.s32 s18, s10;
	[sflag:s12] =	ssyncadd.s32 $0xFFFFD800  }
0x36: {  	[tilespmem:s3], [sflag:$0x2] =	stream.linear.gather [hbm4b:s19+s3], $0x50, $0x38;
	[tilespmem:$0x16900] =	vst v63  }
0x37: {  	_ =	swait.ge [sflag:s12], $0x50  }
0x38: {  	[sflag:s12] =	ssyncset.done $0x0  }
0x39: {  	s31 =	sadd.s32 s18, s9;
	[sflag:s12] =	ssyncadd.s32 $0xFFFFFFB0  }
0x3a: {  	[tilespmem:s13], [sflag:$0x2] =	stream.linear.gather [hbm4b:s31+s3], $0x50, $0x38;
	[tilespmem:$0x16900] =	vst v63  }
0x3b: {  	_ =	swait.ge [sflag:s12], $0x50  }
0x3c: {  	[sflag:s12] =	ssyncset.done $0x0  }
0x3d: {  	[sflag:s12] =	ssyncadd.s32 $0xFFFFFFB0  }
0x3e: {  	[tilespmem:s15], [sflag:$0x1] =	stream.indirect.gather [hbm4b:s4+s14], $0x80, s3, s14, $0xb8;
	[tilespmem:$0x16900] =	vst v63  }
0x3f: {  	_ =	swait.ge [sflag:s16], $0x2800  }
0x40: {  	[sflag:s16] =	ssyncset.done $0x0  }
0x41: {  	[sflag:s16] =	ssyncadd.s32 $0xFFFFD800  }
0x42: {  	[spmem:s2] =	stream.indirect.scatter.add.f32 [tilespmem:s15], [sflag:$0x2], $0x80, s13, s14, $0xb8;
	[tilespmem:$0x16900] =	vst v63  }
0x43: {  	_ =	swait.ge [sflag:s12], $0x2800  }
0x44: {  	s17 =	sadd.s32 $0x1, s17;
	[sflag:s12] =	ssyncset.done $0x0  }
0x45: {  	p0 =	sne.s32 s17, s8;
	[sflag:s12] =	ssyncadd.s32 $0xFFFFD800  }
.Ltmp1:
0x46: {  	[bflag:$0x0] =	sbarrier.arrive $0xFFFF;
	(pc) =	sbr.rel @p0 .LBB2_1-.Ltmp1, $4  }
0x47: {  	[hbm:s7], [sflag:s6] =	dma.local [spmem:s11], $0x2800  }
0x48: {  	_ =	swait.ge [sflag:s12], $0x2800  }
0x49: {  	[sflag:s12] =	ssyncset.done $0x0  }
0x4a: {  	[sflag:s12] =	ssyncadd.s32 $0xFFFFD800  }
0x4b: {  	_ =	sfence.sel $0x180000  }
0x4c: {  	[bflag:$0x0] =	sbarrier.arrive $0xFFFF  }
0x4d: {  	p0 =	sne.s32 s0, $0x0;
	_ =	strace $0x9000004D  }
0x4e: {  	s0 =	sadd.s32 @!p0 $0x100000, s1;
	[bflag:$0x2] =	sbarrier.arrive $0xFFFF  }
0x4f: {  	[sflag:s0] =	ssyncadd.tile.s32 @!p0 $0x1;
	_ =	shalt  }
.Lfunc_end2:
_tile_overlayer_lowered:
.L_overlay_start_2:
0x50: {  	(tag) =	ssettag $0x2  }
0x51: {  	s0 =	rddreg [dreg:$0x0];
	s2 =	stileid.u32  }
0x52: {  	s1 =	rddreg [dreg:$0x1];
	p0 =	sne.s32 s2, $0x0  }
0x53: {  	s3 =	rddreg [dreg:$0x2];
	[bflag:$0x3] =	sbarrier.arrive $0xFFFF;
	s2 =	simm.s32 @!p0 $0x1C02  }
0x54: {  	[timem:s3], [sflag:s2] =	dma.local @!p0 [hbm:s0], s1  }
0x55: {  	s0 =	simm.s32 @!p0 $0x2  }
0x56: {  	_ =	swait.ge @!p0 [sflag:s0], s1  }
0x57: {  	s1 =	ssub.s32 @!p0 $0x0, s1;
	[sflag:s0] =	ssyncset.done @!p0 $0x0  }
0x58: {  	[sflag:s0] =	ssyncadd.s32 @!p0 s1  }
0x59: {  	[bflag:$0x3] =	sbarrier.arrive $0xFFFF  }
0x5a: {  	_ =	shalt  }

// kernel: kernel.34.cloned.1.call-start
scs
__scs_entry_jumppad:
0x0: {  	(pc) =	sbr.rel $0x88, $3  }
0x1: {  	(tag) =	ssettag $0x0;
	lr =	simm.s32 $0x1  }
0x2: {  	[smem:$0x3F7D] =	sst lr;
	_ =	strace $0xD0000000  }
0x3: {  	_ = 	snop  }
0x4: {  	_ = 	snop  }
0x5: {  	_ = 	snop  }
0x6: {  	_ = 	snop  }
0x7: {  	_ = 	snop  }
__scs_overlays_trampoline_lowered:
0x8: {  	[smem:$0x3F8C] =	sst s0  }
0x9: {  	[smem:$0x3F8D] =	sst s1  }
0xa: {  	[smem:$0x3F8E] =	sst s2  }
0xb: {  	[smem:$0x3F8F] =	sst s3  }
0xc: {  	[smem:$0x3F90] =	sst s4  }
0xd: {  	[smem:$0x3F91] =	sst s5  }
0xe: {  	[smem:$0x3F92] =	sst s6  }
0xf: {  	[smem:$0x3F93] =	sst s7  }
0x10: {  	[smem:$0x3F94] =	sst s8  }
0x11: {  	[smem:$0x3F95] =	sst s9;
	s0 =	simm.s32 @!p0 $0x0  }
0x12: {  	s1 =	sld [smem:$0x3F7B];
	s0 =	simm.s32 @p0 $0x1  }
0x13: {  	[smem:$0x3F96] =	sst s0;
	s0 =	simm.s32 @!p1 $0x0  }
0x14: {  	s2 =	sld [smem:$0x3F7A];
	s0 =	simm.s32 @p1 $0x1  }
0x15: {  	[smem:$0x3F97] =	sst s0;
	s0 =	simm.s32 @!p2 $0x0  }
0x16: {  	s3 =	sld [smem:$0x3FDB];
	s0 =	simm.s32 @p2 $0x1  }
0x17: {  	s4 =	simm.s32 $0x1BF5;
	[smem:$0x3F99] =	sst s0  }
0x18: {  	s0 =	sld [smem:$0x3F7C];
	_ =	swait.ge [sflag:s4], $0x0  }
0x19: {  	s7 =	sld [smem:$0x3F7D]  }
0x1a: {  	s8 =	sadd.s32 $0xFFFFE003, lr  }
0x1b: {  	s9 =	sadd.s32 $0xFFFFFEF7, lr;
	s5 =	simm.s32 $0xFFFFFFFF;
	p2 =	slt.u32 s8, $0xFFFFF086  }
0x1c: {  	p1 =	slt.u32 s9, $0xF7A;
	s5 =	simm.s32 @!p2 $0x0  }
0x1d: {  	s5 =	simm.s32 @p1 $0x1;
	p0 =	seq.s32 s7, s2  }
0x1e: {  	s7 =	smul.u32 @!p0 $0xF7A, s2;
	p2 =	seq.s32 @!p0 s5, $0x0  }
0x1f: {  	s9 =	smul.u32 $0xF7A, s1;
	s8 =	simm.s32 @!p0 $0x1BF5;
	p2 =	por !p2, p0  }
0x20: {  	[sflag:s8] =	ssyncset.s32 @!p0 $0xFFFFF086;
	s6 =	sadd.s32 @!p0 s3, s7;
	s7 =	simm.s32 @!p0 $0x108  }
0x21: {  	s3 =	sadd.s32 s3, s9;
	s6 =	sadd.s32 @!p0 $0x88, s6;
	s7 =	simm.s32 @p2 $0x1082  }
0x22: {  	[simem:s7], [sflag:s8] =	dma.local @!p0 [hbm:s6], $0xF7A  }
0x23: {  	s9 =	sor.u32 $0xD0000000, s2;
	s6 =	simm.s32 $0x108;
	_ =	swait.ge @!p0 [sflag:s8], $0x0  }
0x24: {  	s3 =	sadd.s32 $0x88, s3;
	s6 =	simm.s32 @!p1 $0x1082;
	[sflag:s4] =	ssyncset.s32 $0xFFFFF086  }
0x25: {  	[simem:s6], [sflag:s4] =	dma.local [hbm:s3], $0xF7A  }
0x26: {  	[smem:$0x3F7D] =	sst s1;
	(tag) =	ssettag s2;
	_ =	strace s9  }
0x27: {  	s1 =	sld [smem:$0x3F8D]  }
0x28: {  	s2 =	sld [smem:$0x3F8E]  }
0x29: {  	s4 =	sld [smem:$0x3F90]  }
0x2a: {  	p0 =	seq.s32 s5, $0x0;
	s5 =	sld [smem:$0x3F91]  }
0x2b: {  	s6 =	sld [smem:$0x3F92]  }
0x2c: {  	s7 =	sld [smem:$0x3F93]  }
0x2d: {  	s3 =	simm.s32 $0x108;
	s8 =	sld [smem:$0x3F94]  }
0x2e: {  	s3 =	simm.s32 @!p0 $0x1082;
	s9 =	sld [smem:$0x3F95]  }
0x2f: {  	lr =	sadd.s32 s0, s3;
	s0 =	sld [smem:$0x3F8C]  }
0x30: {  	s3 =	sld [smem:$0x3F8F]  }
0x31: {  	[smem:$0x3F98] =	sst s10  }
0x32: {  	s10 =	sld [smem:$0x3F96];
	_ =	sdelay $0x3  }
0x33: {  	p0 =	seq.s32 s10, $0x1;
	s10 =	sld [smem:$0x3F98];
	_ =	sdelay $0x3  }
0x34: {  	[smem:$0x3F98] =	sst s10  }
0x35: {  	s10 =	sld [smem:$0x3F97];
	_ =	sdelay $0x3  }
0x36: {  	p1 =	seq.s32 s10, $0x1;
	s10 =	sld [smem:$0x3F98];
	_ =	sdelay $0x3  }
0x37: {  	[smem:$0x3F98] =	sst s10  }
0x38: {  	s10 =	sld [smem:$0x3F99]  }
0x39: {  	_ = 	snop;
	(pc) =	sbr.ind lr, $3  }
0x3a: {  	_ = 	snop  }
0x3b: {  	_ = 	snop  }
0x3c: {  	p2 =	seq.s32 s10, $0x1;
	s10 =	sld [smem:$0x3F98]  }
0x3d: {  	_ =	shalt  }
0x3e: {  	_ =	shalt  }
0x3f: {  	_ =	shalt  }
0x40: {  	_ =	shalt  }
0x41: {  	_ =	shalt  }
0x42: {  	_ =	shalt  }
0x43: {  	_ =	shalt  }
0x44: {  	_ =	shalt  }
0x45: {  	_ =	shalt  }
0x46: {  	_ =	shalt  }
0x47: {  	_ =	shalt  }
0x48: {  	_ =	shalt  }
0x49: {  	_ =	shalt  }
0x4a: {  	_ =	shalt  }
0x4b: {  	_ =	shalt  }
0x4c: {  	_ =	shalt  }
0x4d: {  	_ =	shalt  }
0x4e: {  	_ =	shalt  }
0x4f: {  	_ =	shalt  }
0x50: {  	_ =	shalt  }
0x51: {  	_ =	shalt  }
0x52: {  	_ =	shalt  }
0x53: {  	_ =	shalt  }
0x54: {  	_ =	shalt  }
0x55: {  	_ =	shalt  }
0x56: {  	_ =	shalt  }
0x57: {  	_ =	shalt  }
0x58: {  	_ =	shalt  }
0x59: {  	_ =	shalt  }
0x5a: {  	_ =	shalt  }
0x5b: {  	_ =	shalt  }
0x5c: {  	_ =	shalt  }
0x5d: {  	_ =	shalt  }
0x5e: {  	_ =	shalt  }
0x5f: {  	_ =	shalt  }
0x60: {  	_ =	shalt  }
0x61: {  	_ =	shalt  }
0x62: {  	_ =	shalt  }
0x63: {  	_ =	shalt  }
0x64: {  	_ =	shalt  }
0x65: {  	_ =	shalt  }
0x66: {  	_ =	shalt  }
0x67: {  	_ =	shalt  }
0x68: {  	_ =	shalt  }
0x69: {  	_ =	shalt  }
0x6a: {  	_ =	shalt  }
0x6b: {  	_ =	shalt  }
0x6c: {  	_ =	shalt  }
0x6d: {  	_ =	shalt  }
0x6e: {  	_ =	shalt  }
0x6f: {  	_ =	shalt  }
0x70: {  	_ =	shalt  }
0x71: {  	_ =	shalt  }
0x72: {  	_ =	shalt  }
0x73: {  	_ =	shalt  }
0x74: {  	_ =	shalt  }
0x75: {  	_ =	shalt  }
0x76: {  	_ =	shalt  }
0x77: {  	_ =	shalt  }
0x78: {  	_ =	shalt  }
0x79: {  	_ =	shalt  }
0x7a: {  	_ =	shalt  }
0x7b: {  	_ =	shalt  }
0x7c: {  	_ =	shalt  }
0x7d: {  	_ =	shalt  }
0x7e: {  	_ =	shalt  }
0x7f: {  	_ =	shalt  }
0x80: {  	_ =	shalt  }
0x81: {  	_ =	shalt  }
0x82: {  	_ =	shalt  }
0x83: {  	_ =	shalt  }
0x84: {  	_ =	shalt  }
0x85: {  	_ =	shalt  }
0x86: {  	_ =	shalt  }
0x87: {  	_ =	shalt  }
.Lfunc_end0:
.L_simem_size_0:
called_computation.3_lowered:
.L_overlay_start_0:
0x88: {  	s2 =	sld [smem:$0x3FD9]  }
0x89: {  	s3 =	sld [smem:$0x3FFE];
	_ =	sdelay $0x1  }
0x8a: {  	s1 =	srdreg.scid  }
0x8b: {  	s0 =	sand.u32 $0x1, s1  }
0x8c: {  	s16 =	sshll.u32 s0, $0xA;
	s2 =	sadd.s32 s3, s2  }
0x8d: {  	s2 =	sadd.s32 s2, s16  }
0x8e: {  	[smem:$0x3FA4] =	sst s2  }
0x8f: {  	_ = 	snop  }
0x90: {  	(tm) =	ssettm $0x1  }
0x91: {  	s17 =	sld [smem:$0x3FFB];
	_ =	sdelay $0x3  }
0x92: {  	_ =	strace s17  }
0x93: {  	s2 =	sld [smem:$0x3FFC];
	_ =	sdelay $0x3  }
0x94: {  	_ =	strace s2  }
0x95: {  	s2 =	sld [smem:$0x3FFD];
	_ =	sdelay $0x3  }
0x96: {  	_ =	strace s2  }
0x97: {  	_ =	strace $0x8FFFFFFF  }
0x98: {  	s18 =	sld [smem:$0x3FDB];
	_ =	sdelay $0x1  }
0x99: {  	s19 =	simm.s32 $_scs_section_size  }
0x9a: {  	s4 =	simm.s32 $_size__tile_overlayer_lowered;
	s5 =	simm.s32 $_tile_overlayer_lowered  }
0x9b: {  	s22 =	simm.s32 $0x1BFF;
	s21 =	sshll.u32 s5, $0x1;
	s2 =	sadd.s32 s19, s18  }
0x9c: {  	s6 =	simm.s32 $0x0;
	s20 =	sshll.u32 s4, $0x1;
	s4 =	sadd.s32 s21, s2  }
0x9d: {  	[timem:s6], [sflag:s22] =	dma.local [hbm:s4], s20  }
0x9e: {  	_ =	swait.ge [sflag:s22], s20  }
0x9f: {  	s3 =	ssub.s32 $0x0, s20;
	[sflag:s22] =	ssyncset.done $0x0  }
0xa0: {  	[sflag:s22] =	ssyncadd.s32 s3;
	_ =	sdelay $0x1  }
0xa1: {  	s23 =	simm.s32 $0x1B8B  }
0xa2: {  	_ =	swait.ge [sflag:s23], $0x1  }
0xa3: {  	[sflag:s23] =	ssyncset.done $0x0  }
0xa4: {  	s25 =	simm.s32 $0x1B8E;
	s24 =	sld [smem:$0x3FFE];
	[sflag:s23] =	ssyncadd.s32 $0xFFFFFFFF  }
0xa5: {  	s26 =	simm.s32 $execute0_lowered;
	[smem:$0x3FD2] =	sst s25  }
0xa6: {  	s4 =	sshll.u32 s26, $0x1;
	_ =	strace $0x8000004F;
	[dreg:$0x1] =	wrdreg $0xFFFFFFFF  }
0xa7: {  	s28 =	simm.s32 $_size_execute0_lowered;
	s2 =	sadd.s32 s2, s4;
	[dreg:$0x0] =	wrdreg $0x0  }
0xa8: {  	s4 =	sshll.u32 s28, $0x1;
	[dreg:$0x2] =	wrdreg s2  }
0xa9: {  	[dreg:$0x3] =	wrdreg s4  }
0xaa: {  	[dreg:$0x4] =	wrdreg $0xC0  }
0xab: {  	_ =	task [dreg:s6], $0x5FFFF  }
0xac: {  	[dreg:$0x1] =	wrdreg $0xFFFFFFFF  }
0xad: {  	[dreg:$0x0] =	wrdreg $0x60  }
0xae: {  	[dreg:$0x2] =	wrdreg s24  }
0xaf: {  	[dreg:$0x3] =	wrdreg $0x9  }
0xb0: {  	_ =	task.clear_ibuf [dreg:s6], $0x4FFFF;
	_ =	strace $0x9000004F  }
0xb1: {  	s29 =	simm.s32 $0x9;
	_ =	strace $0x80000051  }
0xb2: {  	_ =	swait.ge [sflag:s29], $0x1  }
0xb3: {  	[sflag:s29] =	ssyncadd.s32 $0xFFFFFFFF  }
0xb4: {  	_ =	strace $0x90000051  }
0xb5: {  	_ =	sfence  }
0xb6: {  	s30 =	sld [smem:$0x0];
	_ =	sdelay $0x2  }
0xb7: {  	s31 =	sshll.u32 s1, $0xD;
	s1 =	sshrl.u32 s1, $0x2  }
0xb8: {  	s3 =	sand.u32 $0x4000, s31;
	s1 =	sadd.s32 s1, s30  }
0xb9: {  	s0 =	sor.u32 s3, s0;
	s1 =	sshll.u32 s1, $0x11  }
0xba: {  	s0 =	sor.u32 s1, s0  }
0xbb: {  	s0 =	sadd.s32 $0x8F2B, s0  }
0xbc: {  	[sflag:s0] =	ssyncadd.remote.s32 $0x1  }
0xbd: {  	_ =	sfence.sel $0xFFFF  }
0xbe: {  	[dreg:$0x0] =	wrdreg $0xFFFFFFFF;
	(pc) =	sbr.abs _section_cstart, $3  }
0xbf: {  	[dreg:$0x1] =	wrdreg $0xFFFFFFFF  }
0xc0: {  	_ =	task.clear_ibuf [dreg:s6], $0x2FFFF;
	_ =	strace $0x9FFFFFFF  }
0xc1: {  	(tm) =	ssettm $0x7FFFFFFF  }
tec
execute0_lowered:
.L_overlay_start_1:
0x0: {  	(tag) =	ssettag $0x1  }
0x1: {  	s0 =	srdreg.scid  }
0x2: {  	s5 =	rddreg [dreg:$0x0];
	s1 =	stileid.u32;
	s2 =	simm.s32 $0x0  }
0x3: {  	s9 =	simm.s32 $0x3;
	s10 =	simm.s32 $0x80;
	s11 =	simm.s32 $0x50  }
0x4: {  	s12 =	simm.s32 $0x100;
	s13 =	simm.s32 $0x180;
	s14 =	simm.s32 $0x1  }
0x5: {  	s15 =	simm.s32 $0x2;
	s3 =	sand.u32 $0x1, s0;
	s6 =	smul.u32 $0x2710, s1  }
0x6: {  	s16 =	simm.s32 $0x200;
	s0 =	rddreg [dreg:$0x1];
	s4 =	smul.u32 $0x27100, s3  }
0x7: {  	s17 =	simm.s32 $0x0;
	[smem:$0x7FF] =	sst s2;
	s7 =	ssub.s32 $0x2, s3  }
0x8: {  	_ =	strace $0x80000050;
	s31 =	sshrl.u32 s7, $0x1;
	s4 =	sadd.s32 s6, s4  }
0x9: {  	s3 =	sadd.s32 $0x6BA00, s5;
	s6 =	ssub.s32 s7, s31;
	s8 =	sshrl.u32 s4, $0x3  }
0xa: {  	s4 =	sadd.s32 $0x6C000, s5;
	s8 =	sadd.s32 s8, s5;
	s5 =	smax.u32 s6, $0x1  }
0xb: {  	s6 =	sadd.s32 $0x6C600, s8;
	s7 =	sadd.s32 $0x7200, s8;
	s8 =	sadd.s32 $0x11000, s8  }
.LBB2_1:
0xc: {  	s18 =	sadd.s32 $0x0, s8  }
0xd: {  	[tilespmem:s2], [sflag:$0x3] =	stream.linear.gather [hbm4b:s18+s2], $0x50, $0x38;
	[tilespmem:$0x280] =	vst v63  }
0xe: {  	_ =	swait.ge [sflag:s9], $0x50  }
0xf: {  	[sflag:s9] =	ssyncset.done $0x0  }
0x10: {  	s31 =	sadd.s32 $0x0, s7;
	[sflag:s9] =	ssyncadd.s32 $0xFFFFFFB0  }
0x11: {  	[tilespmem:s10], [sflag:$0x3] =	stream.linear.gather [hbm4b:s31+s2], $0x50, $0x38;
	[tilespmem:$0x280] =	vst v63  }
0x12: {  	_ =	swait.ge [sflag:s9], $0x50  }
0x13: {  	[sflag:s9] =	ssyncset.done $0x0  }
0x14: {  	[sflag:s9] =	ssyncadd.s32 $0xFFFFFFB0  }
0x15: {  	[tilespmem:s12], [sflag:$0x1] =	stream.indirect.gather [hbm4b:s3+s11], $0x1, s2, s11, $0xb8;
	[tilespmem:$0x280] =	vst v63  }
0x16: {  	_ = 	snop  }
0x17: {  	[tilespmem:s13], [sflag:$0x2] =	stream.indirect.gather [hbm4b:s4+s11], $0x1, s10, s11, $0xb8;
	[tilespmem:$0x280] =	vst v63  }
0x18: {  	_ =	swait.ge [sflag:s14], $0x50  }
0x19: {  	[sflag:s14] =	ssyncset.done $0x0  }
0x1a: {  	[sflag:s14] =	ssyncadd.s32 $0xFFFFFFB0  }
0x1b: {  	_ =	swait.ge [sflag:s15], $0x50  }
0x1c: {  	[sflag:s15] =	ssyncset.done $0x0  }
0x1d: {  	[sflag:s15] =	ssyncadd.s32 $0xFFFFFFB0  }
0x1e: {  	v0 =	vld [tilespmem:$0x140]  }
0x1f: {  	v1 =	vld [tilespmem:$0x1C0]  }
0x20: {  	v5 =	vld [tilespmem:$0x120]  }
0x21: {  	v6 =	vld [tilespmem:$0x1A0]  }
0x22: {  	v3 =	vld [tilespmem:$0x190]  }
0x23: {  	v2 =	vld [tilespmem:$0x100]  }
0x24: {  	s19 =	simm.s32 $0xA;
	s18 =	simm.s32 $0x0;
	v4 =	vld [tilespmem:$0x1B0]  }
.LBB2_2:
0x25: {  	p0 =	sne.s32 s19, $0x4D8;
	v7 =	vld [tilespmem:$0x110];
	s20 =	smov.u32 s19;
	s19 =	sadd.s32 $0xA, s19  }
0x26: {  	v5 =	vadd.f32 v6, v5;
	v6 =	vld [tilespmem:$0x130]  }
0x27: {  	v8 =	vld [tilespmem:$0x180]  }
0x28: {  	[tilespmem:$0x220] =	vst v5  }
0x29: {  	v0 =	vadd.f32 v1, v0  }
0x2a: {  	v1 =	vadd.f32 v3, v7  }
0x2b: {  	v3 =	vadd.f32 v4, v6;
	[tilespmem:$0x240] =	vst v0  }
0x2c: {  	v0 =	vadd.f32 v8, v2;
	[tilespmem:$0x210] =	vst v1  }
0x2d: {  	[tilespmem:$0x230] =	vst v3  }
0x2e: {  	s21 =	sadd.s32 s18, s6;
	s18 =	smov.u32 s20;
	[tilespmem:$0x200] =	vst v0  }
0x2f: {  	[hbm4b:s21+s2] =	stream.linear.scatter [tilespmem:s16], [sflag:$0x3], $0x50, $0x38;
	[tilespmem:$0x280] =	vst v63  }
0x30: {  	_ =	swait.ge [sflag:s9], $0x50  }
0x31: {  	[sflag:s9] =	ssyncset.done $0x0  }
0x32: {  	s20 =	sadd.s32 s18, s8;
	[sflag:s9] =	ssyncadd.s32 $0xFFFFFFB0  }
0x33: {  	[tilespmem:s2], [sflag:$0x3] =	stream.linear.gather [hbm4b:s20+s2], $0x50, $0x38;
	[tilespmem:$0x280] =	vst v63  }
0x34: {  	_ =	swait.ge [sflag:s9], $0x50  }
0x35: {  	[sflag:s9] =	ssyncset.done $0x0  }
0x36: {  	s20 =	sadd.s32 s18, s7;
	[sflag:s9] =	ssyncadd.s32 $0xFFFFFFB0  }
0x37: {  	[tilespmem:s10], [sflag:$0x3] =	stream.linear.gather [hbm4b:s20+s2], $0x50, $0x38;
	[tilespmem:$0x280] =	vst v63  }
0x38: {  	_ =	swait.ge [sflag:s9], $0x50  }
0x39: {  	[sflag:s9] =	ssyncset.done $0x0  }
0x3a: {  	[sflag:s9] =	ssyncadd.s32 $0xFFFFFFB0  }
0x3b: {  	[tilespmem:s12], [sflag:$0x1] =	stream.indirect.gather [hbm4b:s3+s11], $0x1, s2, s11, $0xb8;
	[tilespmem:$0x280] =	vst v63  }
0x3c: {  	_ = 	snop  }
0x3d: {  	[tilespmem:s13], [sflag:$0x2] =	stream.indirect.gather [hbm4b:s4+s11], $0x1, s10, s11, $0xb8;
	[tilespmem:$0x280] =	vst v63  }
0x3e: {  	_ =	swait.ge [sflag:s14], $0x50  }
0x3f: {  	[sflag:s14] =	ssyncset.done $0x0  }
0x40: {  	[sflag:s14] =	ssyncadd.s32 $0xFFFFFFB0  }
0x41: {  	_ =	swait.ge [sflag:s15], $0x50  }
0x42: {  	[sflag:s15] =	ssyncset.done $0x0  }
0x43: {  	[sflag:s15] =	ssyncadd.s32 $0xFFFFFFB0  }
0x44: {  	v0 =	vld [tilespmem:$0x140]  }
0x45: {  	v1 =	vld [tilespmem:$0x1C0]  }
.Ltmp0:
0x46: {  	v5 =	vld [tilespmem:$0x120];
	(pc) =	sbr.rel @p0 .LBB2_2-.Ltmp0, $4  }
0x47: {  	v6 =	vld [tilespmem:$0x1A0]  }
0x48: {  	v3 =	vld [tilespmem:$0x190]  }
0x49: {  	v2 =	vld [tilespmem:$0x100]  }
0x4a: {  	v4 =	vld [tilespmem:$0x1B0]  }
0x4b: {  	v7 =	vld [tilespmem:$0x110]  }
0x4c: {  	v8 =	vld [tilespmem:$0x130]  }
0x4d: {  	v9 =	vld [tilespmem:$0x180]  }
0x4e: {  	v0 =	vadd.f32 v1, v0  }
0x4f: {  	v5 =	vadd.f32 v6, v5  }
0x50: {  	[tilespmem:$0x240] =	vst v0;
	v61 =	vadd.f32 v3, v7  }
0x51: {  	[tilespmem:$0x220] =	vst v5;
	v62 =	vadd.f32 v4, v8  }
0x52: {  	s17 =	sadd.s32 $0x1, s17;
	v63 =	vadd.f32 v9, v2;
	[tilespmem:$0x210] =	vst v61  }
0x53: {  	p0 =	sne.s32 s17, s5;
	[tilespmem:$0x230] =	vst v62  }
.Ltmp1:
0x54: {  	s18 =	sadd.s32 s18, s6;
	[tilespmem:$0x200] =	vst v63;
	(pc) =	sbr.rel @p0 .LBB2_1-.Ltmp1, $4  }
0x55: {  	[hbm4b:s18+s2] =	stream.linear.scatter [tilespmem:s16], [sflag:$0x3], $0x50, $0x38;
	[tilespmem:$0x280] =	vst v63  }
0x56: {  	_ =	swait.ge [sflag:s9], $0x50  }
0x57: {  	[sflag:s9] =	ssyncset.done $0x0  }
0x58: {  	[sflag:s9] =	ssyncadd.s32 $0xFFFFFFB0  }
0x59: {  	_ =	sfence.sel $0x180000  }
0x5a: {  	[bflag:$0x0] =	sbarrier.arrive $0xFFFF  }
0x5b: {  	p0 =	sne.s32 s1, $0x0;
	_ =	strace $0x90000050  }
0x5c: {  	s0 =	sadd.s32 @!p0 $0x100000, s0;
	[bflag:$0x2] =	sbarrier.arrive $0xFFFF  }
0x5d: {  	[sflag:s0] =	ssyncadd.tile.s32 @!p0 $0x1;
	_ =	shalt  }
.Lfunc_end2:
_tile_overlayer_lowered:
.L_overlay_start_2:
0x5e: {  	(tag) =	ssettag $0x2  }
0x5f: {  	s0 =	rddreg [dreg:$0x0];
	s2 =	stileid.u32  }
0x60: {  	s1 =	rddreg [dreg:$0x1];
	p0 =	sne.s32 s2, $0x0  }
0x61: {  	s3 =	rddreg [dreg:$0x2];
	[bflag:$0x3] =	sbarrier.arrive $0xFFFF;
	s2 =	simm.s32 @!p0 $0x1C03  }
0x62: {  	[timem:s3], [sflag:s2] =	dma.local @!p0 [hbm:s0], s1  }
0x63: {  	s0 =	simm.s32 @!p0 $0x3  }
0x64: {  	_ =	swait.ge @!p0 [sflag:s0], s1  }
0x65: {  	s1 =	ssub.s32 @!p0 $0x0, s1;
	[sflag:s0] =	ssyncset.done @!p0 $0x0  }
0x66: {  	[sflag:s0] =	ssyncadd.s32 @!p0 s1  }
0x67: {  	[bflag:$0x3] =	sbarrier.arrive $0xFFFF  }
0x68: {  	_ =	shalt  }

// kernel: kernel.37.cloned.1.call-start
scs
__scs_entry_jumppad:
0x0: {  	(pc) =	sbr.rel $0x88, $3  }
0x1: {  	(tag) =	ssettag $0x0;
	lr =	simm.s32 $0x1  }
0x2: {  	[smem:$0x3F7D] =	sst lr;
	_ =	strace $0xD0000000  }
0x3: {  	_ = 	snop  }
0x4: {  	_ = 	snop  }
0x5: {  	_ = 	snop  }
0x6: {  	_ = 	snop  }
0x7: {  	_ = 	snop  }
__scs_overlays_trampoline_lowered:
0x8: {  	[smem:$0x3F8C] =	sst s0  }
0x9: {  	[smem:$0x3F8D] =	sst s1  }
0xa: {  	[smem:$0x3F8E] =	sst s2  }
0xb: {  	[smem:$0x3F8F] =	sst s3  }
0xc: {  	[smem:$0x3F90] =	sst s4  }
0xd: {  	[smem:$0x3F91] =	sst s5  }
0xe: {  	[smem:$0x3F92] =	sst s6  }
0xf: {  	[smem:$0x3F93] =	sst s7  }
0x10: {  	[smem:$0x3F94] =	sst s8  }
0x11: {  	[smem:$0x3F95] =	sst s9;
	s0 =	simm.s32 @!p0 $0x0  }
0x12: {  	s1 =	sld [smem:$0x3F7B];
	s0 =	simm.s32 @p0 $0x1  }
0x13: {  	[smem:$0x3F96] =	sst s0;
	s0 =	simm.s32 @!p1 $0x0  }
0x14: {  	s2 =	sld [smem:$0x3F7A];
	s0 =	simm.s32 @p1 $0x1  }
0x15: {  	[smem:$0x3F97] =	sst s0;
	s0 =	simm.s32 @!p2 $0x0  }
0x16: {  	s3 =	sld [smem:$0x3FDB];
	s0 =	simm.s32 @p2 $0x1  }
0x17: {  	s4 =	simm.s32 $0x1BF5;
	[smem:$0x3F99] =	sst s0  }
0x18: {  	s0 =	sld [smem:$0x3F7C];
	_ =	swait.ge [sflag:s4], $0x0  }
0x19: {  	s7 =	sld [smem:$0x3F7D]  }
0x1a: {  	s8 =	sadd.s32 $0xFFFFE003, lr  }
0x1b: {  	s9 =	sadd.s32 $0xFFFFFEF7, lr;
	s5 =	simm.s32 $0xFFFFFFFF;
	p2 =	slt.u32 s8, $0xFFFFF086  }
0x1c: {  	p1 =	slt.u32 s9, $0xF7A;
	s5 =	simm.s32 @!p2 $0x0  }
0x1d: {  	s5 =	simm.s32 @p1 $0x1;
	p0 =	seq.s32 s7, s2  }
0x1e: {  	s7 =	smul.u32 @!p0 $0xF7A, s2;
	p2 =	seq.s32 @!p0 s5, $0x0  }
0x1f: {  	s9 =	smul.u32 $0xF7A, s1;
	s8 =	simm.s32 @!p0 $0x1BF5;
	p2 =	por !p2, p0  }
0x20: {  	[sflag:s8] =	ssyncset.s32 @!p0 $0xFFFFF086;
	s6 =	sadd.s32 @!p0 s3, s7;
	s7 =	simm.s32 @!p0 $0x108  }
0x21: {  	s3 =	sadd.s32 s3, s9;
	s6 =	sadd.s32 @!p0 $0x88, s6;
	s7 =	simm.s32 @p2 $0x1082  }
0x22: {  	[simem:s7], [sflag:s8] =	dma.local @!p0 [hbm:s6], $0xF7A  }
0x23: {  	s9 =	sor.u32 $0xD0000000, s2;
	s6 =	simm.s32 $0x108;
	_ =	swait.ge @!p0 [sflag:s8], $0x0  }
0x24: {  	s3 =	sadd.s32 $0x88, s3;
	s6 =	simm.s32 @!p1 $0x1082;
	[sflag:s4] =	ssyncset.s32 $0xFFFFF086  }
0x25: {  	[simem:s6], [sflag:s4] =	dma.local [hbm:s3], $0xF7A  }
0x26: {  	[smem:$0x3F7D] =	sst s1;
	(tag) =	ssettag s2;
	_ =	strace s9  }
0x27: {  	s1 =	sld [smem:$0x3F8D]  }
0x28: {  	s2 =	sld [smem:$0x3F8E]  }
0x29: {  	s4 =	sld [smem:$0x3F90]  }
0x2a: {  	p0 =	seq.s32 s5, $0x0;
	s5 =	sld [smem:$0x3F91]  }
0x2b: {  	s6 =	sld [smem:$0x3F92]  }
0x2c: {  	s7 =	sld [smem:$0x3F93]  }
0x2d: {  	s3 =	simm.s32 $0x108;
	s8 =	sld [smem:$0x3F94]  }
0x2e: {  	s3 =	simm.s32 @!p0 $0x1082;
	s9 =	sld [smem:$0x3F95]  }
0x2f: {  	lr =	sadd.s32 s0, s3;
	s0 =	sld [smem:$0x3F8C]  }
0x30: {  	s3 =	sld [smem:$0x3F8F]  }
0x31: {  	[smem:$0x3F98] =	sst s10  }
0x32: {  	s10 =	sld [smem:$0x3F96];
	_ =	sdelay $0x3  }
0x33: {  	p0 =	seq.s32 s10, $0x1;
	s10 =	sld [smem:$0x3F98];
	_ =	sdelay $0x3  }
0x34: {  	[smem:$0x3F98] =	sst s10  }
0x35: {  	s10 =	sld [smem:$0x3F97];
	_ =	sdelay $0x3  }
0x36: {  	p1 =	seq.s32 s10, $0x1;
	s10 =	sld [smem:$0x3F98];
	_ =	sdelay $0x3  }
0x37: {  	[smem:$0x3F98] =	sst s10  }
0x38: {  	s10 =	sld [smem:$0x3F99]  }
0x39: {  	_ = 	snop;
	(pc) =	sbr.ind lr, $3  }
0x3a: {  	_ = 	snop  }
0x3b: {  	_ = 	snop  }
0x3c: {  	p2 =	seq.s32 s10, $0x1;
	s10 =	sld [smem:$0x3F98]  }
0x3d: {  	_ =	shalt  }
0x3e: {  	_ =	shalt  }
0x3f: {  	_ =	shalt  }
0x40: {  	_ =	shalt  }
0x41: {  	_ =	shalt  }
0x42: {  	_ =	shalt  }
0x43: {  	_ =	shalt  }
0x44: {  	_ =	shalt  }
0x45: {  	_ =	shalt  }
0x46: {  	_ =	shalt  }
0x47: {  	_ =	shalt  }
0x48: {  	_ =	shalt  }
0x49: {  	_ =	shalt  }
0x4a: {  	_ =	shalt  }
0x4b: {  	_ =	shalt  }
0x4c: {  	_ =	shalt  }
0x4d: {  	_ =	shalt  }
0x4e: {  	_ =	shalt  }
0x4f: {  	_ =	shalt  }
0x50: {  	_ =	shalt  }
0x51: {  	_ =	shalt  }
0x52: {  	_ =	shalt  }
0x53: {  	_ =	shalt  }
0x54: {  	_ =	shalt  }
0x55: {  	_ =	shalt  }
0x56: {  	_ =	shalt  }
0x57: {  	_ =	shalt  }
0x58: {  	_ =	shalt  }
0x59: {  	_ =	shalt  }
0x5a: {  	_ =	shalt  }
0x5b: {  	_ =	shalt  }
0x5c: {  	_ =	shalt  }
0x5d: {  	_ =	shalt  }
0x5e: {  	_ =	shalt  }
0x5f: {  	_ =	shalt  }
0x60: {  	_ =	shalt  }
0x61: {  	_ =	shalt  }
0x62: {  	_ =	shalt  }
0x63: {  	_ =	shalt  }
0x64: {  	_ =	shalt  }
0x65: {  	_ =	shalt  }
0x66: {  	_ =	shalt  }
0x67: {  	_ =	shalt  }
0x68: {  	_ =	shalt  }
0x69: {  	_ =	shalt  }
0x6a: {  	_ =	shalt  }
0x6b: {  	_ =	shalt  }
0x6c: {  	_ =	shalt  }
0x6d: {  	_ =	shalt  }
0x6e: {  	_ =	shalt  }
0x6f: {  	_ =	shalt  }
0x70: {  	_ =	shalt  }
0x71: {  	_ =	shalt  }
0x72: {  	_ =	shalt  }
0x73: {  	_ =	shalt  }
0x74: {  	_ =	shalt  }
0x75: {  	_ =	shalt  }
0x76: {  	_ =	shalt  }
0x77: {  	_ =	shalt  }
0x78: {  	_ =	shalt  }
0x79: {  	_ =	shalt  }
0x7a: {  	_ =	shalt  }
0x7b: {  	_ =	shalt  }
0x7c: {  	_ =	shalt  }
0x7d: {  	_ =	shalt  }
0x7e: {  	_ =	shalt  }
0x7f: {  	_ =	shalt  }
0x80: {  	_ =	shalt  }
0x81: {  	_ =	shalt  }
0x82: {  	_ =	shalt  }
0x83: {  	_ =	shalt  }
0x84: {  	_ =	shalt  }
0x85: {  	_ =	shalt  }
0x86: {  	_ =	shalt  }
0x87: {  	_ =	shalt  }
.Lfunc_end0:
.L_simem_size_0:
called_computation.4_lowered:
.L_overlay_start_0:
0x88: {  	s2 =	sld [smem:$0x3FD9]  }
0x89: {  	s3 =	sld [smem:$0x3FFE];
	_ =	sdelay $0x1  }
0x8a: {  	s1 =	srdreg.scid  }
0x8b: {  	s0 =	sand.u32 $0x1, s1  }
0x8c: {  	s16 =	sshll.u32 s0, $0xA;
	s2 =	sadd.s32 s3, s2  }
0x8d: {  	s2 =	sadd.s32 s2, s16  }
0x8e: {  	[smem:$0x3FA4] =	sst s2  }
0x8f: {  	_ = 	snop  }
0x90: {  	(tm) =	ssettm $0x1  }
0x91: {  	s17 =	sld [smem:$0x3FFB];
	_ =	sdelay $0x3  }
0x92: {  	_ =	strace s17  }
0x93: {  	s2 =	sld [smem:$0x3FFC];
	_ =	sdelay $0x3  }
0x94: {  	_ =	strace s2  }
0x95: {  	s2 =	sld [smem:$0x3FFD];
	_ =	sdelay $0x3  }
0x96: {  	_ =	strace s2  }
0x97: {  	_ =	strace $0x8FFFFFFF  }
0x98: {  	s18 =	sld [smem:$0x3FDB];
	_ =	sdelay $0x1  }
0x99: {  	s19 =	simm.s32 $_scs_section_size  }
0x9a: {  	s4 =	simm.s32 $_size__tile_overlayer_lowered;
	s5 =	simm.s32 $_tile_overlayer_lowered  }
0x9b: {  	s22 =	simm.s32 $0x1BFF;
	s21 =	sshll.u32 s5, $0x1;
	s2 =	sadd.s32 s19, s18  }
0x9c: {  	s6 =	simm.s32 $0x0;
	s20 =	sshll.u32 s4, $0x1;
	s4 =	sadd.s32 s21, s2  }
0x9d: {  	[timem:s6], [sflag:s22] =	dma.local [hbm:s4], s20  }
0x9e: {  	_ =	swait.ge [sflag:s22], s20  }
0x9f: {  	s3 =	ssub.s32 $0x0, s20;
	[sflag:s22] =	ssyncset.done $0x0  }
0xa0: {  	[sflag:s22] =	ssyncadd.s32 s3;
	_ =	sdelay $0x1  }
0xa1: {  	s23 =	simm.s32 $0x1B8B  }
0xa2: {  	_ =	swait.ge [sflag:s23], $0x1  }
0xa3: {  	[sflag:s23] =	ssyncset.done $0x0  }
0xa4: {  	s25 =	simm.s32 $0x1B8E;
	s24 =	sld [smem:$0x3FFE];
	[sflag:s23] =	ssyncadd.s32 $0xFFFFFFFF  }
0xa5: {  	s26 =	simm.s32 $execute0_lowered;
	[smem:$0x3FD2] =	sst s25  }
0xa6: {  	s4 =	sshll.u32 s26, $0x1;
	_ =	strace $0x80000052;
	[dreg:$0x1] =	wrdreg $0xFFFFFFFF  }
0xa7: {  	s28 =	simm.s32 $_size_execute0_lowered;
	s2 =	sadd.s32 s2, s4;
	[dreg:$0x0] =	wrdreg $0x0  }
0xa8: {  	s4 =	sshll.u32 s28, $0x1;
	[dreg:$0x2] =	wrdreg s2  }
0xa9: {  	[dreg:$0x3] =	wrdreg s4  }
0xaa: {  	[dreg:$0x4] =	wrdreg $0xC0  }
0xab: {  	_ =	task [dreg:s6], $0x5FFFF  }
0xac: {  	[dreg:$0x1] =	wrdreg $0xFFFFFFFF  }
0xad: {  	[dreg:$0x0] =	wrdreg $0x60  }
0xae: {  	[dreg:$0x2] =	wrdreg s24  }
0xaf: {  	[dreg:$0x3] =	wrdreg $0x1800  }
0xb0: {  	[dreg:$0x4] =	wrdreg $0x4000  }
0xb1: {  	[dreg:$0x5] =	wrdreg $0x9  }
0xb2: {  	_ =	task.clear_ibuf [dreg:s6], $0x6FFFF;
	_ =	strace $0x90000052  }
0xb3: {  	s29 =	simm.s32 $0x9;
	_ =	strace $0x80000054  }
0xb4: {  	_ =	swait.ge [sflag:s29], $0x1  }
0xb5: {  	[sflag:s29] =	ssyncadd.s32 $0xFFFFFFFF  }
0xb6: {  	_ =	strace $0x90000054  }
0xb7: {  	_ =	sfence  }
0xb8: {  	s30 =	sld [smem:$0x0];
	_ =	sdelay $0x2  }
0xb9: {  	s31 =	sshll.u32 s1, $0xD;
	s1 =	sshrl.u32 s1, $0x2  }
0xba: {  	s3 =	sand.u32 $0x4000, s31;
	s1 =	sadd.s32 s1, s30  }
0xbb: {  	s0 =	sor.u32 s3, s0;
	s1 =	sshll.u32 s1, $0x11  }
0xbc: {  	s0 =	sor.u32 s1, s0  }
0xbd: {  	s0 =	sadd.s32 $0x8F2B, s0  }
0xbe: {  	[sflag:s0] =	ssyncadd.remote.s32 $0x1  }
0xbf: {  	_ =	sfence.sel $0xFFFF  }
0xc0: {  	[dreg:$0x0] =	wrdreg $0xFFFFFFFF;
	(pc) =	sbr.abs _section_cstart, $3  }
0xc1: {  	[dreg:$0x1] =	wrdreg $0xFFFFFFFF  }
0xc2: {  	_ =	task.clear_ibuf [dreg:s6], $0x2FFFF;
	_ =	strace $0x9FFFFFFF  }
0xc3: {  	(tm) =	ssettm $0x7FFFFFFF  }
tec
execute0_lowered:
.L_overlay_start_1:
0x0: {  	(tag) =	ssettag $0x1  }
0x1: {  	s6 =	rddreg [dreg:$0x0]  }
0x2: {  	s2 =	rddreg [dreg:$0x1]  }
0x3: {  	s3 =	rddreg [dreg:$0x2]  }
0x4: {  	s0 =	srdreg.scid;
	s1 =	rddreg [dreg:$0x3]  }
0x5: {  	s4 =	simm.s32 $0x0;
	s14 =	simm.s32 $0x1;
	s5 =	sand.u32 $0x1, s0  }
0x6: {  	s16 =	simm.s32 $0x80;
	s0 =	stileid.u32;
	s7 =	smul.u32 $0x27100, s5  }
0x7: {  	s17 =	simm.s32 $0x100;
	s18 =	simm.s32 $0x50;
	s8 =	smul.u32 $0x2710, s0  }
0x8: {  	s19 =	simm.s32 $0x0;
	[smem:$0x7FF] =	sst s4;
	s9 =	smul.u32 $0x280, s0  }
0x9: {  	s10 =	smul.u32 $0x2800, s5;
	_ =	strace $0x80000053;
	s28 =	ssub.s32 $0x2, s5  }
0xa: {  	s5 =	sadd.s32 $0x7F600, s6;
	s31 =	sshll.u32 s0, $0x6;
	s30 =	sshrl.u32 s28, $0x1  }
0xb: {  	s7 =	sadd.s32 s8, s7;
	s25 =	sadd.s32 s9, s10;
	s11 =	ssub.s32 s28, s30  }
0xc: {  	s13 =	sadd.s32 s9, s2;
	s15 =	sadd.s32 s9, s3;
	s7 =	sshrl.u32 s7, $0x3  }
0xd: {  	s26 =	sshrl.u32 s25, $0x3;
	s9 =	smax.u32 s11, $0x1;
	s13 =	sshrl.u32 s13, $0x3  }
0xe: {  	s15 =	sshrl.u32 s15, $0x3;
	s12 =	sadd.s32 s7, s6;
	s29 =	sadd.s32 s26, s6  }
0xf: {  	s6 =	sor.u32 $0x1C01, s31;
	s7 =	sadd.s32 $0x7F800, s29;
	s8 =	sadd.s32 $0x80200, s29  }
0x10: {  	s10 =	sadd.s32 $0x75800, s12;
	s11 =	sadd.s32 $0x6BA00, s12;
	s12 =	sadd.s32 $0x11000, s12  }
.LBB2_1:
0x11: {  	[spmem:s13], [sflag:s6] =	dma.local [hbm:s5], $0x50  }
0x12: {  	_ =	swait.ge [sflag:s14], $0x50  }
0x13: {  	[sflag:s14] =	ssyncset.done $0x0  }
0x14: {  	[sflag:s14] =	ssyncadd.s32 $0xFFFFFFB0  }
0x15: {  	[spmem:s15], [sflag:s6] =	dma.local [hbm:s5], $0x50  }
0x16: {  	_ =	swait.ge [sflag:s14], $0x50  }
0x17: {  	[sflag:s14] =	ssyncset.done $0x0  }
0x18: {  	[sflag:s14] =	ssyncadd.s32 $0xFFFFFFB0  }
0x19: {  	s20 =	sadd.s32 $0x0, s12;
	[bflag:$0x0] =	sbarrier.arrive $0xFFFF  }
0x1a: {  	[tilespmem:s4], [sflag:$0x1] =	stream.linear.gather [hbm4b:s20+s4], $0x50, $0x38;
	[tilespmem:$0x680] =	vst v63  }
0x1b: {  	_ =	swait.ge [sflag:s14], $0x50  }
0x1c: {  	[sflag:s14] =	ssyncset.done $0x0  }
0x1d: {  	s30 =	sadd.s32 $0x0, s11;
	[sflag:s14] =	ssyncadd.s32 $0xFFFFFFB0  }
0x1e: {  	[tilespmem:s16], [sflag:$0x1] =	stream.linear.gather [hbm4b:s30+s4], $0x50, $0x38;
	[tilespmem:$0x680] =	vst v63  }
0x1f: {  	_ =	swait.ge [sflag:s14], $0x50  }
0x20: {  	[sflag:s14] =	ssyncset.done $0x0  }
0x21: {  	s31 =	sadd.s32 $0x0, s10;
	[sflag:s14] =	ssyncadd.s32 $0xFFFFFFB0  }
0x22: {  	[tilespmem:s17], [sflag:$0x1] =	stream.linear.gather [hbm4b:s31+s4], $0x50, $0x38;
	[tilespmem:$0x680] =	vst v63  }
0x23: {  	_ =	swait.ge [sflag:s14], $0x50  }
0x24: {  	[sflag:s14] =	ssyncset.done $0x0  }
0x25: {  	[sflag:s14] =	ssyncadd.s32 $0xFFFFFFB0  }
0x26: {  	[spmem:s2] =	stream.indirect.scatter.add.f32 [tilespmem:s16], [sflag:$0x1], $0x1, s4, s18, $0xb8;
	[tilespmem:$0x680] =	vst v63  }
0x27: {  	_ =	swait.ge [sflag:s14], $0x50  }
0x28: {  	[sflag:s14] =	ssyncset.done $0x0  }
0x29: {  	[sflag:s14] =	ssyncadd.s32 $0xFFFFFFB0  }
0x2a: {  	[spmem:s3] =	stream.indirect.scatter.add.f32 [tilespmem:s17], [sflag:$0x1], $0x1, s4, s18, $0xb8;
	[tilespmem:$0x680] =	vst v63  }
0x2b: {  	_ =	swait.ge [sflag:s14], $0x50  }
0x2c: {  	s21 =	simm.s32 $0x14;
	s20 =	simm.s32 $0xA;
	[sflag:s14] =	ssyncset.done $0x0  }
.LBB2_2:
0x2d: {  	s22 =	sadd.s32 s20, s12  }
0x2e: {  	[sflag:s14] =	ssyncadd.s32 $0xFFFFFFB0;
	s23 =	smov.u32 s21;
	s24 =	sadd.s32 $0xA, s21  }
0x2f: {  	[tilespmem:s4], [sflag:$0x1] =	stream.linear.gather [hbm4b:s22+s4], $0x50, $0x38;
	[tilespmem:$0x680] =	vst v63  }
0x30: {  	p0 =	sne.s32 s21, $0x4D8;
	_ =	swait.ge [sflag:s14], $0x50  }
0x31: {  	[sflag:s14] =	ssyncset.done $0x0  }
0x32: {  	s21 =	sadd.s32 s20, s11;
	[sflag:s14] =	ssyncadd.s32 $0xFFFFFFB0  }
0x33: {  	[tilespmem:s16], [sflag:$0x1] =	stream.linear.gather [hbm4b:s21+s4], $0x50, $0x38;
	[tilespmem:$0x680] =	vst v63  }
0x34: {  	_ =	swait.ge [sflag:s14], $0x50  }
0x35: {  	[sflag:s14] =	ssyncset.done $0x0  }
0x36: {  	s21 =	sadd.s32 s20, s10;
	s20 =	smov.u32 s23;
	[sflag:s14] =	ssyncadd.s32 $0xFFFFFFB0  }
0x37: {  	[tilespmem:s17], [sflag:$0x1] =	stream.linear.gather [hbm4b:s21+s4], $0x50, $0x38;
	[tilespmem:$0x680] =	vst v63  }
0x38: {  	_ =	swait.ge [sflag:s14], $0x50  }
0x39: {  	[sflag:s14] =	ssyncset.done $0x0  }
0x3a: {  	[sflag:s14] =	ssyncadd.s32 $0xFFFFFFB0  }
0x3b: {  	[spmem:s2] =	stream.indirect.scatter.add.f32 [tilespmem:s16], [sflag:$0x1], $0x1, s4, s18, $0xb8;
	[tilespmem:$0x680] =	vst v63  }
0x3c: {  	_ =	swait.ge [sflag:s14], $0x50  }
.Ltmp0:
0x3d: {  	[sflag:s14] =	ssyncset.done $0x0;
	(pc) =	sbr.rel @p0 .LBB2_2-.Ltmp0, $4  }
0x3e: {  	[sflag:s14] =	ssyncadd.s32 $0xFFFFFFB0  }
0x3f: {  	[spmem:s3] =	stream.indirect.scatter.add.f32 [tilespmem:s17], [sflag:$0x1], $0x1, s4, s18, $0xb8;
	[tilespmem:$0x680] =	vst v63  }
0x40: {  	_ =	swait.ge [sflag:s14], $0x50  }
0x41: {  	s21 =	smov.u32 s24;
	[sflag:s14] =	ssyncset.done $0x0  }
0x42: {  	s21 =	sadd.s32 s20, s12;
	[sflag:s14] =	ssyncadd.s32 $0xFFFFFFB0  }
0x43: {  	[tilespmem:s4], [sflag:$0x1] =	stream.linear.gather [hbm4b:s21+s4], $0x50, $0x38;
	[tilespmem:$0x680] =	vst v63  }
0x44: {  	_ =	swait.ge [sflag:s14], $0x50  }
0x45: {  	[sflag:s14] =	ssyncset.done $0x0  }
0x46: {  	s30 =	sadd.s32 s20, s11;
	[sflag:s14] =	ssyncadd.s32 $0xFFFFFFB0  }
0x47: {  	[tilespmem:s16], [sflag:$0x1] =	stream.linear.gather [hbm4b:s30+s4], $0x50, $0x38;
	[tilespmem:$0x680] =	vst v63  }
0x48: {  	_ =	swait.ge [sflag:s14], $0x50  }
0x49: {  	[sflag:s14] =	ssyncset.done $0x0  }
0x4a: {  	s31 =	sadd.s32 s20, s10;
	[sflag:s14] =	ssyncadd.s32 $0xFFFFFFB0  }
0x4b: {  	[tilespmem:s17], [sflag:$0x1] =	stream.linear.gather [hbm4b:s31+s4], $0x50, $0x38;
	[tilespmem:$0x680] =	vst v63  }
0x4c: {  	_ =	swait.ge [sflag:s14], $0x50  }
0x4d: {  	[sflag:s14] =	ssyncset.done $0x0  }
0x4e: {  	[sflag:s14] =	ssyncadd.s32 $0xFFFFFFB0  }
0x4f: {  	[spmem:s2] =	stream.indirect.scatter.add.f32 [tilespmem:s16], [sflag:$0x1], $0x1, s4, s18, $0xb8;
	[tilespmem:$0x680] =	vst v63  }
0x50: {  	_ =	swait.ge [sflag:s14], $0x50  }
0x51: {  	[sflag:s14] =	ssyncset.done $0x0  }
0x52: {  	[sflag:s14] =	ssyncadd.s32 $0xFFFFFFB0  }
0x53: {  	[spmem:s3] =	stream.indirect.scatter.add.f32 [tilespmem:s17], [sflag:$0x1], $0x1, s4, s18, $0xb8;
	[tilespmem:$0x680] =	vst v63  }
0x54: {  	_ =	swait.ge [sflag:s14], $0x50  }
0x55: {  	[sflag:s14] =	ssyncset.done $0x0  }
0x56: {  	[sflag:s14] =	ssyncadd.s32 $0xFFFFFFB0  }
0x57: {  	[bflag:$0x0] =	sbarrier.arrive $0xFFFF  }
0x58: {  	[hbm:s7], [sflag:s6] =	dma.local [spmem:s13], $0x50  }
0x59: {  	s19 =	sadd.s32 $0x1, s19;
	_ =	swait.ge [sflag:s14], $0x50  }
0x5a: {  	p0 =	sne.s32 s19, s9;
	[sflag:s14] =	ssyncset.done $0x0  }
.Ltmp1:
0x5b: {  	[sflag:s14] =	ssyncadd.s32 $0xFFFFFFB0;
	(pc) =	sbr.rel @p0 .LBB2_1-.Ltmp1, $4  }
0x5c: {  	[hbm:s8], [sflag:s6] =	dma.local [spmem:s15], $0x50  }
0x5d: {  	_ =	swait.ge [sflag:s14], $0x50  }
0x5e: {  	[sflag:s14] =	ssyncset.done $0x0  }
0x5f: {  	[sflag:s14] =	ssyncadd.s32 $0xFFFFFFB0  }
0x60: {  	_ =	sfence.sel $0x180000  }
0x61: {  	[bflag:$0x0] =	sbarrier.arrive $0xFFFF  }
0x62: {  	p0 =	sne.s32 s0, $0x0;
	_ =	strace $0x90000053  }
0x63: {  	s0 =	sadd.s32 @!p0 $0x100000, s1;
	[bflag:$0x2] =	sbarrier.arrive $0xFFFF  }
0x64: {  	[sflag:s0] =	ssyncadd.tile.s32 @!p0 $0x1;
	_ =	shalt  }
.Lfunc_end2:
_tile_overlayer_lowered:
.L_overlay_start_2:
0x65: {  	(tag) =	ssettag $0x2  }
0x66: {  	s0 =	rddreg [dreg:$0x0];
	s2 =	stileid.u32  }
0x67: {  	s1 =	rddreg [dreg:$0x1];
	p0 =	sne.s32 s2, $0x0  }
0x68: {  	s3 =	rddreg [dreg:$0x2];
	[bflag:$0x3] =	sbarrier.arrive $0xFFFF;
	s2 =	simm.s32 @!p0 $0x1C01  }
0x69: {  	[timem:s3], [sflag:s2] =	dma.local @!p0 [hbm:s0], s1  }
0x6a: {  	s0 =	simm.s32 @!p0 $0x1  }
0x6b: {  	_ =	swait.ge @!p0 [sflag:s0], s1  }
0x6c: {  	s1 =	ssub.s32 @!p0 $0x0, s1;
	[sflag:s0] =	ssyncset.done @!p0 $0x0  }
0x6d: {  	[sflag:s0] =	ssyncadd.s32 @!p0 s1  }
0x6e: {  	[bflag:$0x3] =	sbarrier.arrive $0xFFFF  }
0x6f: {  	_ =	shalt  }

// kernel: kernel.40.cloned.1.call-start
scs
__scs_entry_jumppad:
0x0: {  	(pc) =	sbr.rel $0x88, $3  }
0x1: {  	(tag) =	ssettag $0x0;
	lr =	simm.s32 $0x1  }
0x2: {  	[smem:$0x3F7D] =	sst lr;
	_ =	strace $0xD0000000  }
0x3: {  	_ = 	snop  }
0x4: {  	_ = 	snop  }
0x5: {  	_ = 	snop  }
0x6: {  	_ = 	snop  }
0x7: {  	_ = 	snop  }
__scs_overlays_trampoline_lowered:
0x8: {  	[smem:$0x3F8C] =	sst s0  }
0x9: {  	[smem:$0x3F8D] =	sst s1  }
0xa: {  	[smem:$0x3F8E] =	sst s2  }
0xb: {  	[smem:$0x3F8F] =	sst s3  }
0xc: {  	[smem:$0x3F90] =	sst s4  }
0xd: {  	[smem:$0x3F91] =	sst s5  }
0xe: {  	[smem:$0x3F92] =	sst s6  }
0xf: {  	[smem:$0x3F93] =	sst s7  }
0x10: {  	[smem:$0x3F94] =	sst s8  }
0x11: {  	[smem:$0x3F95] =	sst s9;
	s0 =	simm.s32 @!p0 $0x0  }
0x12: {  	s1 =	sld [smem:$0x3F7B];
	s0 =	simm.s32 @p0 $0x1  }
0x13: {  	[smem:$0x3F96] =	sst s0;
	s0 =	simm.s32 @!p1 $0x0  }
0x14: {  	s2 =	sld [smem:$0x3F7A];
	s0 =	simm.s32 @p1 $0x1  }
0x15: {  	[smem:$0x3F97] =	sst s0;
	s0 =	simm.s32 @!p2 $0x0  }
0x16: {  	s3 =	sld [smem:$0x3FDB];
	s0 =	simm.s32 @p2 $0x1  }
0x17: {  	s4 =	simm.s32 $0x1BF5;
	[smem:$0x3F99] =	sst s0  }
0x18: {  	s0 =	sld [smem:$0x3F7C];
	_ =	swait.ge [sflag:s4], $0x0  }
0x19: {  	s7 =	sld [smem:$0x3F7D]  }
0x1a: {  	s8 =	sadd.s32 $0xFFFFE003, lr  }
0x1b: {  	s9 =	sadd.s32 $0xFFFFFEF7, lr;
	s5 =	simm.s32 $0xFFFFFFFF;
	p2 =	slt.u32 s8, $0xFFFFF086  }
0x1c: {  	p1 =	slt.u32 s9, $0xF7A;
	s5 =	simm.s32 @!p2 $0x0  }
0x1d: {  	s5 =	simm.s32 @p1 $0x1;
	p0 =	seq.s32 s7, s2  }
0x1e: {  	s7 =	smul.u32 @!p0 $0xF7A, s2;
	p2 =	seq.s32 @!p0 s5, $0x0  }
0x1f: {  	s9 =	smul.u32 $0xF7A, s1;
	s8 =	simm.s32 @!p0 $0x1BF5;
	p2 =	por !p2, p0  }
0x20: {  	[sflag:s8] =	ssyncset.s32 @!p0 $0xFFFFF086;
	s6 =	sadd.s32 @!p0 s3, s7;
	s7 =	simm.s32 @!p0 $0x108  }
0x21: {  	s3 =	sadd.s32 s3, s9;
	s6 =	sadd.s32 @!p0 $0x88, s6;
	s7 =	simm.s32 @p2 $0x1082  }
0x22: {  	[simem:s7], [sflag:s8] =	dma.local @!p0 [hbm:s6], $0xF7A  }
0x23: {  	s9 =	sor.u32 $0xD0000000, s2;
	s6 =	simm.s32 $0x108;
	_ =	swait.ge @!p0 [sflag:s8], $0x0  }
0x24: {  	s3 =	sadd.s32 $0x88, s3;
	s6 =	simm.s32 @!p1 $0x1082;
	[sflag:s4] =	ssyncset.s32 $0xFFFFF086  }
0x25: {  	[simem:s6], [sflag:s4] =	dma.local [hbm:s3], $0xF7A  }
0x26: {  	[smem:$0x3F7D] =	sst s1;
	(tag) =	ssettag s2;
	_ =	strace s9  }
0x27: {  	s1 =	sld [smem:$0x3F8D]  }
0x28: {  	s2 =	sld [smem:$0x3F8E]  }
0x29: {  	s4 =	sld [smem:$0x3F90]  }
0x2a: {  	p0 =	seq.s32 s5, $0x0;
	s5 =	sld [smem:$0x3F91]  }
0x2b: {  	s6 =	sld [smem:$0x3F92]  }
0x2c: {  	s7 =	sld [smem:$0x3F93]  }
0x2d: {  	s3 =	simm.s32 $0x108;
	s8 =	sld [smem:$0x3F94]  }
0x2e: {  	s3 =	simm.s32 @!p0 $0x1082;
	s9 =	sld [smem:$0x3F95]  }
0x2f: {  	lr =	sadd.s32 s0, s3;
	s0 =	sld [smem:$0x3F8C]  }
0x30: {  	s3 =	sld [smem:$0x3F8F]  }
0x31: {  	[smem:$0x3F98] =	sst s10  }
0x32: {  	s10 =	sld [smem:$0x3F96];
	_ =	sdelay $0x3  }
0x33: {  	p0 =	seq.s32 s10, $0x1;
	s10 =	sld [smem:$0x3F98];
	_ =	sdelay $0x3  }
0x34: {  	[smem:$0x3F98] =	sst s10  }
0x35: {  	s10 =	sld [smem:$0x3F97];
	_ =	sdelay $0x3  }
0x36: {  	p1 =	seq.s32 s10, $0x1;
	s10 =	sld [smem:$0x3F98];
	_ =	sdelay $0x3  }
0x37: {  	[smem:$0x3F98] =	sst s10  }
0x38: {  	s10 =	sld [smem:$0x3F99]  }
0x39: {  	_ = 	snop;
	(pc) =	sbr.ind lr, $3  }
0x3a: {  	_ = 	snop  }
0x3b: {  	_ = 	snop  }
0x3c: {  	p2 =	seq.s32 s10, $0x1;
	s10 =	sld [smem:$0x3F98]  }
0x3d: {  	_ =	shalt  }
0x3e: {  	_ =	shalt  }
0x3f: {  	_ =	shalt  }
0x40: {  	_ =	shalt  }
0x41: {  	_ =	shalt  }
0x42: {  	_ =	shalt  }
0x43: {  	_ =	shalt  }
0x44: {  	_ =	shalt  }
0x45: {  	_ =	shalt  }
0x46: {  	_ =	shalt  }
0x47: {  	_ =	shalt  }
0x48: {  	_ =	shalt  }
0x49: {  	_ =	shalt  }
0x4a: {  	_ =	shalt  }
0x4b: {  	_ =	shalt  }
0x4c: {  	_ =	shalt  }
0x4d: {  	_ =	shalt  }
0x4e: {  	_ =	shalt  }
0x4f: {  	_ =	shalt  }
0x50: {  	_ =	shalt  }
0x51: {  	_ =	shalt  }
0x52: {  	_ =	shalt  }
0x53: {  	_ =	shalt  }
0x54: {  	_ =	shalt  }
0x55: {  	_ =	shalt  }
0x56: {  	_ =	shalt  }
0x57: {  	_ =	shalt  }
0x58: {  	_ =	shalt  }
0x59: {  	_ =	shalt  }
0x5a: {  	_ =	shalt  }
0x5b: {  	_ =	shalt  }
0x5c: {  	_ =	shalt  }
0x5d: {  	_ =	shalt  }
0x5e: {  	_ =	shalt  }
0x5f: {  	_ =	shalt  }
0x60: {  	_ =	shalt  }
0x61: {  	_ =	shalt  }
0x62: {  	_ =	shalt  }
0x63: {  	_ =	shalt  }
0x64: {  	_ =	shalt  }
0x65: {  	_ =	shalt  }
0x66: {  	_ =	shalt  }
0x67: {  	_ =	shalt  }
0x68: {  	_ =	shalt  }
0x69: {  	_ =	shalt  }
0x6a: {  	_ =	shalt  }
0x6b: {  	_ =	shalt  }
0x6c: {  	_ =	shalt  }
0x6d: {  	_ =	shalt  }
0x6e: {  	_ =	shalt  }
0x6f: {  	_ =	shalt  }
0x70: {  	_ =	shalt  }
0x71: {  	_ =	shalt  }
0x72: {  	_ =	shalt  }
0x73: {  	_ =	shalt  }
0x74: {  	_ =	shalt  }
0x75: {  	_ =	shalt  }
0x76: {  	_ =	shalt  }
0x77: {  	_ =	shalt  }
0x78: {  	_ =	shalt  }
0x79: {  	_ =	shalt  }
0x7a: {  	_ =	shalt  }
0x7b: {  	_ =	shalt  }
0x7c: {  	_ =	shalt  }
0x7d: {  	_ =	shalt  }
0x7e: {  	_ =	shalt  }
0x7f: {  	_ =	shalt  }
0x80: {  	_ =	shalt  }
0x81: {  	_ =	shalt  }
0x82: {  	_ =	shalt  }
0x83: {  	_ =	shalt  }
0x84: {  	_ =	shalt  }
0x85: {  	_ =	shalt  }
0x86: {  	_ =	shalt  }
0x87: {  	_ =	shalt  }
.Lfunc_end0:
.L_simem_size_0:
called_computation.5_lowered:
.L_overlay_start_0:
0x88: {  	s2 =	sld [smem:$0x3FD9]  }
0x89: {  	s3 =	sld [smem:$0x3FFE];
	_ =	sdelay $0x1  }
0x8a: {  	s1 =	srdreg.scid  }
0x8b: {  	s0 =	sand.u32 $0x1, s1  }
0x8c: {  	s16 =	sshll.u32 s0, $0xA;
	s2 =	sadd.s32 s3, s2  }
0x8d: {  	s2 =	sadd.s32 s2, s16  }
0x8e: {  	[smem:$0x3FA4] =	sst s2  }
0x8f: {  	_ = 	snop  }
0x90: {  	(tm) =	ssettm $0x1  }
0x91: {  	s17 =	sld [smem:$0x3FFB];
	_ =	sdelay $0x3  }
0x92: {  	_ =	strace s17  }
0x93: {  	s2 =	sld [smem:$0x3FFC];
	_ =	sdelay $0x3  }
0x94: {  	_ =	strace s2  }
0x95: {  	s2 =	sld [smem:$0x3FFD];
	_ =	sdelay $0x3  }
0x96: {  	_ =	strace s2  }
0x97: {  	_ =	strace $0x8FFFFFFF  }
0x98: {  	s18 =	sld [smem:$0x3FDB];
	_ =	sdelay $0x1  }
0x99: {  	s19 =	simm.s32 $_scs_section_size  }
0x9a: {  	s4 =	simm.s32 $_size__tile_overlayer_lowered;
	s5 =	simm.s32 $_tile_overlayer_lowered  }
0x9b: {  	s22 =	simm.s32 $0x1BFF;
	s21 =	sshll.u32 s5, $0x1;
	s2 =	sadd.s32 s19, s18  }
0x9c: {  	s6 =	simm.s32 $0x0;
	s20 =	sshll.u32 s4, $0x1;
	s4 =	sadd.s32 s21, s2  }
0x9d: {  	[timem:s6], [sflag:s22] =	dma.local [hbm:s4], s20  }
0x9e: {  	_ =	swait.ge [sflag:s22], s20  }
0x9f: {  	s3 =	ssub.s32 $0x0, s20;
	[sflag:s22] =	ssyncset.done $0x0  }
0xa0: {  	[sflag:s22] =	ssyncadd.s32 s3;
	_ =	sdelay $0x1  }
0xa1: {  	s23 =	simm.s32 $0x1B8B  }
0xa2: {  	_ =	swait.ge [sflag:s23], $0x1  }
0xa3: {  	[sflag:s23] =	ssyncset.done $0x0  }
0xa4: {  	s25 =	simm.s32 $0x1B8E;
	s24 =	sld [smem:$0x3FFE];
	[sflag:s23] =	ssyncadd.s32 $0xFFFFFFFF  }
0xa5: {  	s26 =	simm.s32 $execute0_lowered;
	[smem:$0x3FD2] =	sst s25  }
0xa6: {  	s4 =	sshll.u32 s26, $0x1;
	_ =	strace $0x80000055;
	[dreg:$0x1] =	wrdreg $0xFFFFFFFF  }
0xa7: {  	s28 =	simm.s32 $_size_execute0_lowered;
	s2 =	sadd.s32 s2, s4;
	[dreg:$0x0] =	wrdreg $0x0  }
0xa8: {  	s4 =	sshll.u32 s28, $0x1;
	[dreg:$0x2] =	wrdreg s2  }
0xa9: {  	[dreg:$0x3] =	wrdreg s4  }
0xaa: {  	[dreg:$0x4] =	wrdreg $0xC0  }
0xab: {  	_ =	task [dreg:s6], $0x5FFFF  }
0xac: {  	[dreg:$0x1] =	wrdreg $0xFFFFFFFF  }
0xad: {  	[dreg:$0x0] =	wrdreg $0x60  }
0xae: {  	[dreg:$0x2] =	wrdreg s24  }
0xaf: {  	[dreg:$0x3] =	wrdreg $0x51000  }
0xb0: {  	[dreg:$0x4] =	wrdreg $0x9  }
0xb1: {  	_ =	task.clear_ibuf [dreg:s6], $0x5FFFF;
	_ =	strace $0x90000055  }
0xb2: {  	s29 =	simm.s32 $0x9;
	_ =	strace $0x80000057  }
0xb3: {  	_ =	swait.ge [sflag:s29], $0x1  }
0xb4: {  	[sflag:s29] =	ssyncadd.s32 $0xFFFFFFFF  }
0xb5: {  	_ =	strace $0x90000057  }
0xb6: {  	_ =	sfence  }
0xb7: {  	s30 =	sld [smem:$0x0];
	_ =	sdelay $0x2  }
0xb8: {  	s31 =	sshll.u32 s1, $0xD;
	s1 =	sshrl.u32 s1, $0x2  }
0xb9: {  	s3 =	sand.u32 $0x4000, s31;
	s1 =	sadd.s32 s1, s30  }
0xba: {  	s0 =	sor.u32 s3, s0;
	s1 =	sshll.u32 s1, $0x11  }
0xbb: {  	s0 =	sor.u32 s1, s0  }
0xbc: {  	s0 =	sadd.s32 $0x8F2B, s0  }
0xbd: {  	[sflag:s0] =	ssyncadd.remote.s32 $0x1  }
0xbe: {  	_ =	sfence.sel $0xFFFF  }
0xbf: {  	[dreg:$0x0] =	wrdreg $0xFFFFFFFF;
	(pc) =	sbr.abs _section_cstart, $3  }
0xc0: {  	[dreg:$0x1] =	wrdreg $0xFFFFFFFF  }
0xc1: {  	_ =	task.clear_ibuf [dreg:s6], $0x2FFFF;
	_ =	strace $0x9FFFFFFF  }
0xc2: {  	(tm) =	ssettm $0x7FFFFFFF  }
0xc3: {  	_ =	shalt  }
tec
execute0_lowered:
.L_overlay_start_1:
0x0: {  	(tag) =	ssettag $0x1  }
0x1: {  	s9 =	rddreg [dreg:$0x0]  }
0x2: {  	s1 =	rddreg [dreg:$0x1]  }
0x3: {  	s0 =	rddreg [dreg:$0x2];
	s3 =	simm.s32 $0x0  }
0x4: {  	s2 =	srdreg.scid;
	s16 =	simm.s32 $0x100;
	s17 =	simm.s32 $0x50  }
0x5: {  	s18 =	simm.s32 $0x2900;
	s19 =	simm.s32 $0x1;
	s24 =	simm.s32 $0x0  }
0x6: {  	[smem:$0x7FF] =	sst s3;
	s10 =	sand.u32 $0x1, s2;
	s2 =	stileid.u32  }
0x7: {  	s4 =	sadd.s32 $0x1AE00, s9;
	s5 =	sadd.s32 $0xCDA00, s9;
	s6 =	sadd.s32 $0x11000, s9  }
0x8: {  	s7 =	sadd.s32 $0x7200, s9;
	s8 =	sadd.s32 $0x42000, s9;
	s11 =	smul.u32 $0x140000, s10  }
0x9: {  	_ =	strace $0x80000056;
	s12 =	smul.u32 $0x14000, s2;
	s26 =	ssub.s32 $0x2, s10  }
0xa: {  	s14 =	smul.u32 $0x50000, s2;
	s28 =	sshll.u32 s10, $0x4;
	s30 =	sshll.u32 s2, $0x6  }
0xb: {  	s13 =	sshrl.u32 s26, $0x1;
	s31 =	sor.u32 s2, s28;
	s11 =	sadd.s32 s12, s11  }
0xc: {  	s12 =	ssub.s32 s26, s13;
	s29 =	sshrl.u32 s14, $0x2;
	s10 =	smul.u32 $0x2710, s31  }
0xd: {  	s14 =	simm.s32 $0x2;
	s11 =	sshrl.u32 s11, $0x3;
	s15 =	sadd.s32 s29, s1  }
0xe: {  	s12 =	smax.u32 s12, $0x1;
	s11 =	sadd.s32 s11, s9;
	s9 =	sor.u32 $0x1C02, s30  }
0xf: {  	s13 =	sshrl.u32 s15, $0x3;
	s15 =	simm.s32 $0x80;
	s11 =	sadd.s32 $0x5AFA00, s11  }
.LBB2_1:
0x10: {  	[spmem:s13], [sflag:s9] =	dma.local [hbm:s8], $0x2800  }
0x11: {  	_ =	swait.ge [sflag:s14], $0x2800  }
0x12: {  	[sflag:s14] =	ssyncset.done $0x0  }
0x13: {  	[sflag:s14] =	ssyncadd.s32 $0xFFFFD800  }
0x14: {  	s20 =	simm.s32 $0x0;
	[bflag:$0x0] =	sbarrier.arrive $0xFFFF  }
.LBB2_2:
0x15: {  	s21 =	smul.u32 $0x50, s20;
	_ =	sdelay $0x1  }
0x16: {  	s21 =	sadd.s32 s10, s21  }
0x17: {  	s22 =	sshrl.u32 s21, $0x3  }
0x18: {  	s23 =	sadd.s32 s6, s22  }
0x19: {  	[tilespmem:s24], [sflag:$0x2] =	stream.linear.gather [hbm4b:s23+s24], $0x50, $0x38;
	[tilespmem:$0x19100] =	vst v63  }
0x1a: {  	_ =	swait.ge [sflag:s14], $0x50  }
0x1b: {  	[sflag:s14] =	ssyncset.done $0x0  }
0x1c: {  	s22 =	sadd.s32 s7, s22;
	[sflag:s14] =	ssyncadd.s32 $0xFFFFFFB0  }
0x1d: {  	[tilespmem:s15], [sflag:$0x2] =	stream.linear.gather [hbm4b:s22+s24], $0x50, $0x38;
	[tilespmem:$0x19100] =	vst v63  }
0x1e: {  	_ =	swait.ge [sflag:s14], $0x50  }
0x1f: {  	s21 =	sshll.u32 s21, $0x4;
	[sflag:s14] =	ssyncset.done $0x0  }
0x20: {  	s21 =	sadd.s32 s5, s21;
	[sflag:s14] =	ssyncadd.s32 $0xFFFFFFB0  }
0x21: {  	[tilespmem:s16], [sflag:$0x2] =	stream.linear.gather [hbm4b:s21+s24], $0x2800, $0x38;
	[tilespmem:$0x19100] =	vst v63  }
0x22: {  	_ =	swait.ge [sflag:s14], $0x2800  }
0x23: {  	[sflag:s14] =	ssyncset.done $0x0  }
0x24: {  	[sflag:s14] =	ssyncadd.s32 $0xFFFFD800  }
0x25: {  	[tilespmem:s18], [sflag:$0x1] =	stream.indirect.gather [hbm4b:s4+s17], $0x80, s24, s17, $0xb8;
	[tilespmem:$0x19100] =	vst v63  }
0x26: {  	_ =	swait.ge [sflag:s19], $0x2800  }
0x27: {  	[sflag:s19] =	ssyncset.done $0x0  }
0x28: {  	s21 =	simm.s32 $0x0;
	[sflag:s19] =	ssyncadd.s32 $0xFFFFD800  }
0x29: {  	v0 =	vld [tilespmem:s21+$0x100]  }
0x2a: {  	v4 =	vld [tilespmem:s21+$0x2900]  }
0x2b: {  	v6 =	vld [tilespmem:s21+$0x2910]  }
0x2c: {  	v5 =	vld [tilespmem:s21+$0x2920]  }
0x2d: {  	v3 =	vld [tilespmem:s21+$0x2930]  }
0x2e: {  	v1 =	vld [tilespmem:s21+$0x2940]  }
0x2f: {  	v2 =	vld [tilespmem:s21+$0x2950];
	v7 =	vmul.f32 v4, v0  }
0x30: {  	s22 =	simm.s32 $0x200;
	v6 =	vmul.f32 v6, v0;
	v4 =	vld [tilespmem:s21+$0x2960]  }
.LBB2_3:
0x31: {  	s23 =	sshra.s32 s22, $0x2;
	p0 =	sne.s32 s22, $0x9E00;
	[tilespmem:s21+$0x2900] =	vst v7;
	v5 =	vmul.f32 v5, v0;
	v7 =	vld [tilespmem:s21+$0x2970]  }
0x32: {  	v8 =	vld [tilespmem:s23+$0x100];
	[tilespmem:s21+$0x2910] =	vst v6;
	v3 =	vmul.f32 v3, v0  }
0x33: {  	v6 =	vld [tilespmem:s23+$0x2900];
	[tilespmem:s21+$0x2920] =	vst v5;
	v1 =	vmul.f32 v1, v0  }
0x34: {  	v9 =	vld [tilespmem:s23+$0x2910];
	[tilespmem:s21+$0x2930] =	vst v3;
	v2 =	vmul.f32 v2, v0  }
.Ltmp0:
0x35: {  	v5 =	vld [tilespmem:s23+$0x2920];
	[tilespmem:s21+$0x2940] =	vst v1;
	v4 =	vmul.f32 v4, v0;
	(pc) =	sbr.rel @p0 .LBB2_3-.Ltmp0, $4  }
0x36: {  	v3 =	vld [tilespmem:s23+$0x2930];
	[tilespmem:s21+$0x2950] =	vst v2;
	v10 =	vmul.f32 v7, v0  }
0x37: {  	v1 =	vld [tilespmem:s23+$0x2940];
	[tilespmem:s21+$0x2960] =	vst v4;
	v0 =	vmov v8  }
0x38: {  	v7 =	vmul.f32 v6, v0;
	v2 =	vld [tilespmem:s23+$0x2950];
	[tilespmem:s21+$0x2970] =	vst v10;
	s21 =	smov.u32 s23  }
0x39: {  	s22 =	sadd.s32 $0x200, s22;
	v6 =	vmul.f32 v9, v0;
	v4 =	vld [tilespmem:s21+$0x2960]  }
0x3a: {  	[tilespmem:s21+$0x2900] =	vst v7;
	v5 =	vmul.f32 v5, v0;
	v61 =	vld [tilespmem:s21+$0x2970]  }
0x3b: {  	[tilespmem:s21+$0x2910] =	vst v6;
	v3 =	vmul.f32 v3, v0  }
0x3c: {  	[tilespmem:s21+$0x2920] =	vst v5;
	v1 =	vmul.f32 v1, v0  }
0x3d: {  	[tilespmem:s21+$0x2930] =	vst v3;
	v2 =	vmul.f32 v2, v0  }
0x3e: {  	[tilespmem:s21+$0x2940] =	vst v1;
	v62 =	vmul.f32 v4, v0  }
0x3f: {  	s20 =	sadd.s32 $0x1, s20;
	[tilespmem:s21+$0x2950] =	vst v2;
	v63 =	vmul.f32 v61, v0  }
0x40: {  	p0 =	sne.s32 s20, $0x7D;
	[tilespmem:s21+$0x2960] =	vst v62  }
.Ltmp1:
0x41: {  	[tilespmem:s21+$0x2970] =	vst v63;
	(pc) =	sbr.rel @p0 .LBB2_2-.Ltmp1, $4  }
0x42: {  	[spmem:s1] =	stream.indirect.scatter.add.f32 [tilespmem:s18], [sflag:$0x2], $0x80, s15, s17, $0xb8;
	[tilespmem:$0x19100] =	vst v63  }
0x43: {  	_ =	swait.ge [sflag:s14], $0x2800  }
0x44: {  	[sflag:s14] =	ssyncset.done $0x0  }
0x45: {  	[sflag:s14] =	ssyncadd.s32 $0xFFFFD800  }
0x46: {  	s3 =	sadd.s32 $0x1, s3  }
0x47: {  	p0 =	sne.s32 s3, s12  }
.Ltmp2:
0x48: {  	[bflag:$0x0] =	sbarrier.arrive $0xFFFF;
	(pc) =	sbr.rel @p0 .LBB2_1-.Ltmp2, $4  }
0x49: {  	[hbm:s11], [sflag:s9] =	dma.local [spmem:s13], $0x2800  }
0x4a: {  	_ =	swait.ge [sflag:s14], $0x2800  }
0x4b: {  	[sflag:s14] =	ssyncset.done $0x0  }
0x4c: {  	[sflag:s14] =	ssyncadd.s32 $0xFFFFD800  }
0x4d: {  	_ =	sfence.sel $0x180000  }
0x4e: {  	[bflag:$0x0] =	sbarrier.arrive $0xFFFF  }
0x4f: {  	p0 =	sne.s32 s2, $0x0;
	_ =	strace $0x90000056  }
0x50: {  	s0 =	sadd.s32 @!p0 $0x100000, s0;
	[bflag:$0x2] =	sbarrier.arrive $0xFFFF  }
0x51: {  	[sflag:s0] =	ssyncadd.tile.s32 @!p0 $0x1;
	_ =	shalt  }
.Lfunc_end2:
_tile_overlayer_lowered:
.L_overlay_start_2:
0x52: {  	(tag) =	ssettag $0x2  }
0x53: {  	s0 =	rddreg [dreg:$0x0];
	s2 =	stileid.u32  }
0x54: {  	s1 =	rddreg [dreg:$0x1];
	p0 =	sne.s32 s2, $0x0  }
0x55: {  	s3 =	rddreg [dreg:$0x2];
	[bflag:$0x3] =	sbarrier.arrive $0xFFFF;
	s2 =	simm.s32 @!p0 $0x1C02  }
0x56: {  	[timem:s3], [sflag:s2] =	dma.local @!p0 [hbm:s0], s1  }
0x57: {  	s0 =	simm.s32 @!p0 $0x2  }
0x58: {  	_ =	swait.ge @!p0 [sflag:s0], s1  }
0x59: {  	s1 =	ssub.s32 @!p0 $0x0, s1;
	[sflag:s0] =	ssyncset.done @!p0 $0x0  }
0x5a: {  	[sflag:s0] =	ssyncadd.s32 @!p0 s1  }
0x5b: {  	[bflag:$0x3] =	sbarrier.arrive $0xFFFF  }
0x5c: {  	_ =	shalt  }

// kernel: kernel.43.cloned.1.call-start
scs
__scs_entry_jumppad:
0x0: {  	(pc) =	sbr.rel $0x88, $3  }
0x1: {  	(tag) =	ssettag $0x0;
	lr =	simm.s32 $0x1  }
0x2: {  	[smem:$0x3F7D] =	sst lr;
	_ =	strace $0xD0000000  }
0x3: {  	_ = 	snop  }
0x4: {  	_ = 	snop  }
0x5: {  	_ = 	snop  }
0x6: {  	_ = 	snop  }
0x7: {  	_ = 	snop  }
__scs_overlays_trampoline_lowered:
0x8: {  	[smem:$0x3F8C] =	sst s0  }
0x9: {  	[smem:$0x3F8D] =	sst s1  }
0xa: {  	[smem:$0x3F8E] =	sst s2  }
0xb: {  	[smem:$0x3F8F] =	sst s3  }
0xc: {  	[smem:$0x3F90] =	sst s4  }
0xd: {  	[smem:$0x3F91] =	sst s5  }
0xe: {  	[smem:$0x3F92] =	sst s6  }
0xf: {  	[smem:$0x3F93] =	sst s7  }
0x10: {  	[smem:$0x3F94] =	sst s8  }
0x11: {  	[smem:$0x3F95] =	sst s9;
	s0 =	simm.s32 @!p0 $0x0  }
0x12: {  	s1 =	sld [smem:$0x3F7B];
	s0 =	simm.s32 @p0 $0x1  }
0x13: {  	[smem:$0x3F96] =	sst s0;
	s0 =	simm.s32 @!p1 $0x0  }
0x14: {  	s2 =	sld [smem:$0x3F7A];
	s0 =	simm.s32 @p1 $0x1  }
0x15: {  	[smem:$0x3F97] =	sst s0;
	s0 =	simm.s32 @!p2 $0x0  }
0x16: {  	s3 =	sld [smem:$0x3FDB];
	s0 =	simm.s32 @p2 $0x1  }
0x17: {  	s4 =	simm.s32 $0x1BF5;
	[smem:$0x3F99] =	sst s0  }
0x18: {  	s0 =	sld [smem:$0x3F7C];
	_ =	swait.ge [sflag:s4], $0x0  }
0x19: {  	s7 =	sld [smem:$0x3F7D]  }
0x1a: {  	s8 =	sadd.s32 $0xFFFFE003, lr  }
0x1b: {  	s9 =	sadd.s32 $0xFFFFFEF7, lr;
	s5 =	simm.s32 $0xFFFFFFFF;
	p2 =	slt.u32 s8, $0xFFFFF086  }
0x1c: {  	p1 =	slt.u32 s9, $0xF7A;
	s5 =	simm.s32 @!p2 $0x0  }
0x1d: {  	s5 =	simm.s32 @p1 $0x1;
	p0 =	seq.s32 s7, s2  }
0x1e: {  	s7 =	smul.u32 @!p0 $0xF7A, s2;
	p2 =	seq.s32 @!p0 s5, $0x0  }
0x1f: {  	s9 =	smul.u32 $0xF7A, s1;
	s8 =	simm.s32 @!p0 $0x1BF5;
	p2 =	por !p2, p0  }
0x20: {  	[sflag:s8] =	ssyncset.s32 @!p0 $0xFFFFF086;
	s6 =	sadd.s32 @!p0 s3, s7;
	s7 =	simm.s32 @!p0 $0x108  }
0x21: {  	s3 =	sadd.s32 s3, s9;
	s6 =	sadd.s32 @!p0 $0x88, s6;
	s7 =	simm.s32 @p2 $0x1082  }
0x22: {  	[simem:s7], [sflag:s8] =	dma.local @!p0 [hbm:s6], $0xF7A  }
0x23: {  	s9 =	sor.u32 $0xD0000000, s2;
	s6 =	simm.s32 $0x108;
	_ =	swait.ge @!p0 [sflag:s8], $0x0  }
0x24: {  	s3 =	sadd.s32 $0x88, s3;
	s6 =	simm.s32 @!p1 $0x1082;
	[sflag:s4] =	ssyncset.s32 $0xFFFFF086  }
0x25: {  	[simem:s6], [sflag:s4] =	dma.local [hbm:s3], $0xF7A  }
0x26: {  	[smem:$0x3F7D] =	sst s1;
	(tag) =	ssettag s2;
	_ =	strace s9  }
0x27: {  	s1 =	sld [smem:$0x3F8D]  }
0x28: {  	s2 =	sld [smem:$0x3F8E]  }
0x29: {  	s4 =	sld [smem:$0x3F90]  }
0x2a: {  	p0 =	seq.s32 s5, $0x0;
	s5 =	sld [smem:$0x3F91]  }
0x2b: {  	s6 =	sld [smem:$0x3F92]  }
0x2c: {  	s7 =	sld [smem:$0x3F93]  }
0x2d: {  	s3 =	simm.s32 $0x108;
	s8 =	sld [smem:$0x3F94]  }
0x2e: {  	s3 =	simm.s32 @!p0 $0x1082;
	s9 =	sld [smem:$0x3F95]  }
0x2f: {  	lr =	sadd.s32 s0, s3;
	s0 =	sld [smem:$0x3F8C]  }
0x30: {  	s3 =	sld [smem:$0x3F8F]  }
0x31: {  	[smem:$0x3F98] =	sst s10  }
0x32: {  	s10 =	sld [smem:$0x3F96];
	_ =	sdelay $0x3  }
0x33: {  	p0 =	seq.s32 s10, $0x1;
	s10 =	sld [smem:$0x3F98];
	_ =	sdelay $0x3  }
0x34: {  	[smem:$0x3F98] =	sst s10  }
0x35: {  	s10 =	sld [smem:$0x3F97];
	_ =	sdelay $0x3  }
0x36: {  	p1 =	seq.s32 s10, $0x1;
	s10 =	sld [smem:$0x3F98];
	_ =	sdelay $0x3  }
0x37: {  	[smem:$0x3F98] =	sst s10  }
0x38: {  	s10 =	sld [smem:$0x3F99]  }
0x39: {  	_ = 	snop;
	(pc) =	sbr.ind lr, $3  }
0x3a: {  	_ = 	snop  }
0x3b: {  	_ = 	snop  }
0x3c: {  	p2 =	seq.s32 s10, $0x1;
	s10 =	sld [smem:$0x3F98]  }
0x3d: {  	_ =	shalt  }
0x3e: {  	_ =	shalt  }
0x3f: {  	_ =	shalt  }
0x40: {  	_ =	shalt  }
0x41: {  	_ =	shalt  }
0x42: {  	_ =	shalt  }
0x43: {  	_ =	shalt  }
0x44: {  	_ =	shalt  }
0x45: {  	_ =	shalt  }
0x46: {  	_ =	shalt  }
0x47: {  	_ =	shalt  }
0x48: {  	_ =	shalt  }
0x49: {  	_ =	shalt  }
0x4a: {  	_ =	shalt  }
0x4b: {  	_ =	shalt  }
0x4c: {  	_ =	shalt  }
0x4d: {  	_ =	shalt  }
0x4e: {  	_ =	shalt  }
0x4f: {  	_ =	shalt  }
0x50: {  	_ =	shalt  }
0x51: {  	_ =	shalt  }
0x52: {  	_ =	shalt  }
0x53: {  	_ =	shalt  }
0x54: {  	_ =	shalt  }
0x55: {  	_ =	shalt  }
0x56: {  	_ =	shalt  }
0x57: {  	_ =	shalt  }
0x58: {  	_ =	shalt  }
0x59: {  	_ =	shalt  }
0x5a: {  	_ =	shalt  }
0x5b: {  	_ =	shalt  }
0x5c: {  	_ =	shalt  }
0x5d: {  	_ =	shalt  }
0x5e: {  	_ =	shalt  }
0x5f: {  	_ =	shalt  }
0x60: {  	_ =	shalt  }
0x61: {  	_ =	shalt  }
0x62: {  	_ =	shalt  }
0x63: {  	_ =	shalt  }
0x64: {  	_ =	shalt  }
0x65: {  	_ =	shalt  }
0x66: {  	_ =	shalt  }
0x67: {  	_ =	shalt  }
0x68: {  	_ =	shalt  }
0x69: {  	_ =	shalt  }
0x6a: {  	_ =	shalt  }
0x6b: {  	_ =	shalt  }
0x6c: {  	_ =	shalt  }
0x6d: {  	_ =	shalt  }
0x6e: {  	_ =	shalt  }
0x6f: {  	_ =	shalt  }
0x70: {  	_ =	shalt  }
0x71: {  	_ =	shalt  }
0x72: {  	_ =	shalt  }
0x73: {  	_ =	shalt  }
0x74: {  	_ =	shalt  }
0x75: {  	_ =	shalt  }
0x76: {  	_ =	shalt  }
0x77: {  	_ =	shalt  }
0x78: {  	_ =	shalt  }
0x79: {  	_ =	shalt  }
0x7a: {  	_ =	shalt  }
0x7b: {  	_ =	shalt  }
0x7c: {  	_ =	shalt  }
0x7d: {  	_ =	shalt  }
0x7e: {  	_ =	shalt  }
0x7f: {  	_ =	shalt  }
0x80: {  	_ =	shalt  }
0x81: {  	_ =	shalt  }
0x82: {  	_ =	shalt  }
0x83: {  	_ =	shalt  }
0x84: {  	_ =	shalt  }
0x85: {  	_ =	shalt  }
0x86: {  	_ =	shalt  }
0x87: {  	_ =	shalt  }
.Lfunc_end0:
.L_simem_size_0:
called_computation.6_lowered:
.L_overlay_start_0:
0x88: {  	s2 =	sld [smem:$0x3FD9]  }
0x89: {  	s3 =	sld [smem:$0x3FFE];
	_ =	sdelay $0x1  }
0x8a: {  	s1 =	srdreg.scid  }
0x8b: {  	s0 =	sand.u32 $0x1, s1  }
0x8c: {  	s17 =	sshll.u32 s0, $0xA;
	s2 =	sadd.s32 s3, s2  }
0x8d: {  	s2 =	sadd.s32 s2, s17  }
0x8e: {  	[smem:$0x3FA4] =	sst s2  }
0x8f: {  	_ = 	snop  }
0x90: {  	(tm) =	ssettm $0x1  }
0x91: {  	s18 =	sld [smem:$0x3FFB];
	_ =	sdelay $0x3  }
0x92: {  	_ =	strace s18  }
0x93: {  	s2 =	sld [smem:$0x3FFC];
	_ =	sdelay $0x3  }
0x94: {  	_ =	strace s2  }
0x95: {  	s2 =	sld [smem:$0x3FFD];
	_ =	sdelay $0x3  }
0x96: {  	_ =	strace s2  }
0x97: {  	_ =	strace $0x8FFFFFFF  }
0x98: {  	s19 =	sld [smem:$0x3FDB];
	_ =	sdelay $0x1  }
0x99: {  	s20 =	simm.s32 $_scs_section_size  }
0x9a: {  	s4 =	simm.s32 $_size__tile_overlayer_lowered;
	s5 =	simm.s32 $_tile_overlayer_lowered  }
0x9b: {  	s6 =	simm.s32 $0x1BFF;
	s21 =	sshll.u32 s5, $0x1;
	s3 =	sadd.s32 s20, s19  }
0x9c: {  	s22 =	simm.s32 $0x0;
	s4 =	sshll.u32 s4, $0x1;
	s5 =	sadd.s32 s21, s3  }
0x9d: {  	[timem:s22], [sflag:s6] =	dma.local [hbm:s5], s4  }
0x9e: {  	_ =	swait.ge [sflag:s6], s4  }
0x9f: {  	s4 =	ssub.s32 $0x0, s4;
	[sflag:s6] =	ssyncset.done $0x0  }
0xa0: {  	[sflag:s6] =	ssyncadd.s32 s4;
	_ =	sdelay $0x1  }
0xa1: {  	s23 =	simm.s32 $0x1B8B  }
0xa2: {  	_ =	swait.ge [sflag:s23], $0x1  }
0xa3: {  	[sflag:s23] =	ssyncset.done $0x0  }
0xa4: {  	[sflag:s23] =	ssyncadd.s32 $0xFFFFFFFF  }
0xa5: {  	s4 =	sld [smem:$0x0]  }
0xa6: {  	s5 =	sand.u32 $0xFFFFFFFE, s1  }
0xa7: {  	p0 =	sne.s32 s1, s5  }
0xa8: {  	s5 =	sshll.u32 @p0 s5, $0xE  }
0xa9: {  	s5 =	sadd.s32 @p0 $0x11B8D, s5;
	s6 =	sshll.u32 @p0 s4, $0x11  }
0xaa: {  	s5 =	sor.u32 @p0 s6, s5  }
0xab: {  	[sflag:s5] =	ssyncadd.remote.s32 @p0 $0x1;
	_ =	sdelay $0x1  }
0xac: {  	s5 =	simm.s32 @p0 $0x1B8D  }
0xad: {  	_ =	swait.eq @p0 [sflag:s5], $0x1  }
0xae: {  	[sflag:s5] =	ssyncadd.s32 @p0 $0xFFFFFFFF  }
0xaf: {  	s6 =	sshll.u32 @!p0 s1, $0xE  }
0xb0: {  	s6 =	sor.u32 @!p0 $0x4000, s6;
	s5 =	simm.s32 @!p0 $0x1B8D  }
0xb1: {  	s4 =	sshll.u32 @!p0 s4, $0x11;
	s6 =	sadd.s32 @!p0 $0x11B8D, s6;
	_ =	swait.eq @!p0 [sflag:s5], $0x1  }
0xb2: {  	s4 =	sor.u32 @!p0 s4, s6;
	[sflag:s5] =	ssyncadd.s32 @!p0 $0xFFFFFFFF  }
0xb3: {  	s25 =	simm.s32 $0x1B8E;
	s24 =	sld [smem:$0x3FFE];
	[sflag:s4] =	ssyncadd.remote.s32 @!p0 $0x1  }
0xb4: {  	s26 =	simm.s32 $execute0_lowered;
	[smem:$0x3FD2] =	sst s25  }
0xb5: {  	s5 =	sshll.u32 s26, $0x1;
	_ =	strace $0x80000058;
	[dreg:$0x1] =	wrdreg $0xFFFFFFFF  }
0xb6: {  	s28 =	simm.s32 $_size_execute0_lowered;
	s3 =	sadd.s32 s3, s5;
	[dreg:$0x0] =	wrdreg $0x0  }
0xb7: {  	s5 =	sshll.u32 s28, $0x1;
	[dreg:$0x2] =	wrdreg s3  }
0xb8: {  	[dreg:$0x3] =	wrdreg s5  }
0xb9: {  	[dreg:$0x4] =	wrdreg $0xC0  }
0xba: {  	_ =	task [dreg:s22], $0x5FFFF  }
0xbb: {  	[dreg:$0x1] =	wrdreg $0xFFFFFFFF  }
0xbc: {  	[dreg:$0x0] =	wrdreg $0x60  }
0xbd: {  	[dreg:$0x2] =	wrdreg s24  }
0xbe: {  	[dreg:$0x3] =	wrdreg $0x51000  }
0xbf: {  	[dreg:$0x4] =	wrdreg $0xA  }
0xc0: {  	_ =	task.clear_ibuf [dreg:s22], $0x5FFFF;
	_ =	strace $0x90000058  }
0xc1: {  	s29 =	simm.s32 $0xA;
	_ =	strace $0x8000005A  }
0xc2: {  	_ =	swait.ge [sflag:s29], $0x1  }
0xc3: {  	[sflag:s29] =	ssyncadd.s32 $0xFFFFFFFF  }
0xc4: {  	_ =	strace $0x9000005A  }
0xc5: {  	_ =	sfence  }
0xc6: {  	s30 =	sld [smem:$0x0];
	_ =	sdelay $0x2  }
0xc7: {  	s31 =	sshll.u32 s1, $0xD;
	s1 =	sshrl.u32 s1, $0x2  }
0xc8: {  	s4 =	sand.u32 $0x4000, s31;
	s1 =	sadd.s32 s1, s30  }
0xc9: {  	s0 =	sor.u32 s4, s0;
	s1 =	sshll.u32 s1, $0x11  }
0xca: {  	s0 =	sor.u32 s1, s0  }
0xcb: {  	s0 =	sadd.s32 $0x8F2B, s0  }
0xcc: {  	[sflag:s0] =	ssyncadd.remote.s32 $0x1  }
0xcd: {  	_ =	sfence.sel $0xFFFF  }
0xce: {  	[dreg:$0x0] =	wrdreg $0xFFFFFFFF;
	(pc) =	sbr.abs _section_cstart, $3  }
0xcf: {  	[dreg:$0x1] =	wrdreg $0xFFFFFFFF  }
0xd0: {  	_ =	task.clear_ibuf [dreg:s22], $0x2FFFF;
	_ =	strace $0x9FFFFFFF  }
0xd1: {  	(tm) =	ssettm $0x7FFFFFFF  }
tec
execute0_lowered:
.L_overlay_start_1:
0x0: {  	(tag) =	ssettag $0x1  }
0x1: {  	s9 =	rddreg [dreg:$0x0]  }
0x2: {  	s1 =	rddreg [dreg:$0x1]  }
0x3: {  	s0 =	rddreg [dreg:$0x2];
	s3 =	simm.s32 $0x0  }
0x4: {  	s2 =	srdreg.scid;
	s16 =	simm.s32 $0x100;
	s17 =	simm.s32 $0x50  }
0x5: {  	s18 =	simm.s32 $0x2900;
	s19 =	simm.s32 $0x1;
	s24 =	simm.s32 $0x0  }
0x6: {  	[smem:$0x7FF] =	sst s3;
	s10 =	sand.u32 $0x1, s2;
	s2 =	stileid.u32  }
0x7: {  	s4 =	sadd.s32 $0x44800, s9;
	s5 =	sadd.s32 $0x5FFA00, s9;
	s6 =	sadd.s32 $0x11000, s9  }
0x8: {  	s7 =	sadd.s32 $0x7200, s9;
	s8 =	sadd.s32 $0x42000, s9;
	s11 =	smul.u32 $0x140000, s10  }
0x9: {  	_ =	strace $0x80000059;
	s12 =	smul.u32 $0x14000, s2;
	s26 =	ssub.s32 $0x2, s10  }
0xa: {  	s14 =	smul.u32 $0x50000, s2;
	s28 =	sshll.u32 s10, $0x4;
	s30 =	sshll.u32 s2, $0x6  }
0xb: {  	s13 =	sshrl.u32 s26, $0x1;
	s31 =	sor.u32 s2, s28;
	s11 =	sadd.s32 s12, s11  }
0xc: {  	s12 =	ssub.s32 s26, s13;
	s29 =	sshrl.u32 s14, $0x2;
	s10 =	smul.u32 $0x2710, s31  }
0xd: {  	s14 =	simm.s32 $0x2;
	s11 =	sshrl.u32 s11, $0x3;
	s15 =	sadd.s32 s29, s1  }
0xe: {  	s12 =	smax.u32 s12, $0x1;
	s11 =	sadd.s32 s11, s9;
	s9 =	sor.u32 $0x1C02, s30  }
0xf: {  	s13 =	sshrl.u32 s15, $0x3;
	s15 =	simm.s32 $0x80;
	s11 =	sadd.s32 $0xAE1A00, s11  }
.LBB2_1:
0x10: {  	[spmem:s13], [sflag:s9] =	dma.local [hbm:s8], $0x2800  }
0x11: {  	_ =	swait.ge [sflag:s14], $0x2800  }
0x12: {  	[sflag:s14] =	ssyncset.done $0x0  }
0x13: {  	[sflag:s14] =	ssyncadd.s32 $0xFFFFD800  }
0x14: {  	s20 =	simm.s32 $0x0;
	[bflag:$0x0] =	sbarrier.arrive $0xFFFF  }
.LBB2_2:
0x15: {  	s21 =	smul.u32 $0x50, s20;
	_ =	sdelay $0x1  }
0x16: {  	s21 =	sadd.s32 s10, s21  }
0x17: {  	s22 =	sshrl.u32 s21, $0x3  }
0x18: {  	s23 =	sadd.s32 s6, s22  }
0x19: {  	[tilespmem:s24], [sflag:$0x2] =	stream.linear.gather [hbm4b:s23+s24], $0x50, $0x38;
	[tilespmem:$0x19100] =	vst v63  }
0x1a: {  	_ =	swait.ge [sflag:s14], $0x50  }
0x1b: {  	[sflag:s14] =	ssyncset.done $0x0  }
0x1c: {  	s22 =	sadd.s32 s7, s22;
	[sflag:s14] =	ssyncadd.s32 $0xFFFFFFB0  }
0x1d: {  	[tilespmem:s15], [sflag:$0x2] =	stream.linear.gather [hbm4b:s22+s24], $0x50, $0x38;
	[tilespmem:$0x19100] =	vst v63  }
0x1e: {  	_ =	swait.ge [sflag:s14], $0x50  }
0x1f: {  	s21 =	sshll.u32 s21, $0x4;
	[sflag:s14] =	ssyncset.done $0x0  }
0x20: {  	s21 =	sadd.s32 s5, s21;
	[sflag:s14] =	ssyncadd.s32 $0xFFFFFFB0  }
0x21: {  	[tilespmem:s16], [sflag:$0x2] =	stream.linear.gather [hbm4b:s21+s24], $0x2800, $0x38;
	[tilespmem:$0x19100] =	vst v63  }
0x22: {  	_ =	swait.ge [sflag:s14], $0x2800  }
0x23: {  	[sflag:s14] =	ssyncset.done $0x0  }
0x24: {  	[sflag:s14] =	ssyncadd.s32 $0xFFFFD800  }
0x25: {  	[tilespmem:s18], [sflag:$0x1] =	stream.indirect.gather [hbm4b:s4+s17], $0x80, s24, s17, $0xb8;
	[tilespmem:$0x19100] =	vst v63  }
0x26: {  	_ =	swait.ge [sflag:s19], $0x2800  }
0x27: {  	[sflag:s19] =	ssyncset.done $0x0  }
0x28: {  	s21 =	simm.s32 $0x0;
	[sflag:s19] =	ssyncadd.s32 $0xFFFFD800  }
0x29: {  	v0 =	vld [tilespmem:s21+$0x100]  }
0x2a: {  	v4 =	vld [tilespmem:s21+$0x2900]  }
0x2b: {  	v6 =	vld [tilespmem:s21+$0x2910]  }
0x2c: {  	v5 =	vld [tilespmem:s21+$0x2920]  }
0x2d: {  	v3 =	vld [tilespmem:s21+$0x2930]  }
0x2e: {  	v1 =	vld [tilespmem:s21+$0x2940]  }
0x2f: {  	v2 =	vld [tilespmem:s21+$0x2950];
	v7 =	vmul.f32 v4, v0  }
0x30: {  	s22 =	simm.s32 $0x200;
	v6 =	vmul.f32 v6, v0;
	v4 =	vld [tilespmem:s21+$0x2960]  }
.LBB2_3:
0x31: {  	s23 =	sshra.s32 s22, $0x2;
	p0 =	sne.s32 s22, $0x9E00;
	[tilespmem:s21+$0x2900] =	vst v7;
	v5 =	vmul.f32 v5, v0;
	v7 =	vld [tilespmem:s21+$0x2970]  }
0x32: {  	v8 =	vld [tilespmem:s23+$0x100];
	[tilespmem:s21+$0x2910] =	vst v6;
	v3 =	vmul.f32 v3, v0  }
0x33: {  	v6 =	vld [tilespmem:s23+$0x2900];
	[tilespmem:s21+$0x2920] =	vst v5;
	v1 =	vmul.f32 v1, v0  }
0x34: {  	v9 =	vld [tilespmem:s23+$0x2910];
	[tilespmem:s21+$0x2930] =	vst v3;
	v2 =	vmul.f32 v2, v0  }
.Ltmp0:
0x35: {  	v5 =	vld [tilespmem:s23+$0x2920];
	[tilespmem:s21+$0x2940] =	vst v1;
	v4 =	vmul.f32 v4, v0;
	(pc) =	sbr.rel @p0 .LBB2_3-.Ltmp0, $4  }
0x36: {  	v3 =	vld [tilespmem:s23+$0x2930];
	[tilespmem:s21+$0x2950] =	vst v2;
	v10 =	vmul.f32 v7, v0  }
0x37: {  	v1 =	vld [tilespmem:s23+$0x2940];
	[tilespmem:s21+$0x2960] =	vst v4;
	v0 =	vmov v8  }
0x38: {  	v7 =	vmul.f32 v6, v0;
	v2 =	vld [tilespmem:s23+$0x2950];
	[tilespmem:s21+$0x2970] =	vst v10;
	s21 =	smov.u32 s23  }
0x39: {  	s22 =	sadd.s32 $0x200, s22;
	v6 =	vmul.f32 v9, v0;
	v4 =	vld [tilespmem:s21+$0x2960]  }
0x3a: {  	[tilespmem:s21+$0x2900] =	vst v7;
	v5 =	vmul.f32 v5, v0;
	v61 =	vld [tilespmem:s21+$0x2970]  }
0x3b: {  	[tilespmem:s21+$0x2910] =	vst v6;
	v3 =	vmul.f32 v3, v0  }
0x3c: {  	[tilespmem:s21+$0x2920] =	vst v5;
	v1 =	vmul.f32 v1, v0  }
0x3d: {  	[tilespmem:s21+$0x2930] =	vst v3;
	v2 =	vmul.f32 v2, v0  }
0x3e: {  	[tilespmem:s21+$0x2940] =	vst v1;
	v62 =	vmul.f32 v4, v0  }
0x3f: {  	s20 =	sadd.s32 $0x1, s20;
	[tilespmem:s21+$0x2950] =	vst v2;
	v63 =	vmul.f32 v61, v0  }
0x40: {  	p0 =	sne.s32 s20, $0x7D;
	[tilespmem:s21+$0x2960] =	vst v62  }
.Ltmp1:
0x41: {  	[tilespmem:s21+$0x2970] =	vst v63;
	(pc) =	sbr.rel @p0 .LBB2_2-.Ltmp1, $4  }
0x42: {  	[spmem:s1] =	stream.indirect.scatter.add.f32 [tilespmem:s18], [sflag:$0x2], $0x80, s15, s17, $0xb8;
	[tilespmem:$0x19100] =	vst v63  }
0x43: {  	_ =	swait.ge [sflag:s14], $0x2800  }
0x44: {  	[sflag:s14] =	ssyncset.done $0x0  }
0x45: {  	[sflag:s14] =	ssyncadd.s32 $0xFFFFD800  }
0x46: {  	s3 =	sadd.s32 $0x1, s3  }
0x47: {  	p0 =	sne.s32 s3, s12  }
.Ltmp2:
0x48: {  	[bflag:$0x0] =	sbarrier.arrive $0xFFFF;
	(pc) =	sbr.rel @p0 .LBB2_1-.Ltmp2, $4  }
0x49: {  	[hbm:s11], [sflag:s9] =	dma.local [spmem:s13], $0x2800  }
0x4a: {  	_ =	swait.ge [sflag:s14], $0x2800  }
0x4b: {  	[sflag:s14] =	ssyncset.done $0x0  }
0x4c: {  	[sflag:s14] =	ssyncadd.s32 $0xFFFFD800  }
0x4d: {  	_ =	sfence.sel $0x180000  }
0x4e: {  	[bflag:$0x0] =	sbarrier.arrive $0xFFFF  }
0x4f: {  	p0 =	sne.s32 s2, $0x0;
	_ =	strace $0x90000059  }
0x50: {  	s0 =	sadd.s32 @!p0 $0x100000, s0;
	[bflag:$0x2] =	sbarrier.arrive $0xFFFF  }
0x51: {  	[sflag:s0] =	ssyncadd.tile.s32 @!p0 $0x1;
	_ =	shalt  }
.Lfunc_end2:
_tile_overlayer_lowered:
.L_overlay_start_2:
0x52: {  	(tag) =	ssettag $0x2  }
0x53: {  	s0 =	rddreg [dreg:$0x0];
	s2 =	stileid.u32  }
0x54: {  	s1 =	rddreg [dreg:$0x1];
	p0 =	sne.s32 s2, $0x0  }
0x55: {  	s3 =	rddreg [dreg:$0x2];
	[bflag:$0x3] =	sbarrier.arrive $0xFFFF;
	s2 =	simm.s32 @!p0 $0x1C02  }
0x56: {  	[timem:s3], [sflag:s2] =	dma.local @!p0 [hbm:s0], s1  }
0x57: {  	s0 =	simm.s32 @!p0 $0x2  }
0x58: {  	_ =	swait.ge @!p0 [sflag:s0], s1  }
0x59: {  	s1 =	ssub.s32 @!p0 $0x0, s1;
	[sflag:s0] =	ssyncset.done @!p0 $0x0  }
0x5a: {  	[sflag:s0] =	ssyncadd.s32 @!p0 s1  }
0x5b: {  	[bflag:$0x3] =	sbarrier.arrive $0xFFFF  }
0x5c: {  	_ =	shalt  }

// kernel: kernel.46.cloned.1.call-start
scs
__scs_entry_jumppad:
0x0: {  	(pc) =	sbr.rel $0x88, $3  }
0x1: {  	(tag) =	ssettag $0x0;
	lr =	simm.s32 $0x1  }
0x2: {  	[smem:$0x3F7D] =	sst lr;
	_ =	strace $0xD0000000  }
0x3: {  	_ = 	snop  }
0x4: {  	_ = 	snop  }
0x5: {  	_ = 	snop  }
0x6: {  	_ = 	snop  }
0x7: {  	_ = 	snop  }
__scs_overlays_trampoline_lowered:
0x8: {  	[smem:$0x3F8C] =	sst s0  }
0x9: {  	[smem:$0x3F8D] =	sst s1  }
0xa: {  	[smem:$0x3F8E] =	sst s2  }
0xb: {  	[smem:$0x3F8F] =	sst s3  }
0xc: {  	[smem:$0x3F90] =	sst s4  }
0xd: {  	[smem:$0x3F91] =	sst s5  }
0xe: {  	[smem:$0x3F92] =	sst s6  }
0xf: {  	[smem:$0x3F93] =	sst s7  }
0x10: {  	[smem:$0x3F94] =	sst s8  }
0x11: {  	[smem:$0x3F95] =	sst s9;
	s0 =	simm.s32 @!p0 $0x0  }
0x12: {  	s1 =	sld [smem:$0x3F7B];
	s0 =	simm.s32 @p0 $0x1  }
0x13: {  	[smem:$0x3F96] =	sst s0;
	s0 =	simm.s32 @!p1 $0x0  }
0x14: {  	s2 =	sld [smem:$0x3F7A];
	s0 =	simm.s32 @p1 $0x1  }
0x15: {  	[smem:$0x3F97] =	sst s0;
	s0 =	simm.s32 @!p2 $0x0  }
0x16: {  	s3 =	sld [smem:$0x3FDB];
	s0 =	simm.s32 @p2 $0x1  }
0x17: {  	s4 =	simm.s32 $0x1BF5;
	[smem:$0x3F99] =	sst s0  }
0x18: {  	s0 =	sld [smem:$0x3F7C];
	_ =	swait.ge [sflag:s4], $0x0  }
0x19: {  	s7 =	sld [smem:$0x3F7D]  }
0x1a: {  	s8 =	sadd.s32 $0xFFFFE003, lr  }
0x1b: {  	s9 =	sadd.s32 $0xFFFFFEF7, lr;
	s5 =	simm.s32 $0xFFFFFFFF;
	p2 =	slt.u32 s8, $0xFFFFF086  }
0x1c: {  	p1 =	slt.u32 s9, $0xF7A;
	s5 =	simm.s32 @!p2 $0x0  }
0x1d: {  	s5 =	simm.s32 @p1 $0x1;
	p0 =	seq.s32 s7, s2  }
0x1e: {  	s7 =	smul.u32 @!p0 $0xF7A, s2;
	p2 =	seq.s32 @!p0 s5, $0x0  }
0x1f: {  	s9 =	smul.u32 $0xF7A, s1;
	s8 =	simm.s32 @!p0 $0x1BF5;
	p2 =	por !p2, p0  }
0x20: {  	[sflag:s8] =	ssyncset.s32 @!p0 $0xFFFFF086;
	s6 =	sadd.s32 @!p0 s3, s7;
	s7 =	simm.s32 @!p0 $0x108  }
0x21: {  	s3 =	sadd.s32 s3, s9;
	s6 =	sadd.s32 @!p0 $0x88, s6;
	s7 =	simm.s32 @p2 $0x1082  }
0x22: {  	[simem:s7], [sflag:s8] =	dma.local @!p0 [hbm:s6], $0xF7A  }
0x23: {  	s9 =	sor.u32 $0xD0000000, s2;
	s6 =	simm.s32 $0x108;
	_ =	swait.ge @!p0 [sflag:s8], $0x0  }
0x24: {  	s3 =	sadd.s32 $0x88, s3;
	s6 =	simm.s32 @!p1 $0x1082;
	[sflag:s4] =	ssyncset.s32 $0xFFFFF086  }
0x25: {  	[simem:s6], [sflag:s4] =	dma.local [hbm:s3], $0xF7A  }
0x26: {  	[smem:$0x3F7D] =	sst s1;
	(tag) =	ssettag s2;
	_ =	strace s9  }
0x27: {  	s1 =	sld [smem:$0x3F8D]  }
0x28: {  	s2 =	sld [smem:$0x3F8E]  }
0x29: {  	s4 =	sld [smem:$0x3F90]  }
0x2a: {  	p0 =	seq.s32 s5, $0x0;
	s5 =	sld [smem:$0x3F91]  }
0x2b: {  	s6 =	sld [smem:$0x3F92]  }
0x2c: {  	s7 =	sld [smem:$0x3F93]  }
0x2d: {  	s3 =	simm.s32 $0x108;
	s8 =	sld [smem:$0x3F94]  }
0x2e: {  	s3 =	simm.s32 @!p0 $0x1082;
	s9 =	sld [smem:$0x3F95]  }
0x2f: {  	lr =	sadd.s32 s0, s3;
	s0 =	sld [smem:$0x3F8C]  }
0x30: {  	s3 =	sld [smem:$0x3F8F]  }
0x31: {  	[smem:$0x3F98] =	sst s10  }
0x32: {  	s10 =	sld [smem:$0x3F96];
	_ =	sdelay $0x3  }
0x33: {  	p0 =	seq.s32 s10, $0x1;
	s10 =	sld [smem:$0x3F98];
	_ =	sdelay $0x3  }
0x34: {  	[smem:$0x3F98] =	sst s10  }
0x35: {  	s10 =	sld [smem:$0x3F97];
	_ =	sdelay $0x3  }
0x36: {  	p1 =	seq.s32 s10, $0x1;
	s10 =	sld [smem:$0x3F98];
	_ =	sdelay $0x3  }
0x37: {  	[smem:$0x3F98] =	sst s10  }
0x38: {  	s10 =	sld [smem:$0x3F99]  }
0x39: {  	_ = 	snop;
	(pc) =	sbr.ind lr, $3  }
0x3a: {  	_ = 	snop  }
0x3b: {  	_ = 	snop  }
0x3c: {  	p2 =	seq.s32 s10, $0x1;
	s10 =	sld [smem:$0x3F98]  }
0x3d: {  	_ =	shalt  }
0x3e: {  	_ =	shalt  }
0x3f: {  	_ =	shalt  }
0x40: {  	_ =	shalt  }
0x41: {  	_ =	shalt  }
0x42: {  	_ =	shalt  }
0x43: {  	_ =	shalt  }
0x44: {  	_ =	shalt  }
0x45: {  	_ =	shalt  }
0x46: {  	_ =	shalt  }
0x47: {  	_ =	shalt  }
0x48: {  	_ =	shalt  }
0x49: {  	_ =	shalt  }
0x4a: {  	_ =	shalt  }
0x4b: {  	_ =	shalt  }
0x4c: {  	_ =	shalt  }
0x4d: {  	_ =	shalt  }
0x4e: {  	_ =	shalt  }
0x4f: {  	_ =	shalt  }
0x50: {  	_ =	shalt  }
0x51: {  	_ =	shalt  }
0x52: {  	_ =	shalt  }
0x53: {  	_ =	shalt  }
0x54: {  	_ =	shalt  }
0x55: {  	_ =	shalt  }
0x56: {  	_ =	shalt  }
0x57: {  	_ =	shalt  }
0x58: {  	_ =	shalt  }
0x59: {  	_ =	shalt  }
0x5a: {  	_ =	shalt  }
0x5b: {  	_ =	shalt  }
0x5c: {  	_ =	shalt  }
0x5d: {  	_ =	shalt  }
0x5e: {  	_ =	shalt  }
0x5f: {  	_ =	shalt  }
0x60: {  	_ =	shalt  }
0x61: {  	_ =	shalt  }
0x62: {  	_ =	shalt  }
0x63: {  	_ =	shalt  }
0x64: {  	_ =	shalt  }
0x65: {  	_ =	shalt  }
0x66: {  	_ =	shalt  }
0x67: {  	_ =	shalt  }
0x68: {  	_ =	shalt  }
0x69: {  	_ =	shalt  }
0x6a: {  	_ =	shalt  }
0x6b: {  	_ =	shalt  }
0x6c: {  	_ =	shalt  }
0x6d: {  	_ =	shalt  }
0x6e: {  	_ =	shalt  }
0x6f: {  	_ =	shalt  }
0x70: {  	_ =	shalt  }
0x71: {  	_ =	shalt  }
0x72: {  	_ =	shalt  }
0x73: {  	_ =	shalt  }
0x74: {  	_ =	shalt  }
0x75: {  	_ =	shalt  }
0x76: {  	_ =	shalt  }
0x77: {  	_ =	shalt  }
0x78: {  	_ =	shalt  }
0x79: {  	_ =	shalt  }
0x7a: {  	_ =	shalt  }
0x7b: {  	_ =	shalt  }
0x7c: {  	_ =	shalt  }
0x7d: {  	_ =	shalt  }
0x7e: {  	_ =	shalt  }
0x7f: {  	_ =	shalt  }
0x80: {  	_ =	shalt  }
0x81: {  	_ =	shalt  }
0x82: {  	_ =	shalt  }
0x83: {  	_ =	shalt  }
0x84: {  	_ =	shalt  }
0x85: {  	_ =	shalt  }
0x86: {  	_ =	shalt  }
0x87: {  	_ =	shalt  }
.Lfunc_end0:
.L_simem_size_0:
called_computation.7_lowered:
.L_overlay_start_0:
0x88: {  	s2 =	sld [smem:$0x3FD9]  }
0x89: {  	s3 =	sld [smem:$0x3FFE];
	_ =	sdelay $0x1  }
0x8a: {  	s1 =	srdreg.scid  }
0x8b: {  	s0 =	sand.u32 $0x1, s1  }
0x8c: {  	s16 =	sshll.u32 s0, $0xA;
	s2 =	sadd.s32 s3, s2  }
0x8d: {  	s2 =	sadd.s32 s2, s16  }
0x8e: {  	[smem:$0x3FA4] =	sst s2  }
0x8f: {  	_ = 	snop  }
0x90: {  	(tm) =	ssettm $0x1  }
0x91: {  	s17 =	sld [smem:$0x3FFB];
	_ =	sdelay $0x3  }
0x92: {  	_ =	strace s17  }
0x93: {  	s2 =	sld [smem:$0x3FFC];
	_ =	sdelay $0x3  }
0x94: {  	_ =	strace s2  }
0x95: {  	s2 =	sld [smem:$0x3FFD];
	_ =	sdelay $0x3  }
0x96: {  	_ =	strace s2  }
0x97: {  	_ =	strace $0x8FFFFFFF  }
0x98: {  	s18 =	sld [smem:$0x3FDB];
	_ =	sdelay $0x1  }
0x99: {  	s19 =	simm.s32 $_scs_section_size  }
0x9a: {  	s4 =	simm.s32 $_size__tile_overlayer_lowered;
	s5 =	simm.s32 $_tile_overlayer_lowered  }
0x9b: {  	s22 =	simm.s32 $0x1BFF;
	s21 =	sshll.u32 s5, $0x1;
	s2 =	sadd.s32 s19, s18  }
0x9c: {  	s6 =	simm.s32 $0x0;
	s20 =	sshll.u32 s4, $0x1;
	s4 =	sadd.s32 s21, s2  }
0x9d: {  	[timem:s6], [sflag:s22] =	dma.local [hbm:s4], s20  }
0x9e: {  	_ =	swait.ge [sflag:s22], s20  }
0x9f: {  	s3 =	ssub.s32 $0x0, s20;
	[sflag:s22] =	ssyncset.done $0x0  }
0xa0: {  	[sflag:s22] =	ssyncadd.s32 s3;
	_ =	sdelay $0x1  }
0xa1: {  	s23 =	simm.s32 $0x1B8B  }
0xa2: {  	_ =	swait.ge [sflag:s23], $0x1  }
0xa3: {  	[sflag:s23] =	ssyncset.done $0x0  }
0xa4: {  	s25 =	simm.s32 $0x1B8E;
	s24 =	sld [smem:$0x3FFE];
	[sflag:s23] =	ssyncadd.s32 $0xFFFFFFFF  }
0xa5: {  	s26 =	simm.s32 $execute0_lowered;
	[smem:$0x3FD2] =	sst s25  }
0xa6: {  	s4 =	sshll.u32 s26, $0x1;
	_ =	strace $0x8000005B;
	[dreg:$0x1] =	wrdreg $0xFFFFFFFF  }
0xa7: {  	s28 =	simm.s32 $_size_execute0_lowered;
	s2 =	sadd.s32 s2, s4;
	[dreg:$0x0] =	wrdreg $0x0  }
0xa8: {  	s4 =	sshll.u32 s28, $0x1;
	[dreg:$0x2] =	wrdreg s2  }
0xa9: {  	[dreg:$0x3] =	wrdreg s4  }
0xaa: {  	[dreg:$0x4] =	wrdreg $0xC0  }
0xab: {  	_ =	task [dreg:s6], $0x5FFFF  }
0xac: {  	[dreg:$0x1] =	wrdreg $0xFFFFFFFF  }
0xad: {  	[dreg:$0x0] =	wrdreg $0x60  }
0xae: {  	[dreg:$0x2] =	wrdreg s24  }
0xaf: {  	[dreg:$0x3] =	wrdreg $0x40800  }
0xb0: {  	[dreg:$0x4] =	wrdreg $0x44800  }
0xb1: {  	[dreg:$0x5] =	wrdreg $0x9  }
0xb2: {  	_ =	task.clear_ibuf [dreg:s6], $0x6FFFF;
	_ =	strace $0x9000005B  }
0xb3: {  	s29 =	simm.s32 $0x9;
	_ =	strace $0x8000005D  }
0xb4: {  	_ =	swait.ge [sflag:s29], $0x1  }
0xb5: {  	[sflag:s29] =	ssyncadd.s32 $0xFFFFFFFF  }
0xb6: {  	_ =	strace $0x9000005D  }
0xb7: {  	_ =	sfence  }
0xb8: {  	s30 =	sld [smem:$0x0];
	_ =	sdelay $0x2  }
0xb9: {  	s31 =	sshll.u32 s1, $0xD;
	s1 =	sshrl.u32 s1, $0x2  }
0xba: {  	s3 =	sand.u32 $0x4000, s31;
	s1 =	sadd.s32 s1, s30  }
0xbb: {  	s0 =	sor.u32 s3, s0;
	s1 =	sshll.u32 s1, $0x11  }
0xbc: {  	s0 =	sor.u32 s1, s0  }
0xbd: {  	s0 =	sadd.s32 $0x8F2B, s0  }
0xbe: {  	[sflag:s0] =	ssyncadd.remote.s32 $0x1  }
0xbf: {  	_ =	sfence.sel $0xFFFF  }
0xc0: {  	[dreg:$0x0] =	wrdreg $0xFFFFFFFF;
	(pc) =	sbr.abs _section_cstart, $3  }
0xc1: {  	[dreg:$0x1] =	wrdreg $0xFFFFFFFF  }
0xc2: {  	_ =	task.clear_ibuf [dreg:s6], $0x2FFFF;
	_ =	strace $0x9FFFFFFF  }
0xc3: {  	(tm) =	ssettm $0x7FFFFFFF  }
tec
execute0_lowered:
.L_overlay_start_1:
0x0: {  	(tag) =	ssettag $0x1  }
0x1: {  	s6 =	rddreg [dreg:$0x0]  }
0x2: {  	s2 =	rddreg [dreg:$0x1];
	s0 =	srdreg.scid  }
0x3: {  	s3 =	rddreg [dreg:$0x2];
	s1 =	stileid.u32;
	s4 =	simm.s32 $0x0  }
0x4: {  	s17 =	simm.s32 $0x2080;
	s18 =	simm.s32 $0x40;
	s8 =	smul.u32 $0x140, s1  }
0x5: {  	s7 =	sand.u32 $0x1, s0;
	s0 =	rddreg [dreg:$0x3];
	s13 =	smul.u32 $0x1400, s1  }
0x6: {  	s19 =	simm.s32 $0x0;
	[smem:$0x7FF] =	sst s4;
	s5 =	smul.u32 $0x1400, s7  }
0x7: {  	s29 =	sshll.u32 s1, $0xA;
	s11 =	sshll.u32 s1, $0x6;
	s9 =	smul.u32 $0x14000, s7  }
0x8: {  	s10 =	sshll.u32 s7, $0xE;
	_ =	strace $0x8000005C;
	s30 =	ssub.s32 $0x2, s7  }
0x9: {  	s15 =	sadd.s32 s29, s2;
	s16 =	sadd.s32 s29, s3;
	s10 =	sor.u32 s29, s10  }
0xa: {  	s7 =	sshrl.u32 s30, $0x1;
	s5 =	sadd.s32 s8, s5;
	s9 =	sadd.s32 s9, s6  }
0xb: {  	s10 =	sshrl.u32 s10, $0x3;
	s14 =	ssub.s32 s30, s7;
	s5 =	sshrl.u32 s5, $0x3  }
0xc: {  	s10 =	sadd.s32 s10, s6;
	s31 =	sadd.s32 s13, s9;
	s9 =	smax.u32 s14, $0x1  }
0xd: {  	s13 =	sshrl.u32 s15, $0x3;
	s14 =	simm.s32 $0x1;
	s15 =	sshrl.u32 s16, $0x3  }
0xe: {  	s16 =	simm.s32 $0x80;
	s12 =	sadd.s32 s5, s6;
	s5 =	sadd.s32 $0x57200, s6  }
0xf: {  	s6 =	sor.u32 $0x1C01, s11;
	s7 =	sadd.s32 $0x57400, s10;
	s8 =	sadd.s32 $0x58400, s10  }
0x10: {  	s10 =	sadd.s32 $0x7200, s31;
	s11 =	sadd.s32 $0x2F200, s31;
	s12 =	sadd.s32 $0x6BA00, s12  }
.LBB2_1:
0x11: {  	[spmem:s13], [sflag:s6] =	dma.local [hbm:s5], $0x80  }
0x12: {  	_ =	swait.ge [sflag:s14], $0x80  }
0x13: {  	[sflag:s14] =	ssyncset.done $0x0  }
0x14: {  	[sflag:s14] =	ssyncadd.s32 $0xFFFFFF80  }
0x15: {  	[spmem:s15], [sflag:s6] =	dma.local [hbm:s5], $0x80  }
0x16: {  	_ =	swait.ge [sflag:s14], $0x80  }
0x17: {  	[sflag:s14] =	ssyncset.done $0x0  }
0x18: {  	[sflag:s14] =	ssyncadd.s32 $0xFFFFFF80  }
0x19: {  	[bflag:$0x0] =	sbarrier.arrive $0xFFFF  }
0x1a: {  	[tilespmem:s4], [sflag:$0x1] =	stream.linear.gather [hbm4b:s12+s4], $0x40, $0x38;
	[tilespmem:$0x4880] =	vst v63  }
0x1b: {  	_ =	swait.ge [sflag:s14], $0x40  }
0x1c: {  	[sflag:s14] =	ssyncset.done $0x0  }
0x1d: {  	s20 =	sadd.s32 $0x0, s10;
	[sflag:s14] =	ssyncadd.s32 $0xFFFFFFC0  }
0x1e: {  	[tilespmem:s16], [sflag:$0x1] =	stream.linear.gather [hbm4b:s20+s4], $0x2000, $0x38;
	[tilespmem:$0x4880] =	vst v63  }
0x1f: {  	_ =	swait.ge [sflag:s14], $0x2000  }
0x20: {  	[sflag:s14] =	ssyncset.done $0x0  }
0x21: {  	s31 =	sadd.s32 $0x0, s11;
	[sflag:s14] =	ssyncadd.s32 $0xFFFFE000  }
0x22: {  	[tilespmem:s17], [sflag:$0x1] =	stream.linear.gather [hbm4b:s31+s4], $0x2000, $0x38;
	[tilespmem:$0x4880] =	vst v63  }
0x23: {  	_ =	swait.ge [sflag:s14], $0x2000  }
0x24: {  	[sflag:s14] =	ssyncset.done $0x0  }
0x25: {  	[sflag:s14] =	ssyncadd.s32 $0xFFFFE000  }
0x26: {  	[spmem:s2] =	stream.indirect.scatter.add.f32 [tilespmem:s16], [sflag:$0x1], $0x80, s4, s18, $0xb8;
	[tilespmem:$0x4880] =	vst v63  }
0x27: {  	_ =	swait.ge [sflag:s14], $0x2000  }
0x28: {  	[sflag:s14] =	ssyncset.done $0x0  }
0x29: {  	[sflag:s14] =	ssyncadd.s32 $0xFFFFE000  }
0x2a: {  	[spmem:s3] =	stream.indirect.scatter.add.f32 [tilespmem:s17], [sflag:$0x1], $0x80, s4, s18, $0xb8;
	[tilespmem:$0x4880] =	vst v63  }
0x2b: {  	_ =	swait.ge [sflag:s14], $0x2000  }
0x2c: {  	s21 =	smov.u32 s12;
	s20 =	simm.s32 $0x400;
	[sflag:s14] =	ssyncset.done $0x0  }
.LBB2_2:
0x2d: {  	p0 =	sne.s32 s20, $0x1000;
	[sflag:s14] =	ssyncadd.s32 $0xFFFFE000;
	s21 =	sadd.s32 $0x8, s21  }
0x2e: {  	[tilespmem:s4], [sflag:$0x1] =	stream.linear.gather [hbm4b:s21+s4], $0x40, $0x38;
	[tilespmem:$0x4880] =	vst v63  }
0x2f: {  	s22 =	smov.u32 s20;
	s20 =	sadd.s32 $0x400, s20;
	_ =	swait.ge [sflag:s14], $0x40  }
0x30: {  	[sflag:s14] =	ssyncset.done $0x0  }
0x31: {  	s23 =	sadd.s32 s22, s10;
	[sflag:s14] =	ssyncadd.s32 $0xFFFFFFC0  }
0x32: {  	[tilespmem:s16], [sflag:$0x1] =	stream.linear.gather [hbm4b:s23+s4], $0x2000, $0x38;
	[tilespmem:$0x4880] =	vst v63  }
0x33: {  	_ =	swait.ge [sflag:s14], $0x2000  }
0x34: {  	[sflag:s14] =	ssyncset.done $0x0  }
0x35: {  	s22 =	sadd.s32 s22, s11;
	[sflag:s14] =	ssyncadd.s32 $0xFFFFE000  }
0x36: {  	[tilespmem:s17], [sflag:$0x1] =	stream.linear.gather [hbm4b:s22+s4], $0x2000, $0x38;
	[tilespmem:$0x4880] =	vst v63  }
0x37: {  	_ =	swait.ge [sflag:s14], $0x2000  }
0x38: {  	[sflag:s14] =	ssyncset.done $0x0  }
0x39: {  	[sflag:s14] =	ssyncadd.s32 $0xFFFFE000  }
0x3a: {  	[spmem:s2] =	stream.indirect.scatter.add.f32 [tilespmem:s16], [sflag:$0x1], $0x80, s4, s18, $0xb8;
	[tilespmem:$0x4880] =	vst v63  }
0x3b: {  	_ =	swait.ge [sflag:s14], $0x2000  }
.Ltmp0:
0x3c: {  	[sflag:s14] =	ssyncset.done $0x0;
	(pc) =	sbr.rel @p0 .LBB2_2-.Ltmp0, $4  }
0x3d: {  	[sflag:s14] =	ssyncadd.s32 $0xFFFFE000  }
0x3e: {  	[spmem:s3] =	stream.indirect.scatter.add.f32 [tilespmem:s17], [sflag:$0x1], $0x80, s4, s18, $0xb8;
	[tilespmem:$0x4880] =	vst v63  }
0x3f: {  	_ =	swait.ge [sflag:s14], $0x2000  }
0x40: {  	[sflag:s14] =	ssyncset.done $0x0  }
0x41: {  	[sflag:s14] =	ssyncadd.s32 $0xFFFFE000  }
0x42: {  	[bflag:$0x0] =	sbarrier.arrive $0xFFFF  }
0x43: {  	[hbm:s7], [sflag:s6] =	dma.local [spmem:s13], $0x80  }
0x44: {  	s19 =	sadd.s32 $0x1, s19;
	_ =	swait.ge [sflag:s14], $0x80  }
0x45: {  	p0 =	sne.s32 s19, s9;
	[sflag:s14] =	ssyncset.done $0x0  }
.Ltmp1:
0x46: {  	[sflag:s14] =	ssyncadd.s32 $0xFFFFFF80;
	(pc) =	sbr.rel @p0 .LBB2_1-.Ltmp1, $4  }
0x47: {  	[hbm:s8], [sflag:s6] =	dma.local [spmem:s15], $0x80  }
0x48: {  	_ =	swait.ge [sflag:s14], $0x80  }
0x49: {  	[sflag:s14] =	ssyncset.done $0x0  }
0x4a: {  	[sflag:s14] =	ssyncadd.s32 $0xFFFFFF80  }
0x4b: {  	_ =	sfence.sel $0x180000  }
0x4c: {  	[bflag:$0x0] =	sbarrier.arrive $0xFFFF  }
0x4d: {  	p0 =	sne.s32 s1, $0x0;
	_ =	strace $0x9000005C  }
0x4e: {  	s0 =	sadd.s32 @!p0 $0x100000, s0;
	[bflag:$0x2] =	sbarrier.arrive $0xFFFF  }
0x4f: {  	[sflag:s0] =	ssyncadd.tile.s32 @!p0 $0x1;
	_ =	shalt  }
.Lfunc_end2:
_tile_overlayer_lowered:
.L_overlay_start_2:
0x50: {  	(tag) =	ssettag $0x2  }
0x51: {  	s0 =	rddreg [dreg:$0x0];
	s2 =	stileid.u32  }
0x52: {  	s1 =	rddreg [dreg:$0x1];
	p0 =	sne.s32 s2, $0x0  }
0x53: {  	s3 =	rddreg [dreg:$0x2];
	[bflag:$0x3] =	sbarrier.arrive $0xFFFF;
	s2 =	simm.s32 @!p0 $0x1C01  }
0x54: {  	[timem:s3], [sflag:s2] =	dma.local @!p0 [hbm:s0], s1  }
0x55: {  	s0 =	simm.s32 @!p0 $0x1  }
0x56: {  	_ =	swait.ge @!p0 [sflag:s0], s1  }
0x57: {  	s1 =	ssub.s32 @!p0 $0x0, s1;
	[sflag:s0] =	ssyncset.done @!p0 $0x0  }
0x58: {  	[sflag:s0] =	ssyncadd.s32 @!p0 s1  }
0x59: {  	[bflag:$0x3] =	sbarrier.arrive $0xFFFF  }
0x5a: {  	_ =	shalt  }

</sc_bundles>
